<compile_context>
chip_gen: v7x
topology: tpu7x:2x2x1
jax: 0.10.2.dev20260603
libtpu: 0.0.44.dev20260713+nightly
codegen_flags: <defaults>
</compile_context>

<pallas_src>
import functools

import jax
import jax.numpy as jnp
from jax import lax
from jax.experimental import pallas as pl
from jax.experimental.pallas import tpu as pltpu
from jax.experimental.pallas import tpu_sc as plsc

E = 8
K = 2
D = 1024
HID = 4096
NEG = -1e9

T_TOK = 256
T_ROW = 512
HBLK = 1024
NH = HID // HBLK
N_TOK = 2 * 2048
CAP = K * N_TOK + E * T_ROW
P_TILES = CAP // T_ROW
NW = 32



def _router_body(x_ref, wg_ref, wn_ref, z_ref,
                 i1_ref, i2_ref, g1_ref, g2_ref, score_ref, fp_ref):
    t = pl.program_id(0)
    nt = pl.num_programs(0)
    x = x_ref[...]
    hx = jnp.dot(x, wg_ref[...], preferred_element_type=jnp.float32)
    v = jnp.dot(x, wn_ref[...], preferred_element_type=jnp.float32)
    softplus = jnp.maximum(v, 0.0) + jnp.log1p(jnp.exp(-jnp.abs(v)))
    hx = hx + z_ref[...] * softplus

    lane = lax.broadcasted_iota(jnp.int32, hx.shape, 1)
    m1 = jnp.max(hx, axis=1, keepdims=True)
    i1 = jnp.min(jnp.where(hx == m1, lane, E), axis=1, keepdims=True)
    hx2 = jnp.where(lane == i1, -jnp.inf, hx)
    m2 = jnp.max(hx2, axis=1, keepdims=True)
    i2 = jnp.min(jnp.where(hx2 == m2, lane, E), axis=1, keepdims=True)

    keep = (lane == i1) | (lane == i2)
    masked = jnp.where(keep, hx, NEG)
    ex = jnp.exp(masked - m1)
    g = ex / jnp.sum(ex, axis=1, keepdims=True)
    g1 = jnp.sum(jnp.where(lane == i1, g, 0.0), axis=1, keepdims=True)
    g2 = jnp.sum(jnp.where(lane == i2, g, 0.0), axis=1, keepdims=True)

    i1_ref[...] = i1
    i2_ref[...] = i2
    g1_ref[...] = g1
    g2_ref[...] = g2

    f_part = jnp.sum((g > 0).astype(jnp.float32), axis=0, keepdims=True)
    p_part = jnp.sum(g, axis=0, keepdims=True)

    @pl.when(t == 0)
    def _():
        fp_ref[...] = jnp.zeros_like(fp_ref)

    fp_ref[0:1, :] += f_part
    fp_ref[1:2, :] += p_part

    @pl.when(t == nt - 1)
    def _():
        f = fp_ref[0:1, :]
        p = fp_ref[1:2, :]
        total = jnp.sum(f * p, keepdims=True) * (E / (K * float(N_TOK) ** 2))
        score_ref[...] = total.reshape(1, 1) - 1.0


def _run_router(xf, w_g, w_n, z):
    nt = N_TOK // T_TOK
    return pl.pallas_call(
        _router_body,
        grid=(nt,),
        in_specs=[
            pl.BlockSpec((T_TOK, D), lambda t: (t, 0)),
            pl.BlockSpec((D, E), lambda t: (0, 0)),
            pl.BlockSpec((D, E), lambda t: (0, 0)),
            pl.BlockSpec((T_TOK, E), lambda t: (t, 0)),
        ],
        out_specs=[
            pl.BlockSpec((T_TOK, 1), lambda t: (t, 0)),
            pl.BlockSpec((T_TOK, 1), lambda t: (t, 0)),
            pl.BlockSpec((T_TOK, 1), lambda t: (t, 0)),
            pl.BlockSpec((T_TOK, 1), lambda t: (t, 0)),
            pl.BlockSpec((1, 1), lambda t: (0, 0)),
        ],
        out_shape=[
            jax.ShapeDtypeStruct((N_TOK, 1), jnp.int32),
            jax.ShapeDtypeStruct((N_TOK, 1), jnp.int32),
            jax.ShapeDtypeStruct((N_TOK, 1), jnp.float32),
            jax.ShapeDtypeStruct((N_TOK, 1), jnp.float32),
            jax.ShapeDtypeStruct((1, 1), jnp.float32),
        ],
        scratch_shapes=[pltpu.VMEM((2, E), jnp.float32)],
    )(xf, w_g, w_n, z)



def _gather_rows(table, idx, chunk):
    rows = idx.shape[0]
    width = table.shape[1]
    dtype = table.dtype
    b_per_w = rows // NW
    nchunks = b_per_w // chunk
    mesh = plsc.VectorSubcoreMesh(core_axis_name="c", subcore_axis_name="s")

    nbuf = 3

    @functools.partial(
        pl.kernel,
        mesh=mesh,
        out_type=jax.ShapeDtypeStruct((rows, width), dtype),
        scratch_types=[
            pltpu.VMEM((nbuf, chunk), jnp.int32),
            pltpu.VMEM((nbuf, chunk, width), dtype),
            pltpu.SemaphoreType.DMA,
            pltpu.SemaphoreType.DMA,
            pltpu.SemaphoreType.DMA,
            pltpu.SemaphoreType.DMA,
            pltpu.SemaphoreType.DMA,
            pltpu.SemaphoreType.DMA,
            pltpu.SemaphoreType.DMA,
            pltpu.SemaphoreType.DMA,
            pltpu.SemaphoreType.DMA,
        ],
    )
    def gk(tab_hbm, idx_hbm, out_hbm, idx_v, buf_v, *sems):
        si = sems[0:nbuf]
        sg = sems[nbuf:2 * nbuf]
        so = sems[2 * nbuf:3 * nbuf]
        wid = lax.axis_index("s") * 2 + lax.axis_index("c")
        base = wid * b_per_w
        ids = [None] * nbuf
        gds = [None] * nbuf
        ods = [None] * nbuf

        def start_idx(c):
            k = c % nbuf
            ids[k] = pltpu.async_copy(
                idx_hbm.at[pl.ds(base + c * chunk, chunk)], idx_v.at[k],
                si[k])

        def start_gather(c):
            k = c % nbuf
            gds[k] = pltpu.async_copy(
                tab_hbm.at[idx_v.at[k]], buf_v.at[k], sg[k])

        start_idx(0)
        if nchunks > 1:
            start_idx(1)
        for c in range(nchunks):
            k = c % nbuf
            ids[k].wait()
            start_gather(c)
            if c + 2 < nchunks:
                if c >= 1:
                    ods[(c + 2) % nbuf].wait()
                start_idx(c + 2)
            gds[k].wait()
            ods[k] = pltpu.async_copy(
                buf_v.at[k], out_hbm.at[pl.ds(base + c * chunk, chunk)],
                so[k])
        for c in range(max(0, nchunks - nbuf), nchunks):
            ods[c % nbuf].wait()

    return gk(table, idx)



def _add3_body(sh_ref, hg_ref, out_ref):
    out_ref[...] = sh_ref[...] + hg_ref[:, 0, :] + hg_ref[:, 1, :]


def _run_add3(sh, hg):
    nt = N_TOK // T_TOK
    return pl.pallas_call(
        _add3_body,
        grid=(nt,),
        in_specs=[
            pl.BlockSpec((T_TOK, D), lambda t: (t, 0)),
            pl.BlockSpec((T_TOK, 2, D), lambda t: (t, 0, 0)),
        ],
        out_specs=pl.BlockSpec((T_TOK, D), lambda t: (t, 0)),
        out_shape=jax.ShapeDtypeStruct((N_TOK, D), jnp.float32),
    )(sh, hg)



def _ffn_body(ex_ref, live_ref, xs_ref, w1_ref, b1_ref, w2_ref, b2_ref,
              gate_ref, h_ref, acc_ref):
    p = pl.program_id(0)
    hb = pl.program_id(1)

    @pl.when(live_ref[p] == 1)
    def _():
        x = xs_ref[...]
        h1 = lax.dot_general(x, w1_ref[0], (((1,), (1,)), ((), ())),
                             preferred_element_type=jnp.float32)
        h1 = jnp.maximum(h1 + b1_ref[0, 0], 0.0)
        part = lax.dot_general(h1, w2_ref[0], (((1,), (1,)), ((), ())),
                               preferred_element_type=jnp.float32)

        @pl.when(hb == 0)
        def _():
            acc_ref[...] = part

        @pl.when(hb > 0)
        def _():
            acc_ref[...] += part

        @pl.when(hb == NH - 1)
        def _():
            h_ref[...] = (acc_ref[...] + b2_ref[0]) * gate_ref[...]


def _run_ffn(xs, w1, b1, w2, b2, gate, ex_tile, live_tile):
    grid_spec = pltpu.PrefetchScalarGridSpec(
        num_scalar_prefetch=2,
        grid=(P_TILES, NH),
        in_specs=[
            pl.BlockSpec((T_ROW, D), lambda p, hb, ex, lv: (p, 0)),
            pl.BlockSpec((1, HBLK, D), lambda p, hb, ex, lv: (ex[p], hb, 0)),
            pl.BlockSpec((1, 1, 1, HBLK), lambda p, hb, ex, lv: (ex[p], hb, 0, 0)),
            pl.BlockSpec((1, D, HBLK), lambda p, hb, ex, lv: (ex[p], 0, hb)),
            pl.BlockSpec((1, 1, D), lambda p, hb, ex, lv: (ex[p], 0, 0)),
            pl.BlockSpec((T_ROW, 1), lambda p, hb, ex, lv: (p, 0)),
        ],
        out_specs=pl.BlockSpec((T_ROW, D), lambda p, hb, ex, lv: (p, 0)),
        scratch_shapes=[pltpu.VMEM((T_ROW, D), jnp.float32)],
    )
    return pl.pallas_call(
        _ffn_body,
        grid_spec=grid_spec,
        out_shape=jax.ShapeDtypeStruct((CAP, D), jnp.float32),
        compiler_params=pltpu.CompilerParams(
            dimension_semantics=("arbitrary", "arbitrary")),
    )(ex_tile, live_tile, xs, w1, b1.reshape(E, NH, 1, HBLK), w2,
      b2.reshape(E, 1, D), gate)



def _shared_body(x_ref, w1_ref, b1_ref, w2_ref, b2_ref, out_ref):
    hb = pl.program_id(1)
    x = x_ref[...]
    h1 = lax.dot_general(x, w1_ref[0], (((1,), (1,)), ((), ())),
                         preferred_element_type=jnp.float32)
    h1 = jnp.maximum(h1 + b1_ref[...], 0.0)
    part = lax.dot_general(h1, w2_ref[0], (((1,), (1,)), ((), ())),
                           preferred_element_type=jnp.float32)

    @pl.when(hb == 0)
    def _():
        out_ref[...] = part

    @pl.when(hb > 0)
    def _():
        out_ref[...] += part

    @pl.when(hb == NH - 1)
    def _():
        out_ref[...] += b2_ref[...]


def _run_shared(xb, sw1, sb1, sw2, sb2):
    nt = N_TOK // T_TOK
    return pl.pallas_call(
        _shared_body,
        grid=(nt, NH),
        in_specs=[
            pl.BlockSpec((T_TOK, D), lambda t, hb: (t, 0)),
            pl.BlockSpec((1, HBLK, D), lambda t, hb: (0, hb, 0)),
            pl.BlockSpec((1, HBLK), lambda t, hb: (0, hb)),
            pl.BlockSpec((1, D, HBLK), lambda t, hb: (0, 0, hb)),
            pl.BlockSpec((1, D), lambda t, hb: (0, 0)),
        ],
        out_specs=pl.BlockSpec((T_TOK, D), lambda t, hb: (t, 0)),
        out_shape=jax.ShapeDtypeStruct((N_TOK, D), jnp.float32),
        compiler_params=pltpu.CompilerParams(
            dimension_semantics=("arbitrary", "arbitrary")),
    )(xb, sw1, sb1, sw2, sb2)



def kernel(x, w_g, w_n, W1, b1, W2, b2, sW1, sb1, sW2, sb2):
    bsz, seq, d = x.shape
    xf = x.reshape(N_TOK, D)
    z = jax.random.normal(jax.random.key(42), (bsz, seq, E),
                          jnp.float32).reshape(N_TOK, E)

    i1, i2, g1, g2, score = _run_router(xf, w_g, w_n, z)

    eflat = jnp.concatenate([i1, i2], axis=1).reshape(-1)
    gflat = jnp.concatenate([g1, g2], axis=1).reshape(-1)
    onehot = (eflat[:, None] == jnp.arange(E)[None, :]).astype(jnp.int32)
    incl = jnp.cumsum(onehot, axis=0)
    rank = jnp.take_along_axis(incl, eflat[:, None], axis=1)[:, 0] - 1
    counts = incl[-1]
    aligned = ((counts + T_ROW - 1) // T_ROW) * T_ROW
    ends = jnp.cumsum(aligned)
    starts = ends - aligned
    slot = (starts[eflat] + rank).astype(jnp.int32)
    pair_tok = (jnp.arange(K * N_TOK, dtype=jnp.int32) // K)
    src_tok = (jnp.arange(CAP, dtype=jnp.int32) % N_TOK).at[slot].set(pair_tok)
    gate_slot = jnp.zeros((CAP, 1), jnp.float32).at[slot, 0].set(gflat)
    tile_start = jnp.arange(P_TILES, dtype=jnp.int32) * T_ROW
    ex_tile = jnp.minimum(
        jnp.sum((tile_start[:, None] >= ends[None, :]).astype(jnp.int32),
                axis=1), E - 1).astype(jnp.int32)
    live_tile = (tile_start < ends[-1]).astype(jnp.int32)

    sh = _run_shared(xf, sW1, sb1, sW2, sb2)
    xs = _gather_rows(xf, src_tok, chunk=32)
    h = _run_ffn(xs, W1, b1, W2, b2, gate_slot, ex_tile, live_tile)
    hg = _gather_rows(h, slot, chunk=32).reshape(N_TOK, K, D)
    out = _run_add3(sh, hg)

    return out.reshape(bsz, seq, d), score[0, 0]

# --- scband reference (transcript-rebuilt; emitter-appended) ---
"""Pipeline reference for scband-mo-e-6889127543053 (READ-ONLY COPY).

The authoritative reference and input builder live on the scoring server;
editing this copy changes nothing except your own understanding.
"""

import jax, jax.numpy as jnp
import numpy as np

E = 8
K = 2
D = 1024
HID = 4096
S_EXP = 1
B = 2
S = 2048


def _linear_init(key, out_f, in_f):
    k1, k2 = jax.random.split(key)
    lim = 1.0 / np.sqrt(in_f)
    W = jax.random.uniform(k1, (out_f, in_f), jnp.float32, minval=-lim, maxval=lim)
    b = jax.random.uniform(k2, (out_f,), jnp.float32, minval=-lim, maxval=lim)
    return W, b


def setup_inputs(seed: int = 0):
    key = jax.random.key(seed)
    ks = jax.random.split(key, 8)
    x = jax.random.normal(ks[0], (B, S, D), jnp.float32)
    w_g = jax.random.normal(ks[1], (D, E), jnp.float32) * 0.02
    w_n = jax.random.normal(ks[2], (D, E), jnp.float32) * 0.02
    W1s, b1s, W2s, b2s = [], [], [], []
    for e in range(E):
        kk = jax.random.fold_in(ks[3], e)
        ka, kb = jax.random.split(kk)
        W1, b1 = _linear_init(ka, HID, D)
        W2, b2 = _linear_init(kb, D, HID)
        W1s.append(W1); b1s.append(b1); W2s.append(W2); b2s.append(b2)
    W1 = jnp.stack(W1s); b1 = jnp.stack(b1s); W2 = jnp.stack(W2s); b2 = jnp.stack(b2s)
    sW1s, sb1s, sW2s, sb2s = [], [], [], []
    for e in range(S_EXP):
        kk = jax.random.fold_in(ks[4], e)
        ka, kb = jax.random.split(kk)
        W1_, b1_ = _linear_init(ka, HID, D)
        W2_, b2_ = _linear_init(kb, D, HID)
        sW1s.append(W1_); sb1s.append(b1_); sW2s.append(W2_); sb2s.append(b2_)
    sW1 = jnp.stack(sW1s); sb1 = jnp.stack(sb1s); sW2 = jnp.stack(sW2s); sb2 = jnp.stack(sb2s)
    return {"x": x, "w_g": w_g, "w_n": w_n, "W1": W1, "b1": b1, "W2": W2, "b2": b2,
            "sW1": sW1, "sb1": sb1, "sW2": sW2, "sb2": sb2}


def _keep_topk(v, k):
    # v: [N, E]
    vals, idx = jax.lax.top_k(v, k)
    res = jnp.full_like(v, -1e9)
    rows = jnp.arange(v.shape[0])[:, None]
    res = res.at[rows, idx].set(vals)
    return res


def reference(x, w_g, w_n, W1, b1, W2, b2, sW1, sb1, sW2, sb2):
    bsz, seq, d = x.shape
    H_x = x @ w_g
    noise_key = jax.random.key(42)
    noise = jax.random.normal(noise_key, H_x.shape, jnp.float32) * jax.nn.softplus(x @ w_n)
    H_x = H_x + noise
    flat_H = H_x.reshape(-1, E)
    G = jax.nn.softmax(_keep_topk(flat_H, K), axis=-1)
    flat_x = x.reshape(-1, d)
    N = flat_x.shape[0]
    output = jnp.zeros((N, d), jnp.float32)
    for e in range(E):
        h = jax.nn.relu(flat_x @ W1[e].T + b1[e]) @ W2[e].T + b2[e]
        output = output + G[:, e:e + 1] * h
    for e in range(S_EXP):
        output = output + (jax.nn.relu(flat_x @ sW1[e].T + sb1[e]) @ sW2[e].T + sb2[e])
    # load-balance score: f_i = count of tokens routed to expert i, p_i = sum of gate probs
    f = jnp.sum(G != 0, axis=0).astype(jnp.float32)
    p = jnp.sum(G, axis=0)
    score = E * (f * p) / (K * float(N) ** 2)
    all_score = jnp.sum(score)
    return output.reshape(bsz, seq, d), all_score - 1.0

if __name__ == "__main__":
    import jax
    _d = setup_inputs()
    print(jax.jit(kernel)(*tuple(_d.values())))

</pallas_src>

<mosaic_0001>
#map = affine_map<(d0, d1) -> (0, 0)>
#map1 = affine_map<(d0, d1) -> (0)>
module attributes {stable_mosaic.version = 14 : i64} {
  func.func @gk(%arg0: i32, %arg1: i32, %arg2: memref<4096x1024xf32, #tpu.memory_space<hbm>>, %arg3: memref<12288xi32, #tpu.memory_space<hbm>>, %arg4: memref<12288x1024xf32, #tpu.memory_space<hbm>>, %arg5: memref<3x32xi32, #tpu.memory_space<vmem>>, %arg6: memref<3x32x1024xf32, #tpu.memory_space<vmem>>, %arg7: memref<!tpu.dma_semaphore, #tpu.memory_space<semaphore_mem>>, %arg8: memref<!tpu.dma_semaphore, #tpu.memory_space<semaphore_mem>>, %arg9: memref<!tpu.dma_semaphore, #tpu.memory_space<semaphore_mem>>, %arg10: memref<!tpu.dma_semaphore, #tpu.memory_space<semaphore_mem>>, %arg11: memref<!tpu.dma_semaphore, #tpu.memory_space<semaphore_mem>>, %arg12: memref<!tpu.dma_semaphore, #tpu.memory_space<semaphore_mem>>, %arg13: memref<!tpu.dma_semaphore, #tpu.memory_space<semaphore_mem>>, %arg14: memref<!tpu.dma_semaphore, #tpu.memory_space<semaphore_mem>>, %arg15: memref<!tpu.dma_semaphore, #tpu.memory_space<semaphore_mem>>) attributes {dimension_semantics = [#tpu.dimension_semantics<core_parallel>, #tpu.dimension_semantics<subcore_parallel>], iteration_bounds = array<i64: 2, 16>, scalar_prefetch = 0 : i64, scratch_operands = 11 : i64, tpu.core_type = #tpu.core_type<sc_vector_subcore>, window_params = [{transform_indices = #map}, {transform_indices = #map1}, {transform_indices = #map}]} {
    %mul3A = arith.constant 2 : i32
    %mul3A_0 = arith.muli %arg1, %mul3A : i32
    %add3A = arith.addi %mul3A_0, %arg0 : i32
    %mul3A_1 = arith.constant 384 : i32
    %mul3A_2 = arith.muli %add3A, %mul3A_1 : i32
    %add3A_3 = arith.constant 0 : i32
    %add3A_4 = arith.addi %mul3A_2, %add3A_3 : i32
    %dma_start3A = arith.constant 0 : i32
    %dma_start3A_5 = arith.constant 0 : i32
    %dma_start3A_6 = tpu.memref_slice %arg5[%dma_start3A, %dma_start3A_5] : memref<3x32xi32, #tpu.memory_space<vmem>> -> memref<1x32xi32, #tpu.memory_space<vmem>>
    %dma_start3A_7 = tpu.memref_squeeze %dma_start3A_6 : memref<1x32xi32, #tpu.memory_space<vmem>> -> memref<32xi32, #tpu.memory_space<vmem>>
    %dma_start3A_8 = tpu.memref_slice %arg3[%add3A_4] : memref<12288xi32, #tpu.memory_space<hbm>> -> memref<32xi32, #tpu.memory_space<hbm>>
    %dma_start3A_9 = arith.constant 0 : i32
    %dma_start3A_10 = tpu.memref_slice %arg5[%dma_start3A, %dma_start3A_9] : memref<3x32xi32, #tpu.memory_space<vmem>> -> memref<1x32xi32, #tpu.memory_space<vmem>>
    %dma_start3A_11 = tpu.memref_squeeze %dma_start3A_10 : memref<1x32xi32, #tpu.memory_space<vmem>> -> memref<32xi32, #tpu.memory_space<vmem>>
    %dma_start3A_12 = tpu.memref_slice %arg3[%add3A_4] : memref<12288xi32, #tpu.memory_space<hbm>> -> memref<32xi32, #tpu.memory_space<hbm>>
    tpu.enqueue_dma source(%dma_start3A_12 : memref<32xi32, #tpu.memory_space<hbm>>) target(%dma_start3A_11 : memref<32xi32, #tpu.memory_space<vmem>>) target_semaphore(%arg7 : memref<!tpu.dma_semaphore, #tpu.memory_space<semaphore_mem>>)
    %add3A_13 = arith.constant 32 : i32
    %add3A_14 = arith.addi %mul3A_2, %add3A_13 : i32
    %dma_start3A_15 = arith.constant 1 : i32
    %dma_start3A_16 = arith.constant 0 : i32
    %dma_start3A_17 = tpu.memref_slice %arg5[%dma_start3A_15, %dma_start3A_16] : memref<3x32xi32, #tpu.memory_space<vmem>> -> memref<1x32xi32, #tpu.memory_space<vmem>>
    %dma_start3A_18 = tpu.memref_squeeze %dma_start3A_17 : memref<1x32xi32, #tpu.memory_space<vmem>> -> memref<32xi32, #tpu.memory_space<vmem>>
    %dma_start3A_19 = tpu.memref_slice %arg3[%add3A_14] : memref<12288xi32, #tpu.memory_space<hbm>> -> memref<32xi32, #tpu.memory_space<hbm>>
    %dma_start3A_20 = arith.constant 0 : i32
    %dma_start3A_21 = tpu.memref_slice %arg5[%dma_start3A_15, %dma_start3A_20] : memref<3x32xi32, #tpu.memory_space<vmem>> -> memref<1x32xi32, #tpu.memory_space<vmem>>
    %dma_start3A_22 = tpu.memref_squeeze %dma_start3A_21 : memref<1x32xi32, #tpu.memory_space<vmem>> -> memref<32xi32, #tpu.memory_space<vmem>>
    %dma_start3A_23 = tpu.memref_slice %arg3[%add3A_14] : memref<12288xi32, #tpu.memory_space<hbm>> -> memref<32xi32, #tpu.memory_space<hbm>>
    tpu.enqueue_dma source(%dma_start3A_23 : memref<32xi32, #tpu.memory_space<hbm>>) target(%dma_start3A_22 : memref<32xi32, #tpu.memory_space<vmem>>) target_semaphore(%arg8 : memref<!tpu.dma_semaphore, #tpu.memory_space<semaphore_mem>>)
    %dma_wait3A = arith.constant 0 : i32
    %dma_wait3A_24 = arith.constant 0 : i32
    %dma_wait3A_25 = tpu.memref_slice %arg5[%dma_wait3A, %dma_wait3A_24] : memref<3x32xi32, #tpu.memory_space<vmem>> -> memref<1x32xi32, #tpu.memory_space<vmem>>
    %dma_wait3A_26 = tpu.memref_squeeze %dma_wait3A_25 : memref<1x32xi32, #tpu.memory_space<vmem>> -> memref<32xi32, #tpu.memory_space<vmem>>
    %dma_wait3A_27 = tpu.memref_slice %arg3[%add3A_4] : memref<12288xi32, #tpu.memory_space<hbm>> -> memref<32xi32, #tpu.memory_space<hbm>>
    %dma_wait3A_28 = arith.constant 0 : i32
    %dma_wait3A_29 = tpu.memref_slice %arg5[%dma_wait3A, %dma_wait3A_28] : memref<3x32xi32, #tpu.memory_space<vmem>> -> memref<1x32xi32, #tpu.memory_space<vmem>>
    %dma_wait3A_30 = tpu.memref_squeeze %dma_wait3A_29 : memref<1x32xi32, #tpu.memory_space<vmem>> -> memref<32xi32, #tpu.memory_space<vmem>>
    %dma_wait3A_31 = tpu.memref_slice %arg3[%add3A_4] : memref<12288xi32, #tpu.memory_space<hbm>> -> memref<32xi32, #tpu.memory_space<hbm>>
    tpu.wait_dma2 semaphore(%arg7 : memref<!tpu.dma_semaphore, #tpu.memory_space<semaphore_mem>>) src(%dma_wait3A_31 : memref<32xi32, #tpu.memory_space<hbm>>) dst(%dma_wait3A_30 : memref<32xi32, #tpu.memory_space<vmem>>)
    %dma_start3A_32 = arith.constant 0 : i32
    %dma_start3A_33 = arith.constant 0 : i32
    %dma_start3A_34 = arith.constant 0 : i32
    %dma_start3A_35 = arith.constant 0 : i32
    %dma_start3A_36 = tpu.memref_slice %arg6[%dma_start3A_33, %dma_start3A_34, %dma_start3A_35] : memref<3x32x1024xf32, #tpu.memory_space<vmem>> -> memref<1x32x1024xf32, #tpu.memory_space<vmem>>
    %dma_start3A_37 = tpu.memref_squeeze %dma_start3A_36 : memref<1x32x1024xf32, #tpu.memory_space<vmem>> -> memref<32x1024xf32, #tpu.memory_space<vmem>>
    %dma_start3A_38 = arith.constant 0 : i32
    %dma_start3A_39 = tpu.memref_slice %arg5[%dma_start3A_32, %dma_start3A_38] : memref<3x32xi32, #tpu.memory_space<vmem>> -> memref<1x32xi32, #tpu.memory_space<vmem>>
    %dma_start3A_40 = tpu.memref_squeeze %dma_start3A_39 : memref<1x32xi32, #tpu.memory_space<vmem>> -> memref<32xi32, #tpu.memory_space<vmem>>
    %dma_start3A_41 = arith.constant 0 : i32
    %dma_start3A_42 = arith.constant 0 : i32
    %dma_start3A_43 = tpu.memref_slice %arg2[%dma_start3A_41, %dma_start3A_42] : memref<4096x1024xf32, #tpu.memory_space<hbm>> -> memref<4096x1024xf32, #tpu.memory_space<hbm>>
    tpu.enqueue_indirect_dma source(%dma_start3A_43 : memref<4096x1024xf32, #tpu.memory_space<hbm>>) target(%dma_start3A_37 : memref<32x1024xf32, #tpu.memory_space<vmem>>) offsets(%dma_start3A_40 : memref<32xi32, #tpu.memory_space<vmem>>) semaphore(%arg10 : memref<!tpu.dma_semaphore, #tpu.memory_space<semaphore_mem>>)
    %add3A_44 = arith.constant 64 : i32
    %add3A_45 = arith.addi %mul3A_2, %add3A_44 : i32
    %dma_start3A_46 = arith.constant 2 : i32
    %dma_start3A_47 = arith.constant 0 : i32
    %dma_start3A_48 = tpu.memref_slice %arg5[%dma_start3A_46, %dma_start3A_47] : memref<3x32xi32, #tpu.memory_space<vmem>> -> memref<1x32xi32, #tpu.memory_space<vmem>>
    %dma_start3A_49 = tpu.memref_squeeze %dma_start3A_48 : memref<1x32xi32, #tpu.memory_space<vmem>> -> memref<32xi32, #tpu.memory_space<vmem>>
    %dma_start3A_50 = tpu.memref_slice %arg3[%add3A_45] : memref<12288xi32, #tpu.memory_space<hbm>> -> memref<32xi32, #tpu.memory_space<hbm>>
    %dma_start3A_51 = arith.constant 0 : i32
    %dma_start3A_52 = tpu.memref_slice %arg5[%dma_start3A_46, %dma_start3A_51] : memref<3x32xi32, #tpu.memory_space<vmem>> -> memref<1x32xi32, #tpu.memory_space<vmem>>
    %dma_start3A_53 = tpu.memref_squeeze %dma_start3A_52 : memref<1x32xi32, #tpu.memory_space<vmem>> -> memref<32xi32, #tpu.memory_space<vmem>>
    %dma_start3A_54 = tpu.memref_slice %arg3[%add3A_45] : memref<12288xi32, #tpu.memory_space<hbm>> -> memref<32xi32, #tpu.memory_space<hbm>>
    tpu.enqueue_dma source(%dma_start3A_54 : memref<32xi32, #tpu.memory_space<hbm>>) target(%dma_start3A_53 : memref<32xi32, #tpu.memory_space<vmem>>) target_semaphore(%arg9 : memref<!tpu.dma_semaphore, #tpu.memory_space<semaphore_mem>>)
    %dma_wait3A_55 = arith.constant 0 : i32
    %dma_wait3A_56 = arith.constant 0 : i32
    %dma_wait3A_57 = arith.constant 0 : i32
    %dma_wait3A_58 = arith.constant 0 : i32
    %dma_wait3A_59 = tpu.memref_slice %arg6[%dma_wait3A_56, %dma_wait3A_57, %dma_wait3A_58] : memref<3x32x1024xf32, #tpu.memory_space<vmem>> -> memref<1x32x1024xf32, #tpu.memory_space<vmem>>
    %dma_wait3A_60 = tpu.memref_squeeze %dma_wait3A_59 : memref<1x32x1024xf32, #tpu.memory_space<vmem>> -> memref<32x1024xf32, #tpu.memory_space<vmem>>
    %dma_wait3A_61 = arith.constant 0 : i32
    %dma_wait3A_62 = tpu.memref_slice %arg5[%dma_wait3A_55, %dma_wait3A_61] : memref<3x32xi32, #tpu.memory_space<vmem>> -> memref<1x32xi32, #tpu.memory_space<vmem>>
    %dma_wait3A_63 = tpu.memref_squeeze %dma_wait3A_62 : memref<1x32xi32, #tpu.memory_space<vmem>> -> memref<32xi32, #tpu.memory_space<vmem>>
    %dma_wait3A_64 = arith.constant 0 : i32
    %dma_wait3A_65 = arith.constant 0 : i32
    %dma_wait3A_66 = tpu.memref_slice %arg2[%dma_wait3A_64, %dma_wait3A_65] : memref<4096x1024xf32, #tpu.memory_space<hbm>> -> memref<4096x1024xf32, #tpu.memory_space<hbm>>
    tpu.wait_indirect_dma semaphore(%arg10 : memref<!tpu.dma_semaphore, #tpu.memory_space<semaphore_mem>>) src(%dma_wait3A_66 : memref<4096x1024xf32, #tpu.memory_space<hbm>>) dst(%dma_wait3A_60 : memref<32x1024xf32, #tpu.memory_space<vmem>>)
    %add3A_67 = arith.constant 0 : i32
    %add3A_68 = arith.addi %mul3A_2, %add3A_67 : i32
    %dma_start3A_69 = arith.constant 0 : i32
    %dma_start3A_70 = arith.constant 0 : i32
    %dma_start3A_71 = arith.constant 0 : i32
    %dma_start3A_72 = tpu.memref_slice %arg6[%dma_start3A_69, %dma_start3A_70, %dma_start3A_71] : memref<3x32x1024xf32, #tpu.memory_space<vmem>> -> memref<1x32x1024xf32, #tpu.memory_space<vmem>>
    %dma_start3A_73 = tpu.memref_squeeze %dma_start3A_72 : memref<1x32x1024xf32, #tpu.memory_space<vmem>> -> memref<32x1024xf32, #tpu.memory_space<vmem>>
    %dma_start3A_74 = arith.constant 0 : i32
    %dma_start3A_75 = tpu.memref_slice %arg4[%add3A_68, %dma_start3A_74] : memref<12288x1024xf32, #tpu.memory_space<hbm>> -> memref<32x1024xf32, #tpu.memory_space<hbm>>
    %dma_start3A_76 = arith.constant 0 : i32
    %dma_start3A_77 = tpu.memref_slice %arg4[%add3A_68, %dma_start3A_76] : memref<12288x1024xf32, #tpu.memory_space<hbm>> -> memref<32x1024xf32, #tpu.memory_space<hbm>>
    %dma_start3A_78 = arith.constant 0 : i32
    %dma_start3A_79 = arith.constant 0 : i32
    %dma_start3A_80 = tpu.memref_slice %arg6[%dma_start3A_69, %dma_start3A_78, %dma_start3A_79] : memref<3x32x1024xf32, #tpu.memory_space<vmem>> -> memref<1x32x1024xf32, #tpu.memory_space<vmem>>
    %dma_start3A_81 = tpu.memref_squeeze %dma_start3A_80 : memref<1x32x1024xf32, #tpu.memory_space<vmem>> -> memref<32x1024xf32, #tpu.memory_space<vmem>>
    tpu.enqueue_dma source(%dma_start3A_81 : memref<32x1024xf32, #tpu.memory_space<vmem>>) target(%dma_start3A_77 : memref<32x1024xf32, #tpu.memory_space<hbm>>) target_semaphore(%arg13 : memref<!tpu.dma_semaphore, #tpu.memory_space<semaphore_mem>>)
    %dma_wait3A_82 = arith.constant 1 : i32
    %dma_wait3A_83 = arith.constant 0 : i32
    %dma_wait3A_84 = tpu.memref_slice %arg5[%dma_wait3A_82, %dma_wait3A_83] : memref<3x32xi32, #tpu.memory_space<vmem>> -> memref<1x32xi32, #tpu.memory_space<vmem>>
    %dma_wait3A_85 = tpu.memref_squeeze %dma_wait3A_84 : memref<1x32xi32, #tpu.memory_space<vmem>> -> memref<32xi32, #tpu.memory_space<vmem>>
    %dma_wait3A_86 = tpu.memref_slice %arg3[%add3A_14] : memref<12288xi32, #tpu.memory_space<hbm>> -> memref<32xi32, #tpu.memory_space<hbm>>
    %dma_wait3A_87 = arith.constant 0 : i32
    %dma_wait3A_88 = tpu.memref_slice %arg5[%dma_wait3A_82, %dma_wait3A_87] : memref<3x32xi32, #tpu.memory_space<vmem>> -> memref<1x32xi32, #tpu.memory_space<vmem>>
    %dma_wait3A_89 = tpu.memref_squeeze %dma_wait3A_88 : memref<1x32xi32, #tpu.memory_space<vmem>> -> memref<32xi32, #tpu.memory_space<vmem>>
    %dma_wait3A_90 = tpu.memref_slice %arg3[%add3A_14] : memref<12288xi32, #tpu.memory_space<hbm>> -> memref<32xi32, #tpu.memory_space<hbm>>
    tpu.wait_dma2 semaphore(%arg8 : memref<!tpu.dma_semaphore, #tpu.memory_space<semaphore_mem>>) src(%dma_wait3A_90 : memref<32xi32, #tpu.memory_space<hbm>>) dst(%dma_wait3A_89 : memref<32xi32, #tpu.memory_space<vmem>>)
    %dma_start3A_91 = arith.constant 1 : i32
    %dma_start3A_92 = arith.constant 1 : i32
    %dma_start3A_93 = arith.constant 0 : i32
    %dma_start3A_94 = arith.constant 0 : i32
    %dma_start3A_95 = tpu.memref_slice %arg6[%dma_start3A_92, %dma_start3A_93, %dma_start3A_94] : memref<3x32x1024xf32, #tpu.memory_space<vmem>> -> memref<1x32x1024xf32, #tpu.memory_space<vmem>>
    %dma_start3A_96 = tpu.memref_squeeze %dma_start3A_95 : memref<1x32x1024xf32, #tpu.memory_space<vmem>> -> memref<32x1024xf32, #tpu.memory_space<vmem>>
    %dma_start3A_97 = arith.constant 0 : i32
    %dma_start3A_98 = tpu.memref_slice %arg5[%dma_start3A_91, %dma_start3A_97] : memref<3x32xi32, #tpu.memory_space<vmem>> -> memref<1x32xi32, #tpu.memory_space<vmem>>
    %dma_start3A_99 = tpu.memref_squeeze %dma_start3A_98 : memref<1x32xi32, #tpu.memory_space<vmem>> -> memref<32xi32, #tpu.memory_space<vmem>>
    %dma_start3A_100 = arith.constant 0 : i32
    %dma_start3A_101 = arith.constant 0 : i32
    %dma_start3A_102 = tpu.memref_slice %arg2[%dma_start3A_100, %dma_start3A_101] : memref<4096x1024xf32, #tpu.memory_space<hbm>> -> memref<4096x1024xf32, #tpu.memory_space<hbm>>
    tpu.enqueue_indirect_dma source(%dma_start3A_102 : memref<4096x1024xf32, #tpu.memory_space<hbm>>) target(%dma_start3A_96 : memref<32x1024xf32, #tpu.memory_space<vmem>>) offsets(%dma_start3A_99 : memref<32xi32, #tpu.memory_space<vmem>>) semaphore(%arg11 : memref<!tpu.dma_semaphore, #tpu.memory_space<semaphore_mem>>)
    %dma_wait3A_103 = arith.constant 0 : i32
    %dma_wait3A_104 = arith.constant 0 : i32
    %dma_wait3A_105 = arith.constant 0 : i32
    %dma_wait3A_106 = tpu.memref_slice %arg6[%dma_wait3A_103, %dma_wait3A_104, %dma_wait3A_105] : memref<3x32x1024xf32, #tpu.memory_space<vmem>> -> memref<1x32x1024xf32, #tpu.memory_space<vmem>>
    %dma_wait3A_107 = tpu.memref_squeeze %dma_wait3A_106 : memref<1x32x1024xf32, #tpu.memory_space<vmem>> -> memref<32x1024xf32, #tpu.memory_space<vmem>>
    %dma_wait3A_108 = arith.constant 0 : i32
    %dma_wait3A_109 = tpu.memref_slice %arg4[%add3A_68, %dma_wait3A_108] : memref<12288x1024xf32, #tpu.memory_space<hbm>> -> memref<32x1024xf32, #tpu.memory_space<hbm>>
    %dma_wait3A_110 = arith.constant 0 : i32
    %dma_wait3A_111 = tpu.memref_slice %arg4[%add3A_68, %dma_wait3A_110] : memref<12288x1024xf32, #tpu.memory_space<hbm>> -> memref<32x1024xf32, #tpu.memory_space<hbm>>
    %dma_wait3A_112 = arith.constant 0 : i32
    %dma_wait3A_113 = arith.constant 0 : i32
    %dma_wait3A_114 = tpu.memref_slice %arg6[%dma_wait3A_103, %dma_wait3A_112, %dma_wait3A_113] : memref<3x32x1024xf32, #tpu.memory_space<vmem>> -> memref<1x32x1024xf32, #tpu.memory_space<vmem>>
    %dma_wait3A_115 = tpu.memref_squeeze %dma_wait3A_114 : memref<1x32x1024xf32, #tpu.memory_space<vmem>> -> memref<32x1024xf32, #tpu.memory_space<vmem>>
    tpu.wait_dma2 semaphore(%arg13 : memref<!tpu.dma_semaphore, #tpu.memory_space<semaphore_mem>>) src(%dma_wait3A_115 : memref<32x1024xf32, #tpu.memory_space<vmem>>) dst(%dma_wait3A_111 : memref<32x1024xf32, #tpu.memory_space<hbm>>)
    %add3A_116 = arith.constant 96 : i32
    %add3A_117 = arith.addi %mul3A_2, %add3A_116 : i32
    %dma_start3A_118 = arith.constant 0 : i32
    %dma_start3A_119 = arith.constant 0 : i32
    %dma_start3A_120 = tpu.memref_slice %arg5[%dma_start3A_118, %dma_start3A_119] : memref<3x32xi32, #tpu.memory_space<vmem>> -> memref<1x32xi32, #tpu.memory_space<vmem>>
    %dma_start3A_121 = tpu.memref_squeeze %dma_start3A_120 : memref<1x32xi32, #tpu.memory_space<vmem>> -> memref<32xi32, #tpu.memory_space<vmem>>
    %dma_start3A_122 = tpu.memref_slice %arg3[%add3A_117] : memref<12288xi32, #tpu.memory_space<hbm>> -> memref<32xi32, #tpu.memory_space<hbm>>
    %dma_start3A_123 = arith.constant 0 : i32
    %dma_start3A_124 = tpu.memref_slice %arg5[%dma_start3A_118, %dma_start3A_123] : memref<3x32xi32, #tpu.memory_space<vmem>> -> memref<1x32xi32, #tpu.memory_space<vmem>>
    %dma_start3A_125 = tpu.memref_squeeze %dma_start3A_124 : memref<1x32xi32, #tpu.memory_space<vmem>> -> memref<32xi32, #tpu.memory_space<vmem>>
    %dma_start3A_126 = tpu.memref_slice %arg3[%add3A_117] : memref<12288xi32, #tpu.memory_space<hbm>> -> memref<32xi32, #tpu.memory_space<hbm>>
    tpu.enqueue_dma source(%dma_start3A_126 : memref<32xi32, #tpu.memory_space<hbm>>) target(%dma_start3A_125 : memref<32xi32, #tpu.memory_space<vmem>>) target_semaphore(%arg7 : memref<!tpu.dma_semaphore, #tpu.memory_space<semaphore_mem>>)
    %dma_wait3A_127 = arith.constant 1 : i32
    %dma_wait3A_128 = arith.constant 1 : i32
    %dma_wait3A_129 = arith.constant 0 : i32
    %dma_wait3A_130 = arith.constant 0 : i32
    %dma_wait3A_131 = tpu.memref_slice %arg6[%dma_wait3A_128, %dma_wait3A_129, %dma_wait3A_130] : memref<3x32x1024xf32, #tpu.memory_space<vmem>> -> memref<1x32x1024xf32, #tpu.memory_space<vmem>>
    %dma_wait3A_132 = tpu.memref_squeeze %dma_wait3A_131 : memref<1x32x1024xf32, #tpu.memory_space<vmem>> -> memref<32x1024xf32, #tpu.memory_space<vmem>>
    %dma_wait3A_133 = arith.constant 0 : i32
    %dma_wait3A_134 = tpu.memref_slice %arg5[%dma_wait3A_127, %dma_wait3A_133] : memref<3x32xi32, #tpu.memory_space<vmem>> -> memref<1x32xi32, #tpu.memory_space<vmem>>
    %dma_wait3A_135 = tpu.memref_squeeze %dma_wait3A_134 : memref<1x32xi32, #tpu.memory_space<vmem>> -> memref<32xi32, #tpu.memory_space<vmem>>
    %dma_wait3A_136 = arith.constant 0 : i32
    %dma_wait3A_137 = arith.constant 0 : i32
    %dma_wait3A_138 = tpu.memref_slice %arg2[%dma_wait3A_136, %dma_wait3A_137] : memref<4096x1024xf32, #tpu.memory_space<hbm>> -> memref<4096x1024xf32, #tpu.memory_space<hbm>>
    tpu.wait_indirect_dma semaphore(%arg11 : memref<!tpu.dma_semaphore, #tpu.memory_space<semaphore_mem>>) src(%dma_wait3A_138 : memref<4096x1024xf32, #tpu.memory_space<hbm>>) dst(%dma_wait3A_132 : memref<32x1024xf32, #tpu.memory_space<vmem>>)
    %add3A_139 = arith.constant 32 : i32
    %add3A_140 = arith.addi %mul3A_2, %add3A_139 : i32
    %dma_start3A_141 = arith.constant 1 : i32
    %dma_start3A_142 = arith.constant 0 : i32
    %dma_start3A_143 = arith.constant 0 : i32
    %dma_start3A_144 = tpu.memref_slice %arg6[%dma_start3A_141, %dma_start3A_142, %dma_start3A_143] : memref<3x32x1024xf32, #tpu.memory_space<vmem>> -> memref<1x32x1024xf32, #tpu.memory_space<vmem>>
    %dma_start3A_145 = tpu.memref_squeeze %dma_start3A_144 : memref<1x32x1024xf32, #tpu.memory_space<vmem>> -> memref<32x1024xf32, #tpu.memory_space<vmem>>
    %dma_start3A_146 = arith.constant 0 : i32
    %dma_start3A_147 = tpu.memref_slice %arg4[%add3A_140, %dma_start3A_146] : memref<12288x1024xf32, #tpu.memory_space<hbm>> -> memref<32x1024xf32, #tpu.memory_space<hbm>>
    %dma_start3A_148 = arith.constant 0 : i32
    %dma_start3A_149 = tpu.memref_slice %arg4[%add3A_140, %dma_start3A_148] : memref<12288x1024xf32, #tpu.memory_space<hbm>> -> memref<32x1024xf32, #tpu.memory_space<hbm>>
    %dma_start3A_150 = arith.constant 0 : i32
    %dma_start3A_151 = arith.constant 0 : i32
    %dma_start3A_152 = tpu.memref_slice %arg6[%dma_start3A_141, %dma_start3A_150, %dma_start3A_151] : memref<3x32x1024xf32, #tpu.memory_space<vmem>> -> memref<1x32x1024xf32, #tpu.memory_space<vmem>>
    %dma_start3A_153 = tpu.memref_squeeze %dma_start3A_152 : memref<1x32x1024xf32, #tpu.memory_space<vmem>> -> memref<32x1024xf32, #tpu.memory_space<vmem>>
    tpu.enqueue_dma source(%dma_start3A_153 : memref<32x1024xf32, #tpu.memory_space<vmem>>) target(%dma_start3A_149 : memref<32x1024xf32, #tpu.memory_space<hbm>>) target_semaphore(%arg14 : memref<!tpu.dma_semaphore, #tpu.memory_space<semaphore_mem>>)
    %dma_wait3A_154 = arith.constant 2 : i32
    %dma_wait3A_155 = arith.constant 0 : i32
    %dma_wait3A_156 = tpu.memref_slice %arg5[%dma_wait3A_154, %dma_wait3A_155] : memref<3x32xi32, #tpu.memory_space<vmem>> -> memref<1x32xi32, #tpu.memory_space<vmem>>
    %dma_wait3A_157 = tpu.memref_squeeze %dma_wait3A_156 : memref<1x32xi32, #tpu.memory_space<vmem>> -> memref<32xi32, #tpu.memory_space<vmem>>
    %dma_wait3A_158 = tpu.memref_slice %arg3[%add3A_45] : memref<12288xi32, #tpu.memory_space<hbm>> -> memref<32xi32, #tpu.memory_space<hbm>>
    %dma_wait3A_159 = arith.constant 0 : i32
    %dma_wait3A_160 = tpu.memref_slice %arg5[%dma_wait3A_154, %dma_wait3A_159] : memref<3x32xi32, #tpu.memory_space<vmem>> -> memref<1x32xi32, #tpu.memory_space<vmem>>
    %dma_wait3A_161 = tpu.memref_squeeze %dma_wait3A_160 : memref<1x32xi32, #tpu.memory_space<vmem>> -> memref<32xi32, #tpu.memory_space<vmem>>
    %dma_wait3A_162 = tpu.memref_slice %arg3[%add3A_45] : memref<12288xi32, #tpu.memory_space<hbm>> -> memref<32xi32, #tpu.memory_space<hbm>>
    tpu.wait_dma2 semaphore(%arg9 : memref<!tpu.dma_semaphore, #tpu.memory_space<semaphore_mem>>) src(%dma_wait3A_162 : memref<32xi32, #tpu.memory_space<hbm>>) dst(%dma_wait3A_161 : memref<32xi32, #tpu.memory_space<vmem>>)
    %dma_start3A_163 = arith.constant 2 : i32
    %dma_start3A_164 = arith.constant 2 : i32
    %dma_start3A_165 = arith.constant 0 : i32
    %dma_start3A_166 = arith.constant 0 : i32
    %dma_start3A_167 = tpu.memref_slice %arg6[%dma_start3A_164, %dma_start3A_165, %dma_start3A_166] : memref<3x32x1024xf32, #tpu.memory_space<vmem>> -> memref<1x32x1024xf32, #tpu.memory_space<vmem>>
    %dma_start3A_168 = tpu.memref_squeeze %dma_start3A_167 : memref<1x32x1024xf32, #tpu.memory_space<vmem>> -> memref<32x1024xf32, #tpu.memory_space<vmem>>
    %dma_start3A_169 = arith.constant 0 : i32
    %dma_start3A_170 = tpu.memref_slice %arg5[%dma_start3A_163, %dma_start3A_169] : memref<3x32xi32, #tpu.memory_space<vmem>> -> memref<1x32xi32, #tpu.memory_space<vmem>>
    %dma_start3A_171 = tpu.memref_squeeze %dma_start3A_170 : memref<1x32xi32, #tpu.memory_space<vmem>> -> memref<32xi32, #tpu.memory_space<vmem>>
    %dma_start3A_172 = arith.constant 0 : i32
    %dma_start3A_173 = arith.constant 0 : i32
    %dma_start3A_174 = tpu.memref_slice %arg2[%dma_start3A_172, %dma_start3A_173] : memref<4096x1024xf32, #tpu.memory_space<hbm>> -> memref<4096x1024xf32, #tpu.memory_space<hbm>>
    tpu.enqueue_indirect_dma source(%dma_start3A_174 : memref<4096x1024xf32, #tpu.memory_space<hbm>>) target(%dma_start3A_168 : memref<32x1024xf32, #tpu.memory_space<vmem>>) offsets(%dma_start3A_171 : memref<32xi32, #tpu.memory_space<vmem>>) semaphore(%arg12 : memref<!tpu.dma_semaphore, #tpu.memory_space<semaphore_mem>>)
    %dma_wait3A_175 = arith.constant 1 : i32
    %dma_wait3A_176 = arith.constant 0 : i32
    %dma_wait3A_177 = arith.constant 0 : i32
    %dma_wait3A_178 = tpu.memref_slice %arg6[%dma_wait3A_175, %dma_wait3A_176, %dma_wait3A_177] : memref<3x32x1024xf32, #tpu.memory_space<vmem>> -> memref<1x32x1024xf32, #tpu.memory_space<vmem>>
    %dma_wait3A_179 = tpu.memref_squeeze %dma_wait3A_178 : memref<1x32x1024xf32, #tpu.memory_space<vmem>> -> memref<32x1024xf32, #tpu.memory_space<vmem>>
    %dma_wait3A_180 = arith.constant 0 : i32
    %dma_wait3A_181 = tpu.memref_slice %arg4[%add3A_140, %dma_wait3A_180] : memref<12288x1024xf32, #tpu.memory_space<hbm>> -> memref<32x1024xf32, #tpu.memory_space<hbm>>
    %dma_wait3A_182 = arith.constant 0 : i32
    %dma_wait3A_183 = tpu.memref_slice %arg4[%add3A_140, %dma_wait3A_182] : memref<12288x1024xf32, #tpu.memory_space<hbm>> -> memref<32x1024xf32, #tpu.memory_space<hbm>>
    %dma_wait3A_184 = arith.constant 0 : i32
    %dma_wait3A_185 = arith.constant 0 : i32
    %dma_wait3A_186 = tpu.memref_slice %arg6[%dma_wait3A_175, %dma_wait3A_184, %dma_wait3A_185] : memref<3x32x1024xf32, #tpu.memory_space<vmem>> -> memref<1x32x1024xf32, #tpu.memory_space<vmem>>
    %dma_wait3A_187 = tpu.memref_squeeze %dma_wait3A_186 : memref<1x32x1024xf32, #tpu.memory_space<vmem>> -> memref<32x1024xf32, #tpu.memory_space<vmem>>
    tpu.wait_dma2 semaphore(%arg14 : memref<!tpu.dma_semaphore, #tpu.memory_space<semaphore_mem>>) src(%dma_wait3A_187 : memref<32x1024xf32, #tpu.memory_space<vmem>>) dst(%dma_wait3A_183 : memref<32x1024xf32, #tpu.memory_space<hbm>>)
    %add3A_188 = arith.constant 128 : i32
    %add3A_189 = arith.addi %mul3A_2, %add3A_188 : i32
    %dma_start3A_190 = arith.constant 1 : i32
    %dma_start3A_191 = arith.constant 0 : i32
    %dma_start3A_192 = tpu.memref_slice %arg5[%dma_start3A_190, %dma_start3A_191] : memref<3x32xi32, #tpu.memory_space<vmem>> -> memref<1x32xi32, #tpu.memory_space<vmem>>
    %dma_start3A_193 = tpu.memref_squeeze %dma_start3A_192 : memref<1x32xi32, #tpu.memory_space<vmem>> -> memref<32xi32, #tpu.memory_space<vmem>>
    %dma_start3A_194 = tpu.memref_slice %arg3[%add3A_189] : memref<12288xi32, #tpu.memory_space<hbm>> -> memref<32xi32, #tpu.memory_space<hbm>>
    %dma_start3A_195 = arith.constant 0 : i32
    %dma_start3A_196 = tpu.memref_slice %arg5[%dma_start3A_190, %dma_start3A_195] : memref<3x32xi32, #tpu.memory_space<vmem>> -> memref<1x32xi32, #tpu.memory_space<vmem>>
    %dma_start3A_197 = tpu.memref_squeeze %dma_start3A_196 : memref<1x32xi32, #tpu.memory_space<vmem>> -> memref<32xi32, #tpu.memory_space<vmem>>
    %dma_start3A_198 = tpu.memref_slice %arg3[%add3A_189] : memref<12288xi32, #tpu.memory_space<hbm>> -> memref<32xi32, #tpu.memory_space<hbm>>
    tpu.enqueue_dma source(%dma_start3A_198 : memref<32xi32, #tpu.memory_space<hbm>>) target(%dma_start3A_197 : memref<32xi32, #tpu.memory_space<vmem>>) target_semaphore(%arg8 : memref<!tpu.dma_semaphore, #tpu.memory_space<semaphore_mem>>)
    %dma_wait3A_199 = arith.constant 2 : i32
    %dma_wait3A_200 = arith.constant 2 : i32
    %dma_wait3A_201 = arith.constant 0 : i32
    %dma_wait3A_202 = arith.constant 0 : i32
    %dma_wait3A_203 = tpu.memref_slice %arg6[%dma_wait3A_200, %dma_wait3A_201, %dma_wait3A_202] : memref<3x32x1024xf32, #tpu.memory_space<vmem>> -> memref<1x32x1024xf32, #tpu.memory_space<vmem>>
    %dma_wait3A_204 = tpu.memref_squeeze %dma_wait3A_203 : memref<1x32x1024xf32, #tpu.memory_space<vmem>> -> memref<32x1024xf32, #tpu.memory_space<vmem>>
    %dma_wait3A_205 = arith.constant 0 : i32
    %dma_wait3A_206 = tpu.memref_slice %arg5[%dma_wait3A_199, %dma_wait3A_205] : memref<3x32xi32, #tpu.memory_space<vmem>> -> memref<1x32xi32, #tpu.memory_space<vmem>>
    %dma_wait3A_207 = tpu.memref_squeeze %dma_wait3A_206 : memref<1x32xi32, #tpu.memory_space<vmem>> -> memref<32xi32, #tpu.memory_space<vmem>>
    %dma_wait3A_208 = arith.constant 0 : i32
    %dma_wait3A_209 = arith.constant 0 : i32
    %dma_wait3A_210 = tpu.memref_slice %arg2[%dma_wait3A_208, %dma_wait3A_209] : memref<4096x1024xf32, #tpu.memory_space<hbm>> -> memref<4096x1024xf32, #tpu.memory_space<hbm>>
    tpu.wait_indirect_dma semaphore(%arg12 : memref<!tpu.dma_semaphore, #tpu.memory_space<semaphore_mem>>) src(%dma_wait3A_210 : memref<4096x1024xf32, #tpu.memory_space<hbm>>) dst(%dma_wait3A_204 : memref<32x1024xf32, #tpu.memory_space<vmem>>)
    %add3A_211 = arith.constant 64 : i32
    %add3A_212 = arith.addi %mul3A_2, %add3A_211 : i32
    %dma_start3A_213 = arith.constant 2 : i32
    %dma_start3A_214 = arith.constant 0 : i32
    %dma_start3A_215 = arith.constant 0 : i32
    %dma_start3A_216 = tpu.memref_slice %arg6[%dma_start3A_213, %dma_start3A_214, %dma_start3A_215] : memref<3x32x1024xf32, #tpu.memory_space<vmem>> -> memref<1x32x1024xf32, #tpu.memory_space<vmem>>
    %dma_start3A_217 = tpu.memref_squeeze %dma_start3A_216 : memref<1x32x1024xf32, #tpu.memory_space<vmem>> -> memref<32x1024xf32, #tpu.memory_space<vmem>>
    %dma_start3A_218 = arith.constant 0 : i32
    %dma_start3A_219 = tpu.memref_slice %arg4[%add3A_212, %dma_start3A_218] : memref<12288x1024xf32, #tpu.memory_space<hbm>> -> memref<32x1024xf32, #tpu.memory_space<hbm>>
    %dma_start3A_220 = arith.constant 0 : i32
    %dma_start3A_221 = tpu.memref_slice %arg4[%add3A_212, %dma_start3A_220] : memref<12288x1024xf32, #tpu.memory_space<hbm>> -> memref<32x1024xf32, #tpu.memory_space<hbm>>
    %dma_start3A_222 = arith.constant 0 : i32
    %dma_start3A_223 = arith.constant 0 : i32
    %dma_start3A_224 = tpu.memref_slice %arg6[%dma_start3A_213, %dma_start3A_222, %dma_start3A_223] : memref<3x32x1024xf32, #tpu.memory_space<vmem>> -> memref<1x32x1024xf32, #tpu.memory_space<vmem>>
    %dma_start3A_225 = tpu.memref_squeeze %dma_start3A_224 : memref<1x32x1024xf32, #tpu.memory_space<vmem>> -> memref<32x1024xf32, #tpu.memory_space<vmem>>
    tpu.enqueue_dma source(%dma_start3A_225 : memref<32x1024xf32, #tpu.memory_space<vmem>>) target(%dma_start3A_221 : memref<32x1024xf32, #tpu.memory_space<hbm>>) target_semaphore(%arg15 : memref<!tpu.dma_semaphore, #tpu.memory_space<semaphore_mem>>)
    %dma_wait3A_226 = arith.constant 0 : i32
    %dma_wait3A_227 = arith.constant 0 : i32
    %dma_wait3A_228 = tpu.memref_slice %arg5[%dma_wait3A_226, %dma_wait3A_227] : memref<3x32xi32, #tpu.memory_space<vmem>> -> memref<1x32xi32, #tpu.memory_space<vmem>>
    %dma_wait3A_229 = tpu.memref_squeeze %dma_wait3A_228 : memref<1x32xi32, #tpu.memory_space<vmem>> -> memref<32xi32, #tpu.memory_space<vmem>>
    %dma_wait3A_230 = tpu.memref_slice %arg3[%add3A_117] : memref<12288xi32, #tpu.memory_space<hbm>> -> memref<32xi32, #tpu.memory_space<hbm>>
    %dma_wait3A_231 = arith.constant 0 : i32
    %dma_wait3A_232 = tpu.memref_slice %arg5[%dma_wait3A_226, %dma_wait3A_231] : memref<3x32xi32, #tpu.memory_space<vmem>> -> memref<1x32xi32, #tpu.memory_space<vmem>>
    %dma_wait3A_233 = tpu.memref_squeeze %dma_wait3A_232 : memref<1x32xi32, #tpu.memory_space<vmem>> -> memref<32xi32, #tpu.memory_space<vmem>>
    %dma_wait3A_234 = tpu.memref_slice %arg3[%add3A_117] : memref<12288xi32, #tpu.memory_space<hbm>> -> memref<32xi32, #tpu.memory_space<hbm>>
    tpu.wait_dma2 semaphore(%arg7 : memref<!tpu.dma_semaphore, #tpu.memory_space<semaphore_mem>>) src(%dma_wait3A_234 : memref<32xi32, #tpu.memory_space<hbm>>) dst(%dma_wait3A_233 : memref<32xi32, #tpu.memory_space<vmem>>)
    %dma_start3A_235 = arith.constant 0 : i32
    %dma_start3A_236 = arith.constant 0 : i32
    %dma_start3A_237 = arith.constant 0 : i32
    %dma_start3A_238 = arith.constant 0 : i32
    %dma_start3A_239 = tpu.memref_slice %arg6[%dma_start3A_236, %dma_start3A_237, %dma_start3A_238] : memref<3x32x1024xf32, #tpu.memory_space<vmem>> -> memref<1x32x1024xf32, #tpu.memory_space<vmem>>
    %dma_start3A_240 = tpu.memref_squeeze %dma_start3A_239 : memref<1x32x1024xf32, #tpu.memory_space<vmem>> -> memref<32x1024xf32, #tpu.memory_space<vmem>>
    %dma_start3A_241 = arith.constant 0 : i32
    %dma_start3A_242 = tpu.memref_slice %arg5[%dma_start3A_235, %dma_start3A_241] : memref<3x32xi32, #tpu.memory_space<vmem>> -> memref<1x32xi32, #tpu.memory_space<vmem>>
    %dma_start3A_243 = tpu.memref_squeeze %dma_start3A_242 : memref<1x32xi32, #tpu.memory_space<vmem>> -> memref<32xi32, #tpu.memory_space<vmem>>
    %dma_start3A_244 = arith.constant 0 : i32
    %dma_start3A_245 = arith.constant 0 : i32
    %dma_start3A_246 = tpu.memref_slice %arg2[%dma_start3A_244, %dma_start3A_245] : memref<4096x1024xf32, #tpu.memory_space<hbm>> -> memref<4096x1024xf32, #tpu.memory_space<hbm>>
    tpu.enqueue_indirect_dma source(%dma_start3A_246 : memref<4096x1024xf32, #tpu.memory_space<hbm>>) target(%dma_start3A_240 : memref<32x1024xf32, #tpu.memory_space<vmem>>) offsets(%dma_start3A_243 : memref<32xi32, #tpu.memory_space<vmem>>) semaphore(%arg10 : memref<!tpu.dma_semaphore, #tpu.memory_space<semaphore_mem>>)
    %dma_wait3A_247 = arith.constant 2 : i32
    %dma_wait3A_248 = arith.constant 0 : i32
    %dma_wait3A_249 = arith.constant 0 : i32
    %dma_wait3A_250 = tpu.memref_slice %arg6[%dma_wait3A_247, %dma_wait3A_248, %dma_wait3A_249] : memref<3x32x1024xf32, #tpu.memory_space<vmem>> -> memref<1x32x1024xf32, #tpu.memory_space<vmem>>
    %dma_wait3A_251 = tpu.memref_squeeze %dma_wait3A_250 : memref<1x32x1024xf32, #tpu.memory_space<vmem>> -> memref<32x1024xf32, #tpu.memory_space<vmem>>
    %dma_wait3A_252 = arith.constant 0 : i32
    %dma_wait3A_253 = tpu.memref_slice %arg4[%add3A_212, %dma_wait3A_252] : memref<12288x1024xf32, #tpu.memory_space<hbm>> -> memref<32x1024xf32, #tpu.memory_space<hbm>>
    %dma_wait3A_254 = arith.constant 0 : i32
    %dma_wait3A_255 = tpu.memref_slice %arg4[%add3A_212, %dma_wait3A_254] : memref<12288x1024xf32, #tpu.memory_space<hbm>> -> memref<32x1024xf32, #tpu.memory_space<hbm>>
    %dma_wait3A_256 = arith.constant 0 : i32
    %dma_wait3A_257 = arith.constant 0 : i32
    %dma_wait3A_258 = tpu.memref_slice %arg6[%dma_wait3A_247, %dma_wait3A_256, %dma_wait3A_257] : memref<3x32x1024xf32, #tpu.memory_space<vmem>> -> memref<1x32x1024xf32, #tpu.memory_space<vmem>>
    %dma_wait3A_259 = tpu.memref_squeeze %dma_wait3A_258 : memref<1x32x1024xf32, #tpu.memory_space<vmem>> -> memref<32x1024xf32, #tpu.memory_space<vmem>>
    tpu.wait_dma2 semaphore(%arg15 : memref<!tpu.dma_semaphore, #tpu.memory_space<semaphore_mem>>) src(%dma_wait3A_259 : memref<32x1024xf32, #tpu.memory_space<vmem>>) dst(%dma_wait3A_255 : memref<32x1024xf32, #tpu.memory_space<hbm>>)
    %add3A_260 = arith.constant 160 : i32
    %add3A_261 = arith.addi %mul3A_2, %add3A_260 : i32
    %dma_start3A_262 = arith.constant 2 : i32
    %dma_start3A_263 = arith.constant 0 : i32
    %dma_start3A_264 = tpu.memref_slice %arg5[%dma_start3A_262, %dma_start3A_263] : memref<3x32xi32, #tpu.memory_space<vmem>> -> memref<1x32xi32, #tpu.memory_space<vmem>>
    %dma_start3A_265 = tpu.memref_squeeze %dma_start3A_264 : memref<1x32xi32, #tpu.memory_space<vmem>> -> memref<32xi32, #tpu.memory_space<vmem>>
    %dma_start3A_266 = tpu.memref_slice %arg3[%add3A_261] : memref<12288xi32, #tpu.memory_space<hbm>> -> memref<32xi32, #tpu.memory_space<hbm>>
    %dma_start3A_267 = arith.constant 0 : i32
    %dma_start3A_268 = tpu.memref_slice %arg5[%dma_start3A_262, %dma_start3A_267] : memref<3x32xi32, #tpu.memory_space<vmem>> -> memref<1x32xi32, #tpu.memory_space<vmem>>
    %dma_start3A_269 = tpu.memref_squeeze %dma_start3A_268 : memref<1x32xi32, #tpu.memory_space<vmem>> -> memref<32xi32, #tpu.memory_space<vmem>>
    %dma_start3A_270 = tpu.memref_slice %arg3[%add3A_261] : memref<12288xi32, #tpu.memory_space<hbm>> -> memref<32xi32, #tpu.memory_space<hbm>>
    tpu.enqueue_dma source(%dma_start3A_270 : memref<32xi32, #tpu.memory_space<hbm>>) target(%dma_start3A_269 : memref<32xi32, #tpu.memory_space<vmem>>) target_semaphore(%arg9 : memref<!tpu.dma_semaphore, #tpu.memory_space<semaphore_mem>>)
    %dma_wait3A_271 = arith.constant 0 : i32
    %dma_wait3A_272 = arith.constant 0 : i32
    %dma_wait3A_273 = arith.constant 0 : i32
    %dma_wait3A_274 = arith.constant 0 : i32
    %dma_wait3A_275 = tpu.memref_slice %arg6[%dma_wait3A_272, %dma_wait3A_273, %dma_wait3A_274] : memref<3x32x1024xf32, #tpu.memory_space<vmem>> -> memref<1x32x1024xf32, #tpu.memory_space<vmem>>
    %dma_wait3A_276 = tpu.memref_squeeze %dma_wait3A_275 : memref<1x32x1024xf32, #tpu.memory_space<vmem>> -> memref<32x1024xf32, #tpu.memory_space<vmem>>
    %dma_wait3A_277 = arith.constant 0 : i32
    %dma_wait3A_278 = tpu.memref_slice %arg5[%dma_wait3A_271, %dma_wait3A_277] : memref<3x32xi32, #tpu.memory_space<vmem>> -> memref<1x32xi32, #tpu.memory_space<vmem>>
    %dma_wait3A_279 = tpu.memref_squeeze %dma_wait3A_278 : memref<1x32xi32, #tpu.memory_space<vmem>> -> memref<32xi32, #tpu.memory_space<vmem>>
    %dma_wait3A_280 = arith.constant 0 : i32
    %dma_wait3A_281 = arith.constant 0 : i32
    %dma_wait3A_282 = tpu.memref_slice %arg2[%dma_wait3A_280, %dma_wait3A_281] : memref<4096x1024xf32, #tpu.memory_space<hbm>> -> memref<4096x1024xf32, #tpu.memory_space<hbm>>
    tpu.wait_indirect_dma semaphore(%arg10 : memref<!tpu.dma_semaphore, #tpu.memory_space<semaphore_mem>>) src(%dma_wait3A_282 : memref<4096x1024xf32, #tpu.memory_space<hbm>>) dst(%dma_wait3A_276 : memref<32x1024xf32, #tpu.memory_space<vmem>>)
    %add3A_283 = arith.constant 96 : i32
    %add3A_284 = arith.addi %mul3A_2, %add3A_283 : i32
    %dma_start3A_285 = arith.constant 0 : i32
    %dma_start3A_286 = arith.constant 0 : i32
    %dma_start3A_287 = arith.constant 0 : i32
    %dma_start3A_288 = tpu.memref_slice %arg6[%dma_start3A_285, %dma_start3A_286, %dma_start3A_287] : memref<3x32x1024xf32, #tpu.memory_space<vmem>> -> memref<1x32x1024xf32, #tpu.memory_space<vmem>>
    %dma_start3A_289 = tpu.memref_squeeze %dma_start3A_288 : memref<1x32x1024xf32, #tpu.memory_space<vmem>> -> memref<32x1024xf32, #tpu.memory_space<vmem>>
    %dma_start3A_290 = arith.constant 0 : i32
    %dma_start3A_291 = tpu.memref_slice %arg4[%add3A_284, %dma_start3A_290] : memref<12288x1024xf32, #tpu.memory_space<hbm>> -> memref<32x1024xf32, #tpu.memory_space<hbm>>
    %dma_start3A_292 = arith.constant 0 : i32
    %dma_start3A_293 = tpu.memref_slice %arg4[%add3A_284, %dma_start3A_292] : memref<12288x1024xf32, #tpu.memory_space<hbm>> -> memref<32x1024xf32, #tpu.memory_space<hbm>>
    %dma_start3A_294 = arith.constant 0 : i32
    %dma_start3A_295 = arith.constant 0 : i32
    %dma_start3A_296 = tpu.memref_slice %arg6[%dma_start3A_285, %dma_start3A_294, %dma_start3A_295] : memref<3x32x1024xf32, #tpu.memory_space<vmem>> -> memref<1x32x1024xf32, #tpu.memory_space<vmem>>
    %dma_start3A_297 = tpu.memref_squeeze %dma_start3A_296 : memref<1x32x1024xf32, #tpu.memory_space<vmem>> -> memref<32x1024xf32, #tpu.memory_space<vmem>>
    tpu.enqueue_dma source(%dma_start3A_297 : memref<32x1024xf32, #tpu.memory_space<vmem>>) target(%dma_start3A_293 : memref<32x1024xf32, #tpu.memory_space<hbm>>) target_semaphore(%arg13 : memref<!tpu.dma_semaphore, #tpu.memory_space<semaphore_mem>>)
    %dma_wait3A_298 = arith.constant 1 : i32
    %dma_wait3A_299 = arith.constant 0 : i32
    %dma_wait3A_300 = tpu.memref_slice %arg5[%dma_wait3A_298, %dma_wait3A_299] : memref<3x32xi32, #tpu.memory_space<vmem>> -> memref<1x32xi32, #tpu.memory_space<vmem>>
    %dma_wait3A_301 = tpu.memref_squeeze %dma_wait3A_300 : memref<1x32xi32, #tpu.memory_space<vmem>> -> memref<32xi32, #tpu.memory_space<vmem>>
    %dma_wait3A_302 = tpu.memref_slice %arg3[%add3A_189] : memref<12288xi32, #tpu.memory_space<hbm>> -> memref<32xi32, #tpu.memory_space<hbm>>
    %dma_wait3A_303 = arith.constant 0 : i32
    %dma_wait3A_304 = tpu.memref_slice %arg5[%dma_wait3A_298, %dma_wait3A_303] : memref<3x32xi32, #tpu.memory_space<vmem>> -> memref<1x32xi32, #tpu.memory_space<vmem>>
    %dma_wait3A_305 = tpu.memref_squeeze %dma_wait3A_304 : memref<1x32xi32, #tpu.memory_space<vmem>> -> memref<32xi32, #tpu.memory_space<vmem>>
    %dma_wait3A_306 = tpu.memref_slice %arg3[%add3A_189] : memref<12288xi32, #tpu.memory_space<hbm>> -> memref<32xi32, #tpu.memory_space<hbm>>
    tpu.wait_dma2 semaphore(%arg8 : memref<!tpu.dma_semaphore, #tpu.memory_space<semaphore_mem>>) src(%dma_wait3A_306 : memref<32xi32, #tpu.memory_space<hbm>>) dst(%dma_wait3A_305 : memref<32xi32, #tpu.memory_space<vmem>>)
    %dma_start3A_307 = arith.constant 1 : i32
    %dma_start3A_308 = arith.constant 1 : i32
    %dma_start3A_309 = arith.constant 0 : i32
    %dma_start3A_310 = arith.constant 0 : i32
    %dma_start3A_311 = tpu.memref_slice %arg6[%dma_start3A_308, %dma_start3A_309, %dma_start3A_310] : memref<3x32x1024xf32, #tpu.memory_space<vmem>> -> memref<1x32x1024xf32, #tpu.memory_space<vmem>>
    %dma_start3A_312 = tpu.memref_squeeze %dma_start3A_311 : memref<1x32x1024xf32, #tpu.memory_space<vmem>> -> memref<32x1024xf32, #tpu.memory_space<vmem>>
    %dma_start3A_313 = arith.constant 0 : i32
    %dma_start3A_314 = tpu.memref_slice %arg5[%dma_start3A_307, %dma_start3A_313] : memref<3x32xi32, #tpu.memory_space<vmem>> -> memref<1x32xi32, #tpu.memory_space<vmem>>
    %dma_start3A_315 = tpu.memref_squeeze %dma_start3A_314 : memref<1x32xi32, #tpu.memory_space<vmem>> -> memref<32xi32, #tpu.memory_space<vmem>>
    %dma_start3A_316 = arith.constant 0 : i32
    %dma_start3A_317 = arith.constant 0 : i32
    %dma_start3A_318 = tpu.memref_slice %arg2[%dma_start3A_316, %dma_start3A_317] : memref<4096x1024xf32, #tpu.memory_space<hbm>> -> memref<4096x1024xf32, #tpu.memory_space<hbm>>
    tpu.enqueue_indirect_dma source(%dma_start3A_318 : memref<4096x1024xf32, #tpu.memory_space<hbm>>) target(%dma_start3A_312 : memref<32x1024xf32, #tpu.memory_space<vmem>>) offsets(%dma_start3A_315 : memref<32xi32, #tpu.memory_space<vmem>>) semaphore(%arg11 : memref<!tpu.dma_semaphore, #tpu.memory_space<semaphore_mem>>)
    %dma_wait3A_319 = arith.constant 0 : i32
    %dma_wait3A_320 = arith.constant 0 : i32
    %dma_wait3A_321 = arith.constant 0 : i32
    %dma_wait3A_322 = tpu.memref_slice %arg6[%dma_wait3A_319, %dma_wait3A_320, %dma_wait3A_321] : memref<3x32x1024xf32, #tpu.memory_space<vmem>> -> memref<1x32x1024xf32, #tpu.memory_space<vmem>>
    %dma_wait3A_323 = tpu.memref_squeeze %dma_wait3A_322 : memref<1x32x1024xf32, #tpu.memory_space<vmem>> -> memref<32x1024xf32, #tpu.memory_space<vmem>>
    %dma_wait3A_324 = arith.constant 0 : i32
    %dma_wait3A_325 = tpu.memref_slice %arg4[%add3A_284, %dma_wait3A_324] : memref<12288x1024xf32, #tpu.memory_space<hbm>> -> memref<32x1024xf32, #tpu.memory_space<hbm>>
    %dma_wait3A_326 = arith.constant 0 : i32
    %dma_wait3A_327 = tpu.memref_slice %arg4[%add3A_284, %dma_wait3A_326] : memref<12288x1024xf32, #tpu.memory_space<hbm>> -> memref<32x1024xf32, #tpu.memory_space<hbm>>
    %dma_wait3A_328 = arith.constant 0 : i32
    %dma_wait3A_329 = arith.constant 0 : i32
    %dma_wait3A_330 = tpu.memref_slice %arg6[%dma_wait3A_319, %dma_wait3A_328, %dma_wait3A_329] : memref<3x32x1024xf32, #tpu.memory_space<vmem>> -> memref<1x32x1024xf32, #tpu.memory_space<vmem>>
    %dma_wait3A_331 = tpu.memref_squeeze %dma_wait3A_330 : memref<1x32x1024xf32, #tpu.memory_space<vmem>> -> memref<32x1024xf32, #tpu.memory_space<vmem>>
    tpu.wait_dma2 semaphore(%arg13 : memref<!tpu.dma_semaphore, #tpu.memory_space<semaphore_mem>>) src(%dma_wait3A_331 : memref<32x1024xf32, #tpu.memory_space<vmem>>) dst(%dma_wait3A_327 : memref<32x1024xf32, #tpu.memory_space<hbm>>)
    %add3A_332 = arith.constant 192 : i32
    %add3A_333 = arith.addi %mul3A_2, %add3A_332 : i32
    %dma_start3A_334 = arith.constant 0 : i32
    %dma_start3A_335 = arith.constant 0 : i32
    %dma_start3A_336 = tpu.memref_slice %arg5[%dma_start3A_334, %dma_start3A_335] : memref<3x32xi32, #tpu.memory_space<vmem>> -> memref<1x32xi32, #tpu.memory_space<vmem>>
    %dma_start3A_337 = tpu.memref_squeeze %dma_start3A_336 : memref<1x32xi32, #tpu.memory_space<vmem>> -> memref<32xi32, #tpu.memory_space<vmem>>
    %dma_start3A_338 = tpu.memref_slice %arg3[%add3A_333] : memref<12288xi32, #tpu.memory_space<hbm>> -> memref<32xi32, #tpu.memory_space<hbm>>
    %dma_start3A_339 = arith.constant 0 : i32
    %dma_start3A_340 = tpu.memref_slice %arg5[%dma_start3A_334, %dma_start3A_339] : memref<3x32xi32, #tpu.memory_space<vmem>> -> memref<1x32xi32, #tpu.memory_space<vmem>>
    %dma_start3A_341 = tpu.memref_squeeze %dma_start3A_340 : memref<1x32xi32, #tpu.memory_space<vmem>> -> memref<32xi32, #tpu.memory_space<vmem>>
    %dma_start3A_342 = tpu.memref_slice %arg3[%add3A_333] : memref<12288xi32, #tpu.memory_space<hbm>> -> memref<32xi32, #tpu.memory_space<hbm>>
    tpu.enqueue_dma source(%dma_start3A_342 : memref<32xi32, #tpu.memory_space<hbm>>) target(%dma_start3A_341 : memref<32xi32, #tpu.memory_space<vmem>>) target_semaphore(%arg7 : memref<!tpu.dma_semaphore, #tpu.memory_space<semaphore_mem>>)
    %dma_wait3A_343 = arith.constant 1 : i32
    %dma_wait3A_344 = arith.constant 1 : i32
    %dma_wait3A_345 = arith.constant 0 : i32
    %dma_wait3A_346 = arith.constant 0 : i32
    %dma_wait3A_347 = tpu.memref_slice %arg6[%dma_wait3A_344, %dma_wait3A_345, %dma_wait3A_346] : memref<3x32x1024xf32, #tpu.memory_space<vmem>> -> memref<1x32x1024xf32, #tpu.memory_space<vmem>>
    %dma_wait3A_348 = tpu.memref_squeeze %dma_wait3A_347 : memref<1x32x1024xf32, #tpu.memory_space<vmem>> -> memref<32x1024xf32, #tpu.memory_space<vmem>>
    %dma_wait3A_349 = arith.constant 0 : i32
    %dma_wait3A_350 = tpu.memref_slice %arg5[%dma_wait3A_343, %dma_wait3A_349] : memref<3x32xi32, #tpu.memory_space<vmem>> -> memref<1x32xi32, #tpu.memory_space<vmem>>
    %dma_wait3A_351 = tpu.memref_squeeze %dma_wait3A_350 : memref<1x32xi32, #tpu.memory_space<vmem>> -> memref<32xi32, #tpu.memory_space<vmem>>
    %dma_wait3A_352 = arith.constant 0 : i32
    %dma_wait3A_353 = arith.constant 0 : i32
    %dma_wait3A_354 = tpu.memref_slice %arg2[%dma_wait3A_352, %dma_wait3A_353] : memref<4096x1024xf32, #tpu.memory_space<hbm>> -> memref<4096x1024xf32, #tpu.memory_space<hbm>>
    tpu.wait_indirect_dma semaphore(%arg11 : memref<!tpu.dma_semaphore, #tpu.memory_space<semaphore_mem>>) src(%dma_wait3A_354 : memref<4096x1024xf32, #tpu.memory_space<hbm>>) dst(%dma_wait3A_348 : memref<32x1024xf32, #tpu.memory_space<vmem>>)
    %add3A_355 = arith.constant 128 : i32
    %add3A_356 = arith.addi %mul3A_2, %add3A_355 : i32
    %dma_start3A_357 = arith.constant 1 : i32
    %dma_start3A_358 = arith.constant 0 : i32
    %dma_start3A_359 = arith.constant 0 : i32
    %dma_start3A_360 = tpu.memref_slice %arg6[%dma_start3A_357, %dma_start3A_358, %dma_start3A_359] : memref<3x32x1024xf32, #tpu.memory_space<vmem>> -> memref<1x32x1024xf32, #tpu.memory_space<vmem>>
    %dma_start3A_361 = tpu.memref_squeeze %dma_start3A_360 : memref<1x32x1024xf32, #tpu.memory_space<vmem>> -> memref<32x1024xf32, #tpu.memory_space<vmem>>
    %dma_start3A_362 = arith.constant 0 : i32
    %dma_start3A_363 = tpu.memref_slice %arg4[%add3A_356, %dma_start3A_362] : memref<12288x1024xf32, #tpu.memory_space<hbm>> -> memref<32x1024xf32, #tpu.memory_space<hbm>>
    %dma_start3A_364 = arith.constant 0 : i32
    %dma_start3A_365 = tpu.memref_slice %arg4[%add3A_356, %dma_start3A_364] : memref<12288x1024xf32, #tpu.memory_space<hbm>> -> memref<32x1024xf32, #tpu.memory_space<hbm>>
    %dma_start3A_366 = arith.constant 0 : i32
    %dma_start3A_367 = arith.constant 0 : i32
    %dma_start3A_368 = tpu.memref_slice %arg6[%dma_start3A_357, %dma_start3A_366, %dma_start3A_367] : memref<3x32x1024xf32, #tpu.memory_space<vmem>> -> memref<1x32x1024xf32, #tpu.memory_space<vmem>>
    %dma_start3A_369 = tpu.memref_squeeze %dma_start3A_368 : memref<1x32x1024xf32, #tpu.memory_space<vmem>> -> memref<32x1024xf32, #tpu.memory_space<vmem>>
    tpu.enqueue_dma source(%dma_start3A_369 : memref<32x1024xf32, #tpu.memory_space<vmem>>) target(%dma_start3A_365 : memref<32x1024xf32, #tpu.memory_space<hbm>>) target_semaphore(%arg14 : memref<!tpu.dma_semaphore, #tpu.memory_space<semaphore_mem>>)
    %dma_wait3A_370 = arith.constant 2 : i32
    %dma_wait3A_371 = arith.constant 0 : i32
    %dma_wait3A_372 = tpu.memref_slice %arg5[%dma_wait3A_370, %dma_wait3A_371] : memref<3x32xi32, #tpu.memory_space<vmem>> -> memref<1x32xi32, #tpu.memory_space<vmem>>
    %dma_wait3A_373 = tpu.memref_squeeze %dma_wait3A_372 : memref<1x32xi32, #tpu.memory_space<vmem>> -> memref<32xi32, #tpu.memory_space<vmem>>
    %dma_wait3A_374 = tpu.memref_slice %arg3[%add3A_261] : memref<12288xi32, #tpu.memory_space<hbm>> -> memref<32xi32, #tpu.memory_space<hbm>>
    %dma_wait3A_375 = arith.constant 0 : i32
    %dma_wait3A_376 = tpu.memref_slice %arg5[%dma_wait3A_370, %dma_wait3A_375] : memref<3x32xi32, #tpu.memory_space<vmem>> -> memref<1x32xi32, #tpu.memory_space<vmem>>
    %dma_wait3A_377 = tpu.memref_squeeze %dma_wait3A_376 : memref<1x32xi32, #tpu.memory_space<vmem>> -> memref<32xi32, #tpu.memory_space<vmem>>
    %dma_wait3A_378 = tpu.memref_slice %arg3[%add3A_261] : memref<12288xi32, #tpu.memory_space<hbm>> -> memref<32xi32, #tpu.memory_space<hbm>>
    tpu.wait_dma2 semaphore(%arg9 : memref<!tpu.dma_semaphore, #tpu.memory_space<semaphore_mem>>) src(%dma_wait3A_378 : memref<32xi32, #tpu.memory_space<hbm>>) dst(%dma_wait3A_377 : memref<32xi32, #tpu.memory_space<vmem>>)
    %dma_start3A_379 = arith.constant 2 : i32
    %dma_start3A_380 = arith.constant 2 : i32
    %dma_start3A_381 = arith.constant 0 : i32
    %dma_start3A_382 = arith.constant 0 : i32
    %dma_start3A_383 = tpu.memref_slice %arg6[%dma_start3A_380, %dma_start3A_381, %dma_start3A_382] : memref<3x32x1024xf32, #tpu.memory_space<vmem>> -> memref<1x32x1024xf32, #tpu.memory_space<vmem>>
    %dma_start3A_384 = tpu.memref_squeeze %dma_start3A_383 : memref<1x32x1024xf32, #tpu.memory_space<vmem>> -> memref<32x1024xf32, #tpu.memory_space<vmem>>
    %dma_start3A_385 = arith.constant 0 : i32
    %dma_start3A_386 = tpu.memref_slice %arg5[%dma_start3A_379, %dma_start3A_385] : memref<3x32xi32, #tpu.memory_space<vmem>> -> memref<1x32xi32, #tpu.memory_space<vmem>>
    %dma_start3A_387 = tpu.memref_squeeze %dma_start3A_386 : memref<1x32xi32, #tpu.memory_space<vmem>> -> memref<32xi32, #tpu.memory_space<vmem>>
    %dma_start3A_388 = arith.constant 0 : i32
    %dma_start3A_389 = arith.constant 0 : i32
    %dma_start3A_390 = tpu.memref_slice %arg2[%dma_start3A_388, %dma_start3A_389] : memref<4096x1024xf32, #tpu.memory_space<hbm>> -> memref<4096x1024xf32, #tpu.memory_space<hbm>>
    tpu.enqueue_indirect_dma source(%dma_start3A_390 : memref<4096x1024xf32, #tpu.memory_space<hbm>>) target(%dma_start3A_384 : memref<32x1024xf32, #tpu.memory_space<vmem>>) offsets(%dma_start3A_387 : memref<32xi32, #tpu.memory_space<vmem>>) semaphore(%arg12 : memref<!tpu.dma_semaphore, #tpu.memory_space<semaphore_mem>>)
    %dma_wait3A_391 = arith.constant 1 : i32
    %dma_wait3A_392 = arith.constant 0 : i32
    %dma_wait3A_393 = arith.constant 0 : i32
    %dma_wait3A_394 = tpu.memref_slice %arg6[%dma_wait3A_391, %dma_wait3A_392, %dma_wait3A_393] : memref<3x32x1024xf32, #tpu.memory_space<vmem>> -> memref<1x32x1024xf32, #tpu.memory_space<vmem>>
    %dma_wait3A_395 = tpu.memref_squeeze %dma_wait3A_394 : memref<1x32x1024xf32, #tpu.memory_space<vmem>> -> memref<32x1024xf32, #tpu.memory_space<vmem>>
    %dma_wait3A_396 = arith.constant 0 : i32
    %dma_wait3A_397 = tpu.memref_slice %arg4[%add3A_356, %dma_wait3A_396] : memref<12288x1024xf32, #tpu.memory_space<hbm>> -> memref<32x1024xf32, #tpu.memory_space<hbm>>
    %dma_wait3A_398 = arith.constant 0 : i32
    %dma_wait3A_399 = tpu.memref_slice %arg4[%add3A_356, %dma_wait3A_398] : memref<12288x1024xf32, #tpu.memory_space<hbm>> -> memref<32x1024xf32, #tpu.memory_space<hbm>>
    %dma_wait3A_400 = arith.constant 0 : i32
    %dma_wait3A_401 = arith.constant 0 : i32
    %dma_wait3A_402 = tpu.memref_slice %arg6[%dma_wait3A_391, %dma_wait3A_400, %dma_wait3A_401] : memref<3x32x1024xf32, #tpu.memory_space<vmem>> -> memref<1x32x1024xf32, #tpu.memory_space<vmem>>
    %dma_wait3A_403 = tpu.memref_squeeze %dma_wait3A_402 : memref<1x32x1024xf32, #tpu.memory_space<vmem>> -> memref<32x1024xf32, #tpu.memory_space<vmem>>
    tpu.wait_dma2 semaphore(%arg14 : memref<!tpu.dma_semaphore, #tpu.memory_space<semaphore_mem>>) src(%dma_wait3A_403 : memref<32x1024xf32, #tpu.memory_space<vmem>>) dst(%dma_wait3A_399 : memref<32x1024xf32, #tpu.memory_space<hbm>>)
    %add3A_404 = arith.constant 224 : i32
    %add3A_405 = arith.addi %mul3A_2, %add3A_404 : i32
    %dma_start3A_406 = arith.constant 1 : i32
    %dma_start3A_407 = arith.constant 0 : i32
    %dma_start3A_408 = tpu.memref_slice %arg5[%dma_start3A_406, %dma_start3A_407] : memref<3x32xi32, #tpu.memory_space<vmem>> -> memref<1x32xi32, #tpu.memory_space<vmem>>
    %dma_start3A_409 = tpu.memref_squeeze %dma_start3A_408 : memref<1x32xi32, #tpu.memory_space<vmem>> -> memref<32xi32, #tpu.memory_space<vmem>>
    %dma_start3A_410 = tpu.memref_slice %arg3[%add3A_405] : memref<12288xi32, #tpu.memory_space<hbm>> -> memref<32xi32, #tpu.memory_space<hbm>>
    %dma_start3A_411 = arith.constant 0 : i32
    %dma_start3A_412 = tpu.memref_slice %arg5[%dma_start3A_406, %dma_start3A_411] : memref<3x32xi32, #tpu.memory_space<vmem>> -> memref<1x32xi32, #tpu.memory_space<vmem>>
    %dma_start3A_413 = tpu.memref_squeeze %dma_start3A_412 : memref<1x32xi32, #tpu.memory_space<vmem>> -> memref<32xi32, #tpu.memory_space<vmem>>
    %dma_start3A_414 = tpu.memref_slice %arg3[%add3A_405] : memref<12288xi32, #tpu.memory_space<hbm>> -> memref<32xi32, #tpu.memory_space<hbm>>
    tpu.enqueue_dma source(%dma_start3A_414 : memref<32xi32, #tpu.memory_space<hbm>>) target(%dma_start3A_413 : memref<32xi32, #tpu.memory_space<vmem>>) target_semaphore(%arg8 : memref<!tpu.dma_semaphore, #tpu.memory_space<semaphore_mem>>)
    %dma_wait3A_415 = arith.constant 2 : i32
    %dma_wait3A_416 = arith.constant 2 : i32
    %dma_wait3A_417 = arith.constant 0 : i32
    %dma_wait3A_418 = arith.constant 0 : i32
    %dma_wait3A_419 = tpu.memref_slice %arg6[%dma_wait3A_416, %dma_wait3A_417, %dma_wait3A_418] : memref<3x32x1024xf32, #tpu.memory_space<vmem>> -> memref<1x32x1024xf32, #tpu.memory_space<vmem>>
    %dma_wait3A_420 = tpu.memref_squeeze %dma_wait3A_419 : memref<1x32x1024xf32, #tpu.memory_space<vmem>> -> memref<32x1024xf32, #tpu.memory_space<vmem>>
    %dma_wait3A_421 = arith.constant 0 : i32
    %dma_wait3A_422 = tpu.memref_slice %arg5[%dma_wait3A_415, %dma_wait3A_421] : memref<3x32xi32, #tpu.memory_space<vmem>> -> memref<1x32xi32, #tpu.memory_space<vmem>>
    %dma_wait3A_423 = tpu.memref_squeeze %dma_wait3A_422 : memref<1x32xi32, #tpu.memory_space<vmem>> -> memref<32xi32, #tpu.memory_space<vmem>>
    %dma_wait3A_424 = arith.constant 0 : i32
    %dma_wait3A_425 = arith.constant 0 : i32
    %dma_wait3A_426 = tpu.memref_slice %arg2[%dma_wait3A_424, %dma_wait3A_425] : memref<4096x1024xf32, #tpu.memory_space<hbm>> -> memref<4096x1024xf32, #tpu.memory_space<hbm>>
    tpu.wait_indirect_dma semaphore(%arg12 : memref<!tpu.dma_semaphore, #tpu.memory_space<semaphore_mem>>) src(%dma_wait3A_426 : memref<4096x1024xf32, #tpu.memory_space<hbm>>) dst(%dma_wait3A_420 : memref<32x1024xf32, #tpu.memory_space<vmem>>)
    %add3A_427 = arith.constant 160 : i32
    %add3A_428 = arith.addi %mul3A_2, %add3A_427 : i32
    %dma_start3A_429 = arith.constant 2 : i32
    %dma_start3A_430 = arith.constant 0 : i32
    %dma_start3A_431 = arith.constant 0 : i32
    %dma_start3A_432 = tpu.memref_slice %arg6[%dma_start3A_429, %dma_start3A_430, %dma_start3A_431] : memref<3x32x1024xf32, #tpu.memory_space<vmem>> -> memref<1x32x1024xf32, #tpu.memory_space<vmem>>
    %dma_start3A_433 = tpu.memref_squeeze %dma_start3A_432 : memref<1x32x1024xf32, #tpu.memory_space<vmem>> -> memref<32x1024xf32, #tpu.memory_space<vmem>>
    %dma_start3A_434 = arith.constant 0 : i32
    %dma_start3A_435 = tpu.memref_slice %arg4[%add3A_428, %dma_start3A_434] : memref<12288x1024xf32, #tpu.memory_space<hbm>> -> memref<32x1024xf32, #tpu.memory_space<hbm>>
    %dma_start3A_436 = arith.constant 0 : i32
    %dma_start3A_437 = tpu.memref_slice %arg4[%add3A_428, %dma_start3A_436] : memref<12288x1024xf32, #tpu.memory_space<hbm>> -> memref<32x1024xf32, #tpu.memory_space<hbm>>
    %dma_start3A_438 = arith.constant 0 : i32
    %dma_start3A_439 = arith.constant 0 : i32
    %dma_start3A_440 = tpu.memref_slice %arg6[%dma_start3A_429, %dma_start3A_438, %dma_start3A_439] : memref<3x32x1024xf32, #tpu.memory_space<vmem>> -> memref<1x32x1024xf32, #tpu.memory_space<vmem>>
    %dma_start3A_441 = tpu.memref_squeeze %dma_start3A_440 : memref<1x32x1024xf32, #tpu.memory_space<vmem>> -> memref<32x1024xf32, #tpu.memory_space<vmem>>
    tpu.enqueue_dma source(%dma_start3A_441 : memref<32x1024xf32, #tpu.memory_space<vmem>>) target(%dma_start3A_437 : memref<32x1024xf32, #tpu.memory_space<hbm>>) target_semaphore(%arg15 : memref<!tpu.dma_semaphore, #tpu.memory_space<semaphore_mem>>)
    %dma_wait3A_442 = arith.constant 0 : i32
    %dma_wait3A_443 = arith.constant 0 : i32
    %dma_wait3A_444 = tpu.memref_slice %arg5[%dma_wait3A_442, %dma_wait3A_443] : memref<3x32xi32, #tpu.memory_space<vmem>> -> memref<1x32xi32, #tpu.memory_space<vmem>>
    %dma_wait3A_445 = tpu.memref_squeeze %dma_wait3A_444 : memref<1x32xi32, #tpu.memory_space<vmem>> -> memref<32xi32, #tpu.memory_space<vmem>>
    %dma_wait3A_446 = tpu.memref_slice %arg3[%add3A_333] : memref<12288xi32, #tpu.memory_space<hbm>> -> memref<32xi32, #tpu.memory_space<hbm>>
    %dma_wait3A_447 = arith.constant 0 : i32
    %dma_wait3A_448 = tpu.memref_slice %arg5[%dma_wait3A_442, %dma_wait3A_447] : memref<3x32xi32, #tpu.memory_space<vmem>> -> memref<1x32xi32, #tpu.memory_space<vmem>>
    %dma_wait3A_449 = tpu.memref_squeeze %dma_wait3A_448 : memref<1x32xi32, #tpu.memory_space<vmem>> -> memref<32xi32, #tpu.memory_space<vmem>>
    %dma_wait3A_450 = tpu.memref_slice %arg3[%add3A_333] : memref<12288xi32, #tpu.memory_space<hbm>> -> memref<32xi32, #tpu.memory_space<hbm>>
    tpu.wait_dma2 semaphore(%arg7 : memref<!tpu.dma_semaphore, #tpu.memory_space<semaphore_mem>>) src(%dma_wait3A_450 : memref<32xi32, #tpu.memory_space<hbm>>) dst(%dma_wait3A_449 : memref<32xi32, #tpu.memory_space<vmem>>)
    %dma_start3A_451 = arith.constant 0 : i32
    %dma_start3A_452 = arith.constant 0 : i32
    %dma_start3A_453 = arith.constant 0 : i32
    %dma_start3A_454 = arith.constant 0 : i32
    %dma_start3A_455 = tpu.memref_slice %arg6[%dma_start3A_452, %dma_start3A_453, %dma_start3A_454] : memref<3x32x1024xf32, #tpu.memory_space<vmem>> -> memref<1x32x1024xf32, #tpu.memory_space<vmem>>
    %dma_start3A_456 = tpu.memref_squeeze %dma_start3A_455 : memref<1x32x1024xf32, #tpu.memory_space<vmem>> -> memref<32x1024xf32, #tpu.memory_space<vmem>>
    %dma_start3A_457 = arith.constant 0 : i32
    %dma_start3A_458 = tpu.memref_slice %arg5[%dma_start3A_451, %dma_start3A_457] : memref<3x32xi32, #tpu.memory_space<vmem>> -> memref<1x32xi32, #tpu.memory_space<vmem>>
    %dma_start3A_459 = tpu.memref_squeeze %dma_start3A_458 : memref<1x32xi32, #tpu.memory_space<vmem>> -> memref<32xi32, #tpu.memory_space<vmem>>
    %dma_start3A_460 = arith.constant 0 : i32
    %dma_start3A_461 = arith.constant 0 : i32
    %dma_start3A_462 = tpu.memref_slice %arg2[%dma_start3A_460, %dma_start3A_461] : memref<4096x1024xf32, #tpu.memory_space<hbm>> -> memref<4096x1024xf32, #tpu.memory_space<hbm>>
    tpu.enqueue_indirect_dma source(%dma_start3A_462 : memref<4096x1024xf32, #tpu.memory_space<hbm>>) target(%dma_start3A_456 : memref<32x1024xf32, #tpu.memory_space<vmem>>) offsets(%dma_start3A_459 : memref<32xi32, #tpu.memory_space<vmem>>) semaphore(%arg10 : memref<!tpu.dma_semaphore, #tpu.memory_space<semaphore_mem>>)
    %dma_wait3A_463 = arith.constant 2 : i32
    %dma_wait3A_464 = arith.constant 0 : i32
    %dma_wait3A_465 = arith.constant 0 : i32
    %dma_wait3A_466 = tpu.memref_slice %arg6[%dma_wait3A_463, %dma_wait3A_464, %dma_wait3A_465] : memref<3x32x1024xf32, #tpu.memory_space<vmem>> -> memref<1x32x1024xf32, #tpu.memory_space<vmem>>
    %dma_wait3A_467 = tpu.memref_squeeze %dma_wait3A_466 : memref<1x32x1024xf32, #tpu.memory_space<vmem>> -> memref<32x1024xf32, #tpu.memory_space<vmem>>
    %dma_wait3A_468 = arith.constant 0 : i32
    %dma_wait3A_469 = tpu.memref_slice %arg4[%add3A_428, %dma_wait3A_468] : memref<12288x1024xf32, #tpu.memory_space<hbm>> -> memref<32x1024xf32, #tpu.memory_space<hbm>>
    %dma_wait3A_470 = arith.constant 0 : i32
    %dma_wait3A_471 = tpu.memref_slice %arg4[%add3A_428, %dma_wait3A_470] : memref<12288x1024xf32, #tpu.memory_space<hbm>> -> memref<32x1024xf32, #tpu.memory_space<hbm>>
    %dma_wait3A_472 = arith.constant 0 : i32
    %dma_wait3A_473 = arith.constant 0 : i32
    %dma_wait3A_474 = tpu.memref_slice %arg6[%dma_wait3A_463, %dma_wait3A_472, %dma_wait3A_473] : memref<3x32x1024xf32, #tpu.memory_space<vmem>> -> memref<1x32x1024xf32, #tpu.memory_space<vmem>>
    %dma_wait3A_475 = tpu.memref_squeeze %dma_wait3A_474 : memref<1x32x1024xf32, #tpu.memory_space<vmem>> -> memref<32x1024xf32, #tpu.memory_space<vmem>>
    tpu.wait_dma2 semaphore(%arg15 : memref<!tpu.dma_semaphore, #tpu.memory_space<semaphore_mem>>) src(%dma_wait3A_475 : memref<32x1024xf32, #tpu.memory_space<vmem>>) dst(%dma_wait3A_471 : memref<32x1024xf32, #tpu.memory_space<hbm>>)
    %add3A_476 = arith.constant 256 : i32
    %add3A_477 = arith.addi %mul3A_2, %add3A_476 : i32
    %dma_start3A_478 = arith.constant 2 : i32
    %dma_start3A_479 = arith.constant 0 : i32
    %dma_start3A_480 = tpu.memref_slice %arg5[%dma_start3A_478, %dma_start3A_479] : memref<3x32xi32, #tpu.memory_space<vmem>> -> memref<1x32xi32, #tpu.memory_space<vmem>>
    %dma_start3A_481 = tpu.memref_squeeze %dma_start3A_480 : memref<1x32xi32, #tpu.memory_space<vmem>> -> memref<32xi32, #tpu.memory_space<vmem>>
    %dma_start3A_482 = tpu.memref_slice %arg3[%add3A_477] : memref<12288xi32, #tpu.memory_space<hbm>> -> memref<32xi32, #tpu.memory_space<hbm>>
    %dma_start3A_483 = arith.constant 0 : i32
    %dma_start3A_484 = tpu.memref_slice %arg5[%dma_start3A_478, %dma_start3A_483] : memref<3x32xi32, #tpu.memory_space<vmem>> -> memref<1x32xi32, #tpu.memory_space<vmem>>
    %dma_start3A_485 = tpu.memref_squeeze %dma_start3A_484 : memref<1x32xi32, #tpu.memory_space<vmem>> -> memref<32xi32, #tpu.memory_space<vmem>>
    %dma_start3A_486 = tpu.memref_slice %arg3[%add3A_477] : memref<12288xi32, #tpu.memory_space<hbm>> -> memref<32xi32, #tpu.memory_space<hbm>>
    tpu.enqueue_dma source(%dma_start3A_486 : memref<32xi32, #tpu.memory_space<hbm>>) target(%dma_start3A_485 : memref<32xi32, #tpu.memory_space<vmem>>) target_semaphore(%arg9 : memref<!tpu.dma_semaphore, #tpu.memory_space<semaphore_mem>>)
    %dma_wait3A_487 = arith.constant 0 : i32
    %dma_wait3A_488 = arith.constant 0 : i32
    %dma_wait3A_489 = arith.constant 0 : i32
    %dma_wait3A_490 = arith.constant 0 : i32
    %dma_wait3A_491 = tpu.memref_slice %arg6[%dma_wait3A_488, %dma_wait3A_489, %dma_wait3A_490] : memref<3x32x1024xf32, #tpu.memory_space<vmem>> -> memref<1x32x1024xf32, #tpu.memory_space<vmem>>
    %dma_wait3A_492 = tpu.memref_squeeze %dma_wait3A_491 : memref<1x32x1024xf32, #tpu.memory_space<vmem>> -> memref<32x1024xf32, #tpu.memory_space<vmem>>
    %dma_wait3A_493 = arith.constant 0 : i32
    %dma_wait3A_494 = tpu.memref_slice %arg5[%dma_wait3A_487, %dma_wait3A_493] : memref<3x32xi32, #tpu.memory_space<vmem>> -> memref<1x32xi32, #tpu.memory_space<vmem>>
    %dma_wait3A_495 = tpu.memref_squeeze %dma_wait3A_494 : memref<1x32xi32, #tpu.memory_space<vmem>> -> memref<32xi32, #tpu.memory_space<vmem>>
    %dma_wait3A_496 = arith.constant 0 : i32
    %dma_wait3A_497 = arith.constant 0 : i32
    %dma_wait3A_498 = tpu.memref_slice %arg2[%dma_wait3A_496, %dma_wait3A_497] : memref<4096x1024xf32, #tpu.memory_space<hbm>> -> memref<4096x1024xf32, #tpu.memory_space<hbm>>
    tpu.wait_indirect_dma semaphore(%arg10 : memref<!tpu.dma_semaphore, #tpu.memory_space<semaphore_mem>>) src(%dma_wait3A_498 : memref<4096x1024xf32, #tpu.memory_space<hbm>>) dst(%dma_wait3A_492 : memref<32x1024xf32, #tpu.memory_space<vmem>>)
    %add3A_499 = arith.constant 192 : i32
    %add3A_500 = arith.addi %mul3A_2, %add3A_499 : i32
    %dma_start3A_501 = arith.constant 0 : i32
    %dma_start3A_502 = arith.constant 0 : i32
    %dma_start3A_503 = arith.constant 0 : i32
    %dma_start3A_504 = tpu.memref_slice %arg6[%dma_start3A_501, %dma_start3A_502, %dma_start3A_503] : memref<3x32x1024xf32, #tpu.memory_space<vmem>> -> memref<1x32x1024xf32, #tpu.memory_space<vmem>>
    %dma_start3A_505 = tpu.memref_squeeze %dma_start3A_504 : memref<1x32x1024xf32, #tpu.memory_space<vmem>> -> memref<32x1024xf32, #tpu.memory_space<vmem>>
    %dma_start3A_506 = arith.constant 0 : i32
    %dma_start3A_507 = tpu.memref_slice %arg4[%add3A_500, %dma_start3A_506] : memref<12288x1024xf32, #tpu.memory_space<hbm>> -> memref<32x1024xf32, #tpu.memory_space<hbm>>
    %dma_start3A_508 = arith.constant 0 : i32
    %dma_start3A_509 = tpu.memref_slice %arg4[%add3A_500, %dma_start3A_508] : memref<12288x1024xf32, #tpu.memory_space<hbm>> -> memref<32x1024xf32, #tpu.memory_space<hbm>>
    %dma_start3A_510 = arith.constant 0 : i32
    %dma_start3A_511 = arith.constant 0 : i32
    %dma_start3A_512 = tpu.memref_slice %arg6[%dma_start3A_501, %dma_start3A_510, %dma_start3A_511] : memref<3x32x1024xf32, #tpu.memory_space<vmem>> -> memref<1x32x1024xf32, #tpu.memory_space<vmem>>
    %dma_start3A_513 = tpu.memref_squeeze %dma_start3A_512 : memref<1x32x1024xf32, #tpu.memory_space<vmem>> -> memref<32x1024xf32, #tpu.memory_space<vmem>>
    tpu.enqueue_dma source(%dma_start3A_513 : memref<32x1024xf32, #tpu.memory_space<vmem>>) target(%dma_start3A_509 : memref<32x1024xf32, #tpu.memory_space<hbm>>) target_semaphore(%arg13 : memref<!tpu.dma_semaphore, #tpu.memory_space<semaphore_mem>>)
    %dma_wait3A_514 = arith.constant 1 : i32
    %dma_wait3A_515 = arith.constant 0 : i32
    %dma_wait3A_516 = tpu.memref_slice %arg5[%dma_wait3A_514, %dma_wait3A_515] : memref<3x32xi32, #tpu.memory_space<vmem>> -> memref<1x32xi32, #tpu.memory_space<vmem>>
    %dma_wait3A_517 = tpu.memref_squeeze %dma_wait3A_516 : memref<1x32xi32, #tpu.memory_space<vmem>> -> memref<32xi32, #tpu.memory_space<vmem>>
    %dma_wait3A_518 = tpu.memref_slice %arg3[%add3A_405] : memref<12288xi32, #tpu.memory_space<hbm>> -> memref<32xi32, #tpu.memory_space<hbm>>
    %dma_wait3A_519 = arith.constant 0 : i32
    %dma_wait3A_520 = tpu.memref_slice %arg5[%dma_wait3A_514, %dma_wait3A_519] : memref<3x32xi32, #tpu.memory_space<vmem>> -> memref<1x32xi32, #tpu.memory_space<vmem>>
    %dma_wait3A_521 = tpu.memref_squeeze %dma_wait3A_520 : memref<1x32xi32, #tpu.memory_space<vmem>> -> memref<32xi32, #tpu.memory_space<vmem>>
    %dma_wait3A_522 = tpu.memref_slice %arg3[%add3A_405] : memref<12288xi32, #tpu.memory_space<hbm>> -> memref<32xi32, #tpu.memory_space<hbm>>
    tpu.wait_dma2 semaphore(%arg8 : memref<!tpu.dma_semaphore, #tpu.memory_space<semaphore_mem>>) src(%dma_wait3A_522 : memref<32xi32, #tpu.memory_space<hbm>>) dst(%dma_wait3A_521 : memref<32xi32, #tpu.memory_space<vmem>>)
    %dma_start3A_523 = arith.constant 1 : i32
    %dma_start3A_524 = arith.constant 1 : i32
    %dma_start3A_525 = arith.constant 0 : i32
    %dma_start3A_526 = arith.constant 0 : i32
    %dma_start3A_527 = tpu.memref_slice %arg6[%dma_start3A_524, %dma_start3A_525, %dma_start3A_526] : memref<3x32x1024xf32, #tpu.memory_space<vmem>> -> memref<1x32x1024xf32, #tpu.memory_space<vmem>>
    %dma_start3A_528 = tpu.memref_squeeze %dma_start3A_527 : memref<1x32x1024xf32, #tpu.memory_space<vmem>> -> memref<32x1024xf32, #tpu.memory_space<vmem>>
    %dma_start3A_529 = arith.constant 0 : i32
    %dma_start3A_530 = tpu.memref_slice %arg5[%dma_start3A_523, %dma_start3A_529] : memref<3x32xi32, #tpu.memory_space<vmem>> -> memref<1x32xi32, #tpu.memory_space<vmem>>
    %dma_start3A_531 = tpu.memref_squeeze %dma_start3A_530 : memref<1x32xi32, #tpu.memory_space<vmem>> -> memref<32xi32, #tpu.memory_space<vmem>>
    %dma_start3A_532 = arith.constant 0 : i32
    %dma_start3A_533 = arith.constant 0 : i32
    %dma_start3A_534 = tpu.memref_slice %arg2[%dma_start3A_532, %dma_start3A_533] : memref<4096x1024xf32, #tpu.memory_space<hbm>> -> memref<4096x1024xf32, #tpu.memory_space<hbm>>
    tpu.enqueue_indirect_dma source(%dma_start3A_534 : memref<4096x1024xf32, #tpu.memory_space<hbm>>) target(%dma_start3A_528 : memref<32x1024xf32, #tpu.memory_space<vmem>>) offsets(%dma_start3A_531 : memref<32xi32, #tpu.memory_space<vmem>>) semaphore(%arg11 : memref<!tpu.dma_semaphore, #tpu.memory_space<semaphore_mem>>)
    %dma_wait3A_535 = arith.constant 0 : i32
    %dma_wait3A_536 = arith.constant 0 : i32
    %dma_wait3A_537 = arith.constant 0 : i32
    %dma_wait3A_538 = tpu.memref_slice %arg6[%dma_wait3A_535, %dma_wait3A_536, %dma_wait3A_537] : memref<3x32x1024xf32, #tpu.memory_space<vmem>> -> memref<1x32x1024xf32, #tpu.memory_space<vmem>>
    %dma_wait3A_539 = tpu.memref_squeeze %dma_wait3A_538 : memref<1x32x1024xf32, #tpu.memory_space<vmem>> -> memref<32x1024xf32, #tpu.memory_space<vmem>>
    %dma_wait3A_540 = arith.constant 0 : i32
    %dma_wait3A_541 = tpu.memref_slice %arg4[%add3A_500, %dma_wait3A_540] : memref<12288x1024xf32, #tpu.memory_space<hbm>> -> memref<32x1024xf32, #tpu.memory_space<hbm>>
    %dma_wait3A_542 = arith.constant 0 : i32
    %dma_wait3A_543 = tpu.memref_slice %arg4[%add3A_500, %dma_wait3A_542] : memref<12288x1024xf32, #tpu.memory_space<hbm>> -> memref<32x1024xf32, #tpu.memory_space<hbm>>
    %dma_wait3A_544 = arith.constant 0 : i32
    %dma_wait3A_545 = arith.constant 0 : i32
    %dma_wait3A_546 = tpu.memref_slice %arg6[%dma_wait3A_535, %dma_wait3A_544, %dma_wait3A_545] : memref<3x32x1024xf32, #tpu.memory_space<vmem>> -> memref<1x32x1024xf32, #tpu.memory_space<vmem>>
    %dma_wait3A_547 = tpu.memref_squeeze %dma_wait3A_546 : memref<1x32x1024xf32, #tpu.memory_space<vmem>> -> memref<32x1024xf32, #tpu.memory_space<vmem>>
    tpu.wait_dma2 semaphore(%arg13 : memref<!tpu.dma_semaphore, #tpu.memory_space<semaphore_mem>>) src(%dma_wait3A_547 : memref<32x1024xf32, #tpu.memory_space<vmem>>) dst(%dma_wait3A_543 : memref<32x1024xf32, #tpu.memory_space<hbm>>)
    %add3A_548 = arith.constant 288 : i32
    %add3A_549 = arith.addi %mul3A_2, %add3A_548 : i32
    %dma_start3A_550 = arith.constant 0 : i32
    %dma_start3A_551 = arith.constant 0 : i32
    %dma_start3A_552 = tpu.memref_slice %arg5[%dma_start3A_550, %dma_start3A_551] : memref<3x32xi32, #tpu.memory_space<vmem>> -> memref<1x32xi32, #tpu.memory_space<vmem>>
    %dma_start3A_553 = tpu.memref_squeeze %dma_start3A_552 : memref<1x32xi32, #tpu.memory_space<vmem>> -> memref<32xi32, #tpu.memory_space<vmem>>
    %dma_start3A_554 = tpu.memref_slice %arg3[%add3A_549] : memref<12288xi32, #tpu.memory_space<hbm>> -> memref<32xi32, #tpu.memory_space<hbm>>
    %dma_start3A_555 = arith.constant 0 : i32
    %dma_start3A_556 = tpu.memref_slice %arg5[%dma_start3A_550, %dma_start3A_555] : memref<3x32xi32, #tpu.memory_space<vmem>> -> memref<1x32xi32, #tpu.memory_space<vmem>>
    %dma_start3A_557 = tpu.memref_squeeze %dma_start3A_556 : memref<1x32xi32, #tpu.memory_space<vmem>> -> memref<32xi32, #tpu.memory_space<vmem>>
    %dma_start3A_558 = tpu.memref_slice %arg3[%add3A_549] : memref<12288xi32, #tpu.memory_space<hbm>> -> memref<32xi32, #tpu.memory_space<hbm>>
    tpu.enqueue_dma source(%dma_start3A_558 : memref<32xi32, #tpu.memory_space<hbm>>) target(%dma_start3A_557 : memref<32xi32, #tpu.memory_space<vmem>>) target_semaphore(%arg7 : memref<!tpu.dma_semaphore, #tpu.memory_space<semaphore_mem>>)
    %dma_wait3A_559 = arith.constant 1 : i32
    %dma_wait3A_560 = arith.constant 1 : i32
    %dma_wait3A_561 = arith.constant 0 : i32
    %dma_wait3A_562 = arith.constant 0 : i32
    %dma_wait3A_563 = tpu.memref_slice %arg6[%dma_wait3A_560, %dma_wait3A_561, %dma_wait3A_562] : memref<3x32x1024xf32, #tpu.memory_space<vmem>> -> memref<1x32x1024xf32, #tpu.memory_space<vmem>>
    %dma_wait3A_564 = tpu.memref_squeeze %dma_wait3A_563 : memref<1x32x1024xf32, #tpu.memory_space<vmem>> -> memref<32x1024xf32, #tpu.memory_space<vmem>>
    %dma_wait3A_565 = arith.constant 0 : i32
    %dma_wait3A_566 = tpu.memref_slice %arg5[%dma_wait3A_559, %dma_wait3A_565] : memref<3x32xi32, #tpu.memory_space<vmem>> -> memref<1x32xi32, #tpu.memory_space<vmem>>
    %dma_wait3A_567 = tpu.memref_squeeze %dma_wait3A_566 : memref<1x32xi32, #tpu.memory_space<vmem>> -> memref<32xi32, #tpu.memory_space<vmem>>
    %dma_wait3A_568 = arith.constant 0 : i32
    %dma_wait3A_569 = arith.constant 0 : i32
    %dma_wait3A_570 = tpu.memref_slice %arg2[%dma_wait3A_568, %dma_wait3A_569] : memref<4096x1024xf32, #tpu.memory_space<hbm>> -> memref<4096x1024xf32, #tpu.memory_space<hbm>>
    tpu.wait_indirect_dma semaphore(%arg11 : memref<!tpu.dma_semaphore, #tpu.memory_space<semaphore_mem>>) src(%dma_wait3A_570 : memref<4096x1024xf32, #tpu.memory_space<hbm>>) dst(%dma_wait3A_564 : memref<32x1024xf32, #tpu.memory_space<vmem>>)
    %add3A_571 = arith.constant 224 : i32
    %add3A_572 = arith.addi %mul3A_2, %add3A_571 : i32
    %dma_start3A_573 = arith.constant 1 : i32
    %dma_start3A_574 = arith.constant 0 : i32
    %dma_start3A_575 = arith.constant 0 : i32
    %dma_start3A_576 = tpu.memref_slice %arg6[%dma_start3A_573, %dma_start3A_574, %dma_start3A_575] : memref<3x32x1024xf32, #tpu.memory_space<vmem>> -> memref<1x32x1024xf32, #tpu.memory_space<vmem>>
    %dma_start3A_577 = tpu.memref_squeeze %dma_start3A_576 : memref<1x32x1024xf32, #tpu.memory_space<vmem>> -> memref<32x1024xf32, #tpu.memory_space<vmem>>
    %dma_start3A_578 = arith.constant 0 : i32
    %dma_start3A_579 = tpu.memref_slice %arg4[%add3A_572, %dma_start3A_578] : memref<12288x1024xf32, #tpu.memory_space<hbm>> -> memref<32x1024xf32, #tpu.memory_space<hbm>>
    %dma_start3A_580 = arith.constant 0 : i32
    %dma_start3A_581 = tpu.memref_slice %arg4[%add3A_572, %dma_start3A_580] : memref<12288x1024xf32, #tpu.memory_space<hbm>> -> memref<32x1024xf32, #tpu.memory_space<hbm>>
    %dma_start3A_582 = arith.constant 0 : i32
    %dma_start3A_583 = arith.constant 0 : i32
    %dma_start3A_584 = tpu.memref_slice %arg6[%dma_start3A_573, %dma_start3A_582, %dma_start3A_583] : memref<3x32x1024xf32, #tpu.memory_space<vmem>> -> memref<1x32x1024xf32, #tpu.memory_space<vmem>>
    %dma_start3A_585 = tpu.memref_squeeze %dma_start3A_584 : memref<1x32x1024xf32, #tpu.memory_space<vmem>> -> memref<32x1024xf32, #tpu.memory_space<vmem>>
    tpu.enqueue_dma source(%dma_start3A_585 : memref<32x1024xf32, #tpu.memory_space<vmem>>) target(%dma_start3A_581 : memref<32x1024xf32, #tpu.memory_space<hbm>>) target_semaphore(%arg14 : memref<!tpu.dma_semaphore, #tpu.memory_space<semaphore_mem>>)
    %dma_wait3A_586 = arith.constant 2 : i32
    %dma_wait3A_587 = arith.constant 0 : i32
    %dma_wait3A_588 = tpu.memref_slice %arg5[%dma_wait3A_586, %dma_wait3A_587] : memref<3x32xi32, #tpu.memory_space<vmem>> -> memref<1x32xi32, #tpu.memory_space<vmem>>
    %dma_wait3A_589 = tpu.memref_squeeze %dma_wait3A_588 : memref<1x32xi32, #tpu.memory_space<vmem>> -> memref<32xi32, #tpu.memory_space<vmem>>
    %dma_wait3A_590 = tpu.memref_slice %arg3[%add3A_477] : memref<12288xi32, #tpu.memory_space<hbm>> -> memref<32xi32, #tpu.memory_space<hbm>>
    %dma_wait3A_591 = arith.constant 0 : i32
    %dma_wait3A_592 = tpu.memref_slice %arg5[%dma_wait3A_586, %dma_wait3A_591] : memref<3x32xi32, #tpu.memory_space<vmem>> -> memref<1x32xi32, #tpu.memory_space<vmem>>
    %dma_wait3A_593 = tpu.memref_squeeze %dma_wait3A_592 : memref<1x32xi32, #tpu.memory_space<vmem>> -> memref<32xi32, #tpu.memory_space<vmem>>
    %dma_wait3A_594 = tpu.memref_slice %arg3[%add3A_477] : memref<12288xi32, #tpu.memory_space<hbm>> -> memref<32xi32, #tpu.memory_space<hbm>>
    tpu.wait_dma2 semaphore(%arg9 : memref<!tpu.dma_semaphore, #tpu.memory_space<semaphore_mem>>) src(%dma_wait3A_594 : memref<32xi32, #tpu.memory_space<hbm>>) dst(%dma_wait3A_593 : memref<32xi32, #tpu.memory_space<vmem>>)
    %dma_start3A_595 = arith.constant 2 : i32
    %dma_start3A_596 = arith.constant 2 : i32
    %dma_start3A_597 = arith.constant 0 : i32
    %dma_start3A_598 = arith.constant 0 : i32
    %dma_start3A_599 = tpu.memref_slice %arg6[%dma_start3A_596, %dma_start3A_597, %dma_start3A_598] : memref<3x32x1024xf32, #tpu.memory_space<vmem>> -> memref<1x32x1024xf32, #tpu.memory_space<vmem>>
    %dma_start3A_600 = tpu.memref_squeeze %dma_start3A_599 : memref<1x32x1024xf32, #tpu.memory_space<vmem>> -> memref<32x1024xf32, #tpu.memory_space<vmem>>
    %dma_start3A_601 = arith.constant 0 : i32
    %dma_start3A_602 = tpu.memref_slice %arg5[%dma_start3A_595, %dma_start3A_601] : memref<3x32xi32, #tpu.memory_space<vmem>> -> memref<1x32xi32, #tpu.memory_space<vmem>>
    %dma_start3A_603 = tpu.memref_squeeze %dma_start3A_602 : memref<1x32xi32, #tpu.memory_space<vmem>> -> memref<32xi32, #tpu.memory_space<vmem>>
    %dma_start3A_604 = arith.constant 0 : i32
    %dma_start3A_605 = arith.constant 0 : i32
    %dma_start3A_606 = tpu.memref_slice %arg2[%dma_start3A_604, %dma_start3A_605] : memref<4096x1024xf32, #tpu.memory_space<hbm>> -> memref<4096x1024xf32, #tpu.memory_space<hbm>>
    tpu.enqueue_indirect_dma source(%dma_start3A_606 : memref<4096x1024xf32, #tpu.memory_space<hbm>>) target(%dma_start3A_600 : memref<32x1024xf32, #tpu.memory_space<vmem>>) offsets(%dma_start3A_603 : memref<32xi32, #tpu.memory_space<vmem>>) semaphore(%arg12 : memref<!tpu.dma_semaphore, #tpu.memory_space<semaphore_mem>>)
    %dma_wait3A_607 = arith.constant 1 : i32
    %dma_wait3A_608 = arith.constant 0 : i32
    %dma_wait3A_609 = arith.constant 0 : i32
    %dma_wait3A_610 = tpu.memref_slice %arg6[%dma_wait3A_607, %dma_wait3A_608, %dma_wait3A_609] : memref<3x32x1024xf32, #tpu.memory_space<vmem>> -> memref<1x32x1024xf32, #tpu.memory_space<vmem>>
    %dma_wait3A_611 = tpu.memref_squeeze %dma_wait3A_610 : memref<1x32x1024xf32, #tpu.memory_space<vmem>> -> memref<32x1024xf32, #tpu.memory_space<vmem>>
    %dma_wait3A_612 = arith.constant 0 : i32
    %dma_wait3A_613 = tpu.memref_slice %arg4[%add3A_572, %dma_wait3A_612] : memref<12288x1024xf32, #tpu.memory_space<hbm>> -> memref<32x1024xf32, #tpu.memory_space<hbm>>
    %dma_wait3A_614 = arith.constant 0 : i32
    %dma_wait3A_615 = tpu.memref_slice %arg4[%add3A_572, %dma_wait3A_614] : memref<12288x1024xf32, #tpu.memory_space<hbm>> -> memref<32x1024xf32, #tpu.memory_space<hbm>>
    %dma_wait3A_616 = arith.constant 0 : i32
    %dma_wait3A_617 = arith.constant 0 : i32
    %dma_wait3A_618 = tpu.memref_slice %arg6[%dma_wait3A_607, %dma_wait3A_616, %dma_wait3A_617] : memref<3x32x1024xf32, #tpu.memory_space<vmem>> -> memref<1x32x1024xf32, #tpu.memory_space<vmem>>
    %dma_wait3A_619 = tpu.memref_squeeze %dma_wait3A_618 : memref<1x32x1024xf32, #tpu.memory_space<vmem>> -> memref<32x1024xf32, #tpu.memory_space<vmem>>
    tpu.wait_dma2 semaphore(%arg14 : memref<!tpu.dma_semaphore, #tpu.memory_space<semaphore_mem>>) src(%dma_wait3A_619 : memref<32x1024xf32, #tpu.memory_space<vmem>>) dst(%dma_wait3A_615 : memref<32x1024xf32, #tpu.memory_space<hbm>>)
    %add3A_620 = arith.constant 320 : i32
    %add3A_621 = arith.addi %mul3A_2, %add3A_620 : i32
    %dma_start3A_622 = arith.constant 1 : i32
    %dma_start3A_623 = arith.constant 0 : i32
    %dma_start3A_624 = tpu.memref_slice %arg5[%dma_start3A_622, %dma_start3A_623] : memref<3x32xi32, #tpu.memory_space<vmem>> -> memref<1x32xi32, #tpu.memory_space<vmem>>
    %dma_start3A_625 = tpu.memref_squeeze %dma_start3A_624 : memref<1x32xi32, #tpu.memory_space<vmem>> -> memref<32xi32, #tpu.memory_space<vmem>>
    %dma_start3A_626 = tpu.memref_slice %arg3[%add3A_621] : memref<12288xi32, #tpu.memory_space<hbm>> -> memref<32xi32, #tpu.memory_space<hbm>>
    %dma_start3A_627 = arith.constant 0 : i32
    %dma_start3A_628 = tpu.memref_slice %arg5[%dma_start3A_622, %dma_start3A_627] : memref<3x32xi32, #tpu.memory_space<vmem>> -> memref<1x32xi32, #tpu.memory_space<vmem>>
    %dma_start3A_629 = tpu.memref_squeeze %dma_start3A_628 : memref<1x32xi32, #tpu.memory_space<vmem>> -> memref<32xi32, #tpu.memory_space<vmem>>
    %dma_start3A_630 = tpu.memref_slice %arg3[%add3A_621] : memref<12288xi32, #tpu.memory_space<hbm>> -> memref<32xi32, #tpu.memory_space<hbm>>
    tpu.enqueue_dma source(%dma_start3A_630 : memref<32xi32, #tpu.memory_space<hbm>>) target(%dma_start3A_629 : memref<32xi32, #tpu.memory_space<vmem>>) target_semaphore(%arg8 : memref<!tpu.dma_semaphore, #tpu.memory_space<semaphore_mem>>)
    %dma_wait3A_631 = arith.constant 2 : i32
    %dma_wait3A_632 = arith.constant 2 : i32
    %dma_wait3A_633 = arith.constant 0 : i32
    %dma_wait3A_634 = arith.constant 0 : i32
    %dma_wait3A_635 = tpu.memref_slice %arg6[%dma_wait3A_632, %dma_wait3A_633, %dma_wait3A_634] : memref<3x32x1024xf32, #tpu.memory_space<vmem>> -> memref<1x32x1024xf32, #tpu.memory_space<vmem>>
    %dma_wait3A_636 = tpu.memref_squeeze %dma_wait3A_635 : memref<1x32x1024xf32, #tpu.memory_space<vmem>> -> memref<32x1024xf32, #tpu.memory_space<vmem>>
    %dma_wait3A_637 = arith.constant 0 : i32
    %dma_wait3A_638 = tpu.memref_slice %arg5[%dma_wait3A_631, %dma_wait3A_637] : memref<3x32xi32, #tpu.memory_space<vmem>> -> memref<1x32xi32, #tpu.memory_space<vmem>>
    %dma_wait3A_639 = tpu.memref_squeeze %dma_wait3A_638 : memref<1x32xi32, #tpu.memory_space<vmem>> -> memref<32xi32, #tpu.memory_space<vmem>>
    %dma_wait3A_640 = arith.constant 0 : i32
    %dma_wait3A_641 = arith.constant 0 : i32
    %dma_wait3A_642 = tpu.memref_slice %arg2[%dma_wait3A_640, %dma_wait3A_641] : memref<4096x1024xf32, #tpu.memory_space<hbm>> -> memref<4096x1024xf32, #tpu.memory_space<hbm>>
    tpu.wait_indirect_dma semaphore(%arg12 : memref<!tpu.dma_semaphore, #tpu.memory_space<semaphore_mem>>) src(%dma_wait3A_642 : memref<4096x1024xf32, #tpu.memory_space<hbm>>) dst(%dma_wait3A_636 : memref<32x1024xf32, #tpu.memory_space<vmem>>)
    %add3A_643 = arith.constant 256 : i32
    %add3A_644 = arith.addi %mul3A_2, %add3A_643 : i32
    %dma_start3A_645 = arith.constant 2 : i32
    %dma_start3A_646 = arith.constant 0 : i32
    %dma_start3A_647 = arith.constant 0 : i32
    %dma_start3A_648 = tpu.memref_slice %arg6[%dma_start3A_645, %dma_start3A_646, %dma_start3A_647] : memref<3x32x1024xf32, #tpu.memory_space<vmem>> -> memref<1x32x1024xf32, #tpu.memory_space<vmem>>
    %dma_start3A_649 = tpu.memref_squeeze %dma_start3A_648 : memref<1x32x1024xf32, #tpu.memory_space<vmem>> -> memref<32x1024xf32, #tpu.memory_space<vmem>>
    %dma_start3A_650 = arith.constant 0 : i32
    %dma_start3A_651 = tpu.memref_slice %arg4[%add3A_644, %dma_start3A_650] : memref<12288x1024xf32, #tpu.memory_space<hbm>> -> memref<32x1024xf32, #tpu.memory_space<hbm>>
    %dma_start3A_652 = arith.constant 0 : i32
    %dma_start3A_653 = tpu.memref_slice %arg4[%add3A_644, %dma_start3A_652] : memref<12288x1024xf32, #tpu.memory_space<hbm>> -> memref<32x1024xf32, #tpu.memory_space<hbm>>
    %dma_start3A_654 = arith.constant 0 : i32
    %dma_start3A_655 = arith.constant 0 : i32
    %dma_start3A_656 = tpu.memref_slice %arg6[%dma_start3A_645, %dma_start3A_654, %dma_start3A_655] : memref<3x32x1024xf32, #tpu.memory_space<vmem>> -> memref<1x32x1024xf32, #tpu.memory_space<vmem>>
    %dma_start3A_657 = tpu.memref_squeeze %dma_start3A_656 : memref<1x32x1024xf32, #tpu.memory_space<vmem>> -> memref<32x1024xf32, #tpu.memory_space<vmem>>
    tpu.enqueue_dma source(%dma_start3A_657 : memref<32x1024xf32, #tpu.memory_space<vmem>>) target(%dma_start3A_653 : memref<32x1024xf32, #tpu.memory_space<hbm>>) target_semaphore(%arg15 : memref<!tpu.dma_semaphore, #tpu.memory_space<semaphore_mem>>)
    %dma_wait3A_658 = arith.constant 0 : i32
    %dma_wait3A_659 = arith.constant 0 : i32
    %dma_wait3A_660 = tpu.memref_slice %arg5[%dma_wait3A_658, %dma_wait3A_659] : memref<3x32xi32, #tpu.memory_space<vmem>> -> memref<1x32xi32, #tpu.memory_space<vmem>>
    %dma_wait3A_661 = tpu.memref_squeeze %dma_wait3A_660 : memref<1x32xi32, #tpu.memory_space<vmem>> -> memref<32xi32, #tpu.memory_space<vmem>>
    %dma_wait3A_662 = tpu.memref_slice %arg3[%add3A_549] : memref<12288xi32, #tpu.memory_space<hbm>> -> memref<32xi32, #tpu.memory_space<hbm>>
    %dma_wait3A_663 = arith.constant 0 : i32
    %dma_wait3A_664 = tpu.memref_slice %arg5[%dma_wait3A_658, %dma_wait3A_663] : memref<3x32xi32, #tpu.memory_space<vmem>> -> memref<1x32xi32, #tpu.memory_space<vmem>>
    %dma_wait3A_665 = tpu.memref_squeeze %dma_wait3A_664 : memref<1x32xi32, #tpu.memory_space<vmem>> -> memref<32xi32, #tpu.memory_space<vmem>>
    %dma_wait3A_666 = tpu.memref_slice %arg3[%add3A_549] : memref<12288xi32, #tpu.memory_space<hbm>> -> memref<32xi32, #tpu.memory_space<hbm>>
    tpu.wait_dma2 semaphore(%arg7 : memref<!tpu.dma_semaphore, #tpu.memory_space<semaphore_mem>>) src(%dma_wait3A_666 : memref<32xi32, #tpu.memory_space<hbm>>) dst(%dma_wait3A_665 : memref<32xi32, #tpu.memory_space<vmem>>)
    %dma_start3A_667 = arith.constant 0 : i32
    %dma_start3A_668 = arith.constant 0 : i32
    %dma_start3A_669 = arith.constant 0 : i32
    %dma_start3A_670 = arith.constant 0 : i32
    %dma_start3A_671 = tpu.memref_slice %arg6[%dma_start3A_668, %dma_start3A_669, %dma_start3A_670] : memref<3x32x1024xf32, #tpu.memory_space<vmem>> -> memref<1x32x1024xf32, #tpu.memory_space<vmem>>
    %dma_start3A_672 = tpu.memref_squeeze %dma_start3A_671 : memref<1x32x1024xf32, #tpu.memory_space<vmem>> -> memref<32x1024xf32, #tpu.memory_space<vmem>>
    %dma_start3A_673 = arith.constant 0 : i32
    %dma_start3A_674 = tpu.memref_slice %arg5[%dma_start3A_667, %dma_start3A_673] : memref<3x32xi32, #tpu.memory_space<vmem>> -> memref<1x32xi32, #tpu.memory_space<vmem>>
    %dma_start3A_675 = tpu.memref_squeeze %dma_start3A_674 : memref<1x32xi32, #tpu.memory_space<vmem>> -> memref<32xi32, #tpu.memory_space<vmem>>
    %dma_start3A_676 = arith.constant 0 : i32
    %dma_start3A_677 = arith.constant 0 : i32
    %dma_start3A_678 = tpu.memref_slice %arg2[%dma_start3A_676, %dma_start3A_677] : memref<4096x1024xf32, #tpu.memory_space<hbm>> -> memref<4096x1024xf32, #tpu.memory_space<hbm>>
    tpu.enqueue_indirect_dma source(%dma_start3A_678 : memref<4096x1024xf32, #tpu.memory_space<hbm>>) target(%dma_start3A_672 : memref<32x1024xf32, #tpu.memory_space<vmem>>) offsets(%dma_start3A_675 : memref<32xi32, #tpu.memory_space<vmem>>) semaphore(%arg10 : memref<!tpu.dma_semaphore, #tpu.memory_space<semaphore_mem>>)
    %dma_wait3A_679 = arith.constant 2 : i32
    %dma_wait3A_680 = arith.constant 0 : i32
    %dma_wait3A_681 = arith.constant 0 : i32
    %dma_wait3A_682 = tpu.memref_slice %arg6[%dma_wait3A_679, %dma_wait3A_680, %dma_wait3A_681] : memref<3x32x1024xf32, #tpu.memory_space<vmem>> -> memref<1x32x1024xf32, #tpu.memory_space<vmem>>
    %dma_wait3A_683 = tpu.memref_squeeze %dma_wait3A_682 : memref<1x32x1024xf32, #tpu.memory_space<vmem>> -> memref<32x1024xf32, #tpu.memory_space<vmem>>
    %dma_wait3A_684 = arith.constant 0 : i32
    %dma_wait3A_685 = tpu.memref_slice %arg4[%add3A_644, %dma_wait3A_684] : memref<12288x1024xf32, #tpu.memory_space<hbm>> -> memref<32x1024xf32, #tpu.memory_space<hbm>>
    %dma_wait3A_686 = arith.constant 0 : i32
    %dma_wait3A_687 = tpu.memref_slice %arg4[%add3A_644, %dma_wait3A_686] : memref<12288x1024xf32, #tpu.memory_space<hbm>> -> memref<32x1024xf32, #tpu.memory_space<hbm>>
    %dma_wait3A_688 = arith.constant 0 : i32
    %dma_wait3A_689 = arith.constant 0 : i32
    %dma_wait3A_690 = tpu.memref_slice %arg6[%dma_wait3A_679, %dma_wait3A_688, %dma_wait3A_689] : memref<3x32x1024xf32, #tpu.memory_space<vmem>> -> memref<1x32x1024xf32, #tpu.memory_space<vmem>>
    %dma_wait3A_691 = tpu.memref_squeeze %dma_wait3A_690 : memref<1x32x1024xf32, #tpu.memory_space<vmem>> -> memref<32x1024xf32, #tpu.memory_space<vmem>>
    tpu.wait_dma2 semaphore(%arg15 : memref<!tpu.dma_semaphore, #tpu.memory_space<semaphore_mem>>) src(%dma_wait3A_691 : memref<32x1024xf32, #tpu.memory_space<vmem>>) dst(%dma_wait3A_687 : memref<32x1024xf32, #tpu.memory_space<hbm>>)
    %add3A_692 = arith.constant 352 : i32
    %add3A_693 = arith.addi %mul3A_2, %add3A_692 : i32
    %dma_start3A_694 = arith.constant 2 : i32
    %dma_start3A_695 = arith.constant 0 : i32
    %dma_start3A_696 = tpu.memref_slice %arg5[%dma_start3A_694, %dma_start3A_695] : memref<3x32xi32, #tpu.memory_space<vmem>> -> memref<1x32xi32, #tpu.memory_space<vmem>>
    %dma_start3A_697 = tpu.memref_squeeze %dma_start3A_696 : memref<1x32xi32, #tpu.memory_space<vmem>> -> memref<32xi32, #tpu.memory_space<vmem>>
    %dma_start3A_698 = tpu.memref_slice %arg3[%add3A_693] : memref<12288xi32, #tpu.memory_space<hbm>> -> memref<32xi32, #tpu.memory_space<hbm>>
    %dma_start3A_699 = arith.constant 0 : i32
    %dma_start3A_700 = tpu.memref_slice %arg5[%dma_start3A_694, %dma_start3A_699] : memref<3x32xi32, #tpu.memory_space<vmem>> -> memref<1x32xi32, #tpu.memory_space<vmem>>
    %dma_start3A_701 = tpu.memref_squeeze %dma_start3A_700 : memref<1x32xi32, #tpu.memory_space<vmem>> -> memref<32xi32, #tpu.memory_space<vmem>>
    %dma_start3A_702 = tpu.memref_slice %arg3[%add3A_693] : memref<12288xi32, #tpu.memory_space<hbm>> -> memref<32xi32, #tpu.memory_space<hbm>>
    tpu.enqueue_dma source(%dma_start3A_702 : memref<32xi32, #tpu.memory_space<hbm>>) target(%dma_start3A_701 : memref<32xi32, #tpu.memory_space<vmem>>) target_semaphore(%arg9 : memref<!tpu.dma_semaphore, #tpu.memory_space<semaphore_mem>>)
    %dma_wait3A_703 = arith.constant 0 : i32
    %dma_wait3A_704 = arith.constant 0 : i32
    %dma_wait3A_705 = arith.constant 0 : i32
    %dma_wait3A_706 = arith.constant 0 : i32
    %dma_wait3A_707 = tpu.memref_slice %arg6[%dma_wait3A_704, %dma_wait3A_705, %dma_wait3A_706] : memref<3x32x1024xf32, #tpu.memory_space<vmem>> -> memref<1x32x1024xf32, #tpu.memory_space<vmem>>
    %dma_wait3A_708 = tpu.memref_squeeze %dma_wait3A_707 : memref<1x32x1024xf32, #tpu.memory_space<vmem>> -> memref<32x1024xf32, #tpu.memory_space<vmem>>
    %dma_wait3A_709 = arith.constant 0 : i32
    %dma_wait3A_710 = tpu.memref_slice %arg5[%dma_wait3A_703, %dma_wait3A_709] : memref<3x32xi32, #tpu.memory_space<vmem>> -> memref<1x32xi32, #tpu.memory_space<vmem>>
    %dma_wait3A_711 = tpu.memref_squeeze %dma_wait3A_710 : memref<1x32xi32, #tpu.memory_space<vmem>> -> memref<32xi32, #tpu.memory_space<vmem>>
    %dma_wait3A_712 = arith.constant 0 : i32
    %dma_wait3A_713 = arith.constant 0 : i32
    %dma_wait3A_714 = tpu.memref_slice %arg2[%dma_wait3A_712, %dma_wait3A_713] : memref<4096x1024xf32, #tpu.memory_space<hbm>> -> memref<4096x1024xf32, #tpu.memory_space<hbm>>
    tpu.wait_indirect_dma semaphore(%arg10 : memref<!tpu.dma_semaphore, #tpu.memory_space<semaphore_mem>>) src(%dma_wait3A_714 : memref<4096x1024xf32, #tpu.memory_space<hbm>>) dst(%dma_wait3A_708 : memref<32x1024xf32, #tpu.memory_space<vmem>>)
    %add3A_715 = arith.constant 288 : i32
    %add3A_716 = arith.addi %mul3A_2, %add3A_715 : i32
    %dma_start3A_717 = arith.constant 0 : i32
    %dma_start3A_718 = arith.constant 0 : i32
    %dma_start3A_719 = arith.constant 0 : i32
    %dma_start3A_720 = tpu.memref_slice %arg6[%dma_start3A_717, %dma_start3A_718, %dma_start3A_719] : memref<3x32x1024xf32, #tpu.memory_space<vmem>> -> memref<1x32x1024xf32, #tpu.memory_space<vmem>>
    %dma_start3A_721 = tpu.memref_squeeze %dma_start3A_720 : memref<1x32x1024xf32, #tpu.memory_space<vmem>> -> memref<32x1024xf32, #tpu.memory_space<vmem>>
    %dma_start3A_722 = arith.constant 0 : i32
    %dma_start3A_723 = tpu.memref_slice %arg4[%add3A_716, %dma_start3A_722] : memref<12288x1024xf32, #tpu.memory_space<hbm>> -> memref<32x1024xf32, #tpu.memory_space<hbm>>
    %dma_start3A_724 = arith.constant 0 : i32
    %dma_start3A_725 = tpu.memref_slice %arg4[%add3A_716, %dma_start3A_724] : memref<12288x1024xf32, #tpu.memory_space<hbm>> -> memref<32x1024xf32, #tpu.memory_space<hbm>>
    %dma_start3A_726 = arith.constant 0 : i32
    %dma_start3A_727 = arith.constant 0 : i32
    %dma_start3A_728 = tpu.memref_slice %arg6[%dma_start3A_717, %dma_start3A_726, %dma_start3A_727] : memref<3x32x1024xf32, #tpu.memory_space<vmem>> -> memref<1x32x1024xf32, #tpu.memory_space<vmem>>
    %dma_start3A_729 = tpu.memref_squeeze %dma_start3A_728 : memref<1x32x1024xf32, #tpu.memory_space<vmem>> -> memref<32x1024xf32, #tpu.memory_space<vmem>>
    tpu.enqueue_dma source(%dma_start3A_729 : memref<32x1024xf32, #tpu.memory_space<vmem>>) target(%dma_start3A_725 : memref<32x1024xf32, #tpu.memory_space<hbm>>) target_semaphore(%arg13 : memref<!tpu.dma_semaphore, #tpu.memory_space<semaphore_mem>>)
    %dma_wait3A_730 = arith.constant 1 : i32
    %dma_wait3A_731 = arith.constant 0 : i32
    %dma_wait3A_732 = tpu.memref_slice %arg5[%dma_wait3A_730, %dma_wait3A_731] : memref<3x32xi32, #tpu.memory_space<vmem>> -> memref<1x32xi32, #tpu.memory_space<vmem>>
    %dma_wait3A_733 = tpu.memref_squeeze %dma_wait3A_732 : memref<1x32xi32, #tpu.memory_space<vmem>> -> memref<32xi32, #tpu.memory_space<vmem>>
    %dma_wait3A_734 = tpu.memref_slice %arg3[%add3A_621] : memref<12288xi32, #tpu.memory_space<hbm>> -> memref<32xi32, #tpu.memory_space<hbm>>
    %dma_wait3A_735 = arith.constant 0 : i32
    %dma_wait3A_736 = tpu.memref_slice %arg5[%dma_wait3A_730, %dma_wait3A_735] : memref<3x32xi32, #tpu.memory_space<vmem>> -> memref<1x32xi32, #tpu.memory_space<vmem>>
    %dma_wait3A_737 = tpu.memref_squeeze %dma_wait3A_736 : memref<1x32xi32, #tpu.memory_space<vmem>> -> memref<32xi32, #tpu.memory_space<vmem>>
    %dma_wait3A_738 = tpu.memref_slice %arg3[%add3A_621] : memref<12288xi32, #tpu.memory_space<hbm>> -> memref<32xi32, #tpu.memory_space<hbm>>
    tpu.wait_dma2 semaphore(%arg8 : memref<!tpu.dma_semaphore, #tpu.memory_space<semaphore_mem>>) src(%dma_wait3A_738 : memref<32xi32, #tpu.memory_space<hbm>>) dst(%dma_wait3A_737 : memref<32xi32, #tpu.memory_space<vmem>>)
    %dma_start3A_739 = arith.constant 1 : i32
    %dma_start3A_740 = arith.constant 1 : i32
    %dma_start3A_741 = arith.constant 0 : i32
    %dma_start3A_742 = arith.constant 0 : i32
    %dma_start3A_743 = tpu.memref_slice %arg6[%dma_start3A_740, %dma_start3A_741, %dma_start3A_742] : memref<3x32x1024xf32, #tpu.memory_space<vmem>> -> memref<1x32x1024xf32, #tpu.memory_space<vmem>>
    %dma_start3A_744 = tpu.memref_squeeze %dma_start3A_743 : memref<1x32x1024xf32, #tpu.memory_space<vmem>> -> memref<32x1024xf32, #tpu.memory_space<vmem>>
    %dma_start3A_745 = arith.constant 0 : i32
    %dma_start3A_746 = tpu.memref_slice %arg5[%dma_start3A_739, %dma_start3A_745] : memref<3x32xi32, #tpu.memory_space<vmem>> -> memref<1x32xi32, #tpu.memory_space<vmem>>
    %dma_start3A_747 = tpu.memref_squeeze %dma_start3A_746 : memref<1x32xi32, #tpu.memory_space<vmem>> -> memref<32xi32, #tpu.memory_space<vmem>>
    %dma_start3A_748 = arith.constant 0 : i32
    %dma_start3A_749 = arith.constant 0 : i32
    %dma_start3A_750 = tpu.memref_slice %arg2[%dma_start3A_748, %dma_start3A_749] : memref<4096x1024xf32, #tpu.memory_space<hbm>> -> memref<4096x1024xf32, #tpu.memory_space<hbm>>
    tpu.enqueue_indirect_dma source(%dma_start3A_750 : memref<4096x1024xf32, #tpu.memory_space<hbm>>) target(%dma_start3A_744 : memref<32x1024xf32, #tpu.memory_space<vmem>>) offsets(%dma_start3A_747 : memref<32xi32, #tpu.memory_space<vmem>>) semaphore(%arg11 : memref<!tpu.dma_semaphore, #tpu.memory_space<semaphore_mem>>)
    %dma_wait3A_751 = arith.constant 1 : i32
    %dma_wait3A_752 = arith.constant 1 : i32
    %dma_wait3A_753 = arith.constant 0 : i32
    %dma_wait3A_754 = arith.constant 0 : i32
    %dma_wait3A_755 = tpu.memref_slice %arg6[%dma_wait3A_752, %dma_wait3A_753, %dma_wait3A_754] : memref<3x32x1024xf32, #tpu.memory_space<vmem>> -> memref<1x32x1024xf32, #tpu.memory_space<vmem>>
    %dma_wait3A_756 = tpu.memref_squeeze %dma_wait3A_755 : memref<1x32x1024xf32, #tpu.memory_space<vmem>> -> memref<32x1024xf32, #tpu.memory_space<vmem>>
    %dma_wait3A_757 = arith.constant 0 : i32
    %dma_wait3A_758 = tpu.memref_slice %arg5[%dma_wait3A_751, %dma_wait3A_757] : memref<3x32xi32, #tpu.memory_space<vmem>> -> memref<1x32xi32, #tpu.memory_space<vmem>>
    %dma_wait3A_759 = tpu.memref_squeeze %dma_wait3A_758 : memref<1x32xi32, #tpu.memory_space<vmem>> -> memref<32xi32, #tpu.memory_space<vmem>>
    %dma_wait3A_760 = arith.constant 0 : i32
    %dma_wait3A_761 = arith.constant 0 : i32
    %dma_wait3A_762 = tpu.memref_slice %arg2[%dma_wait3A_760, %dma_wait3A_761] : memref<4096x1024xf32, #tpu.memory_space<hbm>> -> memref<4096x1024xf32, #tpu.memory_space<hbm>>
    tpu.wait_indirect_dma semaphore(%arg11 : memref<!tpu.dma_semaphore, #tpu.memory_space<semaphore_mem>>) src(%dma_wait3A_762 : memref<4096x1024xf32, #tpu.memory_space<hbm>>) dst(%dma_wait3A_756 : memref<32x1024xf32, #tpu.memory_space<vmem>>)
    %add3A_763 = arith.constant 320 : i32
    %add3A_764 = arith.addi %mul3A_2, %add3A_763 : i32
    %dma_start3A_765 = arith.constant 1 : i32
    %dma_start3A_766 = arith.constant 0 : i32
    %dma_start3A_767 = arith.constant 0 : i32
    %dma_start3A_768 = tpu.memref_slice %arg6[%dma_start3A_765, %dma_start3A_766, %dma_start3A_767] : memref<3x32x1024xf32, #tpu.memory_space<vmem>> -> memref<1x32x1024xf32, #tpu.memory_space<vmem>>
    %dma_start3A_769 = tpu.memref_squeeze %dma_start3A_768 : memref<1x32x1024xf32, #tpu.memory_space<vmem>> -> memref<32x1024xf32, #tpu.memory_space<vmem>>
    %dma_start3A_770 = arith.constant 0 : i32
    %dma_start3A_771 = tpu.memref_slice %arg4[%add3A_764, %dma_start3A_770] : memref<12288x1024xf32, #tpu.memory_space<hbm>> -> memref<32x1024xf32, #tpu.memory_space<hbm>>
    %dma_start3A_772 = arith.constant 0 : i32
    %dma_start3A_773 = tpu.memref_slice %arg4[%add3A_764, %dma_start3A_772] : memref<12288x1024xf32, #tpu.memory_space<hbm>> -> memref<32x1024xf32, #tpu.memory_space<hbm>>
    %dma_start3A_774 = arith.constant 0 : i32
    %dma_start3A_775 = arith.constant 0 : i32
    %dma_start3A_776 = tpu.memref_slice %arg6[%dma_start3A_765, %dma_start3A_774, %dma_start3A_775] : memref<3x32x1024xf32, #tpu.memory_space<vmem>> -> memref<1x32x1024xf32, #tpu.memory_space<vmem>>
    %dma_start3A_777 = tpu.memref_squeeze %dma_start3A_776 : memref<1x32x1024xf32, #tpu.memory_space<vmem>> -> memref<32x1024xf32, #tpu.memory_space<vmem>>
    tpu.enqueue_dma source(%dma_start3A_777 : memref<32x1024xf32, #tpu.memory_space<vmem>>) target(%dma_start3A_773 : memref<32x1024xf32, #tpu.memory_space<hbm>>) target_semaphore(%arg14 : memref<!tpu.dma_semaphore, #tpu.memory_space<semaphore_mem>>)
    %dma_wait3A_778 = arith.constant 2 : i32
    %dma_wait3A_779 = arith.constant 0 : i32
    %dma_wait3A_780 = tpu.memref_slice %arg5[%dma_wait3A_778, %dma_wait3A_779] : memref<3x32xi32, #tpu.memory_space<vmem>> -> memref<1x32xi32, #tpu.memory_space<vmem>>
    %dma_wait3A_781 = tpu.memref_squeeze %dma_wait3A_780 : memref<1x32xi32, #tpu.memory_space<vmem>> -> memref<32xi32, #tpu.memory_space<vmem>>
    %dma_wait3A_782 = tpu.memref_slice %arg3[%add3A_693] : memref<12288xi32, #tpu.memory_space<hbm>> -> memref<32xi32, #tpu.memory_space<hbm>>
    %dma_wait3A_783 = arith.constant 0 : i32
    %dma_wait3A_784 = tpu.memref_slice %arg5[%dma_wait3A_778, %dma_wait3A_783] : memref<3x32xi32, #tpu.memory_space<vmem>> -> memref<1x32xi32, #tpu.memory_space<vmem>>
    %dma_wait3A_785 = tpu.memref_squeeze %dma_wait3A_784 : memref<1x32xi32, #tpu.memory_space<vmem>> -> memref<32xi32, #tpu.memory_space<vmem>>
    %dma_wait3A_786 = tpu.memref_slice %arg3[%add3A_693] : memref<12288xi32, #tpu.memory_space<hbm>> -> memref<32xi32, #tpu.memory_space<hbm>>
    tpu.wait_dma2 semaphore(%arg9 : memref<!tpu.dma_semaphore, #tpu.memory_space<semaphore_mem>>) src(%dma_wait3A_786 : memref<32xi32, #tpu.memory_space<hbm>>) dst(%dma_wait3A_785 : memref<32xi32, #tpu.memory_space<vmem>>)
    %dma_start3A_787 = arith.constant 2 : i32
    %dma_start3A_788 = arith.constant 2 : i32
    %dma_start3A_789 = arith.constant 0 : i32
    %dma_start3A_790 = arith.constant 0 : i32
    %dma_start3A_791 = tpu.memref_slice %arg6[%dma_start3A_788, %dma_start3A_789, %dma_start3A_790] : memref<3x32x1024xf32, #tpu.memory_space<vmem>> -> memref<1x32x1024xf32, #tpu.memory_space<vmem>>
    %dma_start3A_792 = tpu.memref_squeeze %dma_start3A_791 : memref<1x32x1024xf32, #tpu.memory_space<vmem>> -> memref<32x1024xf32, #tpu.memory_space<vmem>>
    %dma_start3A_793 = arith.constant 0 : i32
    %dma_start3A_794 = tpu.memref_slice %arg5[%dma_start3A_787, %dma_start3A_793] : memref<3x32xi32, #tpu.memory_space<vmem>> -> memref<1x32xi32, #tpu.memory_space<vmem>>
    %dma_start3A_795 = tpu.memref_squeeze %dma_start3A_794 : memref<1x32xi32, #tpu.memory_space<vmem>> -> memref<32xi32, #tpu.memory_space<vmem>>
    %dma_start3A_796 = arith.constant 0 : i32
    %dma_start3A_797 = arith.constant 0 : i32
    %dma_start3A_798 = tpu.memref_slice %arg2[%dma_start3A_796, %dma_start3A_797] : memref<4096x1024xf32, #tpu.memory_space<hbm>> -> memref<4096x1024xf32, #tpu.memory_space<hbm>>
    tpu.enqueue_indirect_dma source(%dma_start3A_798 : memref<4096x1024xf32, #tpu.memory_space<hbm>>) target(%dma_start3A_792 : memref<32x1024xf32, #tpu.memory_space<vmem>>) offsets(%dma_start3A_795 : memref<32xi32, #tpu.memory_space<vmem>>) semaphore(%arg12 : memref<!tpu.dma_semaphore, #tpu.memory_space<semaphore_mem>>)
    %dma_wait3A_799 = arith.constant 2 : i32
    %dma_wait3A_800 = arith.constant 2 : i32
    %dma_wait3A_801 = arith.constant 0 : i32
    %dma_wait3A_802 = arith.constant 0 : i32
    %dma_wait3A_803 = tpu.memref_slice %arg6[%dma_wait3A_800, %dma_wait3A_801, %dma_wait3A_802] : memref<3x32x1024xf32, #tpu.memory_space<vmem>> -> memref<1x32x1024xf32, #tpu.memory_space<vmem>>
    %dma_wait3A_804 = tpu.memref_squeeze %dma_wait3A_803 : memref<1x32x1024xf32, #tpu.memory_space<vmem>> -> memref<32x1024xf32, #tpu.memory_space<vmem>>
    %dma_wait3A_805 = arith.constant 0 : i32
    %dma_wait3A_806 = tpu.memref_slice %arg5[%dma_wait3A_799, %dma_wait3A_805] : memref<3x32xi32, #tpu.memory_space<vmem>> -> memref<1x32xi32, #tpu.memory_space<vmem>>
    %dma_wait3A_807 = tpu.memref_squeeze %dma_wait3A_806 : memref<1x32xi32, #tpu.memory_space<vmem>> -> memref<32xi32, #tpu.memory_space<vmem>>
    %dma_wait3A_808 = arith.constant 0 : i32
    %dma_wait3A_809 = arith.constant 0 : i32
    %dma_wait3A_810 = tpu.memref_slice %arg2[%dma_wait3A_808, %dma_wait3A_809] : memref<4096x1024xf32, #tpu.memory_space<hbm>> -> memref<4096x1024xf32, #tpu.memory_space<hbm>>
    tpu.wait_indirect_dma semaphore(%arg12 : memref<!tpu.dma_semaphore, #tpu.memory_space<semaphore_mem>>) src(%dma_wait3A_810 : memref<4096x1024xf32, #tpu.memory_space<hbm>>) dst(%dma_wait3A_804 : memref<32x1024xf32, #tpu.memory_space<vmem>>)
    %add3A_811 = arith.constant 352 : i32
    %add3A_812 = arith.addi %mul3A_2, %add3A_811 : i32
    %dma_start3A_813 = arith.constant 2 : i32
    %dma_start3A_814 = arith.constant 0 : i32
    %dma_start3A_815 = arith.constant 0 : i32
    %dma_start3A_816 = tpu.memref_slice %arg6[%dma_start3A_813, %dma_start3A_814, %dma_start3A_815] : memref<3x32x1024xf32, #tpu.memory_space<vmem>> -> memref<1x32x1024xf32, #tpu.memory_space<vmem>>
    %dma_start3A_817 = tpu.memref_squeeze %dma_start3A_816 : memref<1x32x1024xf32, #tpu.memory_space<vmem>> -> memref<32x1024xf32, #tpu.memory_space<vmem>>
    %dma_start3A_818 = arith.constant 0 : i32
    %dma_start3A_819 = tpu.memref_slice %arg4[%add3A_812, %dma_start3A_818] : memref<12288x1024xf32, #tpu.memory_space<hbm>> -> memref<32x1024xf32, #tpu.memory_space<hbm>>
    %dma_start3A_820 = arith.constant 0 : i32
    %dma_start3A_821 = tpu.memref_slice %arg4[%add3A_812, %dma_start3A_820] : memref<12288x1024xf32, #tpu.memory_space<hbm>> -> memref<32x1024xf32, #tpu.memory_space<hbm>>
    %dma_start3A_822 = arith.constant 0 : i32
    %dma_start3A_823 = arith.constant 0 : i32
    %dma_start3A_824 = tpu.memref_slice %arg6[%dma_start3A_813, %dma_start3A_822, %dma_start3A_823] : memref<3x32x1024xf32, #tpu.memory_space<vmem>> -> memref<1x32x1024xf32, #tpu.memory_space<vmem>>
    %dma_start3A_825 = tpu.memref_squeeze %dma_start3A_824 : memref<1x32x1024xf32, #tpu.memory_space<vmem>> -> memref<32x1024xf32, #tpu.memory_space<vmem>>
    tpu.enqueue_dma source(%dma_start3A_825 : memref<32x1024xf32, #tpu.memory_space<vmem>>) target(%dma_start3A_821 : memref<32x1024xf32, #tpu.memory_space<hbm>>) target_semaphore(%arg15 : memref<!tpu.dma_semaphore, #tpu.memory_space<semaphore_mem>>)
    %dma_wait3A_826 = arith.constant 0 : i32
    %dma_wait3A_827 = arith.constant 0 : i32
    %dma_wait3A_828 = arith.constant 0 : i32
    %dma_wait3A_829 = tpu.memref_slice %arg6[%dma_wait3A_826, %dma_wait3A_827, %dma_wait3A_828] : memref<3x32x1024xf32, #tpu.memory_space<vmem>> -> memref<1x32x1024xf32, #tpu.memory_space<vmem>>
    %dma_wait3A_830 = tpu.memref_squeeze %dma_wait3A_829 : memref<1x32x1024xf32, #tpu.memory_space<vmem>> -> memref<32x1024xf32, #tpu.memory_space<vmem>>
    %dma_wait3A_831 = arith.constant 0 : i32
    %dma_wait3A_832 = tpu.memref_slice %arg4[%add3A_716, %dma_wait3A_831] : memref<12288x1024xf32, #tpu.memory_space<hbm>> -> memref<32x1024xf32, #tpu.memory_space<hbm>>
    %dma_wait3A_833 = arith.constant 0 : i32
    %dma_wait3A_834 = tpu.memref_slice %arg4[%add3A_716, %dma_wait3A_833] : memref<12288x1024xf32, #tpu.memory_space<hbm>> -> memref<32x1024xf32, #tpu.memory_space<hbm>>
    %dma_wait3A_835 = arith.constant 0 : i32
    %dma_wait3A_836 = arith.constant 0 : i32
    %dma_wait3A_837 = tpu.memref_slice %arg6[%dma_wait3A_826, %dma_wait3A_835, %dma_wait3A_836] : memref<3x32x1024xf32, #tpu.memory_space<vmem>> -> memref<1x32x1024xf32, #tpu.memory_space<vmem>>
    %dma_wait3A_838 = tpu.memref_squeeze %dma_wait3A_837 : memref<1x32x1024xf32, #tpu.memory_space<vmem>> -> memref<32x1024xf32, #tpu.memory_space<vmem>>
    tpu.wait_dma2 semaphore(%arg13 : memref<!tpu.dma_semaphore, #tpu.memory_space<semaphore_mem>>) src(%dma_wait3A_838 : memref<32x1024xf32, #tpu.memory_space<vmem>>) dst(%dma_wait3A_834 : memref<32x1024xf32, #tpu.memory_space<hbm>>)
    %dma_wait3A_839 = arith.constant 1 : i32
    %dma_wait3A_840 = arith.constant 0 : i32
    %dma_wait3A_841 = arith.constant 0 : i32
    %dma_wait3A_842 = tpu.memref_slice %arg6[%dma_wait3A_839, %dma_wait3A_840, %dma_wait3A_841] : memref<3x32x1024xf32, #tpu.memory_space<vmem>> -> memref<1x32x1024xf32, #tpu.memory_space<vmem>>
    %dma_wait3A_843 = tpu.memref_squeeze %dma_wait3A_842 : memref<1x32x1024xf32, #tpu.memory_space<vmem>> -> memref<32x1024xf32, #tpu.memory_space<vmem>>
    %dma_wait3A_844 = arith.constant 0 : i32
    %dma_wait3A_845 = tpu.memref_slice %arg4[%add3A_764, %dma_wait3A_844] : memref<12288x1024xf32, #tpu.memory_space<hbm>> -> memref<32x1024xf32, #tpu.memory_space<hbm>>
    %dma_wait3A_846 = arith.constant 0 : i32
    %dma_wait3A_847 = tpu.memref_slice %arg4[%add3A_764, %dma_wait3A_846] : memref<12288x1024xf32, #tpu.memory_space<hbm>> -> memref<32x1024xf32, #tpu.memory_space<hbm>>
    %dma_wait3A_848 = arith.constant 0 : i32
    %dma_wait3A_849 = arith.constant 0 : i32
    %dma_wait3A_850 = tpu.memref_slice %arg6[%dma_wait3A_839, %dma_wait3A_848, %dma_wait3A_849] : memref<3x32x1024xf32, #tpu.memory_space<vmem>> -> memref<1x32x1024xf32, #tpu.memory_space<vmem>>
    %dma_wait3A_851 = tpu.memref_squeeze %dma_wait3A_850 : memref<1x32x1024xf32, #tpu.memory_space<vmem>> -> memref<32x1024xf32, #tpu.memory_space<vmem>>
    tpu.wait_dma2 semaphore(%arg14 : memref<!tpu.dma_semaphore, #tpu.memory_space<semaphore_mem>>) src(%dma_wait3A_851 : memref<32x1024xf32, #tpu.memory_space<vmem>>) dst(%dma_wait3A_847 : memref<32x1024xf32, #tpu.memory_space<hbm>>)
    %dma_wait3A_852 = arith.constant 2 : i32
    %dma_wait3A_853 = arith.constant 0 : i32
    %dma_wait3A_854 = arith.constant 0 : i32
    %dma_wait3A_855 = tpu.memref_slice %arg6[%dma_wait3A_852, %dma_wait3A_853, %dma_wait3A_854] : memref<3x32x1024xf32, #tpu.memory_space<vmem>> -> memref<1x32x1024xf32, #tpu.memory_space<vmem>>
    %dma_wait3A_856 = tpu.memref_squeeze %dma_wait3A_855 : memref<1x32x1024xf32, #tpu.memory_space<vmem>> -> memref<32x1024xf32, #tpu.memory_space<vmem>>
    %dma_wait3A_857 = arith.constant 0 : i32
    %dma_wait3A_858 = tpu.memref_slice %arg4[%add3A_812, %dma_wait3A_857] : memref<12288x1024xf32, #tpu.memory_space<hbm>> -> memref<32x1024xf32, #tpu.memory_space<hbm>>
    %dma_wait3A_859 = arith.constant 0 : i32
    %dma_wait3A_860 = tpu.memref_slice %arg4[%add3A_812, %dma_wait3A_859] : memref<12288x1024xf32, #tpu.memory_space<hbm>> -> memref<32x1024xf32, #tpu.memory_space<hbm>>
    %dma_wait3A_861 = arith.constant 0 : i32
    %dma_wait3A_862 = arith.constant 0 : i32
    %dma_wait3A_863 = tpu.memref_slice %arg6[%dma_wait3A_852, %dma_wait3A_861, %dma_wait3A_862] : memref<3x32x1024xf32, #tpu.memory_space<vmem>> -> memref<1x32x1024xf32, #tpu.memory_space<vmem>>
    %dma_wait3A_864 = tpu.memref_squeeze %dma_wait3A_863 : memref<1x32x1024xf32, #tpu.memory_space<vmem>> -> memref<32x1024xf32, #tpu.memory_space<vmem>>
    tpu.wait_dma2 semaphore(%arg15 : memref<!tpu.dma_semaphore, #tpu.memory_space<semaphore_mem>>) src(%dma_wait3A_864 : memref<32x1024xf32, #tpu.memory_space<vmem>>) dst(%dma_wait3A_860 : memref<32x1024xf32, #tpu.memory_space<hbm>>)
    return
  }
}

#map = affine_map<(d0, d1) -> (0, 0)>
#map1 = affine_map<(d0, d1) -> (0)>
module attributes {stable_mosaic.version = 14 : i64} {
  func.func @gk(%arg0: i32, %arg1: i32, %arg2: memref<12288x1024xf32, #tpu.memory_space<hbm>>, %arg3: memref<8192xi32, #tpu.memory_space<hbm>>, %arg4: memref<8192x1024xf32, #tpu.memory_space<hbm>>, %arg5: memref<3x32xi32, #tpu.memory_space<vmem>>, %arg6: memref<3x32x1024xf32, #tpu.memory_space<vmem>>, %arg7: memref<!tpu.dma_semaphore, #tpu.memory_space<semaphore_mem>>, %arg8: memref<!tpu.dma_semaphore, #tpu.memory_space<semaphore_mem>>, %arg9: memref<!tpu.dma_semaphore, #tpu.memory_space<semaphore_mem>>, %arg10: memref<!tpu.dma_semaphore, #tpu.memory_space<semaphore_mem>>, %arg11: memref<!tpu.dma_semaphore, #tpu.memory_space<semaphore_mem>>, %arg12: memref<!tpu.dma_semaphore, #tpu.memory_space<semaphore_mem>>, %arg13: memref<!tpu.dma_semaphore, #tpu.memory_space<semaphore_mem>>, %arg14: memref<!tpu.dma_semaphore, #tpu.memory_space<semaphore_mem>>, %arg15: memref<!tpu.dma_semaphore, #tpu.memory_space<semaphore_mem>>) attributes {dimension_semantics = [#tpu.dimension_semantics<core_parallel>, #tpu.dimension_semantics<subcore_parallel>], iteration_bounds = array<i64: 2, 16>, scalar_prefetch = 0 : i64, scratch_operands = 11 : i64, tpu.core_type = #tpu.core_type<sc_vector_subcore>, window_params = [{transform_indices = #map}, {transform_indices = #map1}, {transform_indices = #map}]} {
    %mul3A = arith.constant 2 : i32
    %mul3A_0 = arith.muli %arg1, %mul3A : i32
    %add3A = arith.addi %mul3A_0, %arg0 : i32
    %mul3A_1 = arith.constant 256 : i32
    %mul3A_2 = arith.muli %add3A, %mul3A_1 : i32
    %add3A_3 = arith.constant 0 : i32
    %add3A_4 = arith.addi %mul3A_2, %add3A_3 : i32
    %dma_start3A = arith.constant 0 : i32
    %dma_start3A_5 = arith.constant 0 : i32
    %dma_start3A_6 = tpu.memref_slice %arg5[%dma_start3A, %dma_start3A_5] : memref<3x32xi32, #tpu.memory_space<vmem>> -> memref<1x32xi32, #tpu.memory_space<vmem>>
    %dma_start3A_7 = tpu.memref_squeeze %dma_start3A_6 : memref<1x32xi32, #tpu.memory_space<vmem>> -> memref<32xi32, #tpu.memory_space<vmem>>
    %dma_start3A_8 = tpu.memref_slice %arg3[%add3A_4] : memref<8192xi32, #tpu.memory_space<hbm>> -> memref<32xi32, #tpu.memory_space<hbm>>
    %dma_start3A_9 = arith.constant 0 : i32
    %dma_start3A_10 = tpu.memref_slice %arg5[%dma_start3A, %dma_start3A_9] : memref<3x32xi32, #tpu.memory_space<vmem>> -> memref<1x32xi32, #tpu.memory_space<vmem>>
    %dma_start3A_11 = tpu.memref_squeeze %dma_start3A_10 : memref<1x32xi32, #tpu.memory_space<vmem>> -> memref<32xi32, #tpu.memory_space<vmem>>
    %dma_start3A_12 = tpu.memref_slice %arg3[%add3A_4] : memref<8192xi32, #tpu.memory_space<hbm>> -> memref<32xi32, #tpu.memory_space<hbm>>
    tpu.enqueue_dma source(%dma_start3A_12 : memref<32xi32, #tpu.memory_space<hbm>>) target(%dma_start3A_11 : memref<32xi32, #tpu.memory_space<vmem>>) target_semaphore(%arg7 : memref<!tpu.dma_semaphore, #tpu.memory_space<semaphore_mem>>)
    %add3A_13 = arith.constant 32 : i32
    %add3A_14 = arith.addi %mul3A_2, %add3A_13 : i32
    %dma_start3A_15 = arith.constant 1 : i32
    %dma_start3A_16 = arith.constant 0 : i32
    %dma_start3A_17 = tpu.memref_slice %arg5[%dma_start3A_15, %dma_start3A_16] : memref<3x32xi32, #tpu.memory_space<vmem>> -> memref<1x32xi32, #tpu.memory_space<vmem>>
    %dma_start3A_18 = tpu.memref_squeeze %dma_start3A_17 : memref<1x32xi32, #tpu.memory_space<vmem>> -> memref<32xi32, #tpu.memory_space<vmem>>
    %dma_start3A_19 = tpu.memref_slice %arg3[%add3A_14] : memref<8192xi32, #tpu.memory_space<hbm>> -> memref<32xi32, #tpu.memory_space<hbm>>
    %dma_start3A_20 = arith.constant 0 : i32
    %dma_start3A_21 = tpu.memref_slice %arg5[%dma_start3A_15, %dma_start3A_20] : memref<3x32xi32, #tpu.memory_space<vmem>> -> memref<1x32xi32, #tpu.memory_space<vmem>>
    %dma_start3A_22 = tpu.memref_squeeze %dma_start3A_21 : memref<1x32xi32, #tpu.memory_space<vmem>> -> memref<32xi32, #tpu.memory_space<vmem>>
    %dma_start3A_23 = tpu.memref_slice %arg3[%add3A_14] : memref<8192xi32, #tpu.memory_space<hbm>> -> memref<32xi32, #tpu.memory_space<hbm>>
    tpu.enqueue_dma source(%dma_start3A_23 : memref<32xi32, #tpu.memory_space<hbm>>) target(%dma_start3A_22 : memref<32xi32, #tpu.memory_space<vmem>>) target_semaphore(%arg8 : memref<!tpu.dma_semaphore, #tpu.memory_space<semaphore_mem>>)
    %dma_wait3A = arith.constant 0 : i32
    %dma_wait3A_24 = arith.constant 0 : i32
    %dma_wait3A_25 = tpu.memref_slice %arg5[%dma_wait3A, %dma_wait3A_24] : memref<3x32xi32, #tpu.memory_space<vmem>> -> memref<1x32xi32, #tpu.memory_space<vmem>>
    %dma_wait3A_26 = tpu.memref_squeeze %dma_wait3A_25 : memref<1x32xi32, #tpu.memory_space<vmem>> -> memref<32xi32, #tpu.memory_space<vmem>>
    %dma_wait3A_27 = tpu.memref_slice %arg3[%add3A_4] : memref<8192xi32, #tpu.memory_space<hbm>> -> memref<32xi32, #tpu.memory_space<hbm>>
    %dma_wait3A_28 = arith.constant 0 : i32
    %dma_wait3A_29 = tpu.memref_slice %arg5[%dma_wait3A, %dma_wait3A_28] : memref<3x32xi32, #tpu.memory_space<vmem>> -> memref<1x32xi32, #tpu.memory_space<vmem>>
    %dma_wait3A_30 = tpu.memref_squeeze %dma_wait3A_29 : memref<1x32xi32, #tpu.memory_space<vmem>> -> memref<32xi32, #tpu.memory_space<vmem>>
    %dma_wait3A_31 = tpu.memref_slice %arg3[%add3A_4] : memref<8192xi32, #tpu.memory_space<hbm>> -> memref<32xi32, #tpu.memory_space<hbm>>
    tpu.wait_dma2 semaphore(%arg7 : memref<!tpu.dma_semaphore, #tpu.memory_space<semaphore_mem>>) src(%dma_wait3A_31 : memref<32xi32, #tpu.memory_space<hbm>>) dst(%dma_wait3A_30 : memref<32xi32, #tpu.memory_space<vmem>>)
    %dma_start3A_32 = arith.constant 0 : i32
    %dma_start3A_33 = arith.constant 0 : i32
    %dma_start3A_34 = arith.constant 0 : i32
    %dma_start3A_35 = arith.constant 0 : i32
    %dma_start3A_36 = tpu.memref_slice %arg6[%dma_start3A_33, %dma_start3A_34, %dma_start3A_35] : memref<3x32x1024xf32, #tpu.memory_space<vmem>> -> memref<1x32x1024xf32, #tpu.memory_space<vmem>>
    %dma_start3A_37 = tpu.memref_squeeze %dma_start3A_36 : memref<1x32x1024xf32, #tpu.memory_space<vmem>> -> memref<32x1024xf32, #tpu.memory_space<vmem>>
    %dma_start3A_38 = arith.constant 0 : i32
    %dma_start3A_39 = tpu.memref_slice %arg5[%dma_start3A_32, %dma_start3A_38] : memref<3x32xi32, #tpu.memory_space<vmem>> -> memref<1x32xi32, #tpu.memory_space<vmem>>
    %dma_start3A_40 = tpu.memref_squeeze %dma_start3A_39 : memref<1x32xi32, #tpu.memory_space<vmem>> -> memref<32xi32, #tpu.memory_space<vmem>>
    %dma_start3A_41 = arith.constant 0 : i32
    %dma_start3A_42 = arith.constant 0 : i32
    %dma_start3A_43 = tpu.memref_slice %arg2[%dma_start3A_41, %dma_start3A_42] : memref<12288x1024xf32, #tpu.memory_space<hbm>> -> memref<12288x1024xf32, #tpu.memory_space<hbm>>
    tpu.enqueue_indirect_dma source(%dma_start3A_43 : memref<12288x1024xf32, #tpu.memory_space<hbm>>) target(%dma_start3A_37 : memref<32x1024xf32, #tpu.memory_space<vmem>>) offsets(%dma_start3A_40 : memref<32xi32, #tpu.memory_space<vmem>>) semaphore(%arg10 : memref<!tpu.dma_semaphore, #tpu.memory_space<semaphore_mem>>)
    %add3A_44 = arith.constant 64 : i32
    %add3A_45 = arith.addi %mul3A_2, %add3A_44 : i32
    %dma_start3A_46 = arith.constant 2 : i32
    %dma_start3A_47 = arith.constant 0 : i32
    %dma_start3A_48 = tpu.memref_slice %arg5[%dma_start3A_46, %dma_start3A_47] : memref<3x32xi32, #tpu.memory_space<vmem>> -> memref<1x32xi32, #tpu.memory_space<vmem>>
    %dma_start3A_49 = tpu.memref_squeeze %dma_start3A_48 : memref<1x32xi32, #tpu.memory_space<vmem>> -> memref<32xi32, #tpu.memory_space<vmem>>
    %dma_start3A_50 = tpu.memref_slice %arg3[%add3A_45] : memref<8192xi32, #tpu.memory_space<hbm>> -> memref<32xi32, #tpu.memory_space<hbm>>
    %dma_start3A_51 = arith.constant 0 : i32
    %dma_start3A_52 = tpu.memref_slice %arg5[%dma_start3A_46, %dma_start3A_51] : memref<3x32xi32, #tpu.memory_space<vmem>> -> memref<1x32xi32, #tpu.memory_space<vmem>>
    %dma_start3A_53 = tpu.memref_squeeze %dma_start3A_52 : memref<1x32xi32, #tpu.memory_space<vmem>> -> memref<32xi32, #tpu.memory_space<vmem>>
    %dma_start3A_54 = tpu.memref_slice %arg3[%add3A_45] : memref<8192xi32, #tpu.memory_space<hbm>> -> memref<32xi32, #tpu.memory_space<hbm>>
    tpu.enqueue_dma source(%dma_start3A_54 : memref<32xi32, #tpu.memory_space<hbm>>) target(%dma_start3A_53 : memref<32xi32, #tpu.memory_space<vmem>>) target_semaphore(%arg9 : memref<!tpu.dma_semaphore, #tpu.memory_space<semaphore_mem>>)
    %dma_wait3A_55 = arith.constant 0 : i32
    %dma_wait3A_56 = arith.constant 0 : i32
    %dma_wait3A_57 = arith.constant 0 : i32
    %dma_wait3A_58 = arith.constant 0 : i32
    %dma_wait3A_59 = tpu.memref_slice %arg6[%dma_wait3A_56, %dma_wait3A_57, %dma_wait3A_58] : memref<3x32x1024xf32, #tpu.memory_space<vmem>> -> memref<1x32x1024xf32, #tpu.memory_space<vmem>>
    %dma_wait3A_60 = tpu.memref_squeeze %dma_wait3A_59 : memref<1x32x1024xf32, #tpu.memory_space<vmem>> -> memref<32x1024xf32, #tpu.memory_space<vmem>>
    %dma_wait3A_61 = arith.constant 0 : i32
    %dma_wait3A_62 = tpu.memref_slice %arg5[%dma_wait3A_55, %dma_wait3A_61] : memref<3x32xi32, #tpu.memory_space<vmem>> -> memref<1x32xi32, #tpu.memory_space<vmem>>
    %dma_wait3A_63 = tpu.memref_squeeze %dma_wait3A_62 : memref<1x32xi32, #tpu.memory_space<vmem>> -> memref<32xi32, #tpu.memory_space<vmem>>
    %dma_wait3A_64 = arith.constant 0 : i32
    %dma_wait3A_65 = arith.constant 0 : i32
    %dma_wait3A_66 = tpu.memref_slice %arg2[%dma_wait3A_64, %dma_wait3A_65] : memref<12288x1024xf32, #tpu.memory_space<hbm>> -> memref<12288x1024xf32, #tpu.memory_space<hbm>>
    tpu.wait_indirect_dma semaphore(%arg10 : memref<!tpu.dma_semaphore, #tpu.memory_space<semaphore_mem>>) src(%dma_wait3A_66 : memref<12288x1024xf32, #tpu.memory_space<hbm>>) dst(%dma_wait3A_60 : memref<32x1024xf32, #tpu.memory_space<vmem>>)
    %add3A_67 = arith.constant 0 : i32
    %add3A_68 = arith.addi %mul3A_2, %add3A_67 : i32
    %dma_start3A_69 = arith.constant 0 : i32
    %dma_start3A_70 = arith.constant 0 : i32
    %dma_start3A_71 = arith.constant 0 : i32
    %dma_start3A_72 = tpu.memref_slice %arg6[%dma_start3A_69, %dma_start3A_70, %dma_start3A_71] : memref<3x32x1024xf32, #tpu.memory_space<vmem>> -> memref<1x32x1024xf32, #tpu.memory_space<vmem>>
    %dma_start3A_73 = tpu.memref_squeeze %dma_start3A_72 : memref<1x32x1024xf32, #tpu.memory_space<vmem>> -> memref<32x1024xf32, #tpu.memory_space<vmem>>
    %dma_start3A_74 = arith.constant 0 : i32
    %dma_start3A_75 = tpu.memref_slice %arg4[%add3A_68, %dma_start3A_74] : memref<8192x1024xf32, #tpu.memory_space<hbm>> -> memref<32x1024xf32, #tpu.memory_space<hbm>>
    %dma_start3A_76 = arith.constant 0 : i32
    %dma_start3A_77 = tpu.memref_slice %arg4[%add3A_68, %dma_start3A_76] : memref<8192x1024xf32, #tpu.memory_space<hbm>> -> memref<32x1024xf32, #tpu.memory_space<hbm>>
    %dma_start3A_78 = arith.constant 0 : i32
    %dma_start3A_79 = arith.constant 0 : i32
    %dma_start3A_80 = tpu.memref_slice %arg6[%dma_start3A_69, %dma_start3A_78, %dma_start3A_79] : memref<3x32x1024xf32, #tpu.memory_space<vmem>> -> memref<1x32x1024xf32, #tpu.memory_space<vmem>>
    %dma_start3A_81 = tpu.memref_squeeze %dma_start3A_80 : memref<1x32x1024xf32, #tpu.memory_space<vmem>> -> memref<32x1024xf32, #tpu.memory_space<vmem>>
    tpu.enqueue_dma source(%dma_start3A_81 : memref<32x1024xf32, #tpu.memory_space<vmem>>) target(%dma_start3A_77 : memref<32x1024xf32, #tpu.memory_space<hbm>>) target_semaphore(%arg13 : memref<!tpu.dma_semaphore, #tpu.memory_space<semaphore_mem>>)
    %dma_wait3A_82 = arith.constant 1 : i32
    %dma_wait3A_83 = arith.constant 0 : i32
    %dma_wait3A_84 = tpu.memref_slice %arg5[%dma_wait3A_82, %dma_wait3A_83] : memref<3x32xi32, #tpu.memory_space<vmem>> -> memref<1x32xi32, #tpu.memory_space<vmem>>
    %dma_wait3A_85 = tpu.memref_squeeze %dma_wait3A_84 : memref<1x32xi32, #tpu.memory_space<vmem>> -> memref<32xi32, #tpu.memory_space<vmem>>
    %dma_wait3A_86 = tpu.memref_slice %arg3[%add3A_14] : memref<8192xi32, #tpu.memory_space<hbm>> -> memref<32xi32, #tpu.memory_space<hbm>>
    %dma_wait3A_87 = arith.constant 0 : i32
    %dma_wait3A_88 = tpu.memref_slice %arg5[%dma_wait3A_82, %dma_wait3A_87] : memref<3x32xi32, #tpu.memory_space<vmem>> -> memref<1x32xi32, #tpu.memory_space<vmem>>
    %dma_wait3A_89 = tpu.memref_squeeze %dma_wait3A_88 : memref<1x32xi32, #tpu.memory_space<vmem>> -> memref<32xi32, #tpu.memory_space<vmem>>
    %dma_wait3A_90 = tpu.memref_slice %arg3[%add3A_14] : memref<8192xi32, #tpu.memory_space<hbm>> -> memref<32xi32, #tpu.memory_space<hbm>>
    tpu.wait_dma2 semaphore(%arg8 : memref<!tpu.dma_semaphore, #tpu.memory_space<semaphore_mem>>) src(%dma_wait3A_90 : memref<32xi32, #tpu.memory_space<hbm>>) dst(%dma_wait3A_89 : memref<32xi32, #tpu.memory_space<vmem>>)
    %dma_start3A_91 = arith.constant 1 : i32
    %dma_start3A_92 = arith.constant 1 : i32
    %dma_start3A_93 = arith.constant 0 : i32
    %dma_start3A_94 = arith.constant 0 : i32
    %dma_start3A_95 = tpu.memref_slice %arg6[%dma_start3A_92, %dma_start3A_93, %dma_start3A_94] : memref<3x32x1024xf32, #tpu.memory_space<vmem>> -> memref<1x32x1024xf32, #tpu.memory_space<vmem>>
    %dma_start3A_96 = tpu.memref_squeeze %dma_start3A_95 : memref<1x32x1024xf32, #tpu.memory_space<vmem>> -> memref<32x1024xf32, #tpu.memory_space<vmem>>
    %dma_start3A_97 = arith.constant 0 : i32
    %dma_start3A_98 = tpu.memref_slice %arg5[%dma_start3A_91, %dma_start3A_97] : memref<3x32xi32, #tpu.memory_space<vmem>> -> memref<1x32xi32, #tpu.memory_space<vmem>>
    %dma_start3A_99 = tpu.memref_squeeze %dma_start3A_98 : memref<1x32xi32, #tpu.memory_space<vmem>> -> memref<32xi32, #tpu.memory_space<vmem>>
    %dma_start3A_100 = arith.constant 0 : i32
    %dma_start3A_101 = arith.constant 0 : i32
    %dma_start3A_102 = tpu.memref_slice %arg2[%dma_start3A_100, %dma_start3A_101] : memref<12288x1024xf32, #tpu.memory_space<hbm>> -> memref<12288x1024xf32, #tpu.memory_space<hbm>>
    tpu.enqueue_indirect_dma source(%dma_start3A_102 : memref<12288x1024xf32, #tpu.memory_space<hbm>>) target(%dma_start3A_96 : memref<32x1024xf32, #tpu.memory_space<vmem>>) offsets(%dma_start3A_99 : memref<32xi32, #tpu.memory_space<vmem>>) semaphore(%arg11 : memref<!tpu.dma_semaphore, #tpu.memory_space<semaphore_mem>>)
    %dma_wait3A_103 = arith.constant 0 : i32
    %dma_wait3A_104 = arith.constant 0 : i32
    %dma_wait3A_105 = arith.constant 0 : i32
    %dma_wait3A_106 = tpu.memref_slice %arg6[%dma_wait3A_103, %dma_wait3A_104, %dma_wait3A_105] : memref<3x32x1024xf32, #tpu.memory_space<vmem>> -> memref<1x32x1024xf32, #tpu.memory_space<vmem>>
    %dma_wait3A_107 = tpu.memref_squeeze %dma_wait3A_106 : memref<1x32x1024xf32, #tpu.memory_space<vmem>> -> memref<32x1024xf32, #tpu.memory_space<vmem>>
    %dma_wait3A_108 = arith.constant 0 : i32
    %dma_wait3A_109 = tpu.memref_slice %arg4[%add3A_68, %dma_wait3A_108] : memref<8192x1024xf32, #tpu.memory_space<hbm>> -> memref<32x1024xf32, #tpu.memory_space<hbm>>
    %dma_wait3A_110 = arith.constant 0 : i32
    %dma_wait3A_111 = tpu.memref_slice %arg4[%add3A_68, %dma_wait3A_110] : memref<8192x1024xf32, #tpu.memory_space<hbm>> -> memref<32x1024xf32, #tpu.memory_space<hbm>>
    %dma_wait3A_112 = arith.constant 0 : i32
    %dma_wait3A_113 = arith.constant 0 : i32
    %dma_wait3A_114 = tpu.memref_slice %arg6[%dma_wait3A_103, %dma_wait3A_112, %dma_wait3A_113] : memref<3x32x1024xf32, #tpu.memory_space<vmem>> -> memref<1x32x1024xf32, #tpu.memory_space<vmem>>
    %dma_wait3A_115 = tpu.memref_squeeze %dma_wait3A_114 : memref<1x32x1024xf32, #tpu.memory_space<vmem>> -> memref<32x1024xf32, #tpu.memory_space<vmem>>
    tpu.wait_dma2 semaphore(%arg13 : memref<!tpu.dma_semaphore, #tpu.memory_space<semaphore_mem>>) src(%dma_wait3A_115 : memref<32x1024xf32, #tpu.memory_space<vmem>>) dst(%dma_wait3A_111 : memref<32x1024xf32, #tpu.memory_space<hbm>>)
    %add3A_116 = arith.constant 96 : i32
    %add3A_117 = arith.addi %mul3A_2, %add3A_116 : i32
    %dma_start3A_118 = arith.constant 0 : i32
    %dma_start3A_119 = arith.constant 0 : i32
    %dma_start3A_120 = tpu.memref_slice %arg5[%dma_start3A_118, %dma_start3A_119] : memref<3x32xi32, #tpu.memory_space<vmem>> -> memref<1x32xi32, #tpu.memory_space<vmem>>
    %dma_start3A_121 = tpu.memref_squeeze %dma_start3A_120 : memref<1x32xi32, #tpu.memory_space<vmem>> -> memref<32xi32, #tpu.memory_space<vmem>>
    %dma_start3A_122 = tpu.memref_slice %arg3[%add3A_117] : memref<8192xi32, #tpu.memory_space<hbm>> -> memref<32xi32, #tpu.memory_space<hbm>>
    %dma_start3A_123 = arith.constant 0 : i32
    %dma_start3A_124 = tpu.memref_slice %arg5[%dma_start3A_118, %dma_start3A_123] : memref<3x32xi32, #tpu.memory_space<vmem>> -> memref<1x32xi32, #tpu.memory_space<vmem>>
    %dma_start3A_125 = tpu.memref_squeeze %dma_start3A_124 : memref<1x32xi32, #tpu.memory_space<vmem>> -> memref<32xi32, #tpu.memory_space<vmem>>
    %dma_start3A_126 = tpu.memref_slice %arg3[%add3A_117] : memref<8192xi32, #tpu.memory_space<hbm>> -> memref<32xi32, #tpu.memory_space<hbm>>
    tpu.enqueue_dma source(%dma_start3A_126 : memref<32xi32, #tpu.memory_space<hbm>>) target(%dma_start3A_125 : memref<32xi32, #tpu.memory_space<vmem>>) target_semaphore(%arg7 : memref<!tpu.dma_semaphore, #tpu.memory_space<semaphore_mem>>)
    %dma_wait3A_127 = arith.constant 1 : i32
    %dma_wait3A_128 = arith.constant 1 : i32
    %dma_wait3A_129 = arith.constant 0 : i32
    %dma_wait3A_130 = arith.constant 0 : i32
    %dma_wait3A_131 = tpu.memref_slice %arg6[%dma_wait3A_128, %dma_wait3A_129, %dma_wait3A_130] : memref<3x32x1024xf32, #tpu.memory_space<vmem>> -> memref<1x32x1024xf32, #tpu.memory_space<vmem>>
    %dma_wait3A_132 = tpu.memref_squeeze %dma_wait3A_131 : memref<1x32x1024xf32, #tpu.memory_space<vmem>> -> memref<32x1024xf32, #tpu.memory_space<vmem>>
    %dma_wait3A_133 = arith.constant 0 : i32
    %dma_wait3A_134 = tpu.memref_slice %arg5[%dma_wait3A_127, %dma_wait3A_133] : memref<3x32xi32, #tpu.memory_space<vmem>> -> memref<1x32xi32, #tpu.memory_space<vmem>>
    %dma_wait3A_135 = tpu.memref_squeeze %dma_wait3A_134 : memref<1x32xi32, #tpu.memory_space<vmem>> -> memref<32xi32, #tpu.memory_space<vmem>>
    %dma_wait3A_136 = arith.constant 0 : i32
    %dma_wait3A_137 = arith.constant 0 : i32
    %dma_wait3A_138 = tpu.memref_slice %arg2[%dma_wait3A_136, %dma_wait3A_137] : memref<12288x1024xf32, #tpu.memory_space<hbm>> -> memref<12288x1024xf32, #tpu.memory_space<hbm>>
    tpu.wait_indirect_dma semaphore(%arg11 : memref<!tpu.dma_semaphore, #tpu.memory_space<semaphore_mem>>) src(%dma_wait3A_138 : memref<12288x1024xf32, #tpu.memory_space<hbm>>) dst(%dma_wait3A_132 : memref<32x1024xf32, #tpu.memory_space<vmem>>)
    %add3A_139 = arith.constant 32 : i32
    %add3A_140 = arith.addi %mul3A_2, %add3A_139 : i32
    %dma_start3A_141 = arith.constant 1 : i32
    %dma_start3A_142 = arith.constant 0 : i32
    %dma_start3A_143 = arith.constant 0 : i32
    %dma_start3A_144 = tpu.memref_slice %arg6[%dma_start3A_141, %dma_start3A_142, %dma_start3A_143] : memref<3x32x1024xf32, #tpu.memory_space<vmem>> -> memref<1x32x1024xf32, #tpu.memory_space<vmem>>
    %dma_start3A_145 = tpu.memref_squeeze %dma_start3A_144 : memref<1x32x1024xf32, #tpu.memory_space<vmem>> -> memref<32x1024xf32, #tpu.memory_space<vmem>>
    %dma_start3A_146 = arith.constant 0 : i32
    %dma_start3A_147 = tpu.memref_slice %arg4[%add3A_140, %dma_start3A_146] : memref<8192x1024xf32, #tpu.memory_space<hbm>> -> memref<32x1024xf32, #tpu.memory_space<hbm>>
    %dma_start3A_148 = arith.constant 0 : i32
    %dma_start3A_149 = tpu.memref_slice %arg4[%add3A_140, %dma_start3A_148] : memref<8192x1024xf32, #tpu.memory_space<hbm>> -> memref<32x1024xf32, #tpu.memory_space<hbm>>
    %dma_start3A_150 = arith.constant 0 : i32
    %dma_start3A_151 = arith.constant 0 : i32
    %dma_start3A_152 = tpu.memref_slice %arg6[%dma_start3A_141, %dma_start3A_150, %dma_start3A_151] : memref<3x32x1024xf32, #tpu.memory_space<vmem>> -> memref<1x32x1024xf32, #tpu.memory_space<vmem>>
    %dma_start3A_153 = tpu.memref_squeeze %dma_start3A_152 : memref<1x32x1024xf32, #tpu.memory_space<vmem>> -> memref<32x1024xf32, #tpu.memory_space<vmem>>
    tpu.enqueue_dma source(%dma_start3A_153 : memref<32x1024xf32, #tpu.memory_space<vmem>>) target(%dma_start3A_149 : memref<32x1024xf32, #tpu.memory_space<hbm>>) target_semaphore(%arg14 : memref<!tpu.dma_semaphore, #tpu.memory_space<semaphore_mem>>)
    %dma_wait3A_154 = arith.constant 2 : i32
    %dma_wait3A_155 = arith.constant 0 : i32
    %dma_wait3A_156 = tpu.memref_slice %arg5[%dma_wait3A_154, %dma_wait3A_155] : memref<3x32xi32, #tpu.memory_space<vmem>> -> memref<1x32xi32, #tpu.memory_space<vmem>>
    %dma_wait3A_157 = tpu.memref_squeeze %dma_wait3A_156 : memref<1x32xi32, #tpu.memory_space<vmem>> -> memref<32xi32, #tpu.memory_space<vmem>>
    %dma_wait3A_158 = tpu.memref_slice %arg3[%add3A_45] : memref<8192xi32, #tpu.memory_space<hbm>> -> memref<32xi32, #tpu.memory_space<hbm>>
    %dma_wait3A_159 = arith.constant 0 : i32
    %dma_wait3A_160 = tpu.memref_slice %arg5[%dma_wait3A_154, %dma_wait3A_159] : memref<3x32xi32, #tpu.memory_space<vmem>> -> memref<1x32xi32, #tpu.memory_space<vmem>>
    %dma_wait3A_161 = tpu.memref_squeeze %dma_wait3A_160 : memref<1x32xi32, #tpu.memory_space<vmem>> -> memref<32xi32, #tpu.memory_space<vmem>>
    %dma_wait3A_162 = tpu.memref_slice %arg3[%add3A_45] : memref<8192xi32, #tpu.memory_space<hbm>> -> memref<32xi32, #tpu.memory_space<hbm>>
    tpu.wait_dma2 semaphore(%arg9 : memref<!tpu.dma_semaphore, #tpu.memory_space<semaphore_mem>>) src(%dma_wait3A_162 : memref<32xi32, #tpu.memory_space<hbm>>) dst(%dma_wait3A_161 : memref<32xi32, #tpu.memory_space<vmem>>)
    %dma_start3A_163 = arith.constant 2 : i32
    %dma_start3A_164 = arith.constant 2 : i32
    %dma_start3A_165 = arith.constant 0 : i32
    %dma_start3A_166 = arith.constant 0 : i32
    %dma_start3A_167 = tpu.memref_slice %arg6[%dma_start3A_164, %dma_start3A_165, %dma_start3A_166] : memref<3x32x1024xf32, #tpu.memory_space<vmem>> -> memref<1x32x1024xf32, #tpu.memory_space<vmem>>
    %dma_start3A_168 = tpu.memref_squeeze %dma_start3A_167 : memref<1x32x1024xf32, #tpu.memory_space<vmem>> -> memref<32x1024xf32, #tpu.memory_space<vmem>>
    %dma_start3A_169 = arith.constant 0 : i32
    %dma_start3A_170 = tpu.memref_slice %arg5[%dma_start3A_163, %dma_start3A_169] : memref<3x32xi32, #tpu.memory_space<vmem>> -> memref<1x32xi32, #tpu.memory_space<vmem>>
    %dma_start3A_171 = tpu.memref_squeeze %dma_start3A_170 : memref<1x32xi32, #tpu.memory_space<vmem>> -> memref<32xi32, #tpu.memory_space<vmem>>
    %dma_start3A_172 = arith.constant 0 : i32
    %dma_start3A_173 = arith.constant 0 : i32
    %dma_start3A_174 = tpu.memref_slice %arg2[%dma_start3A_172, %dma_start3A_173] : memref<12288x1024xf32, #tpu.memory_space<hbm>> -> memref<12288x1024xf32, #tpu.memory_space<hbm>>
    tpu.enqueue_indirect_dma source(%dma_start3A_174 : memref<12288x1024xf32, #tpu.memory_space<hbm>>) target(%dma_start3A_168 : memref<32x1024xf32, #tpu.memory_space<vmem>>) offsets(%dma_start3A_171 : memref<32xi32, #tpu.memory_space<vmem>>) semaphore(%arg12 : memref<!tpu.dma_semaphore, #tpu.memory_space<semaphore_mem>>)
    %dma_wait3A_175 = arith.constant 1 : i32
    %dma_wait3A_176 = arith.constant 0 : i32
    %dma_wait3A_177 = arith.constant 0 : i32
    %dma_wait3A_178 = tpu.memref_slice %arg6[%dma_wait3A_175, %dma_wait3A_176, %dma_wait3A_177] : memref<3x32x1024xf32, #tpu.memory_space<vmem>> -> memref<1x32x1024xf32, #tpu.memory_space<vmem>>
    %dma_wait3A_179 = tpu.memref_squeeze %dma_wait3A_178 : memref<1x32x1024xf32, #tpu.memory_space<vmem>> -> memref<32x1024xf32, #tpu.memory_space<vmem>>
    %dma_wait3A_180 = arith.constant 0 : i32
    %dma_wait3A_181 = tpu.memref_slice %arg4[%add3A_140, %dma_wait3A_180] : memref<8192x1024xf32, #tpu.memory_space<hbm>> -> memref<32x1024xf32, #tpu.memory_space<hbm>>
    %dma_wait3A_182 = arith.constant 0 : i32
    %dma_wait3A_183 = tpu.memref_slice %arg4[%add3A_140, %dma_wait3A_182] : memref<8192x1024xf32, #tpu.memory_space<hbm>> -> memref<32x1024xf32, #tpu.memory_space<hbm>>
    %dma_wait3A_184 = arith.constant 0 : i32
    %dma_wait3A_185 = arith.constant 0 : i32
    %dma_wait3A_186 = tpu.memref_slice %arg6[%dma_wait3A_175, %dma_wait3A_184, %dma_wait3A_185] : memref<3x32x1024xf32, #tpu.memory_space<vmem>> -> memref<1x32x1024xf32, #tpu.memory_space<vmem>>
    %dma_wait3A_187 = tpu.memref_squeeze %dma_wait3A_186 : memref<1x32x1024xf32, #tpu.memory_space<vmem>> -> memref<32x1024xf32, #tpu.memory_space<vmem>>
    tpu.wait_dma2 semaphore(%arg14 : memref<!tpu.dma_semaphore, #tpu.memory_space<semaphore_mem>>) src(%dma_wait3A_187 : memref<32x1024xf32, #tpu.memory_space<vmem>>) dst(%dma_wait3A_183 : memref<32x1024xf32, #tpu.memory_space<hbm>>)
    %add3A_188 = arith.constant 128 : i32
    %add3A_189 = arith.addi %mul3A_2, %add3A_188 : i32
    %dma_start3A_190 = arith.constant 1 : i32
    %dma_start3A_191 = arith.constant 0 : i32
    %dma_start3A_192 = tpu.memref_slice %arg5[%dma_start3A_190, %dma_start3A_191] : memref<3x32xi32, #tpu.memory_space<vmem>> -> memref<1x32xi32, #tpu.memory_space<vmem>>
    %dma_start3A_193 = tpu.memref_squeeze %dma_start3A_192 : memref<1x32xi32, #tpu.memory_space<vmem>> -> memref<32xi32, #tpu.memory_space<vmem>>
    %dma_start3A_194 = tpu.memref_slice %arg3[%add3A_189] : memref<8192xi32, #tpu.memory_space<hbm>> -> memref<32xi32, #tpu.memory_space<hbm>>
    %dma_start3A_195 = arith.constant 0 : i32
    %dma_start3A_196 = tpu.memref_slice %arg5[%dma_start3A_190, %dma_start3A_195] : memref<3x32xi32, #tpu.memory_space<vmem>> -> memref<1x32xi32, #tpu.memory_space<vmem>>
    %dma_start3A_197 = tpu.memref_squeeze %dma_start3A_196 : memref<1x32xi32, #tpu.memory_space<vmem>> -> memref<32xi32, #tpu.memory_space<vmem>>
    %dma_start3A_198 = tpu.memref_slice %arg3[%add3A_189] : memref<8192xi32, #tpu.memory_space<hbm>> -> memref<32xi32, #tpu.memory_space<hbm>>
    tpu.enqueue_dma source(%dma_start3A_198 : memref<32xi32, #tpu.memory_space<hbm>>) target(%dma_start3A_197 : memref<32xi32, #tpu.memory_space<vmem>>) target_semaphore(%arg8 : memref<!tpu.dma_semaphore, #tpu.memory_space<semaphore_mem>>)
    %dma_wait3A_199 = arith.constant 2 : i32
    %dma_wait3A_200 = arith.constant 2 : i32
    %dma_wait3A_201 = arith.constant 0 : i32
    %dma_wait3A_202 = arith.constant 0 : i32
    %dma_wait3A_203 = tpu.memref_slice %arg6[%dma_wait3A_200, %dma_wait3A_201, %dma_wait3A_202] : memref<3x32x1024xf32, #tpu.memory_space<vmem>> -> memref<1x32x1024xf32, #tpu.memory_space<vmem>>
    %dma_wait3A_204 = tpu.memref_squeeze %dma_wait3A_203 : memref<1x32x1024xf32, #tpu.memory_space<vmem>> -> memref<32x1024xf32, #tpu.memory_space<vmem>>
    %dma_wait3A_205 = arith.constant 0 : i32
    %dma_wait3A_206 = tpu.memref_slice %arg5[%dma_wait3A_199, %dma_wait3A_205] : memref<3x32xi32, #tpu.memory_space<vmem>> -> memref<1x32xi32, #tpu.memory_space<vmem>>
    %dma_wait3A_207 = tpu.memref_squeeze %dma_wait3A_206 : memref<1x32xi32, #tpu.memory_space<vmem>> -> memref<32xi32, #tpu.memory_space<vmem>>
    %dma_wait3A_208 = arith.constant 0 : i32
    %dma_wait3A_209 = arith.constant 0 : i32
    %dma_wait3A_210 = tpu.memref_slice %arg2[%dma_wait3A_208, %dma_wait3A_209] : memref<12288x1024xf32, #tpu.memory_space<hbm>> -> memref<12288x1024xf32, #tpu.memory_space<hbm>>
    tpu.wait_indirect_dma semaphore(%arg12 : memref<!tpu.dma_semaphore, #tpu.memory_space<semaphore_mem>>) src(%dma_wait3A_210 : memref<12288x1024xf32, #tpu.memory_space<hbm>>) dst(%dma_wait3A_204 : memref<32x1024xf32, #tpu.memory_space<vmem>>)
    %add3A_211 = arith.constant 64 : i32
    %add3A_212 = arith.addi %mul3A_2, %add3A_211 : i32
    %dma_start3A_213 = arith.constant 2 : i32
    %dma_start3A_214 = arith.constant 0 : i32
    %dma_start3A_215 = arith.constant 0 : i32
    %dma_start3A_216 = tpu.memref_slice %arg6[%dma_start3A_213, %dma_start3A_214, %dma_start3A_215] : memref<3x32x1024xf32, #tpu.memory_space<vmem>> -> memref<1x32x1024xf32, #tpu.memory_space<vmem>>
    %dma_start3A_217 = tpu.memref_squeeze %dma_start3A_216 : memref<1x32x1024xf32, #tpu.memory_space<vmem>> -> memref<32x1024xf32, #tpu.memory_space<vmem>>
    %dma_start3A_218 = arith.constant 0 : i32
    %dma_start3A_219 = tpu.memref_slice %arg4[%add3A_212, %dma_start3A_218] : memref<8192x1024xf32, #tpu.memory_space<hbm>> -> memref<32x1024xf32, #tpu.memory_space<hbm>>
    %dma_start3A_220 = arith.constant 0 : i32
    %dma_start3A_221 = tpu.memref_slice %arg4[%add3A_212, %dma_start3A_220] : memref<8192x1024xf32, #tpu.memory_space<hbm>> -> memref<32x1024xf32, #tpu.memory_space<hbm>>
    %dma_start3A_222 = arith.constant 0 : i32
    %dma_start3A_223 = arith.constant 0 : i32
    %dma_start3A_224 = tpu.memref_slice %arg6[%dma_start3A_213, %dma_start3A_222, %dma_start3A_223] : memref<3x32x1024xf32, #tpu.memory_space<vmem>> -> memref<1x32x1024xf32, #tpu.memory_space<vmem>>
    %dma_start3A_225 = tpu.memref_squeeze %dma_start3A_224 : memref<1x32x1024xf32, #tpu.memory_space<vmem>> -> memref<32x1024xf32, #tpu.memory_space<vmem>>
    tpu.enqueue_dma source(%dma_start3A_225 : memref<32x1024xf32, #tpu.memory_space<vmem>>) target(%dma_start3A_221 : memref<32x1024xf32, #tpu.memory_space<hbm>>) target_semaphore(%arg15 : memref<!tpu.dma_semaphore, #tpu.memory_space<semaphore_mem>>)
    %dma_wait3A_226 = arith.constant 0 : i32
    %dma_wait3A_227 = arith.constant 0 : i32
    %dma_wait3A_228 = tpu.memref_slice %arg5[%dma_wait3A_226, %dma_wait3A_227] : memref<3x32xi32, #tpu.memory_space<vmem>> -> memref<1x32xi32, #tpu.memory_space<vmem>>
    %dma_wait3A_229 = tpu.memref_squeeze %dma_wait3A_228 : memref<1x32xi32, #tpu.memory_space<vmem>> -> memref<32xi32, #tpu.memory_space<vmem>>
    %dma_wait3A_230 = tpu.memref_slice %arg3[%add3A_117] : memref<8192xi32, #tpu.memory_space<hbm>> -> memref<32xi32, #tpu.memory_space<hbm>>
    %dma_wait3A_231 = arith.constant 0 : i32
    %dma_wait3A_232 = tpu.memref_slice %arg5[%dma_wait3A_226, %dma_wait3A_231] : memref<3x32xi32, #tpu.memory_space<vmem>> -> memref<1x32xi32, #tpu.memory_space<vmem>>
    %dma_wait3A_233 = tpu.memref_squeeze %dma_wait3A_232 : memref<1x32xi32, #tpu.memory_space<vmem>> -> memref<32xi32, #tpu.memory_space<vmem>>
    %dma_wait3A_234 = tpu.memref_slice %arg3[%add3A_117] : memref<8192xi32, #tpu.memory_space<hbm>> -> memref<32xi32, #tpu.memory_space<hbm>>
    tpu.wait_dma2 semaphore(%arg7 : memref<!tpu.dma_semaphore, #tpu.memory_space<semaphore_mem>>) src(%dma_wait3A_234 : memref<32xi32, #tpu.memory_space<hbm>>) dst(%dma_wait3A_233 : memref<32xi32, #tpu.memory_space<vmem>>)
    %dma_start3A_235 = arith.constant 0 : i32
    %dma_start3A_236 = arith.constant 0 : i32
    %dma_start3A_237 = arith.constant 0 : i32
    %dma_start3A_238 = arith.constant 0 : i32
    %dma_start3A_239 = tpu.memref_slice %arg6[%dma_start3A_236, %dma_start3A_237, %dma_start3A_238] : memref<3x32x1024xf32, #tpu.memory_space<vmem>> -> memref<1x32x1024xf32, #tpu.memory_space<vmem>>
    %dma_start3A_240 = tpu.memref_squeeze %dma_start3A_239 : memref<1x32x1024xf32, #tpu.memory_space<vmem>> -> memref<32x1024xf32, #tpu.memory_space<vmem>>
    %dma_start3A_241 = arith.constant 0 : i32
    %dma_start3A_242 = tpu.memref_slice %arg5[%dma_start3A_235, %dma_start3A_241] : memref<3x32xi32, #tpu.memory_space<vmem>> -> memref<1x32xi32, #tpu.memory_space<vmem>>
    %dma_start3A_243 = tpu.memref_squeeze %dma_start3A_242 : memref<1x32xi32, #tpu.memory_space<vmem>> -> memref<32xi32, #tpu.memory_space<vmem>>
    %dma_start3A_244 = arith.constant 0 : i32
    %dma_start3A_245 = arith.constant 0 : i32
    %dma_start3A_246 = tpu.memref_slice %arg2[%dma_start3A_244, %dma_start3A_245] : memref<12288x1024xf32, #tpu.memory_space<hbm>> -> memref<12288x1024xf32, #tpu.memory_space<hbm>>
    tpu.enqueue_indirect_dma source(%dma_start3A_246 : memref<12288x1024xf32, #tpu.memory_space<hbm>>) target(%dma_start3A_240 : memref<32x1024xf32, #tpu.memory_space<vmem>>) offsets(%dma_start3A_243 : memref<32xi32, #tpu.memory_space<vmem>>) semaphore(%arg10 : memref<!tpu.dma_semaphore, #tpu.memory_space<semaphore_mem>>)
    %dma_wait3A_247 = arith.constant 2 : i32
    %dma_wait3A_248 = arith.constant 0 : i32
    %dma_wait3A_249 = arith.constant 0 : i32
    %dma_wait3A_250 = tpu.memref_slice %arg6[%dma_wait3A_247, %dma_wait3A_248, %dma_wait3A_249] : memref<3x32x1024xf32, #tpu.memory_space<vmem>> -> memref<1x32x1024xf32, #tpu.memory_space<vmem>>
    %dma_wait3A_251 = tpu.memref_squeeze %dma_wait3A_250 : memref<1x32x1024xf32, #tpu.memory_space<vmem>> -> memref<32x1024xf32, #tpu.memory_space<vmem>>
    %dma_wait3A_252 = arith.constant 0 : i32
    %dma_wait3A_253 = tpu.memref_slice %arg4[%add3A_212, %dma_wait3A_252] : memref<8192x1024xf32, #tpu.memory_space<hbm>> -> memref<32x1024xf32, #tpu.memory_space<hbm>>
    %dma_wait3A_254 = arith.constant 0 : i32
    %dma_wait3A_255 = tpu.memref_slice %arg4[%add3A_212, %dma_wait3A_254] : memref<8192x1024xf32, #tpu.memory_space<hbm>> -> memref<32x1024xf32, #tpu.memory_space<hbm>>
    %dma_wait3A_256 = arith.constant 0 : i32
    %dma_wait3A_257 = arith.constant 0 : i32
    %dma_wait3A_258 = tpu.memref_slice %arg6[%dma_wait3A_247, %dma_wait3A_256, %dma_wait3A_257] : memref<3x32x1024xf32, #tpu.memory_space<vmem>> -> memref<1x32x1024xf32, #tpu.memory_space<vmem>>
    %dma_wait3A_259 = tpu.memref_squeeze %dma_wait3A_258 : memref<1x32x1024xf32, #tpu.memory_space<vmem>> -> memref<32x1024xf32, #tpu.memory_space<vmem>>
    tpu.wait_dma2 semaphore(%arg15 : memref<!tpu.dma_semaphore, #tpu.memory_space<semaphore_mem>>) src(%dma_wait3A_259 : memref<32x1024xf32, #tpu.memory_space<vmem>>) dst(%dma_wait3A_255 : memref<32x1024xf32, #tpu.memory_space<hbm>>)
    %add3A_260 = arith.constant 160 : i32
    %add3A_261 = arith.addi %mul3A_2, %add3A_260 : i32
    %dma_start3A_262 = arith.constant 2 : i32
    %dma_start3A_263 = arith.constant 0 : i32
    %dma_start3A_264 = tpu.memref_slice %arg5[%dma_start3A_262, %dma_start3A_263] : memref<3x32xi32, #tpu.memory_space<vmem>> -> memref<1x32xi32, #tpu.memory_space<vmem>>
    %dma_start3A_265 = tpu.memref_squeeze %dma_start3A_264 : memref<1x32xi32, #tpu.memory_space<vmem>> -> memref<32xi32, #tpu.memory_space<vmem>>
    %dma_start3A_266 = tpu.memref_slice %arg3[%add3A_261] : memref<8192xi32, #tpu.memory_space<hbm>> -> memref<32xi32, #tpu.memory_space<hbm>>
    %dma_start3A_267 = arith.constant 0 : i32
    %dma_start3A_268 = tpu.memref_slice %arg5[%dma_start3A_262, %dma_start3A_267] : memref<3x32xi32, #tpu.memory_space<vmem>> -> memref<1x32xi32, #tpu.memory_space<vmem>>
    %dma_start3A_269 = tpu.memref_squeeze %dma_start3A_268 : memref<1x32xi32, #tpu.memory_space<vmem>> -> memref<32xi32, #tpu.memory_space<vmem>>
    %dma_start3A_270 = tpu.memref_slice %arg3[%add3A_261] : memref<8192xi32, #tpu.memory_space<hbm>> -> memref<32xi32, #tpu.memory_space<hbm>>
    tpu.enqueue_dma source(%dma_start3A_270 : memref<32xi32, #tpu.memory_space<hbm>>) target(%dma_start3A_269 : memref<32xi32, #tpu.memory_space<vmem>>) target_semaphore(%arg9 : memref<!tpu.dma_semaphore, #tpu.memory_space<semaphore_mem>>)
    %dma_wait3A_271 = arith.constant 0 : i32
    %dma_wait3A_272 = arith.constant 0 : i32
    %dma_wait3A_273 = arith.constant 0 : i32
    %dma_wait3A_274 = arith.constant 0 : i32
    %dma_wait3A_275 = tpu.memref_slice %arg6[%dma_wait3A_272, %dma_wait3A_273, %dma_wait3A_274] : memref<3x32x1024xf32, #tpu.memory_space<vmem>> -> memref<1x32x1024xf32, #tpu.memory_space<vmem>>
    %dma_wait3A_276 = tpu.memref_squeeze %dma_wait3A_275 : memref<1x32x1024xf32, #tpu.memory_space<vmem>> -> memref<32x1024xf32, #tpu.memory_space<vmem>>
    %dma_wait3A_277 = arith.constant 0 : i32
    %dma_wait3A_278 = tpu.memref_slice %arg5[%dma_wait3A_271, %dma_wait3A_277] : memref<3x32xi32, #tpu.memory_space<vmem>> -> memref<1x32xi32, #tpu.memory_space<vmem>>
    %dma_wait3A_279 = tpu.memref_squeeze %dma_wait3A_278 : memref<1x32xi32, #tpu.memory_space<vmem>> -> memref<32xi32, #tpu.memory_space<vmem>>
    %dma_wait3A_280 = arith.constant 0 : i32
    %dma_wait3A_281 = arith.constant 0 : i32
    %dma_wait3A_282 = tpu.memref_slice %arg2[%dma_wait3A_280, %dma_wait3A_281] : memref<12288x1024xf32, #tpu.memory_space<hbm>> -> memref<12288x1024xf32, #tpu.memory_space<hbm>>
    tpu.wait_indirect_dma semaphore(%arg10 : memref<!tpu.dma_semaphore, #tpu.memory_space<semaphore_mem>>) src(%dma_wait3A_282 : memref<12288x1024xf32, #tpu.memory_space<hbm>>) dst(%dma_wait3A_276 : memref<32x1024xf32, #tpu.memory_space<vmem>>)
    %add3A_283 = arith.constant 96 : i32
    %add3A_284 = arith.addi %mul3A_2, %add3A_283 : i32
    %dma_start3A_285 = arith.constant 0 : i32
    %dma_start3A_286 = arith.constant 0 : i32
    %dma_start3A_287 = arith.constant 0 : i32
    %dma_start3A_288 = tpu.memref_slice %arg6[%dma_start3A_285, %dma_start3A_286, %dma_start3A_287] : memref<3x32x1024xf32, #tpu.memory_space<vmem>> -> memref<1x32x1024xf32, #tpu.memory_space<vmem>>
    %dma_start3A_289 = tpu.memref_squeeze %dma_start3A_288 : memref<1x32x1024xf32, #tpu.memory_space<vmem>> -> memref<32x1024xf32, #tpu.memory_space<vmem>>
    %dma_start3A_290 = arith.constant 0 : i32
    %dma_start3A_291 = tpu.memref_slice %arg4[%add3A_284, %dma_start3A_290] : memref<8192x1024xf32, #tpu.memory_space<hbm>> -> memref<32x1024xf32, #tpu.memory_space<hbm>>
    %dma_start3A_292 = arith.constant 0 : i32
    %dma_start3A_293 = tpu.memref_slice %arg4[%add3A_284, %dma_start3A_292] : memref<8192x1024xf32, #tpu.memory_space<hbm>> -> memref<32x1024xf32, #tpu.memory_space<hbm>>
    %dma_start3A_294 = arith.constant 0 : i32
    %dma_start3A_295 = arith.constant 0 : i32
    %dma_start3A_296 = tpu.memref_slice %arg6[%dma_start3A_285, %dma_start3A_294, %dma_start3A_295] : memref<3x32x1024xf32, #tpu.memory_space<vmem>> -> memref<1x32x1024xf32, #tpu.memory_space<vmem>>
    %dma_start3A_297 = tpu.memref_squeeze %dma_start3A_296 : memref<1x32x1024xf32, #tpu.memory_space<vmem>> -> memref<32x1024xf32, #tpu.memory_space<vmem>>
    tpu.enqueue_dma source(%dma_start3A_297 : memref<32x1024xf32, #tpu.memory_space<vmem>>) target(%dma_start3A_293 : memref<32x1024xf32, #tpu.memory_space<hbm>>) target_semaphore(%arg13 : memref<!tpu.dma_semaphore, #tpu.memory_space<semaphore_mem>>)
    %dma_wait3A_298 = arith.constant 1 : i32
    %dma_wait3A_299 = arith.constant 0 : i32
    %dma_wait3A_300 = tpu.memref_slice %arg5[%dma_wait3A_298, %dma_wait3A_299] : memref<3x32xi32, #tpu.memory_space<vmem>> -> memref<1x32xi32, #tpu.memory_space<vmem>>
    %dma_wait3A_301 = tpu.memref_squeeze %dma_wait3A_300 : memref<1x32xi32, #tpu.memory_space<vmem>> -> memref<32xi32, #tpu.memory_space<vmem>>
    %dma_wait3A_302 = tpu.memref_slice %arg3[%add3A_189] : memref<8192xi32, #tpu.memory_space<hbm>> -> memref<32xi32, #tpu.memory_space<hbm>>
    %dma_wait3A_303 = arith.constant 0 : i32
    %dma_wait3A_304 = tpu.memref_slice %arg5[%dma_wait3A_298, %dma_wait3A_303] : memref<3x32xi32, #tpu.memory_space<vmem>> -> memref<1x32xi32, #tpu.memory_space<vmem>>
    %dma_wait3A_305 = tpu.memref_squeeze %dma_wait3A_304 : memref<1x32xi32, #tpu.memory_space<vmem>> -> memref<32xi32, #tpu.memory_space<vmem>>
    %dma_wait3A_306 = tpu.memref_slice %arg3[%add3A_189] : memref<8192xi32, #tpu.memory_space<hbm>> -> memref<32xi32, #tpu.memory_space<hbm>>
    tpu.wait_dma2 semaphore(%arg8 : memref<!tpu.dma_semaphore, #tpu.memory_space<semaphore_mem>>) src(%dma_wait3A_306 : memref<32xi32, #tpu.memory_space<hbm>>) dst(%dma_wait3A_305 : memref<32xi32, #tpu.memory_space<vmem>>)
    %dma_start3A_307 = arith.constant 1 : i32
    %dma_start3A_308 = arith.constant 1 : i32
    %dma_start3A_309 = arith.constant 0 : i32
    %dma_start3A_310 = arith.constant 0 : i32
    %dma_start3A_311 = tpu.memref_slice %arg6[%dma_start3A_308, %dma_start3A_309, %dma_start3A_310] : memref<3x32x1024xf32, #tpu.memory_space<vmem>> -> memref<1x32x1024xf32, #tpu.memory_space<vmem>>
    %dma_start3A_312 = tpu.memref_squeeze %dma_start3A_311 : memref<1x32x1024xf32, #tpu.memory_space<vmem>> -> memref<32x1024xf32, #tpu.memory_space<vmem>>
    %dma_start3A_313 = arith.constant 0 : i32
    %dma_start3A_314 = tpu.memref_slice %arg5[%dma_start3A_307, %dma_start3A_313] : memref<3x32xi32, #tpu.memory_space<vmem>> -> memref<1x32xi32, #tpu.memory_space<vmem>>
    %dma_start3A_315 = tpu.memref_squeeze %dma_start3A_314 : memref<1x32xi32, #tpu.memory_space<vmem>> -> memref<32xi32, #tpu.memory_space<vmem>>
    %dma_start3A_316 = arith.constant 0 : i32
    %dma_start3A_317 = arith.constant 0 : i32
    %dma_start3A_318 = tpu.memref_slice %arg2[%dma_start3A_316, %dma_start3A_317] : memref<12288x1024xf32, #tpu.memory_space<hbm>> -> memref<12288x1024xf32, #tpu.memory_space<hbm>>
    tpu.enqueue_indirect_dma source(%dma_start3A_318 : memref<12288x1024xf32, #tpu.memory_space<hbm>>) target(%dma_start3A_312 : memref<32x1024xf32, #tpu.memory_space<vmem>>) offsets(%dma_start3A_315 : memref<32xi32, #tpu.memory_space<vmem>>) semaphore(%arg11 : memref<!tpu.dma_semaphore, #tpu.memory_space<semaphore_mem>>)
    %dma_wait3A_319 = arith.constant 0 : i32
    %dma_wait3A_320 = arith.constant 0 : i32
    %dma_wait3A_321 = arith.constant 0 : i32
    %dma_wait3A_322 = tpu.memref_slice %arg6[%dma_wait3A_319, %dma_wait3A_320, %dma_wait3A_321] : memref<3x32x1024xf32, #tpu.memory_space<vmem>> -> memref<1x32x1024xf32, #tpu.memory_space<vmem>>
    %dma_wait3A_323 = tpu.memref_squeeze %dma_wait3A_322 : memref<1x32x1024xf32, #tpu.memory_space<vmem>> -> memref<32x1024xf32, #tpu.memory_space<vmem>>
    %dma_wait3A_324 = arith.constant 0 : i32
    %dma_wait3A_325 = tpu.memref_slice %arg4[%add3A_284, %dma_wait3A_324] : memref<8192x1024xf32, #tpu.memory_space<hbm>> -> memref<32x1024xf32, #tpu.memory_space<hbm>>
    %dma_wait3A_326 = arith.constant 0 : i32
    %dma_wait3A_327 = tpu.memref_slice %arg4[%add3A_284, %dma_wait3A_326] : memref<8192x1024xf32, #tpu.memory_space<hbm>> -> memref<32x1024xf32, #tpu.memory_space<hbm>>
    %dma_wait3A_328 = arith.constant 0 : i32
    %dma_wait3A_329 = arith.constant 0 : i32
    %dma_wait3A_330 = tpu.memref_slice %arg6[%dma_wait3A_319, %dma_wait3A_328, %dma_wait3A_329] : memref<3x32x1024xf32, #tpu.memory_space<vmem>> -> memref<1x32x1024xf32, #tpu.memory_space<vmem>>
    %dma_wait3A_331 = tpu.memref_squeeze %dma_wait3A_330 : memref<1x32x1024xf32, #tpu.memory_space<vmem>> -> memref<32x1024xf32, #tpu.memory_space<vmem>>
    tpu.wait_dma2 semaphore(%arg13 : memref<!tpu.dma_semaphore, #tpu.memory_space<semaphore_mem>>) src(%dma_wait3A_331 : memref<32x1024xf32, #tpu.memory_space<vmem>>) dst(%dma_wait3A_327 : memref<32x1024xf32, #tpu.memory_space<hbm>>)
    %add3A_332 = arith.constant 192 : i32
    %add3A_333 = arith.addi %mul3A_2, %add3A_332 : i32
    %dma_start3A_334 = arith.constant 0 : i32
    %dma_start3A_335 = arith.constant 0 : i32
    %dma_start3A_336 = tpu.memref_slice %arg5[%dma_start3A_334, %dma_start3A_335] : memref<3x32xi32, #tpu.memory_space<vmem>> -> memref<1x32xi32, #tpu.memory_space<vmem>>
    %dma_start3A_337 = tpu.memref_squeeze %dma_start3A_336 : memref<1x32xi32, #tpu.memory_space<vmem>> -> memref<32xi32, #tpu.memory_space<vmem>>
    %dma_start3A_338 = tpu.memref_slice %arg3[%add3A_333] : memref<8192xi32, #tpu.memory_space<hbm>> -> memref<32xi32, #tpu.memory_space<hbm>>
    %dma_start3A_339 = arith.constant 0 : i32
    %dma_start3A_340 = tpu.memref_slice %arg5[%dma_start3A_334, %dma_start3A_339] : memref<3x32xi32, #tpu.memory_space<vmem>> -> memref<1x32xi32, #tpu.memory_space<vmem>>
    %dma_start3A_341 = tpu.memref_squeeze %dma_start3A_340 : memref<1x32xi32, #tpu.memory_space<vmem>> -> memref<32xi32, #tpu.memory_space<vmem>>
    %dma_start3A_342 = tpu.memref_slice %arg3[%add3A_333] : memref<8192xi32, #tpu.memory_space<hbm>> -> memref<32xi32, #tpu.memory_space<hbm>>
    tpu.enqueue_dma source(%dma_start3A_342 : memref<32xi32, #tpu.memory_space<hbm>>) target(%dma_start3A_341 : memref<32xi32, #tpu.memory_space<vmem>>) target_semaphore(%arg7 : memref<!tpu.dma_semaphore, #tpu.memory_space<semaphore_mem>>)
    %dma_wait3A_343 = arith.constant 1 : i32
    %dma_wait3A_344 = arith.constant 1 : i32
    %dma_wait3A_345 = arith.constant 0 : i32
    %dma_wait3A_346 = arith.constant 0 : i32
    %dma_wait3A_347 = tpu.memref_slice %arg6[%dma_wait3A_344, %dma_wait3A_345, %dma_wait3A_346] : memref<3x32x1024xf32, #tpu.memory_space<vmem>> -> memref<1x32x1024xf32, #tpu.memory_space<vmem>>
    %dma_wait3A_348 = tpu.memref_squeeze %dma_wait3A_347 : memref<1x32x1024xf32, #tpu.memory_space<vmem>> -> memref<32x1024xf32, #tpu.memory_space<vmem>>
    %dma_wait3A_349 = arith.constant 0 : i32
    %dma_wait3A_350 = tpu.memref_slice %arg5[%dma_wait3A_343, %dma_wait3A_349] : memref<3x32xi32, #tpu.memory_space<vmem>> -> memref<1x32xi32, #tpu.memory_space<vmem>>
    %dma_wait3A_351 = tpu.memref_squeeze %dma_wait3A_350 : memref<1x32xi32, #tpu.memory_space<vmem>> -> memref<32xi32, #tpu.memory_space<vmem>>
    %dma_wait3A_352 = arith.constant 0 : i32
    %dma_wait3A_353 = arith.constant 0 : i32
    %dma_wait3A_354 = tpu.memref_slice %arg2[%dma_wait3A_352, %dma_wait3A_353] : memref<12288x1024xf32, #tpu.memory_space<hbm>> -> memref<12288x1024xf32, #tpu.memory_space<hbm>>
    tpu.wait_indirect_dma semaphore(%arg11 : memref<!tpu.dma_semaphore, #tpu.memory_space<semaphore_mem>>) src(%dma_wait3A_354 : memref<12288x1024xf32, #tpu.memory_space<hbm>>) dst(%dma_wait3A_348 : memref<32x1024xf32, #tpu.memory_space<vmem>>)
    %add3A_355 = arith.constant 128 : i32
    %add3A_356 = arith.addi %mul3A_2, %add3A_355 : i32
    %dma_start3A_357 = arith.constant 1 : i32
    %dma_start3A_358 = arith.constant 0 : i32
    %dma_start3A_359 = arith.constant 0 : i32
    %dma_start3A_360 = tpu.memref_slice %arg6[%dma_start3A_357, %dma_start3A_358, %dma_start3A_359] : memref<3x32x1024xf32, #tpu.memory_space<vmem>> -> memref<1x32x1024xf32, #tpu.memory_space<vmem>>
    %dma_start3A_361 = tpu.memref_squeeze %dma_start3A_360 : memref<1x32x1024xf32, #tpu.memory_space<vmem>> -> memref<32x1024xf32, #tpu.memory_space<vmem>>
    %dma_start3A_362 = arith.constant 0 : i32
    %dma_start3A_363 = tpu.memref_slice %arg4[%add3A_356, %dma_start3A_362] : memref<8192x1024xf32, #tpu.memory_space<hbm>> -> memref<32x1024xf32, #tpu.memory_space<hbm>>
    %dma_start3A_364 = arith.constant 0 : i32
    %dma_start3A_365 = tpu.memref_slice %arg4[%add3A_356, %dma_start3A_364] : memref<8192x1024xf32, #tpu.memory_space<hbm>> -> memref<32x1024xf32, #tpu.memory_space<hbm>>
    %dma_start3A_366 = arith.constant 0 : i32
    %dma_start3A_367 = arith.constant 0 : i32
    %dma_start3A_368 = tpu.memref_slice %arg6[%dma_start3A_357, %dma_start3A_366, %dma_start3A_367] : memref<3x32x1024xf32, #tpu.memory_space<vmem>> -> memref<1x32x1024xf32, #tpu.memory_space<vmem>>
    %dma_start3A_369 = tpu.memref_squeeze %dma_start3A_368 : memref<1x32x1024xf32, #tpu.memory_space<vmem>> -> memref<32x1024xf32, #tpu.memory_space<vmem>>
    tpu.enqueue_dma source(%dma_start3A_369 : memref<32x1024xf32, #tpu.memory_space<vmem>>) target(%dma_start3A_365 : memref<32x1024xf32, #tpu.memory_space<hbm>>) target_semaphore(%arg14 : memref<!tpu.dma_semaphore, #tpu.memory_space<semaphore_mem>>)
    %dma_wait3A_370 = arith.constant 2 : i32
    %dma_wait3A_371 = arith.constant 0 : i32
    %dma_wait3A_372 = tpu.memref_slice %arg5[%dma_wait3A_370, %dma_wait3A_371] : memref<3x32xi32, #tpu.memory_space<vmem>> -> memref<1x32xi32, #tpu.memory_space<vmem>>
    %dma_wait3A_373 = tpu.memref_squeeze %dma_wait3A_372 : memref<1x32xi32, #tpu.memory_space<vmem>> -> memref<32xi32, #tpu.memory_space<vmem>>
    %dma_wait3A_374 = tpu.memref_slice %arg3[%add3A_261] : memref<8192xi32, #tpu.memory_space<hbm>> -> memref<32xi32, #tpu.memory_space<hbm>>
    %dma_wait3A_375 = arith.constant 0 : i32
    %dma_wait3A_376 = tpu.memref_slice %arg5[%dma_wait3A_370, %dma_wait3A_375] : memref<3x32xi32, #tpu.memory_space<vmem>> -> memref<1x32xi32, #tpu.memory_space<vmem>>
    %dma_wait3A_377 = tpu.memref_squeeze %dma_wait3A_376 : memref<1x32xi32, #tpu.memory_space<vmem>> -> memref<32xi32, #tpu.memory_space<vmem>>
    %dma_wait3A_378 = tpu.memref_slice %arg3[%add3A_261] : memref<8192xi32, #tpu.memory_space<hbm>> -> memref<32xi32, #tpu.memory_space<hbm>>
    tpu.wait_dma2 semaphore(%arg9 : memref<!tpu.dma_semaphore, #tpu.memory_space<semaphore_mem>>) src(%dma_wait3A_378 : memref<32xi32, #tpu.memory_space<hbm>>) dst(%dma_wait3A_377 : memref<32xi32, #tpu.memory_space<vmem>>)
    %dma_start3A_379 = arith.constant 2 : i32
    %dma_start3A_380 = arith.constant 2 : i32
    %dma_start3A_381 = arith.constant 0 : i32
    %dma_start3A_382 = arith.constant 0 : i32
    %dma_start3A_383 = tpu.memref_slice %arg6[%dma_start3A_380, %dma_start3A_381, %dma_start3A_382] : memref<3x32x1024xf32, #tpu.memory_space<vmem>> -> memref<1x32x1024xf32, #tpu.memory_space<vmem>>
    %dma_start3A_384 = tpu.memref_squeeze %dma_start3A_383 : memref<1x32x1024xf32, #tpu.memory_space<vmem>> -> memref<32x1024xf32, #tpu.memory_space<vmem>>
    %dma_start3A_385 = arith.constant 0 : i32
    %dma_start3A_386 = tpu.memref_slice %arg5[%dma_start3A_379, %dma_start3A_385] : memref<3x32xi32, #tpu.memory_space<vmem>> -> memref<1x32xi32, #tpu.memory_space<vmem>>
    %dma_start3A_387 = tpu.memref_squeeze %dma_start3A_386 : memref<1x32xi32, #tpu.memory_space<vmem>> -> memref<32xi32, #tpu.memory_space<vmem>>
    %dma_start3A_388 = arith.constant 0 : i32
    %dma_start3A_389 = arith.constant 0 : i32
    %dma_start3A_390 = tpu.memref_slice %arg2[%dma_start3A_388, %dma_start3A_389] : memref<12288x1024xf32, #tpu.memory_space<hbm>> -> memref<12288x1024xf32, #tpu.memory_space<hbm>>
    tpu.enqueue_indirect_dma source(%dma_start3A_390 : memref<12288x1024xf32, #tpu.memory_space<hbm>>) target(%dma_start3A_384 : memref<32x1024xf32, #tpu.memory_space<vmem>>) offsets(%dma_start3A_387 : memref<32xi32, #tpu.memory_space<vmem>>) semaphore(%arg12 : memref<!tpu.dma_semaphore, #tpu.memory_space<semaphore_mem>>)
    %dma_wait3A_391 = arith.constant 1 : i32
    %dma_wait3A_392 = arith.constant 0 : i32
    %dma_wait3A_393 = arith.constant 0 : i32
    %dma_wait3A_394 = tpu.memref_slice %arg6[%dma_wait3A_391, %dma_wait3A_392, %dma_wait3A_393] : memref<3x32x1024xf32, #tpu.memory_space<vmem>> -> memref<1x32x1024xf32, #tpu.memory_space<vmem>>
    %dma_wait3A_395 = tpu.memref_squeeze %dma_wait3A_394 : memref<1x32x1024xf32, #tpu.memory_space<vmem>> -> memref<32x1024xf32, #tpu.memory_space<vmem>>
    %dma_wait3A_396 = arith.constant 0 : i32
    %dma_wait3A_397 = tpu.memref_slice %arg4[%add3A_356, %dma_wait3A_396] : memref<8192x1024xf32, #tpu.memory_space<hbm>> -> memref<32x1024xf32, #tpu.memory_space<hbm>>
    %dma_wait3A_398 = arith.constant 0 : i32
    %dma_wait3A_399 = tpu.memref_slice %arg4[%add3A_356, %dma_wait3A_398] : memref<8192x1024xf32, #tpu.memory_space<hbm>> -> memref<32x1024xf32, #tpu.memory_space<hbm>>
    %dma_wait3A_400 = arith.constant 0 : i32
    %dma_wait3A_401 = arith.constant 0 : i32
    %dma_wait3A_402 = tpu.memref_slice %arg6[%dma_wait3A_391, %dma_wait3A_400, %dma_wait3A_401] : memref<3x32x1024xf32, #tpu.memory_space<vmem>> -> memref<1x32x1024xf32, #tpu.memory_space<vmem>>
    %dma_wait3A_403 = tpu.memref_squeeze %dma_wait3A_402 : memref<1x32x1024xf32, #tpu.memory_space<vmem>> -> memref<32x1024xf32, #tpu.memory_space<vmem>>
    tpu.wait_dma2 semaphore(%arg14 : memref<!tpu.dma_semaphore, #tpu.memory_space<semaphore_mem>>) src(%dma_wait3A_403 : memref<32x1024xf32, #tpu.memory_space<vmem>>) dst(%dma_wait3A_399 : memref<32x1024xf32, #tpu.memory_space<hbm>>)
    %add3A_404 = arith.constant 224 : i32
    %add3A_405 = arith.addi %mul3A_2, %add3A_404 : i32
    %dma_start3A_406 = arith.constant 1 : i32
    %dma_start3A_407 = arith.constant 0 : i32
    %dma_start3A_408 = tpu.memref_slice %arg5[%dma_start3A_406, %dma_start3A_407] : memref<3x32xi32, #tpu.memory_space<vmem>> -> memref<1x32xi32, #tpu.memory_space<vmem>>
    %dma_start3A_409 = tpu.memref_squeeze %dma_start3A_408 : memref<1x32xi32, #tpu.memory_space<vmem>> -> memref<32xi32, #tpu.memory_space<vmem>>
    %dma_start3A_410 = tpu.memref_slice %arg3[%add3A_405] : memref<8192xi32, #tpu.memory_space<hbm>> -> memref<32xi32, #tpu.memory_space<hbm>>
    %dma_start3A_411 = arith.constant 0 : i32
    %dma_start3A_412 = tpu.memref_slice %arg5[%dma_start3A_406, %dma_start3A_411] : memref<3x32xi32, #tpu.memory_space<vmem>> -> memref<1x32xi32, #tpu.memory_space<vmem>>
    %dma_start3A_413 = tpu.memref_squeeze %dma_start3A_412 : memref<1x32xi32, #tpu.memory_space<vmem>> -> memref<32xi32, #tpu.memory_space<vmem>>
    %dma_start3A_414 = tpu.memref_slice %arg3[%add3A_405] : memref<8192xi32, #tpu.memory_space<hbm>> -> memref<32xi32, #tpu.memory_space<hbm>>
    tpu.enqueue_dma source(%dma_start3A_414 : memref<32xi32, #tpu.memory_space<hbm>>) target(%dma_start3A_413 : memref<32xi32, #tpu.memory_space<vmem>>) target_semaphore(%arg8 : memref<!tpu.dma_semaphore, #tpu.memory_space<semaphore_mem>>)
    %dma_wait3A_415 = arith.constant 2 : i32
    %dma_wait3A_416 = arith.constant 2 : i32
    %dma_wait3A_417 = arith.constant 0 : i32
    %dma_wait3A_418 = arith.constant 0 : i32
    %dma_wait3A_419 = tpu.memref_slice %arg6[%dma_wait3A_416, %dma_wait3A_417, %dma_wait3A_418] : memref<3x32x1024xf32, #tpu.memory_space<vmem>> -> memref<1x32x1024xf32, #tpu.memory_space<vmem>>
    %dma_wait3A_420 = tpu.memref_squeeze %dma_wait3A_419 : memref<1x32x1024xf32, #tpu.memory_space<vmem>> -> memref<32x1024xf32, #tpu.memory_space<vmem>>
    %dma_wait3A_421 = arith.constant 0 : i32
    %dma_wait3A_422 = tpu.memref_slice %arg5[%dma_wait3A_415, %dma_wait3A_421] : memref<3x32xi32, #tpu.memory_space<vmem>> -> memref<1x32xi32, #tpu.memory_space<vmem>>
    %dma_wait3A_423 = tpu.memref_squeeze %dma_wait3A_422 : memref<1x32xi32, #tpu.memory_space<vmem>> -> memref<32xi32, #tpu.memory_space<vmem>>
    %dma_wait3A_424 = arith.constant 0 : i32
    %dma_wait3A_425 = arith.constant 0 : i32
    %dma_wait3A_426 = tpu.memref_slice %arg2[%dma_wait3A_424, %dma_wait3A_425] : memref<12288x1024xf32, #tpu.memory_space<hbm>> -> memref<12288x1024xf32, #tpu.memory_space<hbm>>
    tpu.wait_indirect_dma semaphore(%arg12 : memref<!tpu.dma_semaphore, #tpu.memory_space<semaphore_mem>>) src(%dma_wait3A_426 : memref<12288x1024xf32, #tpu.memory_space<hbm>>) dst(%dma_wait3A_420 : memref<32x1024xf32, #tpu.memory_space<vmem>>)
    %add3A_427 = arith.constant 160 : i32
    %add3A_428 = arith.addi %mul3A_2, %add3A_427 : i32
    %dma_start3A_429 = arith.constant 2 : i32
    %dma_start3A_430 = arith.constant 0 : i32
    %dma_start3A_431 = arith.constant 0 : i32
    %dma_start3A_432 = tpu.memref_slice %arg6[%dma_start3A_429, %dma_start3A_430, %dma_start3A_431] : memref<3x32x1024xf32, #tpu.memory_space<vmem>> -> memref<1x32x1024xf32, #tpu.memory_space<vmem>>
    %dma_start3A_433 = tpu.memref_squeeze %dma_start3A_432 : memref<1x32x1024xf32, #tpu.memory_space<vmem>> -> memref<32x1024xf32, #tpu.memory_space<vmem>>
    %dma_start3A_434 = arith.constant 0 : i32
    %dma_start3A_435 = tpu.memref_slice %arg4[%add3A_428, %dma_start3A_434] : memref<8192x1024xf32, #tpu.memory_space<hbm>> -> memref<32x1024xf32, #tpu.memory_space<hbm>>
    %dma_start3A_436 = arith.constant 0 : i32
    %dma_start3A_437 = tpu.memref_slice %arg4[%add3A_428, %dma_start3A_436] : memref<8192x1024xf32, #tpu.memory_space<hbm>> -> memref<32x1024xf32, #tpu.memory_space<hbm>>
    %dma_start3A_438 = arith.constant 0 : i32
    %dma_start3A_439 = arith.constant 0 : i32
    %dma_start3A_440 = tpu.memref_slice %arg6[%dma_start3A_429, %dma_start3A_438, %dma_start3A_439] : memref<3x32x1024xf32, #tpu.memory_space<vmem>> -> memref<1x32x1024xf32, #tpu.memory_space<vmem>>
    %dma_start3A_441 = tpu.memref_squeeze %dma_start3A_440 : memref<1x32x1024xf32, #tpu.memory_space<vmem>> -> memref<32x1024xf32, #tpu.memory_space<vmem>>
    tpu.enqueue_dma source(%dma_start3A_441 : memref<32x1024xf32, #tpu.memory_space<vmem>>) target(%dma_start3A_437 : memref<32x1024xf32, #tpu.memory_space<hbm>>) target_semaphore(%arg15 : memref<!tpu.dma_semaphore, #tpu.memory_space<semaphore_mem>>)
    %dma_wait3A_442 = arith.constant 0 : i32
    %dma_wait3A_443 = arith.constant 0 : i32
    %dma_wait3A_444 = tpu.memref_slice %arg5[%dma_wait3A_442, %dma_wait3A_443] : memref<3x32xi32, #tpu.memory_space<vmem>> -> memref<1x32xi32, #tpu.memory_space<vmem>>
    %dma_wait3A_445 = tpu.memref_squeeze %dma_wait3A_444 : memref<1x32xi32, #tpu.memory_space<vmem>> -> memref<32xi32, #tpu.memory_space<vmem>>
    %dma_wait3A_446 = tpu.memref_slice %arg3[%add3A_333] : memref<8192xi32, #tpu.memory_space<hbm>> -> memref<32xi32, #tpu.memory_space<hbm>>
    %dma_wait3A_447 = arith.constant 0 : i32
    %dma_wait3A_448 = tpu.memref_slice %arg5[%dma_wait3A_442, %dma_wait3A_447] : memref<3x32xi32, #tpu.memory_space<vmem>> -> memref<1x32xi32, #tpu.memory_space<vmem>>
    %dma_wait3A_449 = tpu.memref_squeeze %dma_wait3A_448 : memref<1x32xi32, #tpu.memory_space<vmem>> -> memref<32xi32, #tpu.memory_space<vmem>>
    %dma_wait3A_450 = tpu.memref_slice %arg3[%add3A_333] : memref<8192xi32, #tpu.memory_space<hbm>> -> memref<32xi32, #tpu.memory_space<hbm>>
    tpu.wait_dma2 semaphore(%arg7 : memref<!tpu.dma_semaphore, #tpu.memory_space<semaphore_mem>>) src(%dma_wait3A_450 : memref<32xi32, #tpu.memory_space<hbm>>) dst(%dma_wait3A_449 : memref<32xi32, #tpu.memory_space<vmem>>)
    %dma_start3A_451 = arith.constant 0 : i32
    %dma_start3A_452 = arith.constant 0 : i32
    %dma_start3A_453 = arith.constant 0 : i32
    %dma_start3A_454 = arith.constant 0 : i32
    %dma_start3A_455 = tpu.memref_slice %arg6[%dma_start3A_452, %dma_start3A_453, %dma_start3A_454] : memref<3x32x1024xf32, #tpu.memory_space<vmem>> -> memref<1x32x1024xf32, #tpu.memory_space<vmem>>
    %dma_start3A_456 = tpu.memref_squeeze %dma_start3A_455 : memref<1x32x1024xf32, #tpu.memory_space<vmem>> -> memref<32x1024xf32, #tpu.memory_space<vmem>>
    %dma_start3A_457 = arith.constant 0 : i32
    %dma_start3A_458 = tpu.memref_slice %arg5[%dma_start3A_451, %dma_start3A_457] : memref<3x32xi32, #tpu.memory_space<vmem>> -> memref<1x32xi32, #tpu.memory_space<vmem>>
    %dma_start3A_459 = tpu.memref_squeeze %dma_start3A_458 : memref<1x32xi32, #tpu.memory_space<vmem>> -> memref<32xi32, #tpu.memory_space<vmem>>
    %dma_start3A_460 = arith.constant 0 : i32
    %dma_start3A_461 = arith.constant 0 : i32
    %dma_start3A_462 = tpu.memref_slice %arg2[%dma_start3A_460, %dma_start3A_461] : memref<12288x1024xf32, #tpu.memory_space<hbm>> -> memref<12288x1024xf32, #tpu.memory_space<hbm>>
    tpu.enqueue_indirect_dma source(%dma_start3A_462 : memref<12288x1024xf32, #tpu.memory_space<hbm>>) target(%dma_start3A_456 : memref<32x1024xf32, #tpu.memory_space<vmem>>) offsets(%dma_start3A_459 : memref<32xi32, #tpu.memory_space<vmem>>) semaphore(%arg10 : memref<!tpu.dma_semaphore, #tpu.memory_space<semaphore_mem>>)
    %dma_wait3A_463 = arith.constant 0 : i32
    %dma_wait3A_464 = arith.constant 0 : i32
    %dma_wait3A_465 = arith.constant 0 : i32
    %dma_wait3A_466 = arith.constant 0 : i32
    %dma_wait3A_467 = tpu.memref_slice %arg6[%dma_wait3A_464, %dma_wait3A_465, %dma_wait3A_466] : memref<3x32x1024xf32, #tpu.memory_space<vmem>> -> memref<1x32x1024xf32, #tpu.memory_space<vmem>>
    %dma_wait3A_468 = tpu.memref_squeeze %dma_wait3A_467 : memref<1x32x1024xf32, #tpu.memory_space<vmem>> -> memref<32x1024xf32, #tpu.memory_space<vmem>>
    %dma_wait3A_469 = arith.constant 0 : i32
    %dma_wait3A_470 = tpu.memref_slice %arg5[%dma_wait3A_463, %dma_wait3A_469] : memref<3x32xi32, #tpu.memory_space<vmem>> -> memref<1x32xi32, #tpu.memory_space<vmem>>
    %dma_wait3A_471 = tpu.memref_squeeze %dma_wait3A_470 : memref<1x32xi32, #tpu.memory_space<vmem>> -> memref<32xi32, #tpu.memory_space<vmem>>
    %dma_wait3A_472 = arith.constant 0 : i32
    %dma_wait3A_473 = arith.constant 0 : i32
    %dma_wait3A_474 = tpu.memref_slice %arg2[%dma_wait3A_472, %dma_wait3A_473] : memref<12288x1024xf32, #tpu.memory_space<hbm>> -> memref<12288x1024xf32, #tpu.memory_space<hbm>>
    tpu.wait_indirect_dma semaphore(%arg10 : memref<!tpu.dma_semaphore, #tpu.memory_space<semaphore_mem>>) src(%dma_wait3A_474 : memref<12288x1024xf32, #tpu.memory_space<hbm>>) dst(%dma_wait3A_468 : memref<32x1024xf32, #tpu.memory_space<vmem>>)
    %add3A_475 = arith.constant 192 : i32
    %add3A_476 = arith.addi %mul3A_2, %add3A_475 : i32
    %dma_start3A_477 = arith.constant 0 : i32
    %dma_start3A_478 = arith.constant 0 : i32
    %dma_start3A_479 = arith.constant 0 : i32
    %dma_start3A_480 = tpu.memref_slice %arg6[%dma_start3A_477, %dma_start3A_478, %dma_start3A_479] : memref<3x32x1024xf32, #tpu.memory_space<vmem>> -> memref<1x32x1024xf32, #tpu.memory_space<vmem>>
    %dma_start3A_481 = tpu.memref_squeeze %dma_start3A_480 : memref<1x32x1024xf32, #tpu.memory_space<vmem>> -> memref<32x1024xf32, #tpu.memory_space<vmem>>
    %dma_start3A_482 = arith.constant 0 : i32
    %dma_start3A_483 = tpu.memref_slice %arg4[%add3A_476, %dma_start3A_482] : memref<8192x1024xf32, #tpu.memory_space<hbm>> -> memref<32x1024xf32, #tpu.memory_space<hbm>>
    %dma_start3A_484 = arith.constant 0 : i32
    %dma_start3A_485 = tpu.memref_slice %arg4[%add3A_476, %dma_start3A_484] : memref<8192x1024xf32, #tpu.memory_space<hbm>> -> memref<32x1024xf32, #tpu.memory_space<hbm>>
    %dma_start3A_486 = arith.constant 0 : i32
    %dma_start3A_487 = arith.constant 0 : i32
    %dma_start3A_488 = tpu.memref_slice %arg6[%dma_start3A_477, %dma_start3A_486, %dma_start3A_487] : memref<3x32x1024xf32, #tpu.memory_space<vmem>> -> memref<1x32x1024xf32, #tpu.memory_space<vmem>>
    %dma_start3A_489 = tpu.memref_squeeze %dma_start3A_488 : memref<1x32x1024xf32, #tpu.memory_space<vmem>> -> memref<32x1024xf32, #tpu.memory_space<vmem>>
    tpu.enqueue_dma source(%dma_start3A_489 : memref<32x1024xf32, #tpu.memory_space<vmem>>) target(%dma_start3A_485 : memref<32x1024xf32, #tpu.memory_space<hbm>>) target_semaphore(%arg13 : memref<!tpu.dma_semaphore, #tpu.memory_space<semaphore_mem>>)
    %dma_wait3A_490 = arith.constant 1 : i32
    %dma_wait3A_491 = arith.constant 0 : i32
    %dma_wait3A_492 = tpu.memref_slice %arg5[%dma_wait3A_490, %dma_wait3A_491] : memref<3x32xi32, #tpu.memory_space<vmem>> -> memref<1x32xi32, #tpu.memory_space<vmem>>
    %dma_wait3A_493 = tpu.memref_squeeze %dma_wait3A_492 : memref<1x32xi32, #tpu.memory_space<vmem>> -> memref<32xi32, #tpu.memory_space<vmem>>
    %dma_wait3A_494 = tpu.memref_slice %arg3[%add3A_405] : memref<8192xi32, #tpu.memory_space<hbm>> -> memref<32xi32, #tpu.memory_space<hbm>>
    %dma_wait3A_495 = arith.constant 0 : i32
    %dma_wait3A_496 = tpu.memref_slice %arg5[%dma_wait3A_490, %dma_wait3A_495] : memref<3x32xi32, #tpu.memory_space<vmem>> -> memref<1x32xi32, #tpu.memory_space<vmem>>
    %dma_wait3A_497 = tpu.memref_squeeze %dma_wait3A_496 : memref<1x32xi32, #tpu.memory_space<vmem>> -> memref<32xi32, #tpu.memory_space<vmem>>
    %dma_wait3A_498 = tpu.memref_slice %arg3[%add3A_405] : memref<8192xi32, #tpu.memory_space<hbm>> -> memref<32xi32, #tpu.memory_space<hbm>>
    tpu.wait_dma2 semaphore(%arg8 : memref<!tpu.dma_semaphore, #tpu.memory_space<semaphore_mem>>) src(%dma_wait3A_498 : memref<32xi32, #tpu.memory_space<hbm>>) dst(%dma_wait3A_497 : memref<32xi32, #tpu.memory_space<vmem>>)
    %dma_start3A_499 = arith.constant 1 : i32
    %dma_start3A_500 = arith.constant 1 : i32
    %dma_start3A_501 = arith.constant 0 : i32
    %dma_start3A_502 = arith.constant 0 : i32
    %dma_start3A_503 = tpu.memref_slice %arg6[%dma_start3A_500, %dma_start3A_501, %dma_start3A_502] : memref<3x32x1024xf32, #tpu.memory_space<vmem>> -> memref<1x32x1024xf32, #tpu.memory_space<vmem>>
    %dma_start3A_504 = tpu.memref_squeeze %dma_start3A_503 : memref<1x32x1024xf32, #tpu.memory_space<vmem>> -> memref<32x1024xf32, #tpu.memory_space<vmem>>
    %dma_start3A_505 = arith.constant 0 : i32
    %dma_start3A_506 = tpu.memref_slice %arg5[%dma_start3A_499, %dma_start3A_505] : memref<3x32xi32, #tpu.memory_space<vmem>> -> memref<1x32xi32, #tpu.memory_space<vmem>>
    %dma_start3A_507 = tpu.memref_squeeze %dma_start3A_506 : memref<1x32xi32, #tpu.memory_space<vmem>> -> memref<32xi32, #tpu.memory_space<vmem>>
    %dma_start3A_508 = arith.constant 0 : i32
    %dma_start3A_509 = arith.constant 0 : i32
    %dma_start3A_510 = tpu.memref_slice %arg2[%dma_start3A_508, %dma_start3A_509] : memref<12288x1024xf32, #tpu.memory_space<hbm>> -> memref<12288x1024xf32, #tpu.memory_space<hbm>>
    tpu.enqueue_indirect_dma source(%dma_start3A_510 : memref<12288x1024xf32, #tpu.memory_space<hbm>>) target(%dma_start3A_504 : memref<32x1024xf32, #tpu.memory_space<vmem>>) offsets(%dma_start3A_507 : memref<32xi32, #tpu.memory_space<vmem>>) semaphore(%arg11 : memref<!tpu.dma_semaphore, #tpu.memory_space<semaphore_mem>>)
    %dma_wait3A_511 = arith.constant 1 : i32
    %dma_wait3A_512 = arith.constant 1 : i32
    %dma_wait3A_513 = arith.constant 0 : i32
    %dma_wait3A_514 = arith.constant 0 : i32
    %dma_wait3A_515 = tpu.memref_slice %arg6[%dma_wait3A_512, %dma_wait3A_513, %dma_wait3A_514] : memref<3x32x1024xf32, #tpu.memory_space<vmem>> -> memref<1x32x1024xf32, #tpu.memory_space<vmem>>
    %dma_wait3A_516 = tpu.memref_squeeze %dma_wait3A_515 : memref<1x32x1024xf32, #tpu.memory_space<vmem>> -> memref<32x1024xf32, #tpu.memory_space<vmem>>
    %dma_wait3A_517 = arith.constant 0 : i32
    %dma_wait3A_518 = tpu.memref_slice %arg5[%dma_wait3A_511, %dma_wait3A_517] : memref<3x32xi32, #tpu.memory_space<vmem>> -> memref<1x32xi32, #tpu.memory_space<vmem>>
    %dma_wait3A_519 = tpu.memref_squeeze %dma_wait3A_518 : memref<1x32xi32, #tpu.memory_space<vmem>> -> memref<32xi32, #tpu.memory_space<vmem>>
    %dma_wait3A_520 = arith.constant 0 : i32
    %dma_wait3A_521 = arith.constant 0 : i32
    %dma_wait3A_522 = tpu.memref_slice %arg2[%dma_wait3A_520, %dma_wait3A_521] : memref<12288x1024xf32, #tpu.memory_space<hbm>> -> memref<12288x1024xf32, #tpu.memory_space<hbm>>
    tpu.wait_indirect_dma semaphore(%arg11 : memref<!tpu.dma_semaphore, #tpu.memory_space<semaphore_mem>>) src(%dma_wait3A_522 : memref<12288x1024xf32, #tpu.memory_space<hbm>>) dst(%dma_wait3A_516 : memref<32x1024xf32, #tpu.memory_space<vmem>>)
    %add3A_523 = arith.constant 224 : i32
    %add3A_524 = arith.addi %mul3A_2, %add3A_523 : i32
    %dma_start3A_525 = arith.constant 1 : i32
    %dma_start3A_526 = arith.constant 0 : i32
    %dma_start3A_527 = arith.constant 0 : i32
    %dma_start3A_528 = tpu.memref_slice %arg6[%dma_start3A_525, %dma_start3A_526, %dma_start3A_527] : memref<3x32x1024xf32, #tpu.memory_space<vmem>> -> memref<1x32x1024xf32, #tpu.memory_space<vmem>>
    %dma_start3A_529 = tpu.memref_squeeze %dma_start3A_528 : memref<1x32x1024xf32, #tpu.memory_space<vmem>> -> memref<32x1024xf32, #tpu.memory_space<vmem>>
    %dma_start3A_530 = arith.constant 0 : i32
    %dma_start3A_531 = tpu.memref_slice %arg4[%add3A_524, %dma_start3A_530] : memref<8192x1024xf32, #tpu.memory_space<hbm>> -> memref<32x1024xf32, #tpu.memory_space<hbm>>
    %dma_start3A_532 = arith.constant 0 : i32
    %dma_start3A_533 = tpu.memref_slice %arg4[%add3A_524, %dma_start3A_532] : memref<8192x1024xf32, #tpu.memory_space<hbm>> -> memref<32x1024xf32, #tpu.memory_space<hbm>>
    %dma_start3A_534 = arith.constant 0 : i32
    %dma_start3A_535 = arith.constant 0 : i32
    %dma_start3A_536 = tpu.memref_slice %arg6[%dma_start3A_525, %dma_start3A_534, %dma_start3A_535] : memref<3x32x1024xf32, #tpu.memory_space<vmem>> -> memref<1x32x1024xf32, #tpu.memory_space<vmem>>
    %dma_start3A_537 = tpu.memref_squeeze %dma_start3A_536 : memref<1x32x1024xf32, #tpu.memory_space<vmem>> -> memref<32x1024xf32, #tpu.memory_space<vmem>>
    tpu.enqueue_dma source(%dma_start3A_537 : memref<32x1024xf32, #tpu.memory_space<vmem>>) target(%dma_start3A_533 : memref<32x1024xf32, #tpu.memory_space<hbm>>) target_semaphore(%arg14 : memref<!tpu.dma_semaphore, #tpu.memory_space<semaphore_mem>>)
    %dma_wait3A_538 = arith.constant 2 : i32
    %dma_wait3A_539 = arith.constant 0 : i32
    %dma_wait3A_540 = arith.constant 0 : i32
    %dma_wait3A_541 = tpu.memref_slice %arg6[%dma_wait3A_538, %dma_wait3A_539, %dma_wait3A_540] : memref<3x32x1024xf32, #tpu.memory_space<vmem>> -> memref<1x32x1024xf32, #tpu.memory_space<vmem>>
    %dma_wait3A_542 = tpu.memref_squeeze %dma_wait3A_541 : memref<1x32x1024xf32, #tpu.memory_space<vmem>> -> memref<32x1024xf32, #tpu.memory_space<vmem>>
    %dma_wait3A_543 = arith.constant 0 : i32
    %dma_wait3A_544 = tpu.memref_slice %arg4[%add3A_428, %dma_wait3A_543] : memref<8192x1024xf32, #tpu.memory_space<hbm>> -> memref<32x1024xf32, #tpu.memory_space<hbm>>
    %dma_wait3A_545 = arith.constant 0 : i32
    %dma_wait3A_546 = tpu.memref_slice %arg4[%add3A_428, %dma_wait3A_545] : memref<8192x1024xf32, #tpu.memory_space<hbm>> -> memref<32x1024xf32, #tpu.memory_space<hbm>>
    %dma_wait3A_547 = arith.constant 0 : i32
    %dma_wait3A_548 = arith.constant 0 : i32
    %dma_wait3A_549 = tpu.memref_slice %arg6[%dma_wait3A_538, %dma_wait3A_547, %dma_wait3A_548] : memref<3x32x1024xf32, #tpu.memory_space<vmem>> -> memref<1x32x1024xf32, #tpu.memory_space<vmem>>
    %dma_wait3A_550 = tpu.memref_squeeze %dma_wait3A_549 : memref<1x32x1024xf32, #tpu.memory_space<vmem>> -> memref<32x1024xf32, #tpu.memory_space<vmem>>
    tpu.wait_dma2 semaphore(%arg15 : memref<!tpu.dma_semaphore, #tpu.memory_space<semaphore_mem>>) src(%dma_wait3A_550 : memref<32x1024xf32, #tpu.memory_space<vmem>>) dst(%dma_wait3A_546 : memref<32x1024xf32, #tpu.memory_space<hbm>>)
    %dma_wait3A_551 = arith.constant 0 : i32
    %dma_wait3A_552 = arith.constant 0 : i32
    %dma_wait3A_553 = arith.constant 0 : i32
    %dma_wait3A_554 = tpu.memref_slice %arg6[%dma_wait3A_551, %dma_wait3A_552, %dma_wait3A_553] : memref<3x32x1024xf32, #tpu.memory_space<vmem>> -> memref<1x32x1024xf32, #tpu.memory_space<vmem>>
    %dma_wait3A_555 = tpu.memref_squeeze %dma_wait3A_554 : memref<1x32x1024xf32, #tpu.memory_space<vmem>> -> memref<32x1024xf32, #tpu.memory_space<vmem>>
    %dma_wait3A_556 = arith.constant 0 : i32
    %dma_wait3A_557 = tpu.memref_slice %arg4[%add3A_476, %dma_wait3A_556] : memref<8192x1024xf32, #tpu.memory_space<hbm>> -> memref<32x1024xf32, #tpu.memory_space<hbm>>
    %dma_wait3A_558 = arith.constant 0 : i32
    %dma_wait3A_559 = tpu.memref_slice %arg4[%add3A_476, %dma_wait3A_558] : memref<8192x1024xf32, #tpu.memory_space<hbm>> -> memref<32x1024xf32, #tpu.memory_space<hbm>>
    %dma_wait3A_560 = arith.constant 0 : i32
    %dma_wait3A_561 = arith.constant 0 : i32
    %dma_wait3A_562 = tpu.memref_slice %arg6[%dma_wait3A_551, %dma_wait3A_560, %dma_wait3A_561] : memref<3x32x1024xf32, #tpu.memory_space<vmem>> -> memref<1x32x1024xf32, #tpu.memory_space<vmem>>
    %dma_wait3A_563 = tpu.memref_squeeze %dma_wait3A_562 : memref<1x32x1024xf32, #tpu.memory_space<vmem>> -> memref<32x1024xf32, #tpu.memory_space<vmem>>
    tpu.wait_dma2 semaphore(%arg13 : memref<!tpu.dma_semaphore, #tpu.memory_space<semaphore_mem>>) src(%dma_wait3A_563 : memref<32x1024xf32, #tpu.memory_space<vmem>>) dst(%dma_wait3A_559 : memref<32x1024xf32, #tpu.memory_space<hbm>>)
    %dma_wait3A_564 = arith.constant 1 : i32
    %dma_wait3A_565 = arith.constant 0 : i32
    %dma_wait3A_566 = arith.constant 0 : i32
    %dma_wait3A_567 = tpu.memref_slice %arg6[%dma_wait3A_564, %dma_wait3A_565, %dma_wait3A_566] : memref<3x32x1024xf32, #tpu.memory_space<vmem>> -> memref<1x32x1024xf32, #tpu.memory_space<vmem>>
    %dma_wait3A_568 = tpu.memref_squeeze %dma_wait3A_567 : memref<1x32x1024xf32, #tpu.memory_space<vmem>> -> memref<32x1024xf32, #tpu.memory_space<vmem>>
    %dma_wait3A_569 = arith.constant 0 : i32
    %dma_wait3A_570 = tpu.memref_slice %arg4[%add3A_524, %dma_wait3A_569] : memref<8192x1024xf32, #tpu.memory_space<hbm>> -> memref<32x1024xf32, #tpu.memory_space<hbm>>
    %dma_wait3A_571 = arith.constant 0 : i32
    %dma_wait3A_572 = tpu.memref_slice %arg4[%add3A_524, %dma_wait3A_571] : memref<8192x1024xf32, #tpu.memory_space<hbm>> -> memref<32x1024xf32, #tpu.memory_space<hbm>>
    %dma_wait3A_573 = arith.constant 0 : i32
    %dma_wait3A_574 = arith.constant 0 : i32
    %dma_wait3A_575 = tpu.memref_slice %arg6[%dma_wait3A_564, %dma_wait3A_573, %dma_wait3A_574] : memref<3x32x1024xf32, #tpu.memory_space<vmem>> -> memref<1x32x1024xf32, #tpu.memory_space<vmem>>
    %dma_wait3A_576 = tpu.memref_squeeze %dma_wait3A_575 : memref<1x32x1024xf32, #tpu.memory_space<vmem>> -> memref<32x1024xf32, #tpu.memory_space<vmem>>
    tpu.wait_dma2 semaphore(%arg14 : memref<!tpu.dma_semaphore, #tpu.memory_space<semaphore_mem>>) src(%dma_wait3A_576 : memref<32x1024xf32, #tpu.memory_space<vmem>>) dst(%dma_wait3A_572 : memref<32x1024xf32, #tpu.memory_space<hbm>>)
    return
  }
}

module attributes {stable_mosaic.version = 14 : i64} {
  func.func @_router_body(%arg0: i32, %arg1: memref<256x1024xf32, #tpu.memory_space<vmem>>, %arg2: memref<1024x8xf32, #tpu.memory_space<vmem>>, %arg3: memref<1024x8xf32, #tpu.memory_space<vmem>>, %arg4: memref<256x8xf32, #tpu.memory_space<vmem>>, %arg5: memref<256x1xi32, #tpu.memory_space<vmem>>, %arg6: memref<256x1xi32, #tpu.memory_space<vmem>>, %arg7: memref<256x1xf32, #tpu.memory_space<vmem>>, %arg8: memref<256x1xf32, #tpu.memory_space<vmem>>, %arg9: memref<1x1xf32, #tpu.memory_space<vmem>>, %arg10: memref<2x8xf32, #tpu.memory_space<vmem>>) attributes {dimension_semantics = [#tpu.dimension_semantics<arbitrary>], iteration_bounds = array<i64: 16>, scalar_prefetch = 0 : i64, scratch_operands = 1 : i64, tpu.core_type = #tpu.core_type<tc>, window_params = [{transform_indices = @transform_0, window_bounds = array<i64: 256, 1024>}, {pipeline_mode = #tpu.pipeline_mode<synchronous>, transform_indices = @transform_1, window_bounds = array<i64: 1024, 8>}, {pipeline_mode = #tpu.pipeline_mode<synchronous>, transform_indices = @transform_2, window_bounds = array<i64: 1024, 8>}, {transform_indices = @transform_3, window_bounds = array<i64: 256, 8>}, {transform_indices = @transform_4, window_bounds = array<i64: 256, 1>}, {transform_indices = @transform_5, window_bounds = array<i64: 256, 1>}, {transform_indices = @transform_6, window_bounds = array<i64: 256, 1>}, {transform_indices = @transform_7, window_bounds = array<i64: 256, 1>}, {pipeline_mode = #tpu.pipeline_mode<synchronous>, transform_indices = @transform_8, window_bounds = array<i64: 1, 1>}]} {
    %get3A = arith.constant 0 : index
    %get3A_0 = arith.constant 0 : index
    %get3A_1 = vector.load %arg1[%get3A, %get3A_0] : memref<256x1024xf32, #tpu.memory_space<vmem>>, vector<256x1024xf32>
    %get3A_2 = arith.constant 0 : index
    %get3A_3 = arith.constant 0 : index
    %get3A_4 = vector.load %arg2[%get3A_2, %get3A_3] : memref<1024x8xf32, #tpu.memory_space<vmem>>, vector<1024x8xf32>
    %dot_general3A = arith.constant dense<0.000000e+00> : vector<256x8xf32>
    %dot_general3A_5 = tpu.matmul %get3A_1, %get3A_4, %dot_general3A {dimension_numbers = #tpu.dot_dimension_numbers<[1], [0], [0], [1], [0, 0, 1, 1], [], []>, transpose_lhs_hint = false} : vector<256x1024xf32>, vector<1024x8xf32>, vector<256x8xf32> -> vector<256x8xf32>
    %get3A_6 = arith.constant 0 : index
    %get3A_7 = arith.constant 0 : index
    %get3A_8 = vector.load %arg3[%get3A_6, %get3A_7] : memref<1024x8xf32, #tpu.memory_space<vmem>>, vector<1024x8xf32>
    %dot_general3A_9 = arith.constant dense<0.000000e+00> : vector<256x8xf32>
    %dot_general3A_10 = tpu.matmul %get3A_1, %get3A_8, %dot_general3A_9 {dimension_numbers = #tpu.dot_dimension_numbers<[1], [0], [0], [1], [0, 0, 1, 1], [], []>, transpose_lhs_hint = false} : vector<256x1024xf32>, vector<1024x8xf32>, vector<256x8xf32> -> vector<256x8xf32>
    %max3A = arith.constant 0.000000e+00 : f32
    %max3A_11 = vector.broadcast %max3A : f32 to vector<256x8xf32>
    %max3A_12 = arith.maximumf %dot_general3A_10, %max3A_11 : vector<256x8xf32>
    %abs3A = math.absf %dot_general3A_10 : vector<256x8xf32>
    %neg3A = arith.constant 0.000000e+00 : f32
    %neg3A_13 = vector.broadcast %neg3A : f32 to vector<256x8xf32>
    %neg3A_14 = arith.subf %neg3A_13, %abs3A : vector<256x8xf32>
    %exp3A = math.exp %neg3A_14 : vector<256x8xf32>
    %log1p3A = math.log1p %exp3A : vector<256x8xf32>
    %add3A = arith.addf %max3A_12, %log1p3A : vector<256x8xf32>
    %get3A_15 = arith.constant 0 : index
    %get3A_16 = arith.constant 0 : index
    %get3A_17 = vector.load %arg4[%get3A_15, %get3A_16] : memref<256x8xf32, #tpu.memory_space<vmem>>, vector<256x8xf32>
    %mul3A = arith.mulf %get3A_17, %add3A : vector<256x8xf32>
    %add3A_18 = arith.addf %dot_general3A_5, %mul3A : vector<256x8xf32>
    %iota3A = tpu.iota {dimensions = array<i32: 1>} : vector<256x8xi32>
    %reduce_max3A = arith.constant dense<0xFF800000> : vector<256xf32>
    %reduce_max3A_19 = vector.multi_reduction <maximumf>, %add3A_18, %reduce_max3A [1] : vector<256x8xf32> to vector<256xf32>
    %broadcast_in_dim3A = vector.shape_cast %reduce_max3A_19 : vector<256xf32> to vector<256x1xf32>
    %eq3A = vector.broadcast %broadcast_in_dim3A : vector<256x1xf32> to vector<256x8xf32>
    %eq3A_20 = arith.cmpf oeq, %add3A_18, %eq3A : vector<256x8xf32>
    %jit3A = arith.constant 8 : i32
    %broadcast_in_dim3A_21 = vector.broadcast %jit3A : i32 to vector<256x8xi32>
    %select_n3A = arith.select %eq3A_20, %iota3A, %broadcast_in_dim3A_21 : vector<256x8xi1>, vector<256x8xi32>
    %reduce_min3A = arith.constant dense<2147483647> : vector<256xi32>
    %reduce_min3A_22 = vector.multi_reduction <minsi>, %select_n3A, %reduce_min3A [1] : vector<256x8xi32> to vector<256xi32>
    %broadcast_in_dim3A_23 = vector.shape_cast %reduce_min3A_22 : vector<256xi32> to vector<256x1xi32>
    %eq3A_24 = vector.broadcast %broadcast_in_dim3A_23 : vector<256x1xi32> to vector<256x8xi32>
    %eq3A_25 = arith.cmpi eq, %iota3A, %eq3A_24 : vector<256x8xi32>
    %jit3A_26 = arith.constant 0xFF800000 : f32
    %broadcast_in_dim3A_27 = vector.broadcast %jit3A_26 : f32 to vector<256x8xf32>
    %select_n3A_28 = arith.select %eq3A_25, %broadcast_in_dim3A_27, %add3A_18 : vector<256x8xi1>, vector<256x8xf32>
    %reduce_max3A_29 = arith.constant dense<0xFF800000> : vector<256xf32>
    %reduce_max3A_30 = vector.multi_reduction <maximumf>, %select_n3A_28, %reduce_max3A_29 [1] : vector<256x8xf32> to vector<256xf32>
    %broadcast_in_dim3A_31 = vector.shape_cast %reduce_max3A_30 : vector<256xf32> to vector<256x1xf32>
    %eq3A_32 = vector.broadcast %broadcast_in_dim3A_31 : vector<256x1xf32> to vector<256x8xf32>
    %eq3A_33 = arith.cmpf oeq, %select_n3A_28, %eq3A_32 : vector<256x8xf32>
    %jit3A_34 = arith.constant 8 : i32
    %broadcast_in_dim3A_35 = vector.broadcast %jit3A_34 : i32 to vector<256x8xi32>
    %select_n3A_36 = arith.select %eq3A_33, %iota3A, %broadcast_in_dim3A_35 : vector<256x8xi1>, vector<256x8xi32>
    %reduce_min3A_37 = arith.constant dense<2147483647> : vector<256xi32>
    %reduce_min3A_38 = vector.multi_reduction <minsi>, %select_n3A_36, %reduce_min3A_37 [1] : vector<256x8xi32> to vector<256xi32>
    %broadcast_in_dim3A_39 = vector.shape_cast %reduce_min3A_38 : vector<256xi32> to vector<256x1xi32>
    %eq3A_40 = vector.broadcast %broadcast_in_dim3A_23 : vector<256x1xi32> to vector<256x8xi32>
    %eq3A_41 = arith.cmpi eq, %iota3A, %eq3A_40 : vector<256x8xi32>
    %eq3A_42 = vector.broadcast %broadcast_in_dim3A_39 : vector<256x1xi32> to vector<256x8xi32>
    %eq3A_43 = arith.cmpi eq, %iota3A, %eq3A_42 : vector<256x8xi32>
    %or3A = arith.ori %eq3A_41, %eq3A_43 : vector<256x8xi1>
    %jit3A_44 = arith.constant -1.000000e+09 : f32
    %broadcast_in_dim3A_45 = vector.broadcast %jit3A_44 : f32 to vector<256x8xf32>
    %select_n3A_46 = arith.select %or3A, %add3A_18, %broadcast_in_dim3A_45 : vector<256x8xi1>, vector<256x8xf32>
    %sub3A = vector.broadcast %broadcast_in_dim3A : vector<256x1xf32> to vector<256x8xf32>
    %sub3A_47 = arith.subf %select_n3A_46, %sub3A : vector<256x8xf32>
    %exp3A_48 = math.exp %sub3A_47 : vector<256x8xf32>
    %reduce_sum3A = arith.constant dense<0.000000e+00> : vector<256xf32>
    %reduce_sum3A_49 = vector.multi_reduction <add>, %exp3A_48, %reduce_sum3A [1] : vector<256x8xf32> to vector<256xf32>
    %broadcast_in_dim3A_50 = vector.shape_cast %reduce_sum3A_49 : vector<256xf32> to vector<256x1xf32>
    %div3A = vector.broadcast %broadcast_in_dim3A_50 : vector<256x1xf32> to vector<256x8xf32>
    %div3A_51 = arith.divf %exp3A_48, %div3A : vector<256x8xf32>
    %eq3A_52 = vector.broadcast %broadcast_in_dim3A_23 : vector<256x1xi32> to vector<256x8xi32>
    %eq3A_53 = arith.cmpi eq, %iota3A, %eq3A_52 : vector<256x8xi32>
    %jit3A_54 = arith.constant 0.000000e+00 : f32
    %broadcast_in_dim3A_55 = vector.broadcast %jit3A_54 : f32 to vector<256x8xf32>
    %select_n3A_56 = arith.select %eq3A_53, %div3A_51, %broadcast_in_dim3A_55 : vector<256x8xi1>, vector<256x8xf32>
    %reduce_sum3A_57 = arith.constant dense<0.000000e+00> : vector<256xf32>
    %reduce_sum3A_58 = vector.multi_reduction <add>, %select_n3A_56, %reduce_sum3A_57 [1] : vector<256x8xf32> to vector<256xf32>
    %broadcast_in_dim3A_59 = vector.shape_cast %reduce_sum3A_58 : vector<256xf32> to vector<256x1xf32>
    %eq3A_60 = vector.broadcast %broadcast_in_dim3A_39 : vector<256x1xi32> to vector<256x8xi32>
    %eq3A_61 = arith.cmpi eq, %iota3A, %eq3A_60 : vector<256x8xi32>
    %jit3A_62 = arith.constant 0.000000e+00 : f32
    %broadcast_in_dim3A_63 = vector.broadcast %jit3A_62 : f32 to vector<256x8xf32>
    %select_n3A_64 = arith.select %eq3A_61, %div3A_51, %broadcast_in_dim3A_63 : vector<256x8xi1>, vector<256x8xf32>
    %reduce_sum3A_65 = arith.constant dense<0.000000e+00> : vector<256xf32>
    %reduce_sum3A_66 = vector.multi_reduction <add>, %select_n3A_64, %reduce_sum3A_65 [1] : vector<256x8xf32> to vector<256xf32>
    %broadcast_in_dim3A_67 = vector.shape_cast %reduce_sum3A_66 : vector<256xf32> to vector<256x1xf32>
    %swap3A = arith.constant 0 : index
    %swap3A_68 = arith.constant 0 : index
    %swap3A_69 = vector.load %arg5[%swap3A, %swap3A_68] : memref<256x1xi32, #tpu.memory_space<vmem>>, vector<256x1xi32>
    tpu.vector_store %arg5[%swap3A, %swap3A_68], %broadcast_in_dim3A_23 {strides = array<i32>} : memref<256x1xi32, #tpu.memory_space<vmem>>, vector<256x1xi32>,
    %swap3A_70 = arith.constant 0 : index
    %swap3A_71 = arith.constant 0 : index
    %swap3A_72 = vector.load %arg6[%swap3A_70, %swap3A_71] : memref<256x1xi32, #tpu.memory_space<vmem>>, vector<256x1xi32>
    tpu.vector_store %arg6[%swap3A_70, %swap3A_71], %broadcast_in_dim3A_39 {strides = array<i32>} : memref<256x1xi32, #tpu.memory_space<vmem>>, vector<256x1xi32>,
    %swap3A_73 = arith.constant 0 : index
    %swap3A_74 = arith.constant 0 : index
    %swap3A_75 = vector.load %arg7[%swap3A_73, %swap3A_74] : memref<256x1xf32, #tpu.memory_space<vmem>>, vector<256x1xf32>
    tpu.vector_store %arg7[%swap3A_73, %swap3A_74], %broadcast_in_dim3A_59 {strides = array<i32>} : memref<256x1xf32, #tpu.memory_space<vmem>>, vector<256x1xf32>,
    %swap3A_76 = arith.constant 0 : index
    %swap3A_77 = arith.constant 0 : index
    %swap3A_78 = vector.load %arg8[%swap3A_76, %swap3A_77] : memref<256x1xf32, #tpu.memory_space<vmem>>, vector<256x1xf32>
    tpu.vector_store %arg8[%swap3A_76, %swap3A_77], %broadcast_in_dim3A_67 {strides = array<i32>} : memref<256x1xf32, #tpu.memory_space<vmem>>, vector<256x1xf32>,
    %gt3A = arith.constant 0.000000e+00 : f32
    %gt3A_79 = vector.broadcast %gt3A : f32 to vector<256x8xf32>
    %gt3A_80 = arith.cmpf ogt, %div3A_51, %gt3A_79 : vector<256x8xf32>
    %convert_element_type3A = arith.extui %gt3A_80 : vector<256x8xi1> to vector<256x8xi32>
    %convert_element_type3A_81 = arith.sitofp %convert_element_type3A : vector<256x8xi32> to vector<256x8xf32>
    %reduce_sum3A_82 = arith.constant dense<0.000000e+00> : vector<8xf32>
    %reduce_sum3A_83 = vector.multi_reduction <add>, %convert_element_type3A_81, %reduce_sum3A_82 [0] : vector<256x8xf32> to vector<8xf32>
    %broadcast_in_dim3A_84 = vector.shape_cast %reduce_sum3A_83 : vector<8xf32> to vector<1x8xf32>
    %reduce_sum3A_85 = arith.constant dense<0.000000e+00> : vector<8xf32>
    %reduce_sum3A_86 = vector.multi_reduction <add>, %div3A_51, %reduce_sum3A_85 [0] : vector<256x8xf32> to vector<8xf32>
    %broadcast_in_dim3A_87 = vector.shape_cast %reduce_sum3A_86 : vector<8xf32> to vector<1x8xf32>
    %eq3A_88 = arith.constant 0 : i32
    %eq3A_89 = arith.cmpi eq, %arg0, %eq3A_88 : i32
    %convert_element_type3A_90 = arith.extui %eq3A_89 : i1 to i32
    %cond3A = arith.constant 0 : i32
    %cond3A_91 = arith.cmpi ne, %convert_element_type3A_90, %cond3A : i32
    scf.if %cond3A_91 {
      %broadcast_in_dim3A_111 = arith.constant 0.000000e+00 : f32
      %broadcast_in_dim3A_112 = vector.broadcast %broadcast_in_dim3A_111 : f32 to vector<2x8xf32>
      %swap3A_113 = arith.constant 0 : index
      %swap3A_114 = arith.constant 0 : index
      %swap3A_115 = vector.load %arg10[%swap3A_113, %swap3A_114] : memref<2x8xf32, #tpu.memory_space<vmem>>, vector<2x8xf32>
      tpu.vector_store %arg10[%swap3A_113, %swap3A_114], %broadcast_in_dim3A_112 {strides = array<i32>} : memref<2x8xf32, #tpu.memory_space<vmem>>, vector<2x8xf32>,
    } else {
    }
    %get3A_92 = arith.constant 0 : index
    %get3A_93 = arith.constant 0 : index
    %get3A_94 = vector.load %arg10[%get3A_92, %get3A_93] : memref<2x8xf32, #tpu.memory_space<vmem>>, vector<1x8xf32>
    %add3A_95 = arith.addf %get3A_94, %broadcast_in_dim3A_84 : vector<1x8xf32>
    %swap3A_96 = arith.constant 0 : index
    %swap3A_97 = arith.constant 0 : index
    %swap3A_98 = vector.load %arg10[%swap3A_96, %swap3A_97] : memref<2x8xf32, #tpu.memory_space<vmem>>, vector<1x8xf32>
    tpu.vector_store %arg10[%swap3A_96, %swap3A_97], %add3A_95 {strides = array<i32>} : memref<2x8xf32, #tpu.memory_space<vmem>>, vector<1x8xf32>,
    %get3A_99 = arith.constant 1 : index
    %get3A_100 = arith.constant 0 : index
    %get3A_101 = vector.load %arg10[%get3A_99, %get3A_100] : memref<2x8xf32, #tpu.memory_space<vmem>>, vector<1x8xf32>
    %add3A_102 = arith.addf %get3A_101, %broadcast_in_dim3A_87 : vector<1x8xf32>
    %swap3A_103 = arith.constant 1 : index
    %swap3A_104 = arith.constant 0 : index
    %swap3A_105 = vector.load %arg10[%swap3A_103, %swap3A_104] : memref<2x8xf32, #tpu.memory_space<vmem>>, vector<1x8xf32>
    tpu.vector_store %arg10[%swap3A_103, %swap3A_104], %add3A_102 {strides = array<i32>} : memref<2x8xf32, #tpu.memory_space<vmem>>, vector<1x8xf32>,
    %eq3A_106 = arith.constant 15 : i32
    %eq3A_107 = arith.cmpi eq, %arg0, %eq3A_106 : i32
    %convert_element_type3A_108 = arith.extui %eq3A_107 : i1 to i32
    %cond3A_109 = arith.constant 0 : i32
    %cond3A_110 = arith.cmpi ne, %convert_element_type3A_108, %cond3A_109 : i32
    scf.if %cond3A_110 {
      %get3A_111 = arith.constant 0 : index
      %get3A_112 = arith.constant 0 : index
      %get3A_113 = vector.load %arg10[%get3A_111, %get3A_112] : memref<2x8xf32, #tpu.memory_space<vmem>>, vector<1x8xf32>
      %get3A_114 = arith.constant 1 : index
      %get3A_115 = arith.constant 0 : index
      %get3A_116 = vector.load %arg10[%get3A_114, %get3A_115] : memref<2x8xf32, #tpu.memory_space<vmem>>, vector<1x8xf32>
      %mul3A_117 = arith.mulf %get3A_113, %get3A_116 : vector<1x8xf32>
      %reduce_sum3A_118 = vector.shape_cast %mul3A_117 : vector<1x8xf32> to vector<1x1x8xf32>
      %reduce_sum3A_119 = arith.constant dense<0.000000e+00> : vector<1xf32>
      %reduce_sum3A_120 = vector.multi_reduction <add>, %reduce_sum3A_118, %reduce_sum3A_119 [1, 2] : vector<1x1x8xf32> to vector<1xf32>
      %reduce_sum3A_121 = vector.shape_cast %reduce_sum3A_120 : vector<1xf32> to vector<1x1x1xf32>
      %reduce_sum3A_122 = vector.extract %reduce_sum3A_121[0, 0, 0] : f32 from vector<1x1x1xf32>
      %broadcast_in_dim3A_123 = vector.broadcast %reduce_sum3A_122 : f32 to vector<1x1xf32>
      %mul3A_124 = arith.constant 2.38418579E-7 : f32
      %mul3A_125 = vector.broadcast %mul3A_124 : f32 to vector<1x1xf32>
      %mul3A_126 = arith.mulf %broadcast_in_dim3A_123, %mul3A_125 : vector<1x1xf32>
      %sub3A_127 = arith.constant 1.000000e+00 : f32
      %sub3A_128 = vector.broadcast %sub3A_127 : f32 to vector<1x1xf32>
      %sub3A_129 = arith.subf %mul3A_126, %sub3A_128 : vector<1x1xf32>
      %swap3A_130 = arith.constant 0 : index
      %swap3A_131 = arith.constant 0 : index
      %swap3A_132 = vector.load %arg9[%swap3A_130, %swap3A_131] : memref<1x1xf32, #tpu.memory_space<vmem>>, vector<1x1xf32>
      tpu.vector_store %arg9[%swap3A_130, %swap3A_131], %sub3A_129 {strides = array<i32>} : memref<1x1xf32, #tpu.memory_space<vmem>>, vector<1x1xf32>,
    } else {
    }
    return
  }
  func.func @transform_0(%arg0: i32) -> (i32, i32) {
    %c0_i32 = arith.constant 0 : i32
    %c0_i32_0 = arith.constant 0 : i32
    return %arg0, %c0_i32 : i32, i32
  }
  func.func @transform_1(%arg0: i32) -> (i32, i32) {
    %c0_i32 = arith.constant 0 : i32
    %c0_i32_0 = arith.constant 0 : i32
    %c0_i32_1 = arith.constant 0 : i32
    return %c0_i32, %c0_i32_0 : i32, i32
  }
  func.func @transform_2(%arg0: i32) -> (i32, i32) {
    %c0_i32 = arith.constant 0 : i32
    %c0_i32_0 = arith.constant 0 : i32
    %c0_i32_1 = arith.constant 0 : i32
    return %c0_i32, %c0_i32_0 : i32, i32
  }
  func.func @transform_3(%arg0: i32) -> (i32, i32) {
    %c0_i32 = arith.constant 0 : i32
    %c0_i32_0 = arith.constant 0 : i32
    return %arg0, %c0_i32 : i32, i32
  }
  func.func @transform_4(%arg0: i32) -> (i32, i32) {
    %c0_i32 = arith.constant 0 : i32
    %c0_i32_0 = arith.constant 0 : i32
    return %arg0, %c0_i32 : i32, i32
  }
  func.func @transform_5(%arg0: i32) -> (i32, i32) {
    %c0_i32 = arith.constant 0 : i32
    %c0_i32_0 = arith.constant 0 : i32
    return %arg0, %c0_i32 : i32, i32
  }
  func.func @transform_6(%arg0: i32) -> (i32, i32) {
    %c0_i32 = arith.constant 0 : i32
    %c0_i32_0 = arith.constant 0 : i32
    return %arg0, %c0_i32 : i32, i32
  }
  func.func @transform_7(%arg0: i32) -> (i32, i32) {
    %c0_i32 = arith.constant 0 : i32
    %c0_i32_0 = arith.constant 0 : i32
    return %arg0, %c0_i32 : i32, i32
  }
  func.func @transform_8(%arg0: i32) -> (i32, i32) {
    %c0_i32 = arith.constant 0 : i32
    %c0_i32_0 = arith.constant 0 : i32
    %c0_i32_1 = arith.constant 0 : i32
    return %c0_i32, %c0_i32_0 : i32, i32
  }
}

module attributes {stable_mosaic.version = 14 : i64} {
  func.func @_ffn_body(%arg0: i32, %arg1: i32, %arg2: memref<24xi32, #tpu.memory_space<smem>>, %arg3: memref<24xi32, #tpu.memory_space<smem>>, %arg4: memref<512x1024xf32, #tpu.memory_space<vmem>>, %arg5: memref<1x1024x1024xf32, #tpu.memory_space<vmem>>, %arg6: memref<1x1x1x1024xf32, #tpu.memory_space<vmem>>, %arg7: memref<1x1024x1024xf32, #tpu.memory_space<vmem>>, %arg8: memref<1x1x1024xf32, #tpu.memory_space<vmem>>, %arg9: memref<512x1xf32, #tpu.memory_space<vmem>>, %arg10: memref<512x1024xf32, #tpu.memory_space<vmem>>, %arg11: memref<512x1024xf32, #tpu.memory_space<vmem>>) attributes {dimension_semantics = [#tpu.dimension_semantics<arbitrary>, #tpu.dimension_semantics<arbitrary>], iteration_bounds = array<i64: 24, 4>, scalar_prefetch = 2 : i64, scratch_operands = 1 : i64, tpu.core_type = #tpu.core_type<tc>, window_params = [{transform_indices = @transform_0, window_bounds = array<i64: 512, 1024>}, {transform_indices = @transform_1, window_bounds = array<i64: 1, 1024, 1024>}, {transform_indices = @transform_2, window_bounds = array<i64: 1, 1, 1, 1024>}, {transform_indices = @transform_3, window_bounds = array<i64: 1, 1024, 1024>}, {transform_indices = @transform_4, window_bounds = array<i64: 1, 1, 1024>}, {transform_indices = @transform_5, window_bounds = array<i64: 512, 1>}, {transform_indices = @transform_6, window_bounds = array<i64: 512, 1024>}]} {
    %get3A = arith.index_cast %arg0 : i32 to index
    %get3A_0 = memref.load %arg3[%get3A] : memref<24xi32, #tpu.memory_space<smem>>
    %eq3A = arith.constant 1 : i32
    %eq3A_1 = arith.cmpi eq, %get3A_0, %eq3A : i32
    %convert_element_type3A = arith.extui %eq3A_1 : i1 to i32
    %cond3A = arith.constant 0 : i32
    %cond3A_2 = arith.cmpi ne, %convert_element_type3A, %cond3A : i32
    scf.if %cond3A_2 {
      %get3A_3 = arith.constant 0 : index
      %get3A_4 = arith.constant 0 : index
      %get3A_5 = vector.load %arg4[%get3A_3, %get3A_4] : memref<512x1024xf32, #tpu.memory_space<vmem>>, vector<512x1024xf32>
      %get3A_6 = arith.constant 0 : index
      %get3A_7 = arith.constant 0 : index
      %get3A_8 = arith.constant 0 : index
      %get3A_9 = vector.load %arg5[%get3A_6, %get3A_7, %get3A_8] : memref<1x1024x1024xf32, #tpu.memory_space<vmem>>, vector<1x1024x1024xf32>
      %get3A_10 = vector.shape_cast %get3A_9 : vector<1x1024x1024xf32> to vector<1024x1024xf32>
      %dot_general3A = arith.constant dense<0.000000e+00> : vector<512x1024xf32>
      %dot_general3A_11 = tpu.matmul %get3A_5, %get3A_10, %dot_general3A {dimension_numbers = #tpu.dot_dimension_numbers<[1], [1], [0], [0], [0, 0, 1, 0], [], []>, transpose_lhs_hint = false} : vector<512x1024xf32>, vector<1024x1024xf32>, vector<512x1024xf32> -> vector<512x1024xf32>
      %get3A_12 = arith.constant 0 : index
      %get3A_13 = arith.constant 0 : index
      %get3A_14 = arith.constant 0 : index
      %get3A_15 = arith.constant 0 : index
      %get3A_16 = vector.load %arg6[%get3A_12, %get3A_13, %get3A_14, %get3A_15] : memref<1x1x1x1024xf32, #tpu.memory_space<vmem>>, vector<1x1x1x1024xf32>
      %get3A_17 = vector.shape_cast %get3A_16 : vector<1x1x1x1024xf32> to vector<1x1024xf32>
      %add3A = vector.broadcast %get3A_17 : vector<1x1024xf32> to vector<512x1024xf32>
      %add3A_18 = arith.addf %dot_general3A_11, %add3A : vector<512x1024xf32>
      %max3A = arith.constant 0.000000e+00 : f32
      %max3A_19 = vector.broadcast %max3A : f32 to vector<512x1024xf32>
      %max3A_20 = arith.maximumf %add3A_18, %max3A_19 : vector<512x1024xf32>
      %get3A_21 = arith.constant 0 : index
      %get3A_22 = arith.constant 0 : index
      %get3A_23 = arith.constant 0 : index
      %get3A_24 = vector.load %arg7[%get3A_21, %get3A_22, %get3A_23] : memref<1x1024x1024xf32, #tpu.memory_space<vmem>>, vector<1x1024x1024xf32>
      %get3A_25 = vector.shape_cast %get3A_24 : vector<1x1024x1024xf32> to vector<1024x1024xf32>
      %dot_general3A_26 = arith.constant dense<0.000000e+00> : vector<512x1024xf32>
      %dot_general3A_27 = tpu.matmul %max3A_20, %get3A_25, %dot_general3A_26 {dimension_numbers = #tpu.dot_dimension_numbers<[1], [1], [0], [0], [0, 0, 1, 0], [], []>, transpose_lhs_hint = false} : vector<512x1024xf32>, vector<1024x1024xf32>, vector<512x1024xf32> -> vector<512x1024xf32>
      %eq3A_28 = arith.constant 0 : i32
      %eq3A_29 = arith.cmpi eq, %arg1, %eq3A_28 : i32
      %convert_element_type3A_30 = arith.extui %eq3A_29 : i1 to i32
      %cond3A_31 = arith.constant 0 : i32
      %cond3A_32 = arith.cmpi ne, %convert_element_type3A_30, %cond3A_31 : i32
      scf.if %cond3A_32 {
        %swap3A = arith.constant 0 : index
        %swap3A_42 = arith.constant 0 : index
        %swap3A_43 = vector.load %arg11[%swap3A, %swap3A_42] : memref<512x1024xf32, #tpu.memory_space<vmem>>, vector<512x1024xf32>
        tpu.vector_store %arg11[%swap3A, %swap3A_42], %dot_general3A_27 {strides = array<i32>} : memref<512x1024xf32, #tpu.memory_space<vmem>>, vector<512x1024xf32>,
      } else {
      }
      %gt3A = arith.constant 0 : i32
      %gt3A_33 = arith.cmpi sgt, %arg1, %gt3A : i32
      %convert_element_type3A_34 = arith.extui %gt3A_33 : i1 to i32
      %cond3A_35 = arith.constant 0 : i32
      %cond3A_36 = arith.cmpi ne, %convert_element_type3A_34, %cond3A_35 : i32
      scf.if %cond3A_36 {
        %get3A_42 = arith.constant 0 : index
        %get3A_43 = arith.constant 0 : index
        %get3A_44 = vector.load %arg11[%get3A_42, %get3A_43] : memref<512x1024xf32, #tpu.memory_space<vmem>>, vector<512x1024xf32>
        %add3A_45 = arith.addf %get3A_44, %dot_general3A_27 : vector<512x1024xf32>
        %swap3A = arith.constant 0 : index
        %swap3A_46 = arith.constant 0 : index
        %swap3A_47 = vector.load %arg11[%swap3A, %swap3A_46] : memref<512x1024xf32, #tpu.memory_space<vmem>>, vector<512x1024xf32>
        tpu.vector_store %arg11[%swap3A, %swap3A_46], %add3A_45 {strides = array<i32>} : memref<512x1024xf32, #tpu.memory_space<vmem>>, vector<512x1024xf32>,
      } else {
      }
      %eq3A_37 = arith.constant 3 : i32
      %eq3A_38 = arith.cmpi eq, %arg1, %eq3A_37 : i32
      %convert_element_type3A_39 = arith.extui %eq3A_38 : i1 to i32
      %cond3A_40 = arith.constant 0 : i32
      %cond3A_41 = arith.cmpi ne, %convert_element_type3A_39, %cond3A_40 : i32
      scf.if %cond3A_41 {
        %get3A_42 = arith.constant 0 : index
        %get3A_43 = arith.constant 0 : index
        %get3A_44 = vector.load %arg11[%get3A_42, %get3A_43] : memref<512x1024xf32, #tpu.memory_space<vmem>>, vector<512x1024xf32>
        %get3A_45 = arith.constant 0 : index
        %get3A_46 = arith.constant 0 : index
        %get3A_47 = arith.constant 0 : index
        %get3A_48 = vector.load %arg8[%get3A_45, %get3A_46, %get3A_47] : memref<1x1x1024xf32, #tpu.memory_space<vmem>>, vector<1x1x1024xf32>
        %get3A_49 = vector.shape_cast %get3A_48 : vector<1x1x1024xf32> to vector<1x1024xf32>
        %add3A_50 = vector.broadcast %get3A_49 : vector<1x1024xf32> to vector<512x1024xf32>
        %add3A_51 = arith.addf %get3A_44, %add3A_50 : vector<512x1024xf32>
        %get3A_52 = arith.constant 0 : index
        %get3A_53 = arith.constant 0 : index
        %get3A_54 = vector.load %arg9[%get3A_52, %get3A_53] : memref<512x1xf32, #tpu.memory_space<vmem>>, vector<512x1xf32>
        %mul3A = vector.broadcast %get3A_54 : vector<512x1xf32> to vector<512x1024xf32>
        %mul3A_55 = arith.mulf %add3A_51, %mul3A : vector<512x1024xf32>
        %swap3A = arith.constant 0 : index
        %swap3A_56 = arith.constant 0 : index
        %swap3A_57 = vector.load %arg10[%swap3A, %swap3A_56] : memref<512x1024xf32, #tpu.memory_space<vmem>>, vector<512x1024xf32>
        tpu.vector_store %arg10[%swap3A, %swap3A_56], %mul3A_55 {strides = array<i32>} : memref<512x1024xf32, #tpu.memory_space<vmem>>, vector<512x1024xf32>,
      } else {
      }
    } else {
    }
    return
  }
  func.func @transform_0(%arg0: i32, %arg1: i32, %arg2: memref<24xi32, #tpu.memory_space<smem>>, %arg3: memref<24xi32, #tpu.memory_space<smem>>) -> (i32, i32) {
    %c0_i32 = arith.constant 0 : i32
    %c0_i32_0 = arith.constant 0 : i32
    return %arg0, %c0_i32 : i32, i32
  }
  func.func @transform_1(%arg0: i32, %arg1: i32, %arg2: memref<24xi32, #tpu.memory_space<smem>>, %arg3: memref<24xi32, #tpu.memory_space<smem>>) -> (i32, i32, i32) {
    %get3A = arith.index_cast %arg0 : i32 to index
    %get3A_0 = memref.load %arg2[%get3A] : memref<24xi32, #tpu.memory_space<smem>>
    %c0_i32 = arith.constant 0 : i32
    %c0_i32_1 = arith.constant 0 : i32
    return %get3A_0, %arg1, %c0_i32 : i32, i32, i32
  }
  func.func @transform_2(%arg0: i32, %arg1: i32, %arg2: memref<24xi32, #tpu.memory_space<smem>>, %arg3: memref<24xi32, #tpu.memory_space<smem>>) -> (i32, i32, i32, i32) {
    %get3A = arith.index_cast %arg0 : i32 to index
    %get3A_0 = memref.load %arg2[%get3A] : memref<24xi32, #tpu.memory_space<smem>>
    %c0_i32 = arith.constant 0 : i32
    %c0_i32_1 = arith.constant 0 : i32
    %c0_i32_2 = arith.constant 0 : i32
    return %get3A_0, %arg1, %c0_i32, %c0_i32_1 : i32, i32, i32, i32
  }
  func.func @transform_3(%arg0: i32, %arg1: i32, %arg2: memref<24xi32, #tpu.memory_space<smem>>, %arg3: memref<24xi32, #tpu.memory_space<smem>>) -> (i32, i32, i32) {
    %get3A = arith.index_cast %arg0 : i32 to index
    %get3A_0 = memref.load %arg2[%get3A] : memref<24xi32, #tpu.memory_space<smem>>
    %c0_i32 = arith.constant 0 : i32
    %c0_i32_1 = arith.constant 0 : i32
    return %get3A_0, %c0_i32, %arg1 : i32, i32, i32
  }
  func.func @transform_4(%arg0: i32, %arg1: i32, %arg2: memref<24xi32, #tpu.memory_space<smem>>, %arg3: memref<24xi32, #tpu.memory_space<smem>>) -> (i32, i32, i32) {
    %get3A = arith.index_cast %arg0 : i32 to index
    %get3A_0 = memref.load %arg2[%get3A] : memref<24xi32, #tpu.memory_space<smem>>
    %c0_i32 = arith.constant 0 : i32
    %c0_i32_1 = arith.constant 0 : i32
    %c0_i32_2 = arith.constant 0 : i32
    return %get3A_0, %c0_i32, %c0_i32_1 : i32, i32, i32
  }
  func.func @transform_5(%arg0: i32, %arg1: i32, %arg2: memref<24xi32, #tpu.memory_space<smem>>, %arg3: memref<24xi32, #tpu.memory_space<smem>>) -> (i32, i32) {
    %c0_i32 = arith.constant 0 : i32
    %c0_i32_0 = arith.constant 0 : i32
    return %arg0, %c0_i32 : i32, i32
  }
  func.func @transform_6(%arg0: i32, %arg1: i32, %arg2: memref<24xi32, #tpu.memory_space<smem>>, %arg3: memref<24xi32, #tpu.memory_space<smem>>) -> (i32, i32) {
    %c0_i32 = arith.constant 0 : i32
    %c0_i32_0 = arith.constant 0 : i32
    return %arg0, %c0_i32 : i32, i32
  }
}

module attributes {stable_mosaic.version = 14 : i64} {
  func.func @_shared_body(%arg0: i32, %arg1: i32, %arg2: memref<256x1024xf32, #tpu.memory_space<vmem>>, %arg3: memref<1x1024x1024xf32, #tpu.memory_space<vmem>>, %arg4: memref<1x1024xf32, #tpu.memory_space<vmem>>, %arg5: memref<1x1024x1024xf32, #tpu.memory_space<vmem>>, %arg6: memref<1x1024xf32, #tpu.memory_space<vmem>>, %arg7: memref<256x1024xf32, #tpu.memory_space<vmem>>) attributes {dimension_semantics = [#tpu.dimension_semantics<arbitrary>, #tpu.dimension_semantics<arbitrary>], iteration_bounds = array<i64: 16, 4>, scalar_prefetch = 0 : i64, scratch_operands = 0 : i64, tpu.core_type = #tpu.core_type<tc>, window_params = [{transform_indices = @transform_0, window_bounds = array<i64: 256, 1024>}, {transform_indices = @transform_1, window_bounds = array<i64: 1, 1024, 1024>}, {transform_indices = @transform_2, window_bounds = array<i64: 1, 1024>}, {transform_indices = @transform_3, window_bounds = array<i64: 1, 1024, 1024>}, {pipeline_mode = #tpu.pipeline_mode<synchronous>, transform_indices = @transform_4, window_bounds = array<i64: 1, 1024>}, {transform_indices = @transform_5, window_bounds = array<i64: 256, 1024>}]} {
    %get3A = arith.constant 0 : index
    %get3A_0 = arith.constant 0 : index
    %get3A_1 = vector.load %arg2[%get3A, %get3A_0] : memref<256x1024xf32, #tpu.memory_space<vmem>>, vector<256x1024xf32>
    %get3A_2 = arith.constant 0 : index
    %get3A_3 = arith.constant 0 : index
    %get3A_4 = arith.constant 0 : index
    %get3A_5 = vector.load %arg3[%get3A_2, %get3A_3, %get3A_4] : memref<1x1024x1024xf32, #tpu.memory_space<vmem>>, vector<1x1024x1024xf32>
    %get3A_6 = vector.shape_cast %get3A_5 : vector<1x1024x1024xf32> to vector<1024x1024xf32>
    %dot_general3A = arith.constant dense<0.000000e+00> : vector<256x1024xf32>
    %dot_general3A_7 = tpu.matmul %get3A_1, %get3A_6, %dot_general3A {dimension_numbers = #tpu.dot_dimension_numbers<[1], [1], [0], [0], [0, 0, 1, 0], [], []>, transpose_lhs_hint = false} : vector<256x1024xf32>, vector<1024x1024xf32>, vector<256x1024xf32> -> vector<256x1024xf32>
    %get3A_8 = arith.constant 0 : index
    %get3A_9 = arith.constant 0 : index
    %get3A_10 = vector.load %arg4[%get3A_8, %get3A_9] : memref<1x1024xf32, #tpu.memory_space<vmem>>, vector<1x1024xf32>
    %add3A = vector.broadcast %get3A_10 : vector<1x1024xf32> to vector<256x1024xf32>
    %add3A_11 = arith.addf %dot_general3A_7, %add3A : vector<256x1024xf32>
    %max3A = arith.constant 0.000000e+00 : f32
    %max3A_12 = vector.broadcast %max3A : f32 to vector<256x1024xf32>
    %max3A_13 = arith.maximumf %add3A_11, %max3A_12 : vector<256x1024xf32>
    %get3A_14 = arith.constant 0 : index
    %get3A_15 = arith.constant 0 : index
    %get3A_16 = arith.constant 0 : index
    %get3A_17 = vector.load %arg5[%get3A_14, %get3A_15, %get3A_16] : memref<1x1024x1024xf32, #tpu.memory_space<vmem>>, vector<1x1024x1024xf32>
    %get3A_18 = vector.shape_cast %get3A_17 : vector<1x1024x1024xf32> to vector<1024x1024xf32>
    %dot_general3A_19 = arith.constant dense<0.000000e+00> : vector<256x1024xf32>
    %dot_general3A_20 = tpu.matmul %max3A_13, %get3A_18, %dot_general3A_19 {dimension_numbers = #tpu.dot_dimension_numbers<[1], [1], [0], [0], [0, 0, 1, 0], [], []>, transpose_lhs_hint = false} : vector<256x1024xf32>, vector<1024x1024xf32>, vector<256x1024xf32> -> vector<256x1024xf32>
    %eq3A = arith.constant 0 : i32
    %eq3A_21 = arith.cmpi eq, %arg1, %eq3A : i32
    %convert_element_type3A = arith.extui %eq3A_21 : i1 to i32
    %cond3A = arith.constant 0 : i32
    %cond3A_22 = arith.cmpi ne, %convert_element_type3A, %cond3A : i32
    scf.if %cond3A_22 {
      %swap3A = arith.constant 0 : index
      %swap3A_32 = arith.constant 0 : index
      %swap3A_33 = vector.load %arg7[%swap3A, %swap3A_32] : memref<256x1024xf32, #tpu.memory_space<vmem>>, vector<256x1024xf32>
      tpu.vector_store %arg7[%swap3A, %swap3A_32], %dot_general3A_20 {strides = array<i32>} : memref<256x1024xf32, #tpu.memory_space<vmem>>, vector<256x1024xf32>,
    } else {
    }
    %gt3A = arith.constant 0 : i32
    %gt3A_23 = arith.cmpi sgt, %arg1, %gt3A : i32
    %convert_element_type3A_24 = arith.extui %gt3A_23 : i1 to i32
    %cond3A_25 = arith.constant 0 : i32
    %cond3A_26 = arith.cmpi ne, %convert_element_type3A_24, %cond3A_25 : i32
    scf.if %cond3A_26 {
      %get3A_32 = arith.constant 0 : index
      %get3A_33 = arith.constant 0 : index
      %get3A_34 = vector.load %arg7[%get3A_32, %get3A_33] : memref<256x1024xf32, #tpu.memory_space<vmem>>, vector<256x1024xf32>
      %add3A_35 = arith.addf %get3A_34, %dot_general3A_20 : vector<256x1024xf32>
      %swap3A = arith.constant 0 : index
      %swap3A_36 = arith.constant 0 : index
      %swap3A_37 = vector.load %arg7[%swap3A, %swap3A_36] : memref<256x1024xf32, #tpu.memory_space<vmem>>, vector<256x1024xf32>
      tpu.vector_store %arg7[%swap3A, %swap3A_36], %add3A_35 {strides = array<i32>} : memref<256x1024xf32, #tpu.memory_space<vmem>>, vector<256x1024xf32>,
    } else {
    }
    %eq3A_27 = arith.constant 3 : i32
    %eq3A_28 = arith.cmpi eq, %arg1, %eq3A_27 : i32
    %convert_element_type3A_29 = arith.extui %eq3A_28 : i1 to i32
    %cond3A_30 = arith.constant 0 : i32
    %cond3A_31 = arith.cmpi ne, %convert_element_type3A_29, %cond3A_30 : i32
    scf.if %cond3A_31 {
      %get3A_32 = arith.constant 0 : index
      %get3A_33 = arith.constant 0 : index
      %get3A_34 = vector.load %arg7[%get3A_32, %get3A_33] : memref<256x1024xf32, #tpu.memory_space<vmem>>, vector<256x1024xf32>
      %get3A_35 = arith.constant 0 : index
      %get3A_36 = arith.constant 0 : index
      %get3A_37 = vector.load %arg6[%get3A_35, %get3A_36] : memref<1x1024xf32, #tpu.memory_space<vmem>>, vector<1x1024xf32>
      %add3A_38 = vector.broadcast %get3A_37 : vector<1x1024xf32> to vector<256x1024xf32>
      %add3A_39 = arith.addf %get3A_34, %add3A_38 : vector<256x1024xf32>
      %swap3A = arith.constant 0 : index
      %swap3A_40 = arith.constant 0 : index
      %swap3A_41 = vector.load %arg7[%swap3A, %swap3A_40] : memref<256x1024xf32, #tpu.memory_space<vmem>>, vector<256x1024xf32>
      tpu.vector_store %arg7[%swap3A, %swap3A_40], %add3A_39 {strides = array<i32>} : memref<256x1024xf32, #tpu.memory_space<vmem>>, vector<256x1024xf32>,
    } else {
    }
    return
  }
  func.func @transform_0(%arg0: i32, %arg1: i32) -> (i32, i32) {
    %c0_i32 = arith.constant 0 : i32
    %c0_i32_0 = arith.constant 0 : i32
    return %arg0, %c0_i32 : i32, i32
  }
  func.func @transform_1(%arg0: i32, %arg1: i32) -> (i32, i32, i32) {
    %c0_i32 = arith.constant 0 : i32
    %c0_i32_0 = arith.constant 0 : i32
    %c0_i32_1 = arith.constant 0 : i32
    return %c0_i32, %arg1, %c0_i32_0 : i32, i32, i32
  }
  func.func @transform_2(%arg0: i32, %arg1: i32) -> (i32, i32) {
    %c0_i32 = arith.constant 0 : i32
    %c0_i32_0 = arith.constant 0 : i32
    return %c0_i32, %arg1 : i32, i32
  }
  func.func @transform_3(%arg0: i32, %arg1: i32) -> (i32, i32, i32) {
    %c0_i32 = arith.constant 0 : i32
    %c0_i32_0 = arith.constant 0 : i32
    %c0_i32_1 = arith.constant 0 : i32
    return %c0_i32, %c0_i32_0, %arg1 : i32, i32, i32
  }
  func.func @transform_4(%arg0: i32, %arg1: i32) -> (i32, i32) {
    %c0_i32 = arith.constant 0 : i32
    %c0_i32_0 = arith.constant 0 : i32
    %c0_i32_1 = arith.constant 0 : i32
    return %c0_i32, %c0_i32_0 : i32, i32
  }
  func.func @transform_5(%arg0: i32, %arg1: i32) -> (i32, i32) {
    %c0_i32 = arith.constant 0 : i32
    %c0_i32_0 = arith.constant 0 : i32
    return %arg0, %c0_i32 : i32, i32
  }
}

module attributes {stable_mosaic.version = 14 : i64} {
  func.func @_add3_body(%arg0: i32, %arg1: memref<256x1024xf32, #tpu.memory_space<vmem>>, %arg2: memref<256x2x1024xf32, #tpu.memory_space<vmem>>, %arg3: memref<256x1024xf32, #tpu.memory_space<vmem>>) attributes {dimension_semantics = [#tpu.dimension_semantics<arbitrary>], iteration_bounds = array<i64: 16>, scalar_prefetch = 0 : i64, scratch_operands = 0 : i64, tpu.core_type = #tpu.core_type<tc>, window_params = [{transform_indices = @transform_0, window_bounds = array<i64: 256, 1024>}, {transform_indices = @transform_1, window_bounds = array<i64: 256, 2, 1024>}, {transform_indices = @transform_2, window_bounds = array<i64: 256, 1024>}]} {
    %get3A = arith.constant 0 : index
    %get3A_0 = arith.constant 0 : index
    %get3A_1 = vector.load %arg1[%get3A, %get3A_0] : memref<256x1024xf32, #tpu.memory_space<vmem>>, vector<256x1024xf32>
    %get3A_2 = arith.constant 0 : index
    %get3A_3 = arith.constant 0 : index
    %get3A_4 = arith.constant 0 : index
    %get3A_5 = vector.load %arg2[%get3A_2, %get3A_3, %get3A_4] : memref<256x2x1024xf32, #tpu.memory_space<vmem>>, vector<256x1x1024xf32>
    %get3A_6 = vector.shape_cast %get3A_5 : vector<256x1x1024xf32> to vector<256x1024xf32>
    %add3A = arith.addf %get3A_1, %get3A_6 : vector<256x1024xf32>
    %get3A_7 = arith.constant 0 : index
    %get3A_8 = arith.constant 1 : index
    %get3A_9 = arith.constant 0 : index
    %get3A_10 = vector.load %arg2[%get3A_7, %get3A_8, %get3A_9] : memref<256x2x1024xf32, #tpu.memory_space<vmem>>, vector<256x1x1024xf32>
    %get3A_11 = vector.shape_cast %get3A_10 : vector<256x1x1024xf32> to vector<256x1024xf32>
    %add3A_12 = arith.addf %add3A, %get3A_11 : vector<256x1024xf32>
    %swap3A = arith.constant 0 : index
    %swap3A_13 = arith.constant 0 : index
    %swap3A_14 = vector.load %arg3[%swap3A, %swap3A_13] : memref<256x1024xf32, #tpu.memory_space<vmem>>, vector<256x1024xf32>
    tpu.vector_store %arg3[%swap3A, %swap3A_13], %add3A_12 {strides = array<i32>} : memref<256x1024xf32, #tpu.memory_space<vmem>>, vector<256x1024xf32>,
    return
  }
  func.func @transform_0(%arg0: i32) -> (i32, i32) {
    %c0_i32 = arith.constant 0 : i32
    %c0_i32_0 = arith.constant 0 : i32
    return %arg0, %c0_i32 : i32, i32
  }
  func.func @transform_1(%arg0: i32) -> (i32, i32, i32) {
    %c0_i32 = arith.constant 0 : i32
    %c0_i32_0 = arith.constant 0 : i32
    %c0_i32_1 = arith.constant 0 : i32
    return %arg0, %c0_i32, %c0_i32_0 : i32, i32, i32
  }
  func.func @transform_2(%arg0: i32) -> (i32, i32) {
    %c0_i32 = arith.constant 0 : i32
    %c0_i32_0 = arith.constant 0 : i32
    return %arg0, %c0_i32 : i32, i32
  }
}

</mosaic_0001>

<sc_bundles>
// kernel: gather_offload_async_start
scs
__scs_entry_jumppad:
0x0: {  	(pc) =	sbr.rel $0x88, $3  }
0x1: {  	(tag) =	ssettag $0x0;
	lr =	simm.s32 $0x1  }
0x2: {  	[smem:$0x3F96] =	sst lr;
	_ =	strace $0xD0000000  }
0x3: {  	_ = 	snop  }
0x4: {  	_ = 	snop  }
0x5: {  	_ = 	snop  }
0x6: {  	_ = 	snop  }
0x7: {  	_ = 	snop  }
__scs_overlays_trampoline_lowered:
0x8: {  	[smem:$0x3FA5] =	sst s0  }
0x9: {  	[smem:$0x3FA6] =	sst s1  }
0xa: {  	[smem:$0x3FA7] =	sst s2  }
0xb: {  	[smem:$0x3FA8] =	sst s3  }
0xc: {  	[smem:$0x3FA9] =	sst s4  }
0xd: {  	[smem:$0x3FAA] =	sst s5  }
0xe: {  	[smem:$0x3FAB] =	sst s6  }
0xf: {  	[smem:$0x3FAC] =	sst s7  }
0x10: {  	[smem:$0x3FAD] =	sst s8  }
0x11: {  	[smem:$0x3FAE] =	sst s9;
	s0 =	simm.s32 @!p0 $0x0  }
0x12: {  	s1 =	sld [smem:$0x3F94];
	s0 =	simm.s32 @p0 $0x1  }
0x13: {  	[smem:$0x3FAF] =	sst s0;
	s0 =	simm.s32 @!p1 $0x0  }
0x14: {  	s2 =	sld [smem:$0x3F93];
	s0 =	simm.s32 @p1 $0x1  }
0x15: {  	[smem:$0x3FB0] =	sst s0;
	s0 =	simm.s32 @!p2 $0x0  }
0x16: {  	s3 =	sld [smem:$0x3FDB];
	s0 =	simm.s32 @p2 $0x1  }
0x17: {  	s4 =	simm.s32 $0x1BF5;
	[smem:$0x3FB2] =	sst s0  }
0x18: {  	s0 =	sld [smem:$0x3F95];
	_ =	swait.ge [sflag:s4], $0x0  }
0x19: {  	s7 =	sld [smem:$0x3F96]  }
0x1a: {  	s8 =	sadd.s32 $0xFFFFE003, lr  }
0x1b: {  	s9 =	sadd.s32 $0xFFFFFEF7, lr;
	s5 =	simm.s32 $0xFFFFFFFF;
	p2 =	slt.u32 s8, $0xFFFFF086  }
0x1c: {  	p1 =	slt.u32 s9, $0xF7A;
	s5 =	simm.s32 @!p2 $0x0  }
0x1d: {  	s5 =	simm.s32 @p1 $0x1;
	p0 =	seq.s32 s7, s2  }
0x1e: {  	s7 =	smul.u32 @!p0 $0xF7A, s2;
	p2 =	seq.s32 @!p0 s5, $0x0  }
0x1f: {  	s9 =	smul.u32 $0xF7A, s1;
	s8 =	simm.s32 @!p0 $0x1BF5;
	p2 =	por !p2, p0  }
0x20: {  	[sflag:s8] =	ssyncset.s32 @!p0 $0xFFFFF086;
	s6 =	sadd.s32 @!p0 s3, s7;
	s7 =	simm.s32 @!p0 $0x108  }
0x21: {  	s3 =	sadd.s32 s3, s9;
	s6 =	sadd.s32 @!p0 $0x88, s6;
	s7 =	simm.s32 @p2 $0x1082  }
0x22: {  	[simem:s7], [sflag:s8] =	dma.local @!p0 [hbm:s6], $0xF7A  }
0x23: {  	s9 =	sor.u32 $0xD0000000, s2;
	s6 =	simm.s32 $0x108;
	_ =	swait.ge @!p0 [sflag:s8], $0x0  }
0x24: {  	s3 =	sadd.s32 $0x88, s3;
	s6 =	simm.s32 @!p1 $0x1082;
	[sflag:s4] =	ssyncset.s32 $0xFFFFF086  }
0x25: {  	[simem:s6], [sflag:s4] =	dma.local [hbm:s3], $0xF7A  }
0x26: {  	[smem:$0x3F96] =	sst s1;
	(tag) =	ssettag s2;
	_ =	strace s9  }
0x27: {  	s1 =	sld [smem:$0x3FA6]  }
0x28: {  	s2 =	sld [smem:$0x3FA7]  }
0x29: {  	s4 =	sld [smem:$0x3FA9]  }
0x2a: {  	p0 =	seq.s32 s5, $0x0;
	s5 =	sld [smem:$0x3FAA]  }
0x2b: {  	s6 =	sld [smem:$0x3FAB]  }
0x2c: {  	s7 =	sld [smem:$0x3FAC]  }
0x2d: {  	s3 =	simm.s32 $0x108;
	s8 =	sld [smem:$0x3FAD]  }
0x2e: {  	s3 =	simm.s32 @!p0 $0x1082;
	s9 =	sld [smem:$0x3FAE]  }
0x2f: {  	lr =	sadd.s32 s0, s3;
	s0 =	sld [smem:$0x3FA5]  }
0x30: {  	s3 =	sld [smem:$0x3FA8]  }
0x31: {  	[smem:$0x3FB1] =	sst s10  }
0x32: {  	s10 =	sld [smem:$0x3FAF];
	_ =	sdelay $0x3  }
0x33: {  	p0 =	seq.s32 s10, $0x1;
	s10 =	sld [smem:$0x3FB1];
	_ =	sdelay $0x3  }
0x34: {  	[smem:$0x3FB1] =	sst s10  }
0x35: {  	s10 =	sld [smem:$0x3FB0];
	_ =	sdelay $0x3  }
0x36: {  	p1 =	seq.s32 s10, $0x1;
	s10 =	sld [smem:$0x3FB1];
	_ =	sdelay $0x3  }
0x37: {  	[smem:$0x3FB1] =	sst s10  }
0x38: {  	s10 =	sld [smem:$0x3FB2]  }
0x39: {  	_ = 	snop;
	(pc) =	sbr.ind lr, $3  }
0x3a: {  	_ = 	snop  }
0x3b: {  	_ = 	snop  }
0x3c: {  	p2 =	seq.s32 s10, $0x1;
	s10 =	sld [smem:$0x3FB1]  }
0x3d: {  	_ =	shalt  }
0x3e: {  	_ =	shalt  }
0x3f: {  	_ =	shalt  }
0x40: {  	_ =	shalt  }
0x41: {  	_ =	shalt  }
0x42: {  	_ =	shalt  }
0x43: {  	_ =	shalt  }
0x44: {  	_ =	shalt  }
0x45: {  	_ =	shalt  }
0x46: {  	_ =	shalt  }
0x47: {  	_ =	shalt  }
0x48: {  	_ =	shalt  }
0x49: {  	_ =	shalt  }
0x4a: {  	_ =	shalt  }
0x4b: {  	_ =	shalt  }
0x4c: {  	_ =	shalt  }
0x4d: {  	_ =	shalt  }
0x4e: {  	_ =	shalt  }
0x4f: {  	_ =	shalt  }
0x50: {  	_ =	shalt  }
0x51: {  	_ =	shalt  }
0x52: {  	_ =	shalt  }
0x53: {  	_ =	shalt  }
0x54: {  	_ =	shalt  }
0x55: {  	_ =	shalt  }
0x56: {  	_ =	shalt  }
0x57: {  	_ =	shalt  }
0x58: {  	_ =	shalt  }
0x59: {  	_ =	shalt  }
0x5a: {  	_ =	shalt  }
0x5b: {  	_ =	shalt  }
0x5c: {  	_ =	shalt  }
0x5d: {  	_ =	shalt  }
0x5e: {  	_ =	shalt  }
0x5f: {  	_ =	shalt  }
0x60: {  	_ =	shalt  }
0x61: {  	_ =	shalt  }
0x62: {  	_ =	shalt  }
0x63: {  	_ =	shalt  }
0x64: {  	_ =	shalt  }
0x65: {  	_ =	shalt  }
0x66: {  	_ =	shalt  }
0x67: {  	_ =	shalt  }
0x68: {  	_ =	shalt  }
0x69: {  	_ =	shalt  }
0x6a: {  	_ =	shalt  }
0x6b: {  	_ =	shalt  }
0x6c: {  	_ =	shalt  }
0x6d: {  	_ =	shalt  }
0x6e: {  	_ =	shalt  }
0x6f: {  	_ =	shalt  }
0x70: {  	_ =	shalt  }
0x71: {  	_ =	shalt  }
0x72: {  	_ =	shalt  }
0x73: {  	_ =	shalt  }
0x74: {  	_ =	shalt  }
0x75: {  	_ =	shalt  }
0x76: {  	_ =	shalt  }
0x77: {  	_ =	shalt  }
0x78: {  	_ =	shalt  }
0x79: {  	_ =	shalt  }
0x7a: {  	_ =	shalt  }
0x7b: {  	_ =	shalt  }
0x7c: {  	_ =	shalt  }
0x7d: {  	_ =	shalt  }
0x7e: {  	_ =	shalt  }
0x7f: {  	_ =	shalt  }
0x80: {  	_ =	shalt  }
0x81: {  	_ =	shalt  }
0x82: {  	_ =	shalt  }
0x83: {  	_ =	shalt  }
0x84: {  	_ =	shalt  }
0x85: {  	_ =	shalt  }
0x86: {  	_ =	shalt  }
0x87: {  	_ =	shalt  }
.Lfunc_end0:
.L_simem_size_0:
called_computation_lowered:
.L_overlay_start_0:
0x88: {  	s2 =	sld [smem:$0x3FD9]  }
0x89: {  	s3 =	sld [smem:$0x3FFE];
	_ =	sdelay $0x1  }
0x8a: {  	s1 =	srdreg.scid  }
0x8b: {  	s0 =	sand.u32 $0x1, s1  }
0x8c: {  	s14 =	sshll.u32 s0, $0xA;
	s2 =	sadd.s32 s3, s2  }
0x8d: {  	s2 =	sadd.s32 s2, s14  }
0x8e: {  	[smem:$0x3FBD] =	sst s2  }
0x8f: {  	_ = 	snop  }
0x90: {  	s2 =	sld [smem:$0x3FD0];
	_ =	sdelay $0x2  }
0x91: {  	s15 =	simm.s32 $0xA;
	s4 =	simm.s32 $0x10  }
0x92: {  	[smem:s4], [sflag:s15] =	dma.local [hbm:s2], $0x1  }
0x93: {  	_ =	swait.eq [sflag:s15], $0x1  }
0x94: {  	[sflag:s15] =	ssyncset.done $0x0  }
0x95: {  	[sflag:s15] =	ssyncadd.s32 $0xFFFFFFFF  }
0x96: {  	s16 =	sld [smem:$0x10];
	(tm) =	ssettm $0x1  }
0x97: {  	s17 =	sld [smem:$0x3FFB];
	_ =	sdelay $0x3  }
0x98: {  	_ =	strace s17  }
0x99: {  	s3 =	sld [smem:$0x3FFC];
	_ =	sdelay $0x3  }
0x9a: {  	_ =	strace s3  }
0x9b: {  	s3 =	sld [smem:$0x3FFD];
	_ =	sdelay $0x3  }
0x9c: {  	_ =	strace s3  }
0x9d: {  	_ =	strace $0x8FFFFFFF  }
0x9e: {  	s18 =	sld [smem:$0x3FDB];
	_ =	sdelay $0x1  }
0x9f: {  	s19 =	simm.s32 $_scs_section_size  }
0xa0: {  	s5 =	simm.s32 $_size__tile_overlayer_lowered;
	s6 =	simm.s32 $_tile_overlayer_lowered  }
0xa1: {  	s22 =	simm.s32 $0x1BFF;
	s21 =	sshll.u32 s6, $0x1;
	s3 =	sadd.s32 s19, s18  }
0xa2: {  	s7 =	simm.s32 $0x0;
	s20 =	sshll.u32 s5, $0x1;
	s5 =	sadd.s32 s21, s3  }
0xa3: {  	[timem:s7], [sflag:s22] =	dma.local [hbm:s5], s20  }
0xa4: {  	_ =	swait.ge [sflag:s22], s20  }
0xa5: {  	s4 =	ssub.s32 $0x0, s20;
	[sflag:s22] =	ssyncset.done $0x0  }
0xa6: {  	[sflag:s22] =	ssyncadd.s32 s4;
	_ =	sdelay $0x1  }
0xa7: {  	s23 =	simm.s32 $0x1B8B  }
0xa8: {  	_ =	swait.ge [sflag:s23], $0x1  }
0xa9: {  	[sflag:s23] =	ssyncset.done $0x0  }
0xaa: {  	s25 =	simm.s32 $0x1B8E;
	s24 =	sld [smem:$0x3FFE];
	[sflag:s23] =	ssyncadd.s32 $0xFFFFFFFF  }
0xab: {  	s26 =	simm.s32 $execute0_lowered;
	[smem:$0x3FD2] =	sst s25  }
0xac: {  	s5 =	sshll.u32 s26, $0x1;
	_ =	strace $0x80000046;
	[dreg:$0x1] =	wrdreg $0xFFFFFFFF  }
0xad: {  	s28 =	simm.s32 $_size_execute0_lowered;
	s3 =	sadd.s32 s3, s5;
	[dreg:$0x0] =	wrdreg $0x0  }
0xae: {  	s5 =	sshll.u32 s28, $0x1;
	[dreg:$0x2] =	wrdreg s3  }
0xaf: {  	[dreg:$0x3] =	wrdreg s5  }
0xb0: {  	[dreg:$0x4] =	wrdreg $0xC0  }
0xb1: {  	_ =	task [dreg:s7], $0x5FFFF  }
0xb2: {  	[dreg:$0x1] =	wrdreg $0xFFFFFFFF  }
0xb3: {  	[dreg:$0x0] =	wrdreg $0x60  }
0xb4: {  	[dreg:$0x2] =	wrdreg s16  }
0xb5: {  	[dreg:$0x3] =	wrdreg s24  }
0xb6: {  	[dreg:$0x4] =	wrdreg $0x9  }
0xb7: {  	_ =	task.clear_ibuf [dreg:s7], $0x5FFFF;
	_ =	strace $0x90000046  }
0xb8: {  	s29 =	simm.s32 $0x9;
	_ =	strace $0x80000048  }
0xb9: {  	_ =	swait.ge [sflag:s29], $0x1  }
0xba: {  	[sflag:s29] =	ssyncadd.s32 $0xFFFFFFFF  }
0xbb: {  	_ =	strace $0x90000048  }
0xbc: {  	_ =	sfence  }
0xbd: {  	s30 =	sld [smem:$0x0];
	_ =	sdelay $0x2  }
0xbe: {  	s31 =	sshll.u32 s1, $0xD;
	s1 =	sshrl.u32 s1, $0x2  }
0xbf: {  	s3 =	sand.u32 $0x4000, s31;
	s1 =	sadd.s32 s1, s30  }
0xc0: {  	s0 =	sor.u32 s3, s0;
	s1 =	sshll.u32 s1, $0x11  }
0xc1: {  	s0 =	sor.u32 s1, s0  }
0xc2: {  	s0 =	sadd.s32 $0x8F2B, s0  }
0xc3: {  	[sflag:s0] =	ssyncadd.remote.s32 $0x1  }
0xc4: {  	_ =	sfence.sel $0xFFFF  }
0xc5: {  	[dreg:$0x0] =	wrdreg $0xFFFFFFFF;
	(pc) =	sbr.abs _section_cstart, $3  }
0xc6: {  	[dreg:$0x1] =	wrdreg $0xFFFFFFFF  }
0xc7: {  	_ =	task.clear_ibuf [dreg:s7], $0x2FFFF;
	_ =	strace $0x9FFFFFFF  }
0xc8: {  	(tm) =	ssettm $0x7FFFFFFF  }
0xc9: {  	_ =	shalt  }
tec
execute0_lowered:
.L_overlay_start_1:
0x0: {  	(tag) =	ssettag $0x1  }
0x1: {  	s1 =	srdreg.scid;
	s2 =	rddreg [dreg:$0x0]  }
0x2: {  	s0 =	stileid.u32;
	s5 =	rddreg [dreg:$0x1];
	s6 =	simm.s32 $0x1  }
0x3: {  	s9 =	simm.s32 $0x1;
	s10 =	simm.s32 $0x3;
	s1 =	sshll.u32 s1, $0x7  }
0x4: {  	s13 =	simm.s32 $0x0;
	s3 =	sshll.u32 s0, $0x8;
	s4 =	sand.u32 $0x80, s1  }
0x5: {  	s12 =	simm.s32 $0x0;
	s1 =	rddreg [dreg:$0x2];
	s3 =	sor.u32 s3, s4  }
0x6: {  	_ =	strace $0x80000047;
	s4 =	sadd.s32 $0x1000, s5;
	s8 =	ssub.s32 $0x2000, s3  }
.Ltmp0:
0x7: {  	s5 =	sadd.s32 $0x1400, s5;
	s7 =	sand.u32 $0xF80, s8;
	(pc) =	sbr.rel .LBB2_1-.Ltmp0, $4  }
0x8: {  	[sflag:s6] =	ssyncpa.u1 $0x0;
	s11 =	smov.u32 s3;
	p0 =	sne.s32 s7, $0x0  }
0x9: {  	s8 =	sshrl.u32 s8, $0xC;
	s7 =	simm.s32 $0x2;
	s9 =	simm.s32 @!p0 $0x0  }
0xa: {  	[sflag:s7] =	ssyncpa.u1 $0x0;
	p0 =	por $0x0, $0x0;
	s8 =	sadd.s32 s9, s8  }
0xb: {  	vm0 =	vmmov $0xffff;
	[sflag:s10] =	ssyncpa.u1 $0x0;
	s10 =	simm.s32 $0x0;
	s9 =	sadd.s32 $0x1, s8  }
.LBB2_4:
0xc: {  	v5 =	vshrl.u32 v1, $0xD;
	v6 =	vshll.u32 v1, $0x7  }
0xd: {  	vm1 =	veq.s32 v1, $0x80000000;
	v58 =	vand.u32 $0x7, v5;
	v59 =	vand.u32 $0xFFF80, v6  }
0xe: {  	v1 =	vsel vm1, $0xFFFFFFFF, v58;
	v5 =	vsel vm1, $0xFFFFFF80, v59  }
0xf: {  	v3 =	vor.u32 v4, v3;
	v60 =	vand.u32 $0xFFFFFC00, v5;
	v61 =	vand.u32 $0xFFFFFC00, v1  }
0x10: {  	v2 =	vor.u32 v2, v3;
	v63 =	vand.u32 $0x380, v5;
	v62 =	vadd.s32 v61, v60  }
0x11: {  	v1 =	vand.u32 $0x7F, v1;
	v3 =	vor.u32 v63, v62  }
0x12: {  	v1 =	vor.u32 v1, v3  }
0x13: {  	[tilespmem:s15], [sflag:$0x1] =	stream.indirect_vreg.gather [hbm4b:s2+s10], $0x1, v0, vm0, $0x4038;
	[tilespmem:$0x200] =	vst v63  }
0x14: {  	(ifvalue) =	ssetifvalue $0x7FFFFFFF  }
0x15: {  	[tilespmem:s16], [sflag:$0x1] =	stream.indirect_vreg.gather [hbm4b:s2+s10], $0x1, v2, vm0, $0x4038;
	[tilespmem:$0x200] =	vst v63  }
0x16: {  	s29 =	sadd.s32 $0x10, s16;
	(ifvalue) =	ssetifvalue $0x7FFFFFFF  }
0x17: {  	[tilespmem:s29], [sflag:$0x1] =	stream.indirect_vreg.gather [hbm4b:s2+s10], $0x1, v1, vm0, $0x4038;
	[tilespmem:$0x200] =	vst v63  }
0x18: {  	_ =	swait.ge [sflag:s6], $0x80  }
0x19: {  	s30 =	sshrl.u32 s13, $0x3;
	[sflag:s6] =	ssyncset.done $0x0  }
0x1a: {  	s31 =	sand.u32 $0x7, s13;
	s15 =	sadd.s32 s5, s30;
	[sflag:s6] =	ssyncadd.s32 $0xFFFFFF80  }
0x1b: {  	[hbm4b:s15+s31] =	stream.linear.scatter [tilespmem:s14], [sflag:$0x3], $0x80, $0x38;
	[tilespmem:$0x200] =	vst v63  }
.LBB2_5:
0x1c: {  	s15 =	sadd.s32 $0x1000, s11  }
0x1d: {  	p2 =	sgt.s32 s15, $0x1FFF  }
0x1e: {  	s15 =	smov.u32 @p2 s3;
	p2 =	sne.s32 s12, s9  }
.Ltmp1:
0x1f: {  	p1 =	slt.u32 s12, $0x2;
	(pc) =	sbr.rel @!p2 .LBB2_6-.Ltmp1, $4  }
0x20: {  	s14 =	simm.s32 @!p1 $0x3  }
0x21: {  	s16 =	sadd.s32 $0x1, s12;
	_ =	swait.ge @!p1 [sflag:s14], $0x80  }
0x22: {  	s13 =	smov.u32 s11;
	p0 =	por !p0, !p0;
	[sflag:s14] =	ssyncset.done @!p1 $0x0  }
0x23: {  	s12 =	smov.u32 s16;
	s11 =	smov.u32 s15;
	[sflag:s14] =	ssyncadd.s32 @!p1 $0xFFFFFF80  }
.LBB2_1:
0x24: {  	p1 =	sge.u32 s12, s8  }
0x25: {  	s14 =	sxor.u32 @!p1 $0xFFFFFFFF, s12  }
0x26: {  	s31 =	sadd.s32 $0xFFFFFFFF, s12;
	s15 =	sshrl.u32 @!p1 s11, $0x3;
	s14 =	sshll.u32 @!p1 s14, $0x7  }
0x27: {  	s16 =	sand.u32 @!p1 $0x7, s11;
	s15 =	sadd.s32 @!p1 s4, s15;
	s14 =	sand.u32 @!p1 $0x80, s14  }
0x28: {  	[tilespmem:s14], [sflag:$0x2] =	stream.linear.gather @!p1 [hbm4b:s15+s16], $0x80, $0x38;
	[tilespmem:$0x200] =	vst v63  }
0x29: {  	p1 =	sge.u32 s31, s8  }
.Ltmp2:
0x2a: {  	_ = 	snop;
	(pc) =	sbr.rel @p1 .LBB2_5-.Ltmp2, $1  }
0x2b: {  	_ =	sdelay $0x3  }
0x2c: {  	s14 =	simm.s32 $0x1  }
0x2d: {  	_ =	swait.ge [sflag:s7], $0x80;
	s14 =	simm.s32 @!p0 $0x0  }
0x2e: {  	[sflag:s7] =	ssyncset.done $0x0;
	s14 =	sshll.u32 s14, $0x7  }
0x2f: {  	[sflag:s7] =	ssyncadd.s32 $0xFFFFFF80;
	(ifvalue) =	ssetifvalue $0x7FFFFFFF;
	v0 =	vld.msk [tilespmem:s14+$0x0 ss:$0x1], $0xffff;
	_ =	sdelay $0x4  }
0x30: {  	s15 =	sadd.s32 $0x10, s14;
	v2 =	vshrl.u32 v0, $0xD;
	v3 =	vshll.u32 v0, $0x7  }
0x31: {  	v1 =	vld.msk [tilespmem:s15+$0x0 ss:$0x1], $0xffff;
	vm1 =	veq.s32 v0, $0x80000000;
	v0 =	vand.u32 $0x7, v2;
	v2 =	vand.u32 $0xFFF80, v3  }
0x32: {  	v0 =	vsel vm1, $0xFFFFFFFF, v0;
	v2 =	vsel vm1, $0xFFFFFF80, v2  }
0x33: {  	v3 =	vand.u32 $0xFFFFFC00, v2;
	v4 =	vand.u32 $0xFFFFFC00, v0  }
0x34: {  	v2 =	vand.u32 $0x380, v2;
	v3 =	vadd.s32 v4, v3  }
0x35: {  	v0 =	vand.u32 $0x7F, v0;
	v2 =	vor.u32 v2, v3  }
0x36: {  	v5 =	vshll.u32 v1, $0x7;
	v4 =	vshrl.u32 v1, $0xD;
	v0 =	vor.u32 v0, v2  }
0x37: {  	s16 =	sshll.u32 s12, $0x7;
	vm1 =	veq.s32 v1, $0x80000000;
	v1 =	vand.u32 $0x7, v4;
	v4 =	vand.u32 $0xFFF80, v5  }
0x38: {  	s16 =	sand.u32 $0x80, s16;
	s18 =	sadd.s32 $0x10, s15;
	v3 =	vsel vm1, $0xFFFFFFFF, v1;
	v4 =	vsel vm1, $0xFFFFFF80, v4  }
0x39: {  	s17 =	simm.s32 $0x20;
	s15 =	sor.u32 $0x100, s14;
	s14 =	sor.u32 $0x100, s16;
	v1 =	vld.msk [tilespmem:s18+$0x0 ss:$0x1], $0xffff;
	v5 =	vand.u32 $0xFFFFFC00, v4;
	v6 =	vand.u32 $0xFFFFFC00, v3  }
0x3a: {  	s16 =	sadd.s32 $0x10, s15;
	s18 =	sadd.s32 $0x10, s18;
	(ifvalue) =	ssetifvalue $0x7FFFFFFF;
	v2 =	vand.u32 $0x7F, v3;
	v4 =	vand.u32 $0x380, v4;
	v3 =	vadd.s32 v6, v5  }
.LBB2_3:
0x3b: {  	[tilespmem:s15], [sflag:$0x1] =	stream.indirect_vreg.gather [hbm4b:s2+s10], $0x1, v0, vm0, $0x4038;
	[tilespmem:$0x200] =	vst v63  }
0x3c: {  	s17 =	sadd.s32 $0x10, s17  }
0x3d: {  	v3 =	vor.u32 v4, v3;
	p1 =	slt.u32 s17, $0x70  }
.Ltmp3:
0x3e: {  	v4 =	vshrl.u32 v1, $0xD;
	v5 =	vshll.u32 v1, $0x7;
	s15 =	smov.u32 s16;
	v0 =	vor.u32 v2, v3;
	v2 =	vmovc v1;
	v1 =	vld.msk [tilespmem:s18+$0x0 ss:$0x1], $0xffff;
	(pc) =	sbr.rel @p1 .LBB2_3-.Ltmp3, $4  }
0x3f: {  	v3 =	vand.u32 $0xFFF80, v5;
	vm1 =	veq.s32 v2, $0x80000000;
	v2 =	vand.u32 $0x7, v4  }
0x40: {  	v4 =	vsel vm1, $0xFFFFFFFF, v2;
	v5 =	vsel vm1, $0xFFFFFF80, v3  }
0x41: {  	v2 =	vand.u32 $0x7F, v4;
	v3 =	vand.u32 $0xFFFFFC00, v5;
	v4 =	vand.u32 $0xFFFFFC00, v4  }
0x42: {  	s16 =	sadd.s32 $0x10, s16;
	s18 =	sadd.s32 $0x10, s18;
	v3 =	vadd.s32 v4, v3;
	v4 =	vand.u32 $0x380, v5;
	(ifvalue) =	ssetifvalue $0x7FFFFFFF  }
.Ltmp4:
0x43: {  	_ = 	snop;
	(pc) =	sbr.rel .LBB2_4-.Ltmp4, $1  }
0x44: {  	_ =	sdelay $0x3  }
.LBB2_6:
0x45: {  	_ =	sfence.sel $0x180000  }
0x46: {  	s2 =	simm.s32 $0x2;
	[bflag:$0x0] =	sbarrier.arrive $0xFFFF  }
0x47: {  	s30 =	simm.s32 $0x3;
	[sflag:s2] =	ssyncpa.u1 $0x1  }
0x48: {  	s31 =	simm.s32 $0x1;
	[sflag:s30] =	ssyncpa.u1 $0x1  }
0x49: {  	[sflag:s31] =	ssyncpa.u1 $0x1  }
0x4a: {  	p0 =	sne.s32 s0, $0x0;
	_ =	strace $0x90000047  }
0x4b: {  	s0 =	sadd.s32 @!p0 $0x100000, s1;
	[bflag:$0x2] =	sbarrier.arrive $0xFFFF  }
0x4c: {  	[sflag:s0] =	ssyncadd.tile.s32 @!p0 $0x1;
	_ =	shalt  }
.Lfunc_end2:
_tile_overlayer_lowered:
.L_overlay_start_2:
0x4d: {  	(tag) =	ssettag $0x2  }
0x4e: {  	s0 =	rddreg [dreg:$0x0];
	s2 =	stileid.u32  }
0x4f: {  	s1 =	rddreg [dreg:$0x1];
	p0 =	sne.s32 s2, $0x0  }
0x50: {  	s3 =	rddreg [dreg:$0x2];
	[bflag:$0x3] =	sbarrier.arrive $0xFFFF;
	s2 =	simm.s32 @!p0 $0x1C01  }
0x51: {  	[timem:s3], [sflag:s2] =	dma.local @!p0 [hbm:s0], s1  }
0x52: {  	s0 =	simm.s32 @!p0 $0x1  }
0x53: {  	_ =	swait.ge @!p0 [sflag:s0], s1  }
0x54: {  	s1 =	ssub.s32 @!p0 $0x0, s1;
	[sflag:s0] =	ssyncset.done @!p0 $0x0  }
0x55: {  	[sflag:s0] =	ssyncadd.s32 @!p0 s1  }
0x56: {  	[bflag:$0x3] =	sbarrier.arrive $0xFFFF  }
0x57: {  	_ =	shalt  }

// kernel: kernel.11.cloned.1.call-start
scs
__scs_entry_jumppad:
0x0: {  	(pc) =	sbr.rel $0x88, $3  }
0x1: {  	(tag) =	ssettag $0x0;
	lr =	simm.s32 $0x1  }
0x2: {  	[smem:$0x3F96] =	sst lr;
	_ =	strace $0xD0000000  }
0x3: {  	_ = 	snop  }
0x4: {  	_ = 	snop  }
0x5: {  	_ = 	snop  }
0x6: {  	_ = 	snop  }
0x7: {  	_ = 	snop  }
__scs_overlays_trampoline_lowered:
0x8: {  	[smem:$0x3FA5] =	sst s0  }
0x9: {  	[smem:$0x3FA6] =	sst s1  }
0xa: {  	[smem:$0x3FA7] =	sst s2  }
0xb: {  	[smem:$0x3FA8] =	sst s3  }
0xc: {  	[smem:$0x3FA9] =	sst s4  }
0xd: {  	[smem:$0x3FAA] =	sst s5  }
0xe: {  	[smem:$0x3FAB] =	sst s6  }
0xf: {  	[smem:$0x3FAC] =	sst s7  }
0x10: {  	[smem:$0x3FAD] =	sst s8  }
0x11: {  	[smem:$0x3FAE] =	sst s9;
	s0 =	simm.s32 @!p0 $0x0  }
0x12: {  	s1 =	sld [smem:$0x3F94];
	s0 =	simm.s32 @p0 $0x1  }
0x13: {  	[smem:$0x3FAF] =	sst s0;
	s0 =	simm.s32 @!p1 $0x0  }
0x14: {  	s2 =	sld [smem:$0x3F93];
	s0 =	simm.s32 @p1 $0x1  }
0x15: {  	[smem:$0x3FB0] =	sst s0;
	s0 =	simm.s32 @!p2 $0x0  }
0x16: {  	s3 =	sld [smem:$0x3FDB];
	s0 =	simm.s32 @p2 $0x1  }
0x17: {  	s4 =	simm.s32 $0x1BF5;
	[smem:$0x3FB2] =	sst s0  }
0x18: {  	s0 =	sld [smem:$0x3F95];
	_ =	swait.ge [sflag:s4], $0x0  }
0x19: {  	s7 =	sld [smem:$0x3F96]  }
0x1a: {  	s8 =	sadd.s32 $0xFFFFE003, lr  }
0x1b: {  	s9 =	sadd.s32 $0xFFFFFEF7, lr;
	s5 =	simm.s32 $0xFFFFFFFF;
	p2 =	slt.u32 s8, $0xFFFFF086  }
0x1c: {  	p1 =	slt.u32 s9, $0xF7A;
	s5 =	simm.s32 @!p2 $0x0  }
0x1d: {  	s5 =	simm.s32 @p1 $0x1;
	p0 =	seq.s32 s7, s2  }
0x1e: {  	s7 =	smul.u32 @!p0 $0xF7A, s2;
	p2 =	seq.s32 @!p0 s5, $0x0  }
0x1f: {  	s9 =	smul.u32 $0xF7A, s1;
	s8 =	simm.s32 @!p0 $0x1BF5;
	p2 =	por !p2, p0  }
0x20: {  	[sflag:s8] =	ssyncset.s32 @!p0 $0xFFFFF086;
	s6 =	sadd.s32 @!p0 s3, s7;
	s7 =	simm.s32 @!p0 $0x108  }
0x21: {  	s3 =	sadd.s32 s3, s9;
	s6 =	sadd.s32 @!p0 $0x88, s6;
	s7 =	simm.s32 @p2 $0x1082  }
0x22: {  	[simem:s7], [sflag:s8] =	dma.local @!p0 [hbm:s6], $0xF7A  }
0x23: {  	s9 =	sor.u32 $0xD0000000, s2;
	s6 =	simm.s32 $0x108;
	_ =	swait.ge @!p0 [sflag:s8], $0x0  }
0x24: {  	s3 =	sadd.s32 $0x88, s3;
	s6 =	simm.s32 @!p1 $0x1082;
	[sflag:s4] =	ssyncset.s32 $0xFFFFF086  }
0x25: {  	[simem:s6], [sflag:s4] =	dma.local [hbm:s3], $0xF7A  }
0x26: {  	[smem:$0x3F96] =	sst s1;
	(tag) =	ssettag s2;
	_ =	strace s9  }
0x27: {  	s1 =	sld [smem:$0x3FA6]  }
0x28: {  	s2 =	sld [smem:$0x3FA7]  }
0x29: {  	s4 =	sld [smem:$0x3FA9]  }
0x2a: {  	p0 =	seq.s32 s5, $0x0;
	s5 =	sld [smem:$0x3FAA]  }
0x2b: {  	s6 =	sld [smem:$0x3FAB]  }
0x2c: {  	s7 =	sld [smem:$0x3FAC]  }
0x2d: {  	s3 =	simm.s32 $0x108;
	s8 =	sld [smem:$0x3FAD]  }
0x2e: {  	s3 =	simm.s32 @!p0 $0x1082;
	s9 =	sld [smem:$0x3FAE]  }
0x2f: {  	lr =	sadd.s32 s0, s3;
	s0 =	sld [smem:$0x3FA5]  }
0x30: {  	s3 =	sld [smem:$0x3FA8]  }
0x31: {  	[smem:$0x3FB1] =	sst s10  }
0x32: {  	s10 =	sld [smem:$0x3FAF];
	_ =	sdelay $0x3  }
0x33: {  	p0 =	seq.s32 s10, $0x1;
	s10 =	sld [smem:$0x3FB1];
	_ =	sdelay $0x3  }
0x34: {  	[smem:$0x3FB1] =	sst s10  }
0x35: {  	s10 =	sld [smem:$0x3FB0];
	_ =	sdelay $0x3  }
0x36: {  	p1 =	seq.s32 s10, $0x1;
	s10 =	sld [smem:$0x3FB1];
	_ =	sdelay $0x3  }
0x37: {  	[smem:$0x3FB1] =	sst s10  }
0x38: {  	s10 =	sld [smem:$0x3FB2]  }
0x39: {  	_ = 	snop;
	(pc) =	sbr.ind lr, $3  }
0x3a: {  	_ = 	snop  }
0x3b: {  	_ = 	snop  }
0x3c: {  	p2 =	seq.s32 s10, $0x1;
	s10 =	sld [smem:$0x3FB1]  }
0x3d: {  	_ =	shalt  }
0x3e: {  	_ =	shalt  }
0x3f: {  	_ =	shalt  }
0x40: {  	_ =	shalt  }
0x41: {  	_ =	shalt  }
0x42: {  	_ =	shalt  }
0x43: {  	_ =	shalt  }
0x44: {  	_ =	shalt  }
0x45: {  	_ =	shalt  }
0x46: {  	_ =	shalt  }
0x47: {  	_ =	shalt  }
0x48: {  	_ =	shalt  }
0x49: {  	_ =	shalt  }
0x4a: {  	_ =	shalt  }
0x4b: {  	_ =	shalt  }
0x4c: {  	_ =	shalt  }
0x4d: {  	_ =	shalt  }
0x4e: {  	_ =	shalt  }
0x4f: {  	_ =	shalt  }
0x50: {  	_ =	shalt  }
0x51: {  	_ =	shalt  }
0x52: {  	_ =	shalt  }
0x53: {  	_ =	shalt  }
0x54: {  	_ =	shalt  }
0x55: {  	_ =	shalt  }
0x56: {  	_ =	shalt  }
0x57: {  	_ =	shalt  }
0x58: {  	_ =	shalt  }
0x59: {  	_ =	shalt  }
0x5a: {  	_ =	shalt  }
0x5b: {  	_ =	shalt  }
0x5c: {  	_ =	shalt  }
0x5d: {  	_ =	shalt  }
0x5e: {  	_ =	shalt  }
0x5f: {  	_ =	shalt  }
0x60: {  	_ =	shalt  }
0x61: {  	_ =	shalt  }
0x62: {  	_ =	shalt  }
0x63: {  	_ =	shalt  }
0x64: {  	_ =	shalt  }
0x65: {  	_ =	shalt  }
0x66: {  	_ =	shalt  }
0x67: {  	_ =	shalt  }
0x68: {  	_ =	shalt  }
0x69: {  	_ =	shalt  }
0x6a: {  	_ =	shalt  }
0x6b: {  	_ =	shalt  }
0x6c: {  	_ =	shalt  }
0x6d: {  	_ =	shalt  }
0x6e: {  	_ =	shalt  }
0x6f: {  	_ =	shalt  }
0x70: {  	_ =	shalt  }
0x71: {  	_ =	shalt  }
0x72: {  	_ =	shalt  }
0x73: {  	_ =	shalt  }
0x74: {  	_ =	shalt  }
0x75: {  	_ =	shalt  }
0x76: {  	_ =	shalt  }
0x77: {  	_ =	shalt  }
0x78: {  	_ =	shalt  }
0x79: {  	_ =	shalt  }
0x7a: {  	_ =	shalt  }
0x7b: {  	_ =	shalt  }
0x7c: {  	_ =	shalt  }
0x7d: {  	_ =	shalt  }
0x7e: {  	_ =	shalt  }
0x7f: {  	_ =	shalt  }
0x80: {  	_ =	shalt  }
0x81: {  	_ =	shalt  }
0x82: {  	_ =	shalt  }
0x83: {  	_ =	shalt  }
0x84: {  	_ =	shalt  }
0x85: {  	_ =	shalt  }
0x86: {  	_ =	shalt  }
0x87: {  	_ =	shalt  }
.Lfunc_end0:
.L_simem_size_0:
called_computation.2_lowered:
.L_overlay_start_0:
0x88: {  	s2 =	sld [smem:$0x3FD9]  }
0x89: {  	s3 =	sld [smem:$0x3FFE];
	_ =	sdelay $0x1  }
0x8a: {  	s1 =	srdreg.scid  }
0x8b: {  	s0 =	sand.u32 $0x1, s1  }
0x8c: {  	s16 =	sshll.u32 s0, $0xA;
	s2 =	sadd.s32 s3, s2  }
0x8d: {  	s2 =	sadd.s32 s2, s16  }
0x8e: {  	[smem:$0x3FBD] =	sst s2  }
0x8f: {  	_ = 	snop  }
0x90: {  	(tm) =	ssettm $0x1  }
0x91: {  	s17 =	sld [smem:$0x3FFB];
	_ =	sdelay $0x3  }
0x92: {  	_ =	strace s17  }
0x93: {  	s2 =	sld [smem:$0x3FFC];
	_ =	sdelay $0x3  }
0x94: {  	_ =	strace s2  }
0x95: {  	s2 =	sld [smem:$0x3FFD];
	_ =	sdelay $0x3  }
0x96: {  	_ =	strace s2  }
0x97: {  	_ =	strace $0x8FFFFFFF  }
0x98: {  	s18 =	sld [smem:$0x3FDB];
	_ =	sdelay $0x1  }
0x99: {  	s19 =	simm.s32 $_scs_section_size  }
0x9a: {  	s4 =	simm.s32 $_size__tile_overlayer_lowered;
	s5 =	simm.s32 $_tile_overlayer_lowered  }
0x9b: {  	s22 =	simm.s32 $0x1BFF;
	s21 =	sshll.u32 s5, $0x1;
	s2 =	sadd.s32 s19, s18  }
0x9c: {  	s6 =	simm.s32 $0x0;
	s20 =	sshll.u32 s4, $0x1;
	s4 =	sadd.s32 s21, s2  }
0x9d: {  	[timem:s6], [sflag:s22] =	dma.local [hbm:s4], s20  }
0x9e: {  	_ =	swait.ge [sflag:s22], s20  }
0x9f: {  	s3 =	ssub.s32 $0x0, s20;
	[sflag:s22] =	ssyncset.done $0x0  }
0xa0: {  	[sflag:s22] =	ssyncadd.s32 s3;
	_ =	sdelay $0x1  }
0xa1: {  	s23 =	simm.s32 $0x1B8B  }
0xa2: {  	_ =	swait.ge [sflag:s23], $0x1  }
0xa3: {  	[sflag:s23] =	ssyncset.done $0x0  }
0xa4: {  	s25 =	simm.s32 $0x1B8E;
	s24 =	sld [smem:$0x3FFE];
	[sflag:s23] =	ssyncadd.s32 $0xFFFFFFFF  }
0xa5: {  	s26 =	simm.s32 $execute0_lowered;
	[smem:$0x3FD2] =	sst s25  }
0xa6: {  	s4 =	sshll.u32 s26, $0x1;
	_ =	strace $0x8000004C;
	[dreg:$0x1] =	wrdreg $0xFFFFFFFF  }
0xa7: {  	s28 =	simm.s32 $_size_execute0_lowered;
	s2 =	sadd.s32 s2, s4;
	[dreg:$0x0] =	wrdreg $0x0  }
0xa8: {  	s4 =	sshll.u32 s28, $0x1;
	[dreg:$0x2] =	wrdreg s2  }
0xa9: {  	[dreg:$0x3] =	wrdreg s4  }
0xaa: {  	[dreg:$0x4] =	wrdreg $0xC0  }
0xab: {  	_ =	task [dreg:s6], $0x5FFFF  }
0xac: {  	[dreg:$0x1] =	wrdreg $0xFFFFFFFF  }
0xad: {  	[dreg:$0x0] =	wrdreg $0x60  }
0xae: {  	[dreg:$0x2] =	wrdreg s24  }
0xaf: {  	[dreg:$0x3] =	wrdreg $0x9  }
0xb0: {  	_ =	task.clear_ibuf [dreg:s6], $0x4FFFF;
	_ =	strace $0x9000004C  }
0xb1: {  	s29 =	simm.s32 $0x9;
	_ =	strace $0x8000004E  }
0xb2: {  	_ =	swait.ge [sflag:s29], $0x1  }
0xb3: {  	[sflag:s29] =	ssyncadd.s32 $0xFFFFFFFF  }
0xb4: {  	_ =	strace $0x9000004E  }
0xb5: {  	_ =	sfence  }
0xb6: {  	s30 =	sld [smem:$0x0];
	_ =	sdelay $0x2  }
0xb7: {  	s31 =	sshll.u32 s1, $0xD;
	s1 =	sshrl.u32 s1, $0x2  }
0xb8: {  	s3 =	sand.u32 $0x4000, s31;
	s1 =	sadd.s32 s1, s30  }
0xb9: {  	s0 =	sor.u32 s3, s0;
	s1 =	sshll.u32 s1, $0x11  }
0xba: {  	s0 =	sor.u32 s1, s0  }
0xbb: {  	s0 =	sadd.s32 $0x8F2B, s0  }
0xbc: {  	[sflag:s0] =	ssyncadd.remote.s32 $0x1  }
0xbd: {  	_ =	sfence.sel $0xFFFF  }
0xbe: {  	[dreg:$0x0] =	wrdreg $0xFFFFFFFF;
	(pc) =	sbr.abs _section_cstart, $3  }
0xbf: {  	[dreg:$0x1] =	wrdreg $0xFFFFFFFF  }
0xc0: {  	_ =	task.clear_ibuf [dreg:s6], $0x2FFFF;
	_ =	strace $0x9FFFFFFF  }
0xc1: {  	(tm) =	ssettm $0x7FFFFFFF  }
tec
execute0_lowered:
.L_overlay_start_1:
0x0: {  	(tag) =	ssettag $0x1  }
0x1: {  	s0 =	rddreg [dreg:$0x0]  }
0x2: {  	s1 =	srdreg.scid;
	s2 =	simm.s32 $0x0;
	s3 =	stileid.u32  }
0x3: {  	s28 =	simm.s32 $0x4;
	s29 =	simm.s32 $0x2;
	s30 =	simm.s32 $0x200  }
0x4: {  	s31 =	simm.s32 $0x3;
	s1 =	sand.u32 $0x1, s1;
	[smem:$0x7FF] =	sst s2  }
0x5: {  	s4 =	sshll.u32 s3, $0x9;
	s3 =	sadd.s32 $0x181400, s0;
	s8 =	sadd.s32 $0x1400, s0  }
0x6: {  	s5 =	sshll.u32 s1, $0x8;
	_ =	strace $0x8000004D;
	s1 =	ssub.s32 $0x2, s1  }
0x7: {  	s4 =	sor.u32 s5, s4;
	s5 =	sadd.s32 $0x1000, s0;
	s25 =	sshrl.u32 s1, $0x1  }
0x8: {  	s6 =	sshrl.u32 s4, $0x3;
	s7 =	sor.u32 $0x20, s4;
	s18 =	sor.u32 $0x40, s4  }
0x9: {  	s10 =	sshll.u32 s4, $0x7;
	s11 =	sor.u32 $0x60, s4;
	s24 =	sor.u32 $0x80, s4  }
0xa: {  	s12 =	sor.u32 $0xA0, s4;
	s1 =	ssub.s32 s1, s25;
	s6 =	sadd.s32 s5, s6  }
0xb: {  	s9 =	sshrl.u32 s7, $0x3;
	s19 =	sshrl.u32 s18, $0x3;
	s20 =	sadd.s32 s8, s10  }
0xc: {  	s21 =	sshrl.u32 s11, $0x3;
	s7 =	sshll.u32 s7, $0x7;
	s26 =	sshrl.u32 s24, $0x3  }
0xd: {  	s13 =	sshrl.u32 s12, $0x3;
	s15 =	sshll.u32 s11, $0x7;
	[dreg:$0x2] =	wrdreg s6  }
0xe: {  	s17 =	sadd.s32 s5, s9;
	s6 =	sadd.s32 s5, s19;
	[dreg:$0x5] =	wrdreg s20  }
0xf: {  	s22 =	sadd.s32 s5, s21;
	s23 =	sadd.s32 s8, s7;
	s9 =	sshll.u32 s18, $0x7  }
0x10: {  	s14 =	sadd.s32 s5, s13;
	s16 =	sadd.s32 s8, s15;
	[dreg:$0x3] =	wrdreg s17  }
0x11: {  	s7 =	sshll.u32 s24, $0x7;
	s21 =	sshll.u32 s12, $0x7;
	[dreg:$0x4] =	wrdreg s6  }
0x12: {  	s12 =	simm.s32 $0x10200;
	s13 =	simm.s32 $0x11200;
	[dreg:$0x6] =	wrdreg s22  }
0x13: {  	s15 =	simm.s32 $0x12200;
	[dreg:$0x7] =	wrdreg s23;
	s6 =	sadd.s32 s5, s26  }
0x14: {  	s9 =	sadd.s32 s8, s9;
	[dreg:$0xa] =	wrdreg s14;
	s17 =	sor.u32 $0xC0, s4  }
0x15: {  	[dreg:$0xb] =	wrdreg s16;
	s4 =	sor.u32 $0xE0, s4;
	s19 =	sadd.s32 s8, s7  }
0x16: {  	s22 =	sadd.s32 s8, s21;
	s7 =	smax.u32 s1, $0x1;
	[dreg:$0x8] =	wrdreg s6  }
0x17: {  	s21 =	simm.s32 $0x7;
	s14 =	simm.s32 $0x11A00;
	[dreg:$0x9] =	wrdreg s9  }
0x18: {  	s16 =	simm.s32 $0x12A00;
	s18 =	sshrl.u32 s17, $0x3;
	[dreg:$0xd] =	wrdreg s19  }
0x19: {  	s20 =	sshrl.u32 s4, $0x3;
	s23 =	sshll.u32 s17, $0x7;
	[dreg:$0xf] =	wrdreg s22  }
0x1a: {  	s25 =	sshll.u32 s4, $0x7;
	s4 =	sadd.s32 $0x181500, s0;
	s22 =	simm.s32 $0x5  }
0x1b: {  	s17 =	simm.s32 $0x13200;
	s19 =	simm.s32 $0x14200;
	s6 =	sadd.s32 s5, s18  }
0x1c: {  	s5 =	sadd.s32 s5, s20;
	s24 =	sadd.s32 s8, s23;
	s26 =	sadd.s32 s8, s25  }
0x1d: {  	s8 =	simm.s32 $0x1;
	s25 =	simm.s32 $0x8;
	[dreg:$0xc] =	wrdreg s6  }
0x1e: {  	v2 =	vlaneseq.u32;
	s23 =	simm.s32 $0x8200;
	s18 =	simm.s32 $0x13A00;
	[dreg:$0xe] =	wrdreg s5  }
0x1f: {  	vm0 =	vmmov $0xffff;
	v1 =	vshrl.u32 v2, $0x3;
	s20 =	simm.s32 $0x14A00;
	[dreg:$0x10] =	wrdreg s24;
	s5 =	sadd.s32 $0x181600, s0  }
0x20: {  	v0 =	vand.u32 $0x7, v2;
	v2 =	vor.u32 $0x8, v2;
	v1 =	vmul.u32 $0x8, v1;
	s6 =	sadd.s32 $0x181700, s0;
	[dreg:$0x11] =	wrdreg s26;
	s24 =	simm.s32 $0x15200  }
.LBB2_1:
0x21: {  	s1 =	rddreg [dreg:$0x2]  }
0x22: {  	[tilespmem:s2], [sflag:$0x1] =	stream.linear.gather [hbm4b:s1+s2], $0x20, $0x38;
	[tilespmem:$0x18200] =	vst v63  }
0x23: {  	s26 =	rddreg [dreg:$0x3];
	s0 =	simm.s32 $0x80  }
0x24: {  	[tilespmem:s0], [sflag:$0x2] =	stream.linear.gather [hbm4b:s26+s2], $0x20, $0x38;
	[tilespmem:$0x18200] =	vst v63  }
0x25: {  	_ =	swait.ge [sflag:s8], $0x20  }
0x26: {  	[sflag:s8] =	ssyncset.done $0x0  }
0x27: {  	[sflag:s8] =	ssyncadd.s32 $0xFFFFFFE0  }
0x28: {  	v3 =	vld [tilespmem:$0x0];
	_ =	sdelay $0x4  }
0x29: {  	v4 =	vshll.u32 v3, $0x3  }
0x2a: {  	v3 =	vand.u32 $0x7, v3;
	v4 =	vand.u32 $0xFFFFFFC0, v4  }
0x2b: {  	v3 =	vor.u32 v3, v4  }
0x2c: {  	v4 =	vperm.xlane v3, v0;
	_ =	sdelay $0x1  }
0x2d: {  	v4 =	vadd.s32 v1, v4;
	_ =	sdelay $0x4  }
0x2e: {  	[tilespmem:s30], [sflag:$0x4] =	stream.indirect_vreg.gather [hbm4b:s3+s2], $0x80, v4, vm0, $0xb8;
	[tilespmem:$0x18200] =	vst v63  }
0x2f: {  	s10 =	simm.s32 $0xA00;
	v3 =	vperm.xlane v3, v2  }
0x30: {  	[tilespmem:s10], [sflag:$0x4] =	stream.indirect_vreg.gather [hbm4b:s4+s2], $0x80, v4, vm0, $0xb8;
	[tilespmem:$0x18200] =	vst v63  }
0x31: {  	s11 =	simm.s32 $0x1200;
	v3 =	vadd.s32 v1, v3  }
0x32: {  	[tilespmem:s11], [sflag:$0x4] =	stream.indirect_vreg.gather [hbm4b:s5+s2], $0x80, v4, vm0, $0xb8;
	[tilespmem:$0x18200] =	vst v63  }
0x33: {  	s26 =	simm.s32 $0x1A00  }
0x34: {  	[tilespmem:s26], [sflag:$0x4] =	stream.indirect_vreg.gather [hbm4b:s6+s2], $0x80, v4, vm0, $0xb8;
	[tilespmem:$0x18200] =	vst v63  }
0x35: {  	s1 =	simm.s32 $0x2200  }
0x36: {  	[tilespmem:s1], [sflag:$0x4] =	stream.indirect_vreg.gather [hbm4b:s3+s2], $0x80, v3, vm0, $0xb8;
	[tilespmem:$0x18200] =	vst v63  }
0x37: {  	s10 =	simm.s32 $0x2A00  }
0x38: {  	[tilespmem:s10], [sflag:$0x4] =	stream.indirect_vreg.gather [hbm4b:s4+s2], $0x80, v3, vm0, $0xb8;
	[tilespmem:$0x18200] =	vst v63  }
0x39: {  	s11 =	simm.s32 $0x3200  }
0x3a: {  	[tilespmem:s11], [sflag:$0x4] =	stream.indirect_vreg.gather [hbm4b:s5+s2], $0x80, v3, vm0, $0xb8;
	[tilespmem:$0x18200] =	vst v63  }
0x3b: {  	s26 =	simm.s32 $0x3A00  }
0x3c: {  	[tilespmem:s26], [sflag:$0x4] =	stream.indirect_vreg.gather [hbm4b:s6+s2], $0x80, v3, vm0, $0xb8;
	[tilespmem:$0x18200] =	vst v63  }
0x3d: {  	v3 =	vld [tilespmem:$0x10];
	_ =	sdelay $0x4  }
0x3e: {  	v49 =	vshll.u32 v3, $0x3  }
0x3f: {  	v3 =	vand.u32 $0x7, v3;
	v4 =	vand.u32 $0xFFFFFFC0, v49  }
0x40: {  	v3 =	vor.u32 v3, v4  }
0x41: {  	v4 =	vperm.xlane v3, v0;
	_ =	sdelay $0x1  }
0x42: {  	v4 =	vadd.s32 v1, v4;
	_ =	sdelay $0x3  }
0x43: {  	s1 =	simm.s32 $0x4200  }
0x44: {  	[tilespmem:s1], [sflag:$0x4] =	stream.indirect_vreg.gather [hbm4b:s3+s2], $0x80, v4, vm0, $0xb8;
	[tilespmem:$0x18200] =	vst v63  }
0x45: {  	s10 =	simm.s32 $0x4A00;
	v3 =	vperm.xlane v3, v2  }
0x46: {  	[tilespmem:s10], [sflag:$0x4] =	stream.indirect_vreg.gather [hbm4b:s4+s2], $0x80, v4, vm0, $0xb8;
	[tilespmem:$0x18200] =	vst v63  }
0x47: {  	s11 =	simm.s32 $0x5200;
	v3 =	vadd.s32 v1, v3  }
0x48: {  	[tilespmem:s11], [sflag:$0x4] =	stream.indirect_vreg.gather [hbm4b:s5+s2], $0x80, v4, vm0, $0xb8;
	[tilespmem:$0x18200] =	vst v63  }
0x49: {  	s26 =	simm.s32 $0x5A00  }
0x4a: {  	[tilespmem:s26], [sflag:$0x4] =	stream.indirect_vreg.gather [hbm4b:s6+s2], $0x80, v4, vm0, $0xb8;
	[tilespmem:$0x18200] =	vst v63  }
0x4b: {  	s1 =	simm.s32 $0x6200  }
0x4c: {  	[tilespmem:s1], [sflag:$0x4] =	stream.indirect_vreg.gather [hbm4b:s3+s2], $0x80, v3, vm0, $0xb8;
	[tilespmem:$0x18200] =	vst v63  }
0x4d: {  	s10 =	simm.s32 $0x6A00  }
0x4e: {  	[tilespmem:s10], [sflag:$0x4] =	stream.indirect_vreg.gather [hbm4b:s4+s2], $0x80, v3, vm0, $0xb8;
	[tilespmem:$0x18200] =	vst v63  }
0x4f: {  	s11 =	simm.s32 $0x7200  }
0x50: {  	[tilespmem:s11], [sflag:$0x4] =	stream.indirect_vreg.gather [hbm4b:s5+s2], $0x80, v3, vm0, $0xb8;
	[tilespmem:$0x18200] =	vst v63  }
0x51: {  	s10 =	simm.s32 $0x7A00  }
0x52: {  	[tilespmem:s10], [sflag:$0x4] =	stream.indirect_vreg.gather [hbm4b:s6+s2], $0x80, v3, vm0, $0xb8;
	[tilespmem:$0x18200] =	vst v63  }
0x53: {  	s26 =	rddreg [dreg:$0x4];
	s10 =	simm.s32 $0x100  }
0x54: {  	[tilespmem:s10], [sflag:$0x3] =	stream.linear.gather [hbm4b:s26+s2], $0x20, $0x38;
	[tilespmem:$0x18200] =	vst v63  }
0x55: {  	_ =	swait.ge [sflag:s28], $0x8000  }
0x56: {  	[sflag:s28] =	ssyncset.done $0x0  }
0x57: {  	s11 =	rddreg [dreg:$0x5];
	[sflag:s28] =	ssyncadd.s32 $0xFFFF8000  }
0x58: {  	[hbm4b:s11+s2] =	stream.linear.scatter [tilespmem:s30], [sflag:$0x7], $0x8000, $0x38;
	[tilespmem:$0x18200] =	vst v63  }
0x59: {  	_ =	swait.ge [sflag:s29], $0x20  }
0x5a: {  	[sflag:s29] =	ssyncset.done $0x0  }
0x5b: {  	[sflag:s29] =	ssyncadd.s32 $0xFFFFFFE0  }
0x5c: {  	v3 =	vld [tilespmem:$0x80];
	_ =	sdelay $0x4  }
0x5d: {  	v50 =	vshll.u32 v3, $0x3  }
0x5e: {  	v3 =	vand.u32 $0x7, v3;
	v4 =	vand.u32 $0xFFFFFFC0, v50  }
0x5f: {  	v3 =	vor.u32 v3, v4  }
0x60: {  	v4 =	vperm.xlane v3, v0;
	_ =	sdelay $0x1  }
0x61: {  	v4 =	vadd.s32 v1, v4;
	_ =	sdelay $0x4  }
0x62: {  	[tilespmem:s23], [sflag:$0x5] =	stream.indirect_vreg.gather [hbm4b:s3+s2], $0x80, v4, vm0, $0xb8;
	[tilespmem:$0x18200] =	vst v63  }
0x63: {  	s26 =	simm.s32 $0x8A00;
	v3 =	vperm.xlane v3, v2  }
0x64: {  	[tilespmem:s26], [sflag:$0x5] =	stream.indirect_vreg.gather [hbm4b:s4+s2], $0x80, v4, vm0, $0xb8;
	[tilespmem:$0x18200] =	vst v63  }
0x65: {  	s1 =	simm.s32 $0x9200;
	v3 =	vadd.s32 v1, v3  }
0x66: {  	[tilespmem:s1], [sflag:$0x5] =	stream.indirect_vreg.gather [hbm4b:s5+s2], $0x80, v4, vm0, $0xb8;
	[tilespmem:$0x18200] =	vst v63  }
0x67: {  	s11 =	simm.s32 $0x9A00  }
0x68: {  	[tilespmem:s11], [sflag:$0x5] =	stream.indirect_vreg.gather [hbm4b:s6+s2], $0x80, v4, vm0, $0xb8;
	[tilespmem:$0x18200] =	vst v63  }
0x69: {  	s26 =	simm.s32 $0xA200  }
0x6a: {  	[tilespmem:s26], [sflag:$0x5] =	stream.indirect_vreg.gather [hbm4b:s3+s2], $0x80, v3, vm0, $0xb8;
	[tilespmem:$0x18200] =	vst v63  }
0x6b: {  	s1 =	simm.s32 $0xAA00  }
0x6c: {  	[tilespmem:s1], [sflag:$0x5] =	stream.indirect_vreg.gather [hbm4b:s4+s2], $0x80, v3, vm0, $0xb8;
	[tilespmem:$0x18200] =	vst v63  }
0x6d: {  	s11 =	simm.s32 $0xB200  }
0x6e: {  	[tilespmem:s11], [sflag:$0x5] =	stream.indirect_vreg.gather [hbm4b:s5+s2], $0x80, v3, vm0, $0xb8;
	[tilespmem:$0x18200] =	vst v63  }
0x6f: {  	s26 =	simm.s32 $0xBA00  }
0x70: {  	[tilespmem:s26], [sflag:$0x5] =	stream.indirect_vreg.gather [hbm4b:s6+s2], $0x80, v3, vm0, $0xb8;
	[tilespmem:$0x18200] =	vst v63  }
0x71: {  	v3 =	vld [tilespmem:$0x90];
	_ =	sdelay $0x4  }
0x72: {  	v51 =	vshll.u32 v3, $0x3  }
0x73: {  	v3 =	vand.u32 $0x7, v3;
	v4 =	vand.u32 $0xFFFFFFC0, v51  }
0x74: {  	v3 =	vor.u32 v3, v4  }
0x75: {  	v4 =	vperm.xlane v3, v0;
	_ =	sdelay $0x1  }
0x76: {  	v4 =	vadd.s32 v1, v4;
	_ =	sdelay $0x3  }
0x77: {  	s1 =	simm.s32 $0xC200  }
0x78: {  	[tilespmem:s1], [sflag:$0x5] =	stream.indirect_vreg.gather [hbm4b:s3+s2], $0x80, v4, vm0, $0xb8;
	[tilespmem:$0x18200] =	vst v63  }
0x79: {  	s11 =	simm.s32 $0xCA00;
	v3 =	vperm.xlane v3, v2  }
0x7a: {  	[tilespmem:s11], [sflag:$0x5] =	stream.indirect_vreg.gather [hbm4b:s4+s2], $0x80, v4, vm0, $0xb8;
	[tilespmem:$0x18200] =	vst v63  }
0x7b: {  	s26 =	simm.s32 $0xD200;
	v3 =	vadd.s32 v1, v3  }
0x7c: {  	[tilespmem:s26], [sflag:$0x5] =	stream.indirect_vreg.gather [hbm4b:s5+s2], $0x80, v4, vm0, $0xb8;
	[tilespmem:$0x18200] =	vst v63  }
0x7d: {  	s1 =	simm.s32 $0xDA00  }
0x7e: {  	[tilespmem:s1], [sflag:$0x5] =	stream.indirect_vreg.gather [hbm4b:s6+s2], $0x80, v4, vm0, $0xb8;
	[tilespmem:$0x18200] =	vst v63  }
0x7f: {  	s11 =	simm.s32 $0xE200  }
0x80: {  	[tilespmem:s11], [sflag:$0x5] =	stream.indirect_vreg.gather [hbm4b:s3+s2], $0x80, v3, vm0, $0xb8;
	[tilespmem:$0x18200] =	vst v63  }
0x81: {  	s26 =	simm.s32 $0xEA00  }
0x82: {  	[tilespmem:s26], [sflag:$0x5] =	stream.indirect_vreg.gather [hbm4b:s4+s2], $0x80, v3, vm0, $0xb8;
	[tilespmem:$0x18200] =	vst v63  }
0x83: {  	s1 =	simm.s32 $0xF200  }
0x84: {  	[tilespmem:s1], [sflag:$0x5] =	stream.indirect_vreg.gather [hbm4b:s5+s2], $0x80, v3, vm0, $0xb8;
	[tilespmem:$0x18200] =	vst v63  }
0x85: {  	s11 =	simm.s32 $0xFA00  }
0x86: {  	[tilespmem:s11], [sflag:$0x5] =	stream.indirect_vreg.gather [hbm4b:s6+s2], $0x80, v3, vm0, $0xb8;
	[tilespmem:$0x18200] =	vst v63  }
0x87: {  	_ =	swait.ge [sflag:s21], $0x8000  }
0x88: {  	[sflag:s21] =	ssyncset.done $0x0  }
0x89: {  	s26 =	rddreg [dreg:$0x6];
	[sflag:s21] =	ssyncadd.s32 $0xFFFF8000  }
0x8a: {  	[tilespmem:s2], [sflag:$0x1] =	stream.linear.gather [hbm4b:s26+s2], $0x20, $0x38;
	[tilespmem:$0x18200] =	vst v63  }
0x8b: {  	_ =	swait.ge [sflag:s22], $0x8000  }
0x8c: {  	[sflag:s22] =	ssyncset.done $0x0  }
0x8d: {  	s0 =	rddreg [dreg:$0x7];
	[sflag:s22] =	ssyncadd.s32 $0xFFFF8000  }
0x8e: {  	[hbm4b:s0+s2] =	stream.linear.scatter [tilespmem:s23], [sflag:$0x8], $0x8000, $0x38;
	[tilespmem:$0x18200] =	vst v63  }
0x8f: {  	_ =	swait.ge [sflag:s31], $0x20  }
0x90: {  	[sflag:s31] =	ssyncset.done $0x0  }
0x91: {  	[sflag:s31] =	ssyncadd.s32 $0xFFFFFFE0  }
0x92: {  	v3 =	vld [tilespmem:$0x100];
	_ =	sdelay $0x4  }
0x93: {  	v52 =	vshll.u32 v3, $0x3  }
0x94: {  	v3 =	vand.u32 $0x7, v3;
	v4 =	vand.u32 $0xFFFFFFC0, v52  }
0x95: {  	v3 =	vor.u32 v3, v4  }
0x96: {  	v4 =	vperm.xlane v3, v0;
	_ =	sdelay $0x1  }
0x97: {  	v4 =	vadd.s32 v1, v4;
	_ =	sdelay $0x4  }
0x98: {  	[tilespmem:s12], [sflag:$0x6] =	stream.indirect_vreg.gather [hbm4b:s3+s2], $0x80, v4, vm0, $0xb8;
	[tilespmem:$0x18200] =	vst v63  }
0x99: {  	s11 =	simm.s32 $0x10A00;
	v3 =	vperm.xlane v3, v2  }
0x9a: {  	[tilespmem:s11], [sflag:$0x6] =	stream.indirect_vreg.gather [hbm4b:s4+s2], $0x80, v4, vm0, $0xb8;
	[tilespmem:$0x18200] =	vst v63  }
0x9b: {  	v3 =	vadd.s32 v1, v3  }
0x9c: {  	[tilespmem:s13], [sflag:$0x6] =	stream.indirect_vreg.gather [hbm4b:s5+s2], $0x80, v4, vm0, $0xb8;
	[tilespmem:$0x18200] =	vst v63  }
0x9d: {  	_ = 	snop  }
0x9e: {  	[tilespmem:s14], [sflag:$0x6] =	stream.indirect_vreg.gather [hbm4b:s6+s2], $0x80, v4, vm0, $0xb8;
	[tilespmem:$0x18200] =	vst v63  }
0x9f: {  	_ = 	snop  }
0xa0: {  	[tilespmem:s15], [sflag:$0x6] =	stream.indirect_vreg.gather [hbm4b:s3+s2], $0x80, v3, vm0, $0xb8;
	[tilespmem:$0x18200] =	vst v63  }
0xa1: {  	_ = 	snop  }
0xa2: {  	[tilespmem:s16], [sflag:$0x6] =	stream.indirect_vreg.gather [hbm4b:s4+s2], $0x80, v3, vm0, $0xb8;
	[tilespmem:$0x18200] =	vst v63  }
0xa3: {  	_ = 	snop  }
0xa4: {  	[tilespmem:s17], [sflag:$0x6] =	stream.indirect_vreg.gather [hbm4b:s5+s2], $0x80, v3, vm0, $0xb8;
	[tilespmem:$0x18200] =	vst v63  }
0xa5: {  	_ = 	snop  }
0xa6: {  	[tilespmem:s18], [sflag:$0x6] =	stream.indirect_vreg.gather [hbm4b:s6+s2], $0x80, v3, vm0, $0xb8;
	[tilespmem:$0x18200] =	vst v63  }
0xa7: {  	v3 =	vld [tilespmem:$0x110];
	_ =	sdelay $0x4  }
0xa8: {  	v53 =	vshll.u32 v3, $0x3  }
0xa9: {  	v3 =	vand.u32 $0x7, v3;
	v4 =	vand.u32 $0xFFFFFFC0, v53  }
0xaa: {  	v3 =	vor.u32 v3, v4  }
0xab: {  	v4 =	vperm.xlane v3, v0;
	_ =	sdelay $0x1  }
0xac: {  	v4 =	vadd.s32 v1, v4;
	_ =	sdelay $0x4  }
0xad: {  	[tilespmem:s19], [sflag:$0x6] =	stream.indirect_vreg.gather [hbm4b:s3+s2], $0x80, v4, vm0, $0xb8;
	[tilespmem:$0x18200] =	vst v63  }
0xae: {  	v3 =	vperm.xlane v3, v2  }
0xaf: {  	[tilespmem:s20], [sflag:$0x6] =	stream.indirect_vreg.gather [hbm4b:s4+s2], $0x80, v4, vm0, $0xb8;
	[tilespmem:$0x18200] =	vst v63  }
0xb0: {  	v3 =	vadd.s32 v1, v3  }
0xb1: {  	[tilespmem:s24], [sflag:$0x6] =	stream.indirect_vreg.gather [hbm4b:s5+s2], $0x80, v4, vm0, $0xb8;
	[tilespmem:$0x18200] =	vst v63  }
0xb2: {  	s1 =	simm.s32 $0x15A00  }
0xb3: {  	[tilespmem:s1], [sflag:$0x6] =	stream.indirect_vreg.gather [hbm4b:s6+s2], $0x80, v4, vm0, $0xb8;
	[tilespmem:$0x18200] =	vst v63  }
0xb4: {  	s26 =	simm.s32 $0x16200  }
0xb5: {  	[tilespmem:s26], [sflag:$0x6] =	stream.indirect_vreg.gather [hbm4b:s3+s2], $0x80, v3, vm0, $0xb8;
	[tilespmem:$0x18200] =	vst v63  }
0xb6: {  	s26 =	simm.s32 $0x16A00  }
0xb7: {  	[tilespmem:s26], [sflag:$0x6] =	stream.indirect_vreg.gather [hbm4b:s4+s2], $0x80, v3, vm0, $0xb8;
	[tilespmem:$0x18200] =	vst v63  }
0xb8: {  	s1 =	simm.s32 $0x17200  }
0xb9: {  	[tilespmem:s1], [sflag:$0x6] =	stream.indirect_vreg.gather [hbm4b:s5+s2], $0x80, v3, vm0, $0xb8;
	[tilespmem:$0x18200] =	vst v63  }
0xba: {  	s1 =	simm.s32 $0x17A00  }
0xbb: {  	[tilespmem:s1], [sflag:$0x6] =	stream.indirect_vreg.gather [hbm4b:s6+s2], $0x80, v3, vm0, $0xb8;
	[tilespmem:$0x18200] =	vst v63  }
0xbc: {  	_ =	swait.ge [sflag:s25], $0x8000  }
0xbd: {  	[sflag:s25] =	ssyncset.done $0x0  }
0xbe: {  	s9 =	simm.s32 $0x80;
	s0 =	rddreg [dreg:$0x8];
	[sflag:s25] =	ssyncadd.s32 $0xFFFF8000  }
0xbf: {  	[tilespmem:s9], [sflag:$0x2] =	stream.linear.gather [hbm4b:s0+s2], $0x20, $0x38;
	[tilespmem:$0x18200] =	vst v63  }
0xc0: {  	s0 =	simm.s32 $0x6  }
0xc1: {  	_ =	swait.ge [sflag:s0], $0x8000  }
0xc2: {  	[sflag:s0] =	ssyncset.done $0x0  }
0xc3: {  	s9 =	rddreg [dreg:$0x9];
	[sflag:s0] =	ssyncadd.s32 $0xFFFF8000  }
0xc4: {  	[hbm4b:s9+s2] =	stream.linear.scatter [tilespmem:s12], [sflag:$0x9], $0x8000, $0x38;
	[tilespmem:$0x18200] =	vst v63  }
0xc5: {  	_ =	swait.ge [sflag:s8], $0x20  }
0xc6: {  	[sflag:s8] =	ssyncset.done $0x0  }
0xc7: {  	[sflag:s8] =	ssyncadd.s32 $0xFFFFFFE0  }
0xc8: {  	v3 =	vld [tilespmem:$0x0];
	_ =	sdelay $0x4  }
0xc9: {  	v54 =	vshll.u32 v3, $0x3  }
0xca: {  	v3 =	vand.u32 $0x7, v3;
	v4 =	vand.u32 $0xFFFFFFC0, v54  }
0xcb: {  	v3 =	vor.u32 v3, v4  }
0xcc: {  	v4 =	vperm.xlane v3, v0;
	_ =	sdelay $0x1  }
0xcd: {  	v4 =	vadd.s32 v1, v4;
	_ =	sdelay $0x4  }
0xce: {  	[tilespmem:s30], [sflag:$0x4] =	stream.indirect_vreg.gather [hbm4b:s3+s2], $0x80, v4, vm0, $0xb8;
	[tilespmem:$0x18200] =	vst v63  }
0xcf: {  	s9 =	simm.s32 $0xA00;
	v3 =	vperm.xlane v3, v2  }
0xd0: {  	[tilespmem:s9], [sflag:$0x4] =	stream.indirect_vreg.gather [hbm4b:s4+s2], $0x80, v4, vm0, $0xb8;
	[tilespmem:$0x18200] =	vst v63  }
0xd1: {  	v3 =	vadd.s32 v1, v3;
	s9 =	simm.s32 $0x1200  }
0xd2: {  	[tilespmem:s9], [sflag:$0x4] =	stream.indirect_vreg.gather [hbm4b:s5+s2], $0x80, v4, vm0, $0xb8;
	[tilespmem:$0x18200] =	vst v63  }
0xd3: {  	s9 =	simm.s32 $0x1A00  }
0xd4: {  	[tilespmem:s9], [sflag:$0x4] =	stream.indirect_vreg.gather [hbm4b:s6+s2], $0x80, v4, vm0, $0xb8;
	[tilespmem:$0x18200] =	vst v63  }
0xd5: {  	s9 =	simm.s32 $0x2200  }
0xd6: {  	[tilespmem:s9], [sflag:$0x4] =	stream.indirect_vreg.gather [hbm4b:s3+s2], $0x80, v3, vm0, $0xb8;
	[tilespmem:$0x18200] =	vst v63  }
0xd7: {  	s9 =	simm.s32 $0x2A00  }
0xd8: {  	[tilespmem:s9], [sflag:$0x4] =	stream.indirect_vreg.gather [hbm4b:s4+s2], $0x80, v3, vm0, $0xb8;
	[tilespmem:$0x18200] =	vst v63  }
0xd9: {  	s9 =	simm.s32 $0x3200  }
0xda: {  	[tilespmem:s9], [sflag:$0x4] =	stream.indirect_vreg.gather [hbm4b:s5+s2], $0x80, v3, vm0, $0xb8;
	[tilespmem:$0x18200] =	vst v63  }
0xdb: {  	s9 =	simm.s32 $0x3A00  }
0xdc: {  	[tilespmem:s9], [sflag:$0x4] =	stream.indirect_vreg.gather [hbm4b:s6+s2], $0x80, v3, vm0, $0xb8;
	[tilespmem:$0x18200] =	vst v63  }
0xdd: {  	v3 =	vld [tilespmem:$0x10];
	_ =	sdelay $0x4  }
0xde: {  	v55 =	vshll.u32 v3, $0x3  }
0xdf: {  	v3 =	vand.u32 $0x7, v3;
	v4 =	vand.u32 $0xFFFFFFC0, v55  }
0xe0: {  	v3 =	vor.u32 v3, v4  }
0xe1: {  	v4 =	vperm.xlane v3, v0;
	_ =	sdelay $0x1  }
0xe2: {  	v4 =	vadd.s32 v1, v4;
	_ =	sdelay $0x3  }
0xe3: {  	s9 =	simm.s32 $0x4200  }
0xe4: {  	[tilespmem:s9], [sflag:$0x4] =	stream.indirect_vreg.gather [hbm4b:s3+s2], $0x80, v4, vm0, $0xb8;
	[tilespmem:$0x18200] =	vst v63  }
0xe5: {  	v3 =	vperm.xlane v3, v2;
	s9 =	simm.s32 $0x4A00  }
0xe6: {  	[tilespmem:s9], [sflag:$0x4] =	stream.indirect_vreg.gather [hbm4b:s4+s2], $0x80, v4, vm0, $0xb8;
	[tilespmem:$0x18200] =	vst v63  }
0xe7: {  	v3 =	vadd.s32 v1, v3;
	s9 =	simm.s32 $0x5200  }
0xe8: {  	[tilespmem:s9], [sflag:$0x4] =	stream.indirect_vreg.gather [hbm4b:s5+s2], $0x80, v4, vm0, $0xb8;
	[tilespmem:$0x18200] =	vst v63  }
0xe9: {  	s9 =	simm.s32 $0x5A00  }
0xea: {  	[tilespmem:s9], [sflag:$0x4] =	stream.indirect_vreg.gather [hbm4b:s6+s2], $0x80, v4, vm0, $0xb8;
	[tilespmem:$0x18200] =	vst v63  }
0xeb: {  	s9 =	simm.s32 $0x6200  }
0xec: {  	[tilespmem:s9], [sflag:$0x4] =	stream.indirect_vreg.gather [hbm4b:s3+s2], $0x80, v3, vm0, $0xb8;
	[tilespmem:$0x18200] =	vst v63  }
0xed: {  	s9 =	simm.s32 $0x6A00  }
0xee: {  	[tilespmem:s9], [sflag:$0x4] =	stream.indirect_vreg.gather [hbm4b:s4+s2], $0x80, v3, vm0, $0xb8;
	[tilespmem:$0x18200] =	vst v63  }
0xef: {  	s9 =	simm.s32 $0x7200  }
0xf0: {  	[tilespmem:s9], [sflag:$0x4] =	stream.indirect_vreg.gather [hbm4b:s5+s2], $0x80, v3, vm0, $0xb8;
	[tilespmem:$0x18200] =	vst v63  }
0xf1: {  	s9 =	simm.s32 $0x7A00  }
0xf2: {  	[tilespmem:s9], [sflag:$0x4] =	stream.indirect_vreg.gather [hbm4b:s6+s2], $0x80, v3, vm0, $0xb8;
	[tilespmem:$0x18200] =	vst v63  }
0xf3: {  	s9 =	simm.s32 $0x9  }
0xf4: {  	_ =	swait.ge [sflag:s9], $0x8000  }
0xf5: {  	[sflag:s9] =	ssyncset.done $0x0  }
0xf6: {  	s1 =	rddreg [dreg:$0xa];
	[sflag:s9] =	ssyncadd.s32 $0xFFFF8000  }
0xf7: {  	[tilespmem:s10], [sflag:$0x3] =	stream.linear.gather [hbm4b:s1+s2], $0x20, $0x38;
	[tilespmem:$0x18200] =	vst v63  }
0xf8: {  	_ =	swait.ge [sflag:s28], $0x8000  }
0xf9: {  	[sflag:s28] =	ssyncset.done $0x0  }
0xfa: {  	s10 =	rddreg [dreg:$0xb];
	[sflag:s28] =	ssyncadd.s32 $0xFFFF8000  }
0xfb: {  	[hbm4b:s10+s2] =	stream.linear.scatter [tilespmem:s30], [sflag:$0x7], $0x8000, $0x38;
	[tilespmem:$0x18200] =	vst v63  }
0xfc: {  	_ =	swait.ge [sflag:s29], $0x20  }
0xfd: {  	[sflag:s29] =	ssyncset.done $0x0  }
0xfe: {  	[sflag:s29] =	ssyncadd.s32 $0xFFFFFFE0  }
0xff: {  	v3 =	vld [tilespmem:$0x80];
	_ =	sdelay $0x4  }
0x100: {  	v56 =	vshll.u32 v3, $0x3  }
0x101: {  	v3 =	vand.u32 $0x7, v3;
	v4 =	vand.u32 $0xFFFFFFC0, v56  }
0x102: {  	v3 =	vor.u32 v3, v4  }
0x103: {  	v4 =	vperm.xlane v3, v0;
	_ =	sdelay $0x1  }
0x104: {  	v4 =	vadd.s32 v1, v4;
	_ =	sdelay $0x4  }
0x105: {  	[tilespmem:s23], [sflag:$0x5] =	stream.indirect_vreg.gather [hbm4b:s3+s2], $0x80, v4, vm0, $0xb8;
	[tilespmem:$0x18200] =	vst v63  }
0x106: {  	s10 =	simm.s32 $0x8A00;
	v3 =	vperm.xlane v3, v2  }
0x107: {  	[tilespmem:s10], [sflag:$0x5] =	stream.indirect_vreg.gather [hbm4b:s4+s2], $0x80, v4, vm0, $0xb8;
	[tilespmem:$0x18200] =	vst v63  }
0x108: {  	v3 =	vadd.s32 v1, v3;
	s10 =	simm.s32 $0x9200  }
0x109: {  	[tilespmem:s10], [sflag:$0x5] =	stream.indirect_vreg.gather [hbm4b:s5+s2], $0x80, v4, vm0, $0xb8;
	[tilespmem:$0x18200] =	vst v63  }
0x10a: {  	s1 =	simm.s32 $0x9A00  }
0x10b: {  	[tilespmem:s1], [sflag:$0x5] =	stream.indirect_vreg.gather [hbm4b:s6+s2], $0x80, v4, vm0, $0xb8;
	[tilespmem:$0x18200] =	vst v63  }
0x10c: {  	s1 =	simm.s32 $0xA200  }
0x10d: {  	[tilespmem:s1], [sflag:$0x5] =	stream.indirect_vreg.gather [hbm4b:s3+s2], $0x80, v3, vm0, $0xb8;
	[tilespmem:$0x18200] =	vst v63  }
0x10e: {  	s1 =	simm.s32 $0xAA00  }
0x10f: {  	[tilespmem:s1], [sflag:$0x5] =	stream.indirect_vreg.gather [hbm4b:s4+s2], $0x80, v3, vm0, $0xb8;
	[tilespmem:$0x18200] =	vst v63  }
0x110: {  	s1 =	simm.s32 $0xB200  }
0x111: {  	[tilespmem:s1], [sflag:$0x5] =	stream.indirect_vreg.gather [hbm4b:s5+s2], $0x80, v3, vm0, $0xb8;
	[tilespmem:$0x18200] =	vst v63  }
0x112: {  	s1 =	simm.s32 $0xBA00  }
0x113: {  	[tilespmem:s1], [sflag:$0x5] =	stream.indirect_vreg.gather [hbm4b:s6+s2], $0x80, v3, vm0, $0xb8;
	[tilespmem:$0x18200] =	vst v63  }
0x114: {  	v3 =	vld [tilespmem:$0x90];
	_ =	sdelay $0x4  }
0x115: {  	v57 =	vshll.u32 v3, $0x3  }
0x116: {  	v3 =	vand.u32 $0x7, v3;
	v4 =	vand.u32 $0xFFFFFFC0, v57  }
0x117: {  	v3 =	vor.u32 v3, v4  }
0x118: {  	v4 =	vperm.xlane v3, v0;
	_ =	sdelay $0x1  }
0x119: {  	v4 =	vadd.s32 v1, v4;
	_ =	sdelay $0x3  }
0x11a: {  	s1 =	simm.s32 $0xC200  }
0x11b: {  	[tilespmem:s1], [sflag:$0x5] =	stream.indirect_vreg.gather [hbm4b:s3+s2], $0x80, v4, vm0, $0xb8;
	[tilespmem:$0x18200] =	vst v63  }
0x11c: {  	v3 =	vperm.xlane v3, v2;
	s1 =	simm.s32 $0xCA00  }
0x11d: {  	[tilespmem:s1], [sflag:$0x5] =	stream.indirect_vreg.gather [hbm4b:s4+s2], $0x80, v4, vm0, $0xb8;
	[tilespmem:$0x18200] =	vst v63  }
0x11e: {  	v3 =	vadd.s32 v1, v3;
	s1 =	simm.s32 $0xD200  }
0x11f: {  	[tilespmem:s1], [sflag:$0x5] =	stream.indirect_vreg.gather [hbm4b:s5+s2], $0x80, v4, vm0, $0xb8;
	[tilespmem:$0x18200] =	vst v63  }
0x120: {  	s1 =	simm.s32 $0xDA00  }
0x121: {  	[tilespmem:s1], [sflag:$0x5] =	stream.indirect_vreg.gather [hbm4b:s6+s2], $0x80, v4, vm0, $0xb8;
	[tilespmem:$0x18200] =	vst v63  }
0x122: {  	s1 =	simm.s32 $0xE200  }
0x123: {  	[tilespmem:s1], [sflag:$0x5] =	stream.indirect_vreg.gather [hbm4b:s3+s2], $0x80, v3, vm0, $0xb8;
	[tilespmem:$0x18200] =	vst v63  }
0x124: {  	s1 =	simm.s32 $0xEA00  }
0x125: {  	[tilespmem:s1], [sflag:$0x5] =	stream.indirect_vreg.gather [hbm4b:s4+s2], $0x80, v3, vm0, $0xb8;
	[tilespmem:$0x18200] =	vst v63  }
0x126: {  	s1 =	simm.s32 $0xF200  }
0x127: {  	[tilespmem:s1], [sflag:$0x5] =	stream.indirect_vreg.gather [hbm4b:s5+s2], $0x80, v3, vm0, $0xb8;
	[tilespmem:$0x18200] =	vst v63  }
0x128: {  	s1 =	simm.s32 $0xFA00  }
0x129: {  	[tilespmem:s1], [sflag:$0x5] =	stream.indirect_vreg.gather [hbm4b:s6+s2], $0x80, v3, vm0, $0xb8;
	[tilespmem:$0x18200] =	vst v63  }
0x12a: {  	_ =	swait.ge [sflag:s21], $0x8000  }
0x12b: {  	[sflag:s21] =	ssyncset.done $0x0  }
0x12c: {  	s1 =	rddreg [dreg:$0xc];
	[sflag:s21] =	ssyncadd.s32 $0xFFFF8000  }
0x12d: {  	[tilespmem:s2], [sflag:$0x1] =	stream.linear.gather [hbm4b:s1+s2], $0x20, $0x38;
	[tilespmem:$0x18200] =	vst v63  }
0x12e: {  	_ =	swait.ge [sflag:s22], $0x8000  }
0x12f: {  	[sflag:s22] =	ssyncset.done $0x0  }
0x130: {  	s1 =	rddreg [dreg:$0xd];
	[sflag:s22] =	ssyncadd.s32 $0xFFFF8000  }
0x131: {  	[hbm4b:s1+s2] =	stream.linear.scatter [tilespmem:s23], [sflag:$0x8], $0x8000, $0x38;
	[tilespmem:$0x18200] =	vst v63  }
0x132: {  	_ =	swait.ge [sflag:s31], $0x20  }
0x133: {  	[sflag:s31] =	ssyncset.done $0x0  }
0x134: {  	[sflag:s31] =	ssyncadd.s32 $0xFFFFFFE0  }
0x135: {  	v3 =	vld [tilespmem:$0x100];
	_ =	sdelay $0x4  }
0x136: {  	v58 =	vshll.u32 v3, $0x3  }
0x137: {  	v3 =	vand.u32 $0x7, v3;
	v4 =	vand.u32 $0xFFFFFFC0, v58  }
0x138: {  	v3 =	vor.u32 v3, v4  }
0x139: {  	v4 =	vperm.xlane v3, v0;
	_ =	sdelay $0x1  }
0x13a: {  	v4 =	vadd.s32 v1, v4;
	_ =	sdelay $0x4  }
0x13b: {  	[tilespmem:s12], [sflag:$0x6] =	stream.indirect_vreg.gather [hbm4b:s3+s2], $0x80, v4, vm0, $0xb8;
	[tilespmem:$0x18200] =	vst v63  }
0x13c: {  	v3 =	vperm.xlane v3, v2  }
0x13d: {  	[tilespmem:s11], [sflag:$0x6] =	stream.indirect_vreg.gather [hbm4b:s4+s2], $0x80, v4, vm0, $0xb8;
	[tilespmem:$0x18200] =	vst v63  }
0x13e: {  	v3 =	vadd.s32 v1, v3  }
0x13f: {  	[tilespmem:s13], [sflag:$0x6] =	stream.indirect_vreg.gather [hbm4b:s5+s2], $0x80, v4, vm0, $0xb8;
	[tilespmem:$0x18200] =	vst v63  }
0x140: {  	_ = 	snop  }
0x141: {  	[tilespmem:s14], [sflag:$0x6] =	stream.indirect_vreg.gather [hbm4b:s6+s2], $0x80, v4, vm0, $0xb8;
	[tilespmem:$0x18200] =	vst v63  }
0x142: {  	_ = 	snop  }
0x143: {  	[tilespmem:s15], [sflag:$0x6] =	stream.indirect_vreg.gather [hbm4b:s3+s2], $0x80, v3, vm0, $0xb8;
	[tilespmem:$0x18200] =	vst v63  }
0x144: {  	_ = 	snop  }
0x145: {  	[tilespmem:s16], [sflag:$0x6] =	stream.indirect_vreg.gather [hbm4b:s4+s2], $0x80, v3, vm0, $0xb8;
	[tilespmem:$0x18200] =	vst v63  }
0x146: {  	_ = 	snop  }
0x147: {  	[tilespmem:s17], [sflag:$0x6] =	stream.indirect_vreg.gather [hbm4b:s5+s2], $0x80, v3, vm0, $0xb8;
	[tilespmem:$0x18200] =	vst v63  }
0x148: {  	_ = 	snop  }
0x149: {  	[tilespmem:s18], [sflag:$0x6] =	stream.indirect_vreg.gather [hbm4b:s6+s2], $0x80, v3, vm0, $0xb8;
	[tilespmem:$0x18200] =	vst v63  }
0x14a: {  	v3 =	vld [tilespmem:$0x110];
	_ =	sdelay $0x4  }
0x14b: {  	v59 =	vshll.u32 v3, $0x3  }
0x14c: {  	v3 =	vand.u32 $0x7, v3;
	v4 =	vand.u32 $0xFFFFFFC0, v59  }
0x14d: {  	v3 =	vor.u32 v3, v4  }
0x14e: {  	v4 =	vperm.xlane v3, v0;
	_ =	sdelay $0x1  }
0x14f: {  	v4 =	vadd.s32 v1, v4;
	_ =	sdelay $0x4  }
0x150: {  	[tilespmem:s19], [sflag:$0x6] =	stream.indirect_vreg.gather [hbm4b:s3+s2], $0x80, v4, vm0, $0xb8;
	[tilespmem:$0x18200] =	vst v63  }
0x151: {  	v3 =	vperm.xlane v3, v2  }
0x152: {  	[tilespmem:s20], [sflag:$0x6] =	stream.indirect_vreg.gather [hbm4b:s4+s2], $0x80, v4, vm0, $0xb8;
	[tilespmem:$0x18200] =	vst v63  }
0x153: {  	v3 =	vadd.s32 v1, v3  }
0x154: {  	[tilespmem:s24], [sflag:$0x6] =	stream.indirect_vreg.gather [hbm4b:s5+s2], $0x80, v4, vm0, $0xb8;
	[tilespmem:$0x18200] =	vst v63  }
0x155: {  	s11 =	simm.s32 $0x15A00  }
0x156: {  	[tilespmem:s11], [sflag:$0x6] =	stream.indirect_vreg.gather [hbm4b:s6+s2], $0x80, v4, vm0, $0xb8;
	[tilespmem:$0x18200] =	vst v63  }
0x157: {  	s11 =	simm.s32 $0x16200  }
0x158: {  	[tilespmem:s11], [sflag:$0x6] =	stream.indirect_vreg.gather [hbm4b:s3+s2], $0x80, v3, vm0, $0xb8;
	[tilespmem:$0x18200] =	vst v63  }
0x159: {  	_ = 	snop  }
0x15a: {  	[tilespmem:s26], [sflag:$0x6] =	stream.indirect_vreg.gather [hbm4b:s4+s2], $0x80, v3, vm0, $0xb8;
	[tilespmem:$0x18200] =	vst v63  }
0x15b: {  	s11 =	simm.s32 $0x17200  }
0x15c: {  	[tilespmem:s11], [sflag:$0x6] =	stream.indirect_vreg.gather [hbm4b:s5+s2], $0x80, v3, vm0, $0xb8;
	[tilespmem:$0x18200] =	vst v63  }
0x15d: {  	s26 =	simm.s32 $0x17A00  }
0x15e: {  	[tilespmem:s26], [sflag:$0x6] =	stream.indirect_vreg.gather [hbm4b:s6+s2], $0x80, v3, vm0, $0xb8;
	[tilespmem:$0x18200] =	vst v63  }
0x15f: {  	_ =	swait.ge [sflag:s25], $0x8000  }
0x160: {  	[sflag:s25] =	ssyncset.done $0x0  }
0x161: {  	s26 =	simm.s32 $0x80;
	s11 =	rddreg [dreg:$0xe];
	[sflag:s25] =	ssyncadd.s32 $0xFFFF8000  }
0x162: {  	[tilespmem:s26], [sflag:$0x2] =	stream.linear.gather [hbm4b:s11+s2], $0x20, $0x38;
	[tilespmem:$0x18200] =	vst v63  }
0x163: {  	_ =	swait.ge [sflag:s0], $0x8000  }
0x164: {  	[sflag:s0] =	ssyncset.done $0x0  }
0x165: {  	s26 =	rddreg [dreg:$0xf];
	[sflag:s0] =	ssyncadd.s32 $0xFFFF8000  }
0x166: {  	[hbm4b:s26+s2] =	stream.linear.scatter [tilespmem:s12], [sflag:$0x9], $0x8000, $0x38;
	[tilespmem:$0x18200] =	vst v63  }
0x167: {  	_ =	swait.ge [sflag:s8], $0x20  }
0x168: {  	[sflag:s8] =	ssyncset.done $0x0  }
0x169: {  	[sflag:s8] =	ssyncadd.s32 $0xFFFFFFE0  }
0x16a: {  	v3 =	vld [tilespmem:$0x0];
	_ =	sdelay $0x4  }
0x16b: {  	v60 =	vshll.u32 v3, $0x3  }
0x16c: {  	v3 =	vand.u32 $0x7, v3;
	v4 =	vand.u32 $0xFFFFFFC0, v60  }
0x16d: {  	v3 =	vor.u32 v3, v4  }
0x16e: {  	v4 =	vperm.xlane v3, v0;
	_ =	sdelay $0x1  }
0x16f: {  	v4 =	vadd.s32 v1, v4;
	_ =	sdelay $0x4  }
0x170: {  	[tilespmem:s30], [sflag:$0x4] =	stream.indirect_vreg.gather [hbm4b:s3+s2], $0x80, v4, vm0, $0xb8;
	[tilespmem:$0x18200] =	vst v63  }
0x171: {  	s1 =	simm.s32 $0xA00;
	v3 =	vperm.xlane v3, v2  }
0x172: {  	[tilespmem:s1], [sflag:$0x4] =	stream.indirect_vreg.gather [hbm4b:s4+s2], $0x80, v4, vm0, $0xb8;
	[tilespmem:$0x18200] =	vst v63  }
0x173: {  	s11 =	simm.s32 $0x1200;
	v3 =	vadd.s32 v1, v3  }
0x174: {  	[tilespmem:s11], [sflag:$0x4] =	stream.indirect_vreg.gather [hbm4b:s5+s2], $0x80, v4, vm0, $0xb8;
	[tilespmem:$0x18200] =	vst v63  }
0x175: {  	s26 =	simm.s32 $0x1A00  }
0x176: {  	[tilespmem:s26], [sflag:$0x4] =	stream.indirect_vreg.gather [hbm4b:s6+s2], $0x80, v4, vm0, $0xb8;
	[tilespmem:$0x18200] =	vst v63  }
0x177: {  	s1 =	simm.s32 $0x2200  }
0x178: {  	[tilespmem:s1], [sflag:$0x4] =	stream.indirect_vreg.gather [hbm4b:s3+s2], $0x80, v3, vm0, $0xb8;
	[tilespmem:$0x18200] =	vst v63  }
0x179: {  	s11 =	simm.s32 $0x2A00  }
0x17a: {  	[tilespmem:s11], [sflag:$0x4] =	stream.indirect_vreg.gather [hbm4b:s4+s2], $0x80, v3, vm0, $0xb8;
	[tilespmem:$0x18200] =	vst v63  }
0x17b: {  	s26 =	simm.s32 $0x3200  }
0x17c: {  	[tilespmem:s26], [sflag:$0x4] =	stream.indirect_vreg.gather [hbm4b:s5+s2], $0x80, v3, vm0, $0xb8;
	[tilespmem:$0x18200] =	vst v63  }
0x17d: {  	s1 =	simm.s32 $0x3A00  }
0x17e: {  	[tilespmem:s1], [sflag:$0x4] =	stream.indirect_vreg.gather [hbm4b:s6+s2], $0x80, v3, vm0, $0xb8;
	[tilespmem:$0x18200] =	vst v63  }
0x17f: {  	v3 =	vld [tilespmem:$0x10];
	_ =	sdelay $0x4  }
0x180: {  	v61 =	vshll.u32 v3, $0x3  }
0x181: {  	v3 =	vand.u32 $0x7, v3;
	v4 =	vand.u32 $0xFFFFFFC0, v61  }
0x182: {  	v3 =	vor.u32 v3, v4  }
0x183: {  	v4 =	vperm.xlane v3, v0;
	_ =	sdelay $0x1  }
0x184: {  	v4 =	vadd.s32 v1, v4;
	_ =	sdelay $0x3  }
0x185: {  	s11 =	simm.s32 $0x4200  }
0x186: {  	[tilespmem:s11], [sflag:$0x4] =	stream.indirect_vreg.gather [hbm4b:s3+s2], $0x80, v4, vm0, $0xb8;
	[tilespmem:$0x18200] =	vst v63  }
0x187: {  	s26 =	simm.s32 $0x4A00;
	v3 =	vperm.xlane v3, v2  }
0x188: {  	[tilespmem:s26], [sflag:$0x4] =	stream.indirect_vreg.gather [hbm4b:s4+s2], $0x80, v4, vm0, $0xb8;
	[tilespmem:$0x18200] =	vst v63  }
0x189: {  	s1 =	simm.s32 $0x5200;
	v3 =	vadd.s32 v1, v3  }
0x18a: {  	[tilespmem:s1], [sflag:$0x4] =	stream.indirect_vreg.gather [hbm4b:s5+s2], $0x80, v4, vm0, $0xb8;
	[tilespmem:$0x18200] =	vst v63  }
0x18b: {  	s11 =	simm.s32 $0x5A00  }
0x18c: {  	[tilespmem:s11], [sflag:$0x4] =	stream.indirect_vreg.gather [hbm4b:s6+s2], $0x80, v4, vm0, $0xb8;
	[tilespmem:$0x18200] =	vst v63  }
0x18d: {  	s26 =	simm.s32 $0x6200  }
0x18e: {  	[tilespmem:s26], [sflag:$0x4] =	stream.indirect_vreg.gather [hbm4b:s3+s2], $0x80, v3, vm0, $0xb8;
	[tilespmem:$0x18200] =	vst v63  }
0x18f: {  	s1 =	simm.s32 $0x6A00  }
0x190: {  	[tilespmem:s1], [sflag:$0x4] =	stream.indirect_vreg.gather [hbm4b:s4+s2], $0x80, v3, vm0, $0xb8;
	[tilespmem:$0x18200] =	vst v63  }
0x191: {  	s11 =	simm.s32 $0x7200  }
0x192: {  	[tilespmem:s11], [sflag:$0x4] =	stream.indirect_vreg.gather [hbm4b:s5+s2], $0x80, v3, vm0, $0xb8;
	[tilespmem:$0x18200] =	vst v63  }
0x193: {  	s26 =	simm.s32 $0x7A00  }
0x194: {  	[tilespmem:s26], [sflag:$0x4] =	stream.indirect_vreg.gather [hbm4b:s6+s2], $0x80, v3, vm0, $0xb8;
	[tilespmem:$0x18200] =	vst v63  }
0x195: {  	_ =	swait.ge [sflag:s28], $0x8000  }
0x196: {  	[sflag:s28] =	ssyncset.done $0x0  }
0x197: {  	s0 =	rddreg [dreg:$0x10];
	[sflag:s28] =	ssyncadd.s32 $0xFFFF8000  }
0x198: {  	[hbm4b:s0+s2] =	stream.linear.scatter [tilespmem:s30], [sflag:$0x7], $0x8000, $0x38;
	[tilespmem:$0x18200] =	vst v63  }
0x199: {  	_ =	swait.ge [sflag:s29], $0x20  }
0x19a: {  	[sflag:s29] =	ssyncset.done $0x0  }
0x19b: {  	[sflag:s29] =	ssyncadd.s32 $0xFFFFFFE0  }
0x19c: {  	v3 =	vld [tilespmem:$0x80];
	_ =	sdelay $0x4  }
0x19d: {  	v62 =	vshll.u32 v3, $0x3  }
0x19e: {  	v3 =	vand.u32 $0x7, v3;
	v4 =	vand.u32 $0xFFFFFFC0, v62  }
0x19f: {  	v3 =	vor.u32 v3, v4  }
0x1a0: {  	v4 =	vperm.xlane v3, v0;
	_ =	sdelay $0x1  }
0x1a1: {  	v4 =	vadd.s32 v1, v4;
	_ =	sdelay $0x4  }
0x1a2: {  	[tilespmem:s23], [sflag:$0x5] =	stream.indirect_vreg.gather [hbm4b:s3+s2], $0x80, v4, vm0, $0xb8;
	[tilespmem:$0x18200] =	vst v63  }
0x1a3: {  	s1 =	simm.s32 $0x8A00;
	v3 =	vperm.xlane v3, v2  }
0x1a4: {  	[tilespmem:s1], [sflag:$0x5] =	stream.indirect_vreg.gather [hbm4b:s4+s2], $0x80, v4, vm0, $0xb8;
	[tilespmem:$0x18200] =	vst v63  }
0x1a5: {  	s10 =	simm.s32 $0x9200;
	v3 =	vadd.s32 v1, v3  }
0x1a6: {  	[tilespmem:s10], [sflag:$0x5] =	stream.indirect_vreg.gather [hbm4b:s5+s2], $0x80, v4, vm0, $0xb8;
	[tilespmem:$0x18200] =	vst v63  }
0x1a7: {  	s11 =	simm.s32 $0x9A00  }
0x1a8: {  	[tilespmem:s11], [sflag:$0x5] =	stream.indirect_vreg.gather [hbm4b:s6+s2], $0x80, v4, vm0, $0xb8;
	[tilespmem:$0x18200] =	vst v63  }
0x1a9: {  	s26 =	simm.s32 $0xA200  }
0x1aa: {  	[tilespmem:s26], [sflag:$0x5] =	stream.indirect_vreg.gather [hbm4b:s3+s2], $0x80, v3, vm0, $0xb8;
	[tilespmem:$0x18200] =	vst v63  }
0x1ab: {  	s1 =	simm.s32 $0xAA00  }
0x1ac: {  	[tilespmem:s1], [sflag:$0x5] =	stream.indirect_vreg.gather [hbm4b:s4+s2], $0x80, v3, vm0, $0xb8;
	[tilespmem:$0x18200] =	vst v63  }
0x1ad: {  	s10 =	simm.s32 $0xB200  }
0x1ae: {  	[tilespmem:s10], [sflag:$0x5] =	stream.indirect_vreg.gather [hbm4b:s5+s2], $0x80, v3, vm0, $0xb8;
	[tilespmem:$0x18200] =	vst v63  }
0x1af: {  	s11 =	simm.s32 $0xBA00  }
0x1b0: {  	[tilespmem:s11], [sflag:$0x5] =	stream.indirect_vreg.gather [hbm4b:s6+s2], $0x80, v3, vm0, $0xb8;
	[tilespmem:$0x18200] =	vst v63  }
0x1b1: {  	v3 =	vld [tilespmem:$0x90];
	_ =	sdelay $0x4  }
0x1b2: {  	v63 =	vshll.u32 v3, $0x3  }
0x1b3: {  	v3 =	vand.u32 $0x7, v3;
	v4 =	vand.u32 $0xFFFFFFC0, v63  }
0x1b4: {  	v3 =	vor.u32 v3, v4  }
0x1b5: {  	v4 =	vperm.xlane v3, v0;
	_ =	sdelay $0x1  }
0x1b6: {  	v4 =	vadd.s32 v1, v4;
	_ =	sdelay $0x3  }
0x1b7: {  	s26 =	simm.s32 $0xC200  }
0x1b8: {  	[tilespmem:s26], [sflag:$0x5] =	stream.indirect_vreg.gather [hbm4b:s3+s2], $0x80, v4, vm0, $0xb8;
	[tilespmem:$0x18200] =	vst v63  }
0x1b9: {  	s1 =	simm.s32 $0xCA00;
	v3 =	vperm.xlane v3, v2  }
0x1ba: {  	[tilespmem:s1], [sflag:$0x5] =	stream.indirect_vreg.gather [hbm4b:s4+s2], $0x80, v4, vm0, $0xb8;
	[tilespmem:$0x18200] =	vst v63  }
0x1bb: {  	s10 =	simm.s32 $0xD200;
	v3 =	vadd.s32 v1, v3  }
0x1bc: {  	[tilespmem:s10], [sflag:$0x5] =	stream.indirect_vreg.gather [hbm4b:s5+s2], $0x80, v4, vm0, $0xb8;
	[tilespmem:$0x18200] =	vst v63  }
0x1bd: {  	s11 =	simm.s32 $0xDA00  }
0x1be: {  	[tilespmem:s11], [sflag:$0x5] =	stream.indirect_vreg.gather [hbm4b:s6+s2], $0x80, v4, vm0, $0xb8;
	[tilespmem:$0x18200] =	vst v63  }
0x1bf: {  	s26 =	simm.s32 $0xE200  }
0x1c0: {  	[tilespmem:s26], [sflag:$0x5] =	stream.indirect_vreg.gather [hbm4b:s3+s2], $0x80, v3, vm0, $0xb8;
	[tilespmem:$0x18200] =	vst v63  }
0x1c1: {  	s1 =	simm.s32 $0xEA00  }
0x1c2: {  	[tilespmem:s1], [sflag:$0x5] =	stream.indirect_vreg.gather [hbm4b:s4+s2], $0x80, v3, vm0, $0xb8;
	[tilespmem:$0x18200] =	vst v63  }
0x1c3: {  	s10 =	simm.s32 $0xF200  }
0x1c4: {  	[tilespmem:s10], [sflag:$0x5] =	stream.indirect_vreg.gather [hbm4b:s5+s2], $0x80, v3, vm0, $0xb8;
	[tilespmem:$0x18200] =	vst v63  }
0x1c5: {  	s11 =	simm.s32 $0xFA00  }
0x1c6: {  	[tilespmem:s11], [sflag:$0x5] =	stream.indirect_vreg.gather [hbm4b:s6+s2], $0x80, v3, vm0, $0xb8;
	[tilespmem:$0x18200] =	vst v63  }
0x1c7: {  	_ =	swait.ge [sflag:s22], $0x8000  }
0x1c8: {  	[sflag:s22] =	ssyncset.done $0x0  }
0x1c9: {  	s26 =	rddreg [dreg:$0x11];
	[sflag:s22] =	ssyncadd.s32 $0xFFFF8000  }
0x1ca: {  	[hbm4b:s26+s2] =	stream.linear.scatter [tilespmem:s23], [sflag:$0x8], $0x8000, $0x38;
	[tilespmem:$0x18200] =	vst v63  }
0x1cb: {  	_ =	swait.ge [sflag:s9], $0x8000  }
0x1cc: {  	[sflag:s9] =	ssyncset.done $0x0  }
0x1cd: {  	[sflag:s9] =	ssyncadd.s32 $0xFFFF8000  }
0x1ce: {  	p0 =	sne.s32 s7, $0x1;
	_ =	swait.ge [sflag:s21], $0x8000  }
.Ltmp0:
0x1cf: {  	[sflag:s21] =	ssyncset.done $0x0;
	(pc) =	sbr.rel @p0 .LBB2_1-.Ltmp0, $4  }
0x1d0: {  	[sflag:s21] =	ssyncadd.s32 $0xFFFF8000  }
0x1d1: {  	_ =	swait.ge [sflag:s25], $0x8000  }
0x1d2: {  	[sflag:s25] =	ssyncset.done $0x0  }
0x1d3: {  	s7 =	sadd.s32 $0xFFFFFFFF, s7;
	[sflag:s25] =	ssyncadd.s32 $0xFFFF8000  }
0x1d4: {  	_ =	sfence.sel $0x180000  }
0x1d5: {  	[bflag:$0x0] =	sbarrier.arrive $0xFFFF  }
0x1d6: {  	_ =	strace $0x9000004D  }
0x1d7: {  	s0 =	stileid.u32;
	[bflag:$0x2] =	sbarrier.arrive $0xFFFF  }
0x1d8: {  	p0 =	sne.s32 s0, $0x0;
	s0 =	rddreg [dreg:$0x1]  }
0x1d9: {  	s0 =	sadd.s32 @!p0 $0x100000, s0  }
0x1da: {  	[sflag:s0] =	ssyncadd.tile.s32 @!p0 $0x1;
	_ =	shalt  }
.Lfunc_end2:
_tile_overlayer_lowered:
.L_overlay_start_2:
0x1db: {  	(tag) =	ssettag $0x2  }
0x1dc: {  	s0 =	rddreg [dreg:$0x0];
	s2 =	stileid.u32  }
0x1dd: {  	s1 =	rddreg [dreg:$0x1];
	p0 =	sne.s32 s2, $0x0  }
0x1de: {  	s3 =	rddreg [dreg:$0x2];
	[bflag:$0x3] =	sbarrier.arrive $0xFFFF;
	s2 =	simm.s32 @!p0 $0x1C0A  }
0x1df: {  	[timem:s3], [sflag:s2] =	dma.local @!p0 [hbm:s0], s1  }
0x1e0: {  	s0 =	simm.s32 @!p0 $0xA  }
0x1e1: {  	_ =	swait.ge @!p0 [sflag:s0], s1  }
0x1e2: {  	s1 =	ssub.s32 @!p0 $0x0, s1;
	[sflag:s0] =	ssyncset.done @!p0 $0x0  }
0x1e3: {  	[sflag:s0] =	ssyncadd.s32 @!p0 s1  }
0x1e4: {  	[bflag:$0x3] =	sbarrier.arrive $0xFFFF  }
0x1e5: {  	_ =	shalt  }

// kernel: kernel.8.cloned.1.call-start
scs
__scs_entry_jumppad:
0x0: {  	(pc) =	sbr.rel $0x88, $3  }
0x1: {  	(tag) =	ssettag $0x0;
	lr =	simm.s32 $0x1  }
0x2: {  	[smem:$0x3F96] =	sst lr;
	_ =	strace $0xD0000000  }
0x3: {  	_ = 	snop  }
0x4: {  	_ = 	snop  }
0x5: {  	_ = 	snop  }
0x6: {  	_ = 	snop  }
0x7: {  	_ = 	snop  }
__scs_overlays_trampoline_lowered:
0x8: {  	[smem:$0x3FA5] =	sst s0  }
0x9: {  	[smem:$0x3FA6] =	sst s1  }
0xa: {  	[smem:$0x3FA7] =	sst s2  }
0xb: {  	[smem:$0x3FA8] =	sst s3  }
0xc: {  	[smem:$0x3FA9] =	sst s4  }
0xd: {  	[smem:$0x3FAA] =	sst s5  }
0xe: {  	[smem:$0x3FAB] =	sst s6  }
0xf: {  	[smem:$0x3FAC] =	sst s7  }
0x10: {  	[smem:$0x3FAD] =	sst s8  }
0x11: {  	[smem:$0x3FAE] =	sst s9;
	s0 =	simm.s32 @!p0 $0x0  }
0x12: {  	s1 =	sld [smem:$0x3F94];
	s0 =	simm.s32 @p0 $0x1  }
0x13: {  	[smem:$0x3FAF] =	sst s0;
	s0 =	simm.s32 @!p1 $0x0  }
0x14: {  	s2 =	sld [smem:$0x3F93];
	s0 =	simm.s32 @p1 $0x1  }
0x15: {  	[smem:$0x3FB0] =	sst s0;
	s0 =	simm.s32 @!p2 $0x0  }
0x16: {  	s3 =	sld [smem:$0x3FDB];
	s0 =	simm.s32 @p2 $0x1  }
0x17: {  	s4 =	simm.s32 $0x1BF5;
	[smem:$0x3FB2] =	sst s0  }
0x18: {  	s0 =	sld [smem:$0x3F95];
	_ =	swait.ge [sflag:s4], $0x0  }
0x19: {  	s7 =	sld [smem:$0x3F96]  }
0x1a: {  	s8 =	sadd.s32 $0xFFFFE003, lr  }
0x1b: {  	s9 =	sadd.s32 $0xFFFFFEF7, lr;
	s5 =	simm.s32 $0xFFFFFFFF;
	p2 =	slt.u32 s8, $0xFFFFF086  }
0x1c: {  	p1 =	slt.u32 s9, $0xF7A;
	s5 =	simm.s32 @!p2 $0x0  }
0x1d: {  	s5 =	simm.s32 @p1 $0x1;
	p0 =	seq.s32 s7, s2  }
0x1e: {  	s7 =	smul.u32 @!p0 $0xF7A, s2;
	p2 =	seq.s32 @!p0 s5, $0x0  }
0x1f: {  	s9 =	smul.u32 $0xF7A, s1;
	s8 =	simm.s32 @!p0 $0x1BF5;
	p2 =	por !p2, p0  }
0x20: {  	[sflag:s8] =	ssyncset.s32 @!p0 $0xFFFFF086;
	s6 =	sadd.s32 @!p0 s3, s7;
	s7 =	simm.s32 @!p0 $0x108  }
0x21: {  	s3 =	sadd.s32 s3, s9;
	s6 =	sadd.s32 @!p0 $0x88, s6;
	s7 =	simm.s32 @p2 $0x1082  }
0x22: {  	[simem:s7], [sflag:s8] =	dma.local @!p0 [hbm:s6], $0xF7A  }
0x23: {  	s9 =	sor.u32 $0xD0000000, s2;
	s6 =	simm.s32 $0x108;
	_ =	swait.ge @!p0 [sflag:s8], $0x0  }
0x24: {  	s3 =	sadd.s32 $0x88, s3;
	s6 =	simm.s32 @!p1 $0x1082;
	[sflag:s4] =	ssyncset.s32 $0xFFFFF086  }
0x25: {  	[simem:s6], [sflag:s4] =	dma.local [hbm:s3], $0xF7A  }
0x26: {  	[smem:$0x3F96] =	sst s1;
	(tag) =	ssettag s2;
	_ =	strace s9  }
0x27: {  	s1 =	sld [smem:$0x3FA6]  }
0x28: {  	s2 =	sld [smem:$0x3FA7]  }
0x29: {  	s4 =	sld [smem:$0x3FA9]  }
0x2a: {  	p0 =	seq.s32 s5, $0x0;
	s5 =	sld [smem:$0x3FAA]  }
0x2b: {  	s6 =	sld [smem:$0x3FAB]  }
0x2c: {  	s7 =	sld [smem:$0x3FAC]  }
0x2d: {  	s3 =	simm.s32 $0x108;
	s8 =	sld [smem:$0x3FAD]  }
0x2e: {  	s3 =	simm.s32 @!p0 $0x1082;
	s9 =	sld [smem:$0x3FAE]  }
0x2f: {  	lr =	sadd.s32 s0, s3;
	s0 =	sld [smem:$0x3FA5]  }
0x30: {  	s3 =	sld [smem:$0x3FA8]  }
0x31: {  	[smem:$0x3FB1] =	sst s10  }
0x32: {  	s10 =	sld [smem:$0x3FAF];
	_ =	sdelay $0x3  }
0x33: {  	p0 =	seq.s32 s10, $0x1;
	s10 =	sld [smem:$0x3FB1];
	_ =	sdelay $0x3  }
0x34: {  	[smem:$0x3FB1] =	sst s10  }
0x35: {  	s10 =	sld [smem:$0x3FB0];
	_ =	sdelay $0x3  }
0x36: {  	p1 =	seq.s32 s10, $0x1;
	s10 =	sld [smem:$0x3FB1];
	_ =	sdelay $0x3  }
0x37: {  	[smem:$0x3FB1] =	sst s10  }
0x38: {  	s10 =	sld [smem:$0x3FB2]  }
0x39: {  	_ = 	snop;
	(pc) =	sbr.ind lr, $3  }
0x3a: {  	_ = 	snop  }
0x3b: {  	_ = 	snop  }
0x3c: {  	p2 =	seq.s32 s10, $0x1;
	s10 =	sld [smem:$0x3FB1]  }
0x3d: {  	_ =	shalt  }
0x3e: {  	_ =	shalt  }
0x3f: {  	_ =	shalt  }
0x40: {  	_ =	shalt  }
0x41: {  	_ =	shalt  }
0x42: {  	_ =	shalt  }
0x43: {  	_ =	shalt  }
0x44: {  	_ =	shalt  }
0x45: {  	_ =	shalt  }
0x46: {  	_ =	shalt  }
0x47: {  	_ =	shalt  }
0x48: {  	_ =	shalt  }
0x49: {  	_ =	shalt  }
0x4a: {  	_ =	shalt  }
0x4b: {  	_ =	shalt  }
0x4c: {  	_ =	shalt  }
0x4d: {  	_ =	shalt  }
0x4e: {  	_ =	shalt  }
0x4f: {  	_ =	shalt  }
0x50: {  	_ =	shalt  }
0x51: {  	_ =	shalt  }
0x52: {  	_ =	shalt  }
0x53: {  	_ =	shalt  }
0x54: {  	_ =	shalt  }
0x55: {  	_ =	shalt  }
0x56: {  	_ =	shalt  }
0x57: {  	_ =	shalt  }
0x58: {  	_ =	shalt  }
0x59: {  	_ =	shalt  }
0x5a: {  	_ =	shalt  }
0x5b: {  	_ =	shalt  }
0x5c: {  	_ =	shalt  }
0x5d: {  	_ =	shalt  }
0x5e: {  	_ =	shalt  }
0x5f: {  	_ =	shalt  }
0x60: {  	_ =	shalt  }
0x61: {  	_ =	shalt  }
0x62: {  	_ =	shalt  }
0x63: {  	_ =	shalt  }
0x64: {  	_ =	shalt  }
0x65: {  	_ =	shalt  }
0x66: {  	_ =	shalt  }
0x67: {  	_ =	shalt  }
0x68: {  	_ =	shalt  }
0x69: {  	_ =	shalt  }
0x6a: {  	_ =	shalt  }
0x6b: {  	_ =	shalt  }
0x6c: {  	_ =	shalt  }
0x6d: {  	_ =	shalt  }
0x6e: {  	_ =	shalt  }
0x6f: {  	_ =	shalt  }
0x70: {  	_ =	shalt  }
0x71: {  	_ =	shalt  }
0x72: {  	_ =	shalt  }
0x73: {  	_ =	shalt  }
0x74: {  	_ =	shalt  }
0x75: {  	_ =	shalt  }
0x76: {  	_ =	shalt  }
0x77: {  	_ =	shalt  }
0x78: {  	_ =	shalt  }
0x79: {  	_ =	shalt  }
0x7a: {  	_ =	shalt  }
0x7b: {  	_ =	shalt  }
0x7c: {  	_ =	shalt  }
0x7d: {  	_ =	shalt  }
0x7e: {  	_ =	shalt  }
0x7f: {  	_ =	shalt  }
0x80: {  	_ =	shalt  }
0x81: {  	_ =	shalt  }
0x82: {  	_ =	shalt  }
0x83: {  	_ =	shalt  }
0x84: {  	_ =	shalt  }
0x85: {  	_ =	shalt  }
0x86: {  	_ =	shalt  }
0x87: {  	_ =	shalt  }
.Lfunc_end0:
.L_simem_size_0:
called_computation.1_lowered:
.L_overlay_start_0:
0x88: {  	s2 =	sld [smem:$0x3FD9]  }
0x89: {  	s3 =	sld [smem:$0x3FFE];
	_ =	sdelay $0x1  }
0x8a: {  	s1 =	srdreg.scid  }
0x8b: {  	s0 =	sand.u32 $0x1, s1  }
0x8c: {  	s14 =	sshll.u32 s0, $0xA;
	s2 =	sadd.s32 s3, s2  }
0x8d: {  	s2 =	sadd.s32 s2, s14  }
0x8e: {  	[smem:$0x3FBD] =	sst s2  }
0x8f: {  	_ = 	snop  }
0x90: {  	s2 =	sld [smem:$0x3FD0];
	_ =	sdelay $0x2  }
0x91: {  	s4 =	simm.s32 $0xA;
	s5 =	simm.s32 $0x10;
	s15 =	sld [smem:$0x3FC9]  }
0x92: {  	[smem:s5], [sflag:s4] =	dma.local [hbm:s2], $0x1  }
0x93: {  	_ =	swait.eq [sflag:s4], $0x1  }
0x94: {  	[sflag:s4] =	ssyncset.done $0x0  }
0x95: {  	[sflag:s4] =	ssyncadd.s32 $0xFFFFFFFF  }
0x96: {  	s16 =	sld [smem:$0x10];
	(tm) =	ssettm $0x1  }
0x97: {  	s17 =	sld [smem:$0x3FFB];
	_ =	sdelay $0x3  }
0x98: {  	_ =	strace s17  }
0x99: {  	s4 =	sld [smem:$0x3FFC];
	_ =	sdelay $0x3  }
0x9a: {  	_ =	strace s4  }
0x9b: {  	s4 =	sld [smem:$0x3FFD];
	_ =	sdelay $0x3  }
0x9c: {  	_ =	strace s4  }
0x9d: {  	_ =	strace $0x8FFFFFFF  }
0x9e: {  	s18 =	sld [smem:$0x3FDB];
	_ =	sdelay $0x1  }
0x9f: {  	s19 =	simm.s32 $_scs_section_size  }
0xa0: {  	s6 =	simm.s32 $_size__tile_overlayer_lowered;
	s7 =	simm.s32 $_tile_overlayer_lowered  }
0xa1: {  	s22 =	simm.s32 $0x1BFF;
	s21 =	sshll.u32 s7, $0x1;
	s4 =	sadd.s32 s19, s18  }
0xa2: {  	s8 =	simm.s32 $0x0;
	s20 =	sshll.u32 s6, $0x1;
	s6 =	sadd.s32 s21, s4  }
0xa3: {  	[timem:s8], [sflag:s22] =	dma.local [hbm:s6], s20  }
0xa4: {  	_ =	swait.ge [sflag:s22], s20  }
0xa5: {  	s5 =	ssub.s32 $0x0, s20;
	[sflag:s22] =	ssyncset.done $0x0  }
0xa6: {  	[sflag:s22] =	ssyncadd.s32 s5;
	_ =	sdelay $0x1  }
0xa7: {  	s23 =	simm.s32 $0x1B8B  }
0xa8: {  	_ =	swait.ge [sflag:s23], $0x1  }
0xa9: {  	[sflag:s23] =	ssyncset.done $0x0  }
0xaa: {  	s25 =	simm.s32 $0x1B8E;
	s24 =	sld [smem:$0x3FFE];
	[sflag:s23] =	ssyncadd.s32 $0xFFFFFFFF  }
0xab: {  	s26 =	simm.s32 $execute0_lowered;
	[smem:$0x3FD2] =	sst s25  }
0xac: {  	s6 =	sshll.u32 s26, $0x1;
	_ =	strace $0x80000049;
	[dreg:$0x1] =	wrdreg $0xFFFFFFFF  }
0xad: {  	s28 =	simm.s32 $_size_execute0_lowered;
	s4 =	sadd.s32 s4, s6;
	[dreg:$0x0] =	wrdreg $0x0  }
0xae: {  	s6 =	sshll.u32 s28, $0x1;
	[dreg:$0x2] =	wrdreg s4  }
0xaf: {  	[dreg:$0x3] =	wrdreg s6  }
0xb0: {  	[dreg:$0x4] =	wrdreg $0xC0  }
0xb1: {  	_ =	task [dreg:s8], $0x5FFFF  }
0xb2: {  	[dreg:$0x1] =	wrdreg $0xFFFFFFFF  }
0xb3: {  	[dreg:$0x0] =	wrdreg $0x60  }
0xb4: {  	[dreg:$0x2] =	wrdreg s15  }
0xb5: {  	[dreg:$0x3] =	wrdreg s16  }
0xb6: {  	[dreg:$0x4] =	wrdreg s24  }
0xb7: {  	[dreg:$0x5] =	wrdreg $0x9  }
0xb8: {  	_ =	task.clear_ibuf [dreg:s8], $0x6FFFF;
	_ =	strace $0x90000049  }
0xb9: {  	s29 =	simm.s32 $0x9;
	_ =	strace $0x8000004B  }
0xba: {  	_ =	swait.ge [sflag:s29], $0x1  }
0xbb: {  	[sflag:s29] =	ssyncadd.s32 $0xFFFFFFFF  }
0xbc: {  	_ =	strace $0x9000004B  }
0xbd: {  	_ =	sfence  }
0xbe: {  	s30 =	sld [smem:$0x0];
	_ =	sdelay $0x2  }
0xbf: {  	s31 =	sshll.u32 s1, $0xD;
	s1 =	sshrl.u32 s1, $0x2  }
0xc0: {  	s3 =	sand.u32 $0x4000, s31;
	s1 =	sadd.s32 s1, s30  }
0xc1: {  	s0 =	sor.u32 s3, s0;
	s1 =	sshll.u32 s1, $0x11  }
0xc2: {  	s0 =	sor.u32 s1, s0  }
0xc3: {  	s0 =	sadd.s32 $0x8F2B, s0  }
0xc4: {  	[sflag:s0] =	ssyncadd.remote.s32 $0x1  }
0xc5: {  	_ =	sfence.sel $0xFFFF  }
0xc6: {  	[dreg:$0x0] =	wrdreg $0xFFFFFFFF;
	(pc) =	sbr.abs _section_cstart, $3  }
0xc7: {  	[dreg:$0x1] =	wrdreg $0xFFFFFFFF  }
0xc8: {  	_ =	task.clear_ibuf [dreg:s8], $0x2FFFF;
	_ =	strace $0x9FFFFFFF  }
0xc9: {  	(tm) =	ssettm $0x7FFFFFFF  }
tec
execute0_lowered:
.L_overlay_start_1:
0x0: {  	(tag) =	ssettag $0x1  }
0x1: {  	s1 =	rddreg [dreg:$0x0]  }
0x2: {  	s2 =	srdreg.scid;
	s0 =	rddreg [dreg:$0x1]  }
0x3: {  	s3 =	stileid.u32;
	s6 =	rddreg [dreg:$0x2];
	s29 =	simm.s32 $0x2  }
0x4: {  	s31 =	simm.s32 $0x9;
	s5 =	sand.u32 $0x1, s2;
	s16 =	sshll.u32 s3, $0x1  }
0x5: {  	s30 =	simm.s32 $0x200;
	s3 =	simm.s32 $0x0;
	s7 =	sor.u32 s5, s16  }
0x6: {  	s2 =	sadd.s32 $0x1400, s6;
	[smem:$0x7FF] =	sst s3;
	s4 =	smul.u32 $0x180, s7  }
0x7: {  	s5 =	ssub.s32 $0x2, s5;
	_ =	strace $0x8000004A;
	s7 =	smul.u32 $0xC000, s7  }
0x8: {  	s8 =	sshrl.u32 s4, $0x3;
	s18 =	sor.u32 $0x20, s4;
	s9 =	sor.u32 $0x40, s4  }
0x9: {  	s21 =	sor.u32 $0x60, s4;
	s22 =	sadd.s32 s2, s7;
	s28 =	sadd.s32 $0x80, s4  }
0xa: {  	s12 =	sadd.s32 $0xA0, s4;
	s17 =	sadd.s32 s0, s8;
	s19 =	sshrl.u32 s18, $0x3  }
0xb: {  	s10 =	sshrl.u32 s9, $0x3;
	s23 =	sshrl.u32 s21, $0x3;
	[dreg:$0x7] =	wrdreg s22  }
0xc: {  	s25 =	sshll.u32 s18, $0x7;
	s8 =	sshrl.u32 s28, $0x3;
	s11 =	sshll.u32 s9, $0x7  }
0xd: {  	s14 =	sshrl.u32 s12, $0x3;
	[dreg:$0x4] =	wrdreg s17;
	s6 =	sadd.s32 s0, s19  }
0xe: {  	s16 =	sshll.u32 s21, $0x7;
	s20 =	sadd.s32 s0, s10;
	[dreg:$0x5] =	wrdreg s6  }
0xf: {  	s18 =	sadd.s32 $0xC0, s4;
	s24 =	sadd.s32 s0, s23;
	[dreg:$0x6] =	wrdreg s20  }
0x10: {  	s7 =	sshll.u32 s28, $0x7;
	s26 =	sadd.s32 s2, s25;
	[dreg:$0x8] =	wrdreg s24  }
0x11: {  	s28 =	sshrl.u32 s5, $0x1;
	s13 =	sadd.s32 s2, s11;
	[dreg:$0x9] =	wrdreg s26  }
0x12: {  	s15 =	sadd.s32 s0, s14;
	s17 =	sadd.s32 s2, s16;
	[dreg:$0xb] =	wrdreg s13  }
0x13: {  	s19 =	sshrl.u32 s18, $0x3;
	s21 =	sadd.s32 s2, s7;
	[dreg:$0xc] =	wrdreg s15  }
0x14: {  	s9 =	ssub.s32 s5, s28;
	s10 =	simm.s32 $0x4;
	[dreg:$0xd] =	wrdreg s17  }
0x15: {  	s6 =	sadd.s32 s0, s8;
	s20 =	sadd.s32 $0xE0, s4;
	[dreg:$0xf] =	wrdreg s21  }
0x16: {  	s24 =	sshll.u32 s12, $0x7;
	s26 =	sadd.s32 $0x100, s4;
	s8 =	sshll.u32 s18, $0x7  }
0x17: {  	s17 =	sadd.s32 $0x140, s4;
	s7 =	smax.u32 s9, $0x1;
	s9 =	simm.s32 $0x10200  }
0x18: {  	[dreg:$0xa] =	wrdreg s6;
	s6 =	sadd.s32 s0, s19;
	s22 =	sshrl.u32 s20, $0x3  }
0x19: {  	s25 =	sadd.s32 s2, s24;
	s11 =	sshrl.u32 s26, $0x3;
	s12 =	sadd.s32 s2, s8  }
0x1a: {  	s15 =	sshll.u32 s20, $0x7;
	s18 =	sshrl.u32 s17, $0x3;
	[dreg:$0xe] =	wrdreg s6  }
0x1b: {  	s19 =	sshll.u32 s26, $0x7;
	s24 =	sshll.u32 s17, $0x7;
	[dreg:$0x11] =	wrdreg s25  }
0x1c: {  	s23 =	sadd.s32 s0, s22;
	s6 =	sadd.s32 s0, s11;
	[dreg:$0x13] =	wrdreg s12  }
0x1d: {  	s11 =	sadd.s32 $0x120, s4;
	s16 =	sadd.s32 s2, s15;
	[dreg:$0x10] =	wrdreg s23  }
0x1e: {  	s5 =	sadd.s32 s0, s18;
	s4 =	sadd.s32 $0x160, s4;
	[dreg:$0x12] =	wrdreg s6  }
0x1f: {  	s20 =	sadd.s32 s2, s19;
	s25 =	sadd.s32 s2, s24;
	[dreg:$0x15] =	wrdreg s16  }
0x20: {  	s24 =	simm.s32 $0x3;
	s13 =	sshrl.u32 s11, $0x3;
	[dreg:$0x16] =	wrdreg s5  }
0x21: {  	s21 =	sshrl.u32 s4, $0x3;
	[dreg:$0x17] =	wrdreg s20;
	s22 =	sshll.u32 s11, $0x7  }
0x22: {  	s26 =	sshll.u32 s4, $0x7;
	s4 =	sadd.s32 $0x100, s1;
	[dreg:$0x1a] =	wrdreg s25  }
0x23: {  	s5 =	sadd.s32 $0x200, s1;
	s6 =	sadd.s32 $0x300, s1;
	s14 =	sadd.s32 s0, s13  }
0x24: {  	s25 =	simm.s32 $0x8200;
	s0 =	sadd.s32 s0, s21;
	[dreg:$0x14] =	wrdreg s14  }
0x25: {  	v2 =	vlaneseq.u32;
	s23 =	sadd.s32 s2, s22;
	s28 =	sadd.s32 s2, s26;
	[dreg:$0x18] =	wrdreg s0  }
0x26: {  	vm0 =	vmmov $0xffff;
	v1 =	vshrl.u32 v2, $0x3;
	s22 =	simm.s32 $0x7;
	s21 =	simm.s32 $0x8;
	[dreg:$0x19] =	wrdreg s23  }
0x27: {  	v0 =	vand.u32 $0x7, v2;
	v2 =	vor.u32 $0x8, v2;
	v1 =	vmul.u32 $0x8, v1;
	s26 =	simm.s32 $0x6;
	[dreg:$0x1b] =	wrdreg s28;
	s23 =	simm.s32 $0x5  }
.LBB2_1:
0x28: {  	s2 =	rddreg [dreg:$0x4]  }
0x29: {  	[tilespmem:s3], [sflag:$0x1] =	stream.linear.gather [hbm4b:s2+s3], $0x20, $0x38;
	[tilespmem:$0x18200] =	vst v63  }
0x2a: {  	s0 =	rddreg [dreg:$0x5];
	s28 =	simm.s32 $0x80  }
0x2b: {  	[tilespmem:s28], [sflag:$0x2] =	stream.linear.gather [hbm4b:s0+s3], $0x20, $0x38;
	[tilespmem:$0x18200] =	vst v63  }
0x2c: {  	s28 =	simm.s32 $0x1  }
0x2d: {  	_ =	swait.ge [sflag:s28], $0x20  }
0x2e: {  	[sflag:s28] =	ssyncset.done $0x0  }
0x2f: {  	[sflag:s28] =	ssyncadd.s32 $0xFFFFFFE0  }
0x30: {  	v3 =	vld [tilespmem:$0x0];
	_ =	sdelay $0x4  }
0x31: {  	v4 =	vshll.u32 v3, $0x3  }
0x32: {  	v3 =	vand.u32 $0x7, v3;
	v4 =	vand.u32 $0xFFFFFFC0, v4  }
0x33: {  	v3 =	vor.u32 v3, v4  }
0x34: {  	v4 =	vperm.xlane v3, v0;
	_ =	sdelay $0x1  }
0x35: {  	v4 =	vadd.s32 v1, v4;
	_ =	sdelay $0x4  }
0x36: {  	[tilespmem:s30], [sflag:$0x4] =	stream.indirect_vreg.gather [hbm4b:s1+s3], $0x80, v4, vm0, $0xb8;
	[tilespmem:$0x18200] =	vst v63  }
0x37: {  	s2 =	simm.s32 $0xA00;
	v3 =	vperm.xlane v3, v2  }
0x38: {  	[tilespmem:s2], [sflag:$0x4] =	stream.indirect_vreg.gather [hbm4b:s4+s3], $0x80, v4, vm0, $0xb8;
	[tilespmem:$0x18200] =	vst v63  }
0x39: {  	s8 =	simm.s32 $0x1200;
	v3 =	vadd.s32 v1, v3  }
0x3a: {  	[tilespmem:s8], [sflag:$0x4] =	stream.indirect_vreg.gather [hbm4b:s5+s3], $0x80, v4, vm0, $0xb8;
	[tilespmem:$0x18200] =	vst v63  }
0x3b: {  	s12 =	simm.s32 $0x1A00  }
0x3c: {  	[tilespmem:s12], [sflag:$0x4] =	stream.indirect_vreg.gather [hbm4b:s6+s3], $0x80, v4, vm0, $0xb8;
	[tilespmem:$0x18200] =	vst v63  }
0x3d: {  	s13 =	simm.s32 $0x2200  }
0x3e: {  	[tilespmem:s13], [sflag:$0x4] =	stream.indirect_vreg.gather [hbm4b:s1+s3], $0x80, v3, vm0, $0xb8;
	[tilespmem:$0x18200] =	vst v63  }
0x3f: {  	s14 =	simm.s32 $0x2A00  }
0x40: {  	[tilespmem:s14], [sflag:$0x4] =	stream.indirect_vreg.gather [hbm4b:s4+s3], $0x80, v3, vm0, $0xb8;
	[tilespmem:$0x18200] =	vst v63  }
0x41: {  	s16 =	simm.s32 $0x3200  }
0x42: {  	[tilespmem:s16], [sflag:$0x4] =	stream.indirect_vreg.gather [hbm4b:s5+s3], $0x80, v3, vm0, $0xb8;
	[tilespmem:$0x18200] =	vst v63  }
0x43: {  	s17 =	simm.s32 $0x3A00  }
0x44: {  	[tilespmem:s17], [sflag:$0x4] =	stream.indirect_vreg.gather [hbm4b:s6+s3], $0x80, v3, vm0, $0xb8;
	[tilespmem:$0x18200] =	vst v63  }
0x45: {  	v3 =	vld [tilespmem:$0x10];
	_ =	sdelay $0x4  }
0x46: {  	v41 =	vshll.u32 v3, $0x3  }
0x47: {  	v3 =	vand.u32 $0x7, v3;
	v4 =	vand.u32 $0xFFFFFFC0, v41  }
0x48: {  	v3 =	vor.u32 v3, v4  }
0x49: {  	v4 =	vperm.xlane v3, v0;
	_ =	sdelay $0x1  }
0x4a: {  	v4 =	vadd.s32 v1, v4;
	_ =	sdelay $0x3  }
0x4b: {  	s18 =	simm.s32 $0x4200  }
0x4c: {  	[tilespmem:s18], [sflag:$0x4] =	stream.indirect_vreg.gather [hbm4b:s1+s3], $0x80, v4, vm0, $0xb8;
	[tilespmem:$0x18200] =	vst v63  }
0x4d: {  	s19 =	simm.s32 $0x4A00;
	v3 =	vperm.xlane v3, v2  }
0x4e: {  	[tilespmem:s19], [sflag:$0x4] =	stream.indirect_vreg.gather [hbm4b:s4+s3], $0x80, v4, vm0, $0xb8;
	[tilespmem:$0x18200] =	vst v63  }
0x4f: {  	s20 =	simm.s32 $0x5200;
	v3 =	vadd.s32 v1, v3  }
0x50: {  	[tilespmem:s20], [sflag:$0x4] =	stream.indirect_vreg.gather [hbm4b:s5+s3], $0x80, v4, vm0, $0xb8;
	[tilespmem:$0x18200] =	vst v63  }
0x51: {  	s2 =	simm.s32 $0x5A00  }
0x52: {  	[tilespmem:s2], [sflag:$0x4] =	stream.indirect_vreg.gather [hbm4b:s6+s3], $0x80, v4, vm0, $0xb8;
	[tilespmem:$0x18200] =	vst v63  }
0x53: {  	s8 =	simm.s32 $0x6200  }
0x54: {  	[tilespmem:s8], [sflag:$0x4] =	stream.indirect_vreg.gather [hbm4b:s1+s3], $0x80, v3, vm0, $0xb8;
	[tilespmem:$0x18200] =	vst v63  }
0x55: {  	s16 =	simm.s32 $0x6A00  }
0x56: {  	[tilespmem:s16], [sflag:$0x4] =	stream.indirect_vreg.gather [hbm4b:s4+s3], $0x80, v3, vm0, $0xb8;
	[tilespmem:$0x18200] =	vst v63  }
0x57: {  	s17 =	simm.s32 $0x7200  }
0x58: {  	[tilespmem:s17], [sflag:$0x4] =	stream.indirect_vreg.gather [hbm4b:s5+s3], $0x80, v3, vm0, $0xb8;
	[tilespmem:$0x18200] =	vst v63  }
0x59: {  	s19 =	simm.s32 $0x7A00  }
0x5a: {  	[tilespmem:s19], [sflag:$0x4] =	stream.indirect_vreg.gather [hbm4b:s6+s3], $0x80, v3, vm0, $0xb8;
	[tilespmem:$0x18200] =	vst v63  }
0x5b: {  	s18 =	rddreg [dreg:$0x6];
	s8 =	simm.s32 $0x100  }
0x5c: {  	[tilespmem:s8], [sflag:$0x3] =	stream.linear.gather [hbm4b:s18+s3], $0x20, $0x38;
	[tilespmem:$0x18200] =	vst v63  }
0x5d: {  	_ =	swait.ge [sflag:s10], $0x8000  }
0x5e: {  	[sflag:s10] =	ssyncset.done $0x0  }
0x5f: {  	s20 =	rddreg [dreg:$0x7];
	[sflag:s10] =	ssyncadd.s32 $0xFFFF8000  }
0x60: {  	[hbm4b:s20+s3] =	stream.linear.scatter [tilespmem:s30], [sflag:$0x7], $0x8000, $0x38;
	[tilespmem:$0x18200] =	vst v63  }
0x61: {  	_ =	swait.ge [sflag:s29], $0x20  }
0x62: {  	[sflag:s29] =	ssyncset.done $0x0  }
0x63: {  	[sflag:s29] =	ssyncadd.s32 $0xFFFFFFE0  }
0x64: {  	v3 =	vld [tilespmem:$0x80];
	_ =	sdelay $0x4  }
0x65: {  	v42 =	vshll.u32 v3, $0x3  }
0x66: {  	v3 =	vand.u32 $0x7, v3;
	v4 =	vand.u32 $0xFFFFFFC0, v42  }
0x67: {  	v3 =	vor.u32 v3, v4  }
0x68: {  	v4 =	vperm.xlane v3, v0;
	_ =	sdelay $0x1  }
0x69: {  	v4 =	vadd.s32 v1, v4;
	_ =	sdelay $0x4  }
0x6a: {  	[tilespmem:s25], [sflag:$0x5] =	stream.indirect_vreg.gather [hbm4b:s1+s3], $0x80, v4, vm0, $0xb8;
	[tilespmem:$0x18200] =	vst v63  }
0x6b: {  	s2 =	simm.s32 $0x8A00;
	v3 =	vperm.xlane v3, v2  }
0x6c: {  	[tilespmem:s2], [sflag:$0x5] =	stream.indirect_vreg.gather [hbm4b:s4+s3], $0x80, v4, vm0, $0xb8;
	[tilespmem:$0x18200] =	vst v63  }
0x6d: {  	s8 =	simm.s32 $0x9200;
	v3 =	vadd.s32 v1, v3  }
0x6e: {  	[tilespmem:s8], [sflag:$0x5] =	stream.indirect_vreg.gather [hbm4b:s5+s3], $0x80, v4, vm0, $0xb8;
	[tilespmem:$0x18200] =	vst v63  }
0x6f: {  	s16 =	simm.s32 $0x9A00  }
0x70: {  	[tilespmem:s16], [sflag:$0x5] =	stream.indirect_vreg.gather [hbm4b:s6+s3], $0x80, v4, vm0, $0xb8;
	[tilespmem:$0x18200] =	vst v63  }
0x71: {  	s17 =	simm.s32 $0xA200  }
0x72: {  	[tilespmem:s17], [sflag:$0x5] =	stream.indirect_vreg.gather [hbm4b:s1+s3], $0x80, v3, vm0, $0xb8;
	[tilespmem:$0x18200] =	vst v63  }
0x73: {  	s18 =	simm.s32 $0xAA00  }
0x74: {  	[tilespmem:s18], [sflag:$0x5] =	stream.indirect_vreg.gather [hbm4b:s4+s3], $0x80, v3, vm0, $0xb8;
	[tilespmem:$0x18200] =	vst v63  }
0x75: {  	s19 =	simm.s32 $0xB200  }
0x76: {  	[tilespmem:s19], [sflag:$0x5] =	stream.indirect_vreg.gather [hbm4b:s5+s3], $0x80, v3, vm0, $0xb8;
	[tilespmem:$0x18200] =	vst v63  }
0x77: {  	s20 =	simm.s32 $0xBA00  }
0x78: {  	[tilespmem:s20], [sflag:$0x5] =	stream.indirect_vreg.gather [hbm4b:s6+s3], $0x80, v3, vm0, $0xb8;
	[tilespmem:$0x18200] =	vst v63  }
0x79: {  	v3 =	vld [tilespmem:$0x90];
	_ =	sdelay $0x4  }
0x7a: {  	v43 =	vshll.u32 v3, $0x3  }
0x7b: {  	v3 =	vand.u32 $0x7, v3;
	v4 =	vand.u32 $0xFFFFFFC0, v43  }
0x7c: {  	v3 =	vor.u32 v3, v4  }
0x7d: {  	v4 =	vperm.xlane v3, v0;
	_ =	sdelay $0x1  }
0x7e: {  	v4 =	vadd.s32 v1, v4;
	_ =	sdelay $0x3  }
0x7f: {  	s2 =	simm.s32 $0xC200  }
0x80: {  	[tilespmem:s2], [sflag:$0x5] =	stream.indirect_vreg.gather [hbm4b:s1+s3], $0x80, v4, vm0, $0xb8;
	[tilespmem:$0x18200] =	vst v63  }
0x81: {  	s8 =	simm.s32 $0xCA00;
	v3 =	vperm.xlane v3, v2  }
0x82: {  	[tilespmem:s8], [sflag:$0x5] =	stream.indirect_vreg.gather [hbm4b:s4+s3], $0x80, v4, vm0, $0xb8;
	[tilespmem:$0x18200] =	vst v63  }
0x83: {  	s16 =	simm.s32 $0xD200;
	v3 =	vadd.s32 v1, v3  }
0x84: {  	[tilespmem:s16], [sflag:$0x5] =	stream.indirect_vreg.gather [hbm4b:s5+s3], $0x80, v4, vm0, $0xb8;
	[tilespmem:$0x18200] =	vst v63  }
0x85: {  	s17 =	simm.s32 $0xDA00  }
0x86: {  	[tilespmem:s17], [sflag:$0x5] =	stream.indirect_vreg.gather [hbm4b:s6+s3], $0x80, v4, vm0, $0xb8;
	[tilespmem:$0x18200] =	vst v63  }
0x87: {  	s18 =	simm.s32 $0xE200  }
0x88: {  	[tilespmem:s18], [sflag:$0x5] =	stream.indirect_vreg.gather [hbm4b:s1+s3], $0x80, v3, vm0, $0xb8;
	[tilespmem:$0x18200] =	vst v63  }
0x89: {  	s19 =	simm.s32 $0xEA00  }
0x8a: {  	[tilespmem:s19], [sflag:$0x5] =	stream.indirect_vreg.gather [hbm4b:s4+s3], $0x80, v3, vm0, $0xb8;
	[tilespmem:$0x18200] =	vst v63  }
0x8b: {  	s20 =	simm.s32 $0xF200  }
0x8c: {  	[tilespmem:s20], [sflag:$0x5] =	stream.indirect_vreg.gather [hbm4b:s5+s3], $0x80, v3, vm0, $0xb8;
	[tilespmem:$0x18200] =	vst v63  }
0x8d: {  	s2 =	simm.s32 $0xFA00  }
0x8e: {  	[tilespmem:s2], [sflag:$0x5] =	stream.indirect_vreg.gather [hbm4b:s6+s3], $0x80, v3, vm0, $0xb8;
	[tilespmem:$0x18200] =	vst v63  }
0x8f: {  	_ =	swait.ge [sflag:s22], $0x8000  }
0x90: {  	[sflag:s22] =	ssyncset.done $0x0  }
0x91: {  	s8 =	rddreg [dreg:$0x8];
	[sflag:s22] =	ssyncadd.s32 $0xFFFF8000  }
0x92: {  	[tilespmem:s3], [sflag:$0x1] =	stream.linear.gather [hbm4b:s8+s3], $0x20, $0x38;
	[tilespmem:$0x18200] =	vst v63  }
0x93: {  	_ =	swait.ge [sflag:s23], $0x8000  }
0x94: {  	[sflag:s23] =	ssyncset.done $0x0  }
0x95: {  	s16 =	rddreg [dreg:$0x9];
	[sflag:s23] =	ssyncadd.s32 $0xFFFF8000  }
0x96: {  	[hbm4b:s16+s3] =	stream.linear.scatter [tilespmem:s25], [sflag:$0x8], $0x8000, $0x38;
	[tilespmem:$0x18200] =	vst v63  }
0x97: {  	_ =	swait.ge [sflag:s24], $0x20  }
0x98: {  	[sflag:s24] =	ssyncset.done $0x0  }
0x99: {  	[sflag:s24] =	ssyncadd.s32 $0xFFFFFFE0  }
0x9a: {  	v3 =	vld [tilespmem:$0x100];
	_ =	sdelay $0x4  }
0x9b: {  	v44 =	vshll.u32 v3, $0x3  }
0x9c: {  	v3 =	vand.u32 $0x7, v3;
	v4 =	vand.u32 $0xFFFFFFC0, v44  }
0x9d: {  	v3 =	vor.u32 v3, v4  }
0x9e: {  	v4 =	vperm.xlane v3, v0;
	_ =	sdelay $0x1  }
0x9f: {  	v4 =	vadd.s32 v1, v4;
	_ =	sdelay $0x4  }
0xa0: {  	[tilespmem:s9], [sflag:$0x6] =	stream.indirect_vreg.gather [hbm4b:s1+s3], $0x80, v4, vm0, $0xb8;
	[tilespmem:$0x18200] =	vst v63  }
0xa1: {  	s17 =	simm.s32 $0x10A00;
	v3 =	vperm.xlane v3, v2  }
0xa2: {  	[tilespmem:s17], [sflag:$0x6] =	stream.indirect_vreg.gather [hbm4b:s4+s3], $0x80, v4, vm0, $0xb8;
	[tilespmem:$0x18200] =	vst v63  }
0xa3: {  	s18 =	simm.s32 $0x11200;
	v3 =	vadd.s32 v1, v3  }
0xa4: {  	[tilespmem:s18], [sflag:$0x6] =	stream.indirect_vreg.gather [hbm4b:s5+s3], $0x80, v4, vm0, $0xb8;
	[tilespmem:$0x18200] =	vst v63  }
0xa5: {  	s19 =	simm.s32 $0x11A00  }
0xa6: {  	[tilespmem:s19], [sflag:$0x6] =	stream.indirect_vreg.gather [hbm4b:s6+s3], $0x80, v4, vm0, $0xb8;
	[tilespmem:$0x18200] =	vst v63  }
0xa7: {  	s20 =	simm.s32 $0x12200  }
0xa8: {  	[tilespmem:s20], [sflag:$0x6] =	stream.indirect_vreg.gather [hbm4b:s1+s3], $0x80, v3, vm0, $0xb8;
	[tilespmem:$0x18200] =	vst v63  }
0xa9: {  	s2 =	simm.s32 $0x12A00  }
0xaa: {  	[tilespmem:s2], [sflag:$0x6] =	stream.indirect_vreg.gather [hbm4b:s4+s3], $0x80, v3, vm0, $0xb8;
	[tilespmem:$0x18200] =	vst v63  }
0xab: {  	s8 =	simm.s32 $0x13200  }
0xac: {  	[tilespmem:s8], [sflag:$0x6] =	stream.indirect_vreg.gather [hbm4b:s5+s3], $0x80, v3, vm0, $0xb8;
	[tilespmem:$0x18200] =	vst v63  }
0xad: {  	s16 =	simm.s32 $0x13A00  }
0xae: {  	[tilespmem:s16], [sflag:$0x6] =	stream.indirect_vreg.gather [hbm4b:s6+s3], $0x80, v3, vm0, $0xb8;
	[tilespmem:$0x18200] =	vst v63  }
0xaf: {  	v3 =	vld [tilespmem:$0x110];
	_ =	sdelay $0x4  }
0xb0: {  	v45 =	vshll.u32 v3, $0x3  }
0xb1: {  	v3 =	vand.u32 $0x7, v3;
	v4 =	vand.u32 $0xFFFFFFC0, v45  }
0xb2: {  	v3 =	vor.u32 v3, v4  }
0xb3: {  	v4 =	vperm.xlane v3, v0;
	_ =	sdelay $0x1  }
0xb4: {  	v4 =	vadd.s32 v1, v4;
	_ =	sdelay $0x3  }
0xb5: {  	s17 =	simm.s32 $0x14200  }
0xb6: {  	[tilespmem:s17], [sflag:$0x6] =	stream.indirect_vreg.gather [hbm4b:s1+s3], $0x80, v4, vm0, $0xb8;
	[tilespmem:$0x18200] =	vst v63  }
0xb7: {  	s18 =	simm.s32 $0x14A00;
	v3 =	vperm.xlane v3, v2  }
0xb8: {  	[tilespmem:s18], [sflag:$0x6] =	stream.indirect_vreg.gather [hbm4b:s4+s3], $0x80, v4, vm0, $0xb8;
	[tilespmem:$0x18200] =	vst v63  }
0xb9: {  	s19 =	simm.s32 $0x15200;
	v3 =	vadd.s32 v1, v3  }
0xba: {  	[tilespmem:s19], [sflag:$0x6] =	stream.indirect_vreg.gather [hbm4b:s5+s3], $0x80, v4, vm0, $0xb8;
	[tilespmem:$0x18200] =	vst v63  }
0xbb: {  	s20 =	simm.s32 $0x15A00  }
0xbc: {  	[tilespmem:s20], [sflag:$0x6] =	stream.indirect_vreg.gather [hbm4b:s6+s3], $0x80, v4, vm0, $0xb8;
	[tilespmem:$0x18200] =	vst v63  }
0xbd: {  	s2 =	simm.s32 $0x16200  }
0xbe: {  	[tilespmem:s2], [sflag:$0x6] =	stream.indirect_vreg.gather [hbm4b:s1+s3], $0x80, v3, vm0, $0xb8;
	[tilespmem:$0x18200] =	vst v63  }
0xbf: {  	s8 =	simm.s32 $0x16A00  }
0xc0: {  	[tilespmem:s8], [sflag:$0x6] =	stream.indirect_vreg.gather [hbm4b:s4+s3], $0x80, v3, vm0, $0xb8;
	[tilespmem:$0x18200] =	vst v63  }
0xc1: {  	s16 =	simm.s32 $0x17200  }
0xc2: {  	[tilespmem:s16], [sflag:$0x6] =	stream.indirect_vreg.gather [hbm4b:s5+s3], $0x80, v3, vm0, $0xb8;
	[tilespmem:$0x18200] =	vst v63  }
0xc3: {  	s17 =	simm.s32 $0x17A00  }
0xc4: {  	[tilespmem:s17], [sflag:$0x6] =	stream.indirect_vreg.gather [hbm4b:s6+s3], $0x80, v3, vm0, $0xb8;
	[tilespmem:$0x18200] =	vst v63  }
0xc5: {  	_ =	swait.ge [sflag:s21], $0x8000  }
0xc6: {  	[sflag:s21] =	ssyncset.done $0x0  }
0xc7: {  	s15 =	simm.s32 $0x80;
	s18 =	rddreg [dreg:$0xa];
	[sflag:s21] =	ssyncadd.s32 $0xFFFF8000  }
0xc8: {  	[tilespmem:s15], [sflag:$0x2] =	stream.linear.gather [hbm4b:s18+s3], $0x20, $0x38;
	[tilespmem:$0x18200] =	vst v63  }
0xc9: {  	_ =	swait.ge [sflag:s26], $0x8000  }
0xca: {  	[sflag:s26] =	ssyncset.done $0x0  }
0xcb: {  	s19 =	rddreg [dreg:$0xb];
	[sflag:s26] =	ssyncadd.s32 $0xFFFF8000  }
0xcc: {  	[hbm4b:s19+s3] =	stream.linear.scatter [tilespmem:s9], [sflag:$0x9], $0x8000, $0x38;
	[tilespmem:$0x18200] =	vst v63  }
0xcd: {  	_ =	swait.ge [sflag:s28], $0x20  }
0xce: {  	[sflag:s28] =	ssyncset.done $0x0  }
0xcf: {  	[sflag:s28] =	ssyncadd.s32 $0xFFFFFFE0  }
0xd0: {  	v3 =	vld [tilespmem:$0x0];
	_ =	sdelay $0x4  }
0xd1: {  	v46 =	vshll.u32 v3, $0x3  }
0xd2: {  	v3 =	vand.u32 $0x7, v3;
	v4 =	vand.u32 $0xFFFFFFC0, v46  }
0xd3: {  	v3 =	vor.u32 v3, v4  }
0xd4: {  	v4 =	vperm.xlane v3, v0;
	_ =	sdelay $0x1  }
0xd5: {  	v4 =	vadd.s32 v1, v4;
	_ =	sdelay $0x4  }
0xd6: {  	[tilespmem:s30], [sflag:$0x4] =	stream.indirect_vreg.gather [hbm4b:s1+s3], $0x80, v4, vm0, $0xb8;
	[tilespmem:$0x18200] =	vst v63  }
0xd7: {  	s11 =	simm.s32 $0xA00;
	v3 =	vperm.xlane v3, v2  }
0xd8: {  	[tilespmem:s11], [sflag:$0x4] =	stream.indirect_vreg.gather [hbm4b:s4+s3], $0x80, v4, vm0, $0xb8;
	[tilespmem:$0x18200] =	vst v63  }
0xd9: {  	s2 =	simm.s32 $0x1200;
	v3 =	vadd.s32 v1, v3  }
0xda: {  	[tilespmem:s2], [sflag:$0x4] =	stream.indirect_vreg.gather [hbm4b:s5+s3], $0x80, v4, vm0, $0xb8;
	[tilespmem:$0x18200] =	vst v63  }
0xdb: {  	s8 =	simm.s32 $0x1A00  }
0xdc: {  	[tilespmem:s8], [sflag:$0x4] =	stream.indirect_vreg.gather [hbm4b:s6+s3], $0x80, v4, vm0, $0xb8;
	[tilespmem:$0x18200] =	vst v63  }
0xdd: {  	s19 =	simm.s32 $0x2200  }
0xde: {  	[tilespmem:s19], [sflag:$0x4] =	stream.indirect_vreg.gather [hbm4b:s1+s3], $0x80, v3, vm0, $0xb8;
	[tilespmem:$0x18200] =	vst v63  }
0xdf: {  	s18 =	simm.s32 $0x2A00  }
0xe0: {  	[tilespmem:s18], [sflag:$0x4] =	stream.indirect_vreg.gather [hbm4b:s4+s3], $0x80, v3, vm0, $0xb8;
	[tilespmem:$0x18200] =	vst v63  }
0xe1: {  	s11 =	simm.s32 $0x3200  }
0xe2: {  	[tilespmem:s11], [sflag:$0x4] =	stream.indirect_vreg.gather [hbm4b:s5+s3], $0x80, v3, vm0, $0xb8;
	[tilespmem:$0x18200] =	vst v63  }
0xe3: {  	s12 =	simm.s32 $0x3A00  }
0xe4: {  	[tilespmem:s12], [sflag:$0x4] =	stream.indirect_vreg.gather [hbm4b:s6+s3], $0x80, v3, vm0, $0xb8;
	[tilespmem:$0x18200] =	vst v63  }
0xe5: {  	v3 =	vld [tilespmem:$0x10];
	_ =	sdelay $0x4  }
0xe6: {  	v47 =	vshll.u32 v3, $0x3  }
0xe7: {  	v3 =	vand.u32 $0x7, v3;
	v4 =	vand.u32 $0xFFFFFFC0, v47  }
0xe8: {  	v3 =	vor.u32 v3, v4  }
0xe9: {  	v4 =	vperm.xlane v3, v0;
	_ =	sdelay $0x1  }
0xea: {  	v4 =	vadd.s32 v1, v4;
	_ =	sdelay $0x3  }
0xeb: {  	s13 =	simm.s32 $0x4200  }
0xec: {  	[tilespmem:s13], [sflag:$0x4] =	stream.indirect_vreg.gather [hbm4b:s1+s3], $0x80, v4, vm0, $0xb8;
	[tilespmem:$0x18200] =	vst v63  }
0xed: {  	s14 =	simm.s32 $0x4A00;
	v3 =	vperm.xlane v3, v2  }
0xee: {  	[tilespmem:s14], [sflag:$0x4] =	stream.indirect_vreg.gather [hbm4b:s4+s3], $0x80, v4, vm0, $0xb8;
	[tilespmem:$0x18200] =	vst v63  }
0xef: {  	s12 =	simm.s32 $0x5200;
	v3 =	vadd.s32 v1, v3  }
0xf0: {  	[tilespmem:s12], [sflag:$0x4] =	stream.indirect_vreg.gather [hbm4b:s5+s3], $0x80, v4, vm0, $0xb8;
	[tilespmem:$0x18200] =	vst v63  }
0xf1: {  	s13 =	simm.s32 $0x5A00  }
0xf2: {  	[tilespmem:s13], [sflag:$0x4] =	stream.indirect_vreg.gather [hbm4b:s6+s3], $0x80, v4, vm0, $0xb8;
	[tilespmem:$0x18200] =	vst v63  }
0xf3: {  	s14 =	simm.s32 $0x6200  }
0xf4: {  	[tilespmem:s14], [sflag:$0x4] =	stream.indirect_vreg.gather [hbm4b:s1+s3], $0x80, v3, vm0, $0xb8;
	[tilespmem:$0x18200] =	vst v63  }
0xf5: {  	s15 =	simm.s32 $0x6A00  }
0xf6: {  	[tilespmem:s15], [sflag:$0x4] =	stream.indirect_vreg.gather [hbm4b:s4+s3], $0x80, v3, vm0, $0xb8;
	[tilespmem:$0x18200] =	vst v63  }
0xf7: {  	s16 =	simm.s32 $0x7200  }
0xf8: {  	[tilespmem:s16], [sflag:$0x4] =	stream.indirect_vreg.gather [hbm4b:s5+s3], $0x80, v3, vm0, $0xb8;
	[tilespmem:$0x18200] =	vst v63  }
0xf9: {  	s17 =	simm.s32 $0x7A00  }
0xfa: {  	[tilespmem:s17], [sflag:$0x4] =	stream.indirect_vreg.gather [hbm4b:s6+s3], $0x80, v3, vm0, $0xb8;
	[tilespmem:$0x18200] =	vst v63  }
0xfb: {  	_ =	swait.ge [sflag:s31], $0x8000  }
0xfc: {  	[sflag:s31] =	ssyncset.done $0x0  }
0xfd: {  	s20 =	simm.s32 $0x100;
	s0 =	rddreg [dreg:$0xc];
	[sflag:s31] =	ssyncadd.s32 $0xFFFF8000  }
0xfe: {  	[tilespmem:s20], [sflag:$0x3] =	stream.linear.gather [hbm4b:s0+s3], $0x20, $0x38;
	[tilespmem:$0x18200] =	vst v63  }
0xff: {  	_ =	swait.ge [sflag:s10], $0x8000  }
0x100: {  	[sflag:s10] =	ssyncset.done $0x0  }
0x101: {  	s20 =	rddreg [dreg:$0xd];
	[sflag:s10] =	ssyncadd.s32 $0xFFFF8000  }
0x102: {  	[hbm4b:s20+s3] =	stream.linear.scatter [tilespmem:s30], [sflag:$0x7], $0x8000, $0x38;
	[tilespmem:$0x18200] =	vst v63  }
0x103: {  	_ =	swait.ge [sflag:s29], $0x20  }
0x104: {  	[sflag:s29] =	ssyncset.done $0x0  }
0x105: {  	[sflag:s29] =	ssyncadd.s32 $0xFFFFFFE0  }
0x106: {  	v3 =	vld [tilespmem:$0x80];
	_ =	sdelay $0x4  }
0x107: {  	v48 =	vshll.u32 v3, $0x3  }
0x108: {  	v3 =	vand.u32 $0x7, v3;
	v4 =	vand.u32 $0xFFFFFFC0, v48  }
0x109: {  	v3 =	vor.u32 v3, v4  }
0x10a: {  	v4 =	vperm.xlane v3, v0;
	_ =	sdelay $0x1  }
0x10b: {  	v4 =	vadd.s32 v1, v4;
	_ =	sdelay $0x4  }
0x10c: {  	[tilespmem:s25], [sflag:$0x5] =	stream.indirect_vreg.gather [hbm4b:s1+s3], $0x80, v4, vm0, $0xb8;
	[tilespmem:$0x18200] =	vst v63  }
0x10d: {  	s20 =	simm.s32 $0x8A00;
	v3 =	vperm.xlane v3, v2  }
0x10e: {  	[tilespmem:s20], [sflag:$0x5] =	stream.indirect_vreg.gather [hbm4b:s4+s3], $0x80, v4, vm0, $0xb8;
	[tilespmem:$0x18200] =	vst v63  }
0x10f: {  	v3 =	vadd.s32 v1, v3;
	s20 =	simm.s32 $0x9200  }
0x110: {  	[tilespmem:s20], [sflag:$0x5] =	stream.indirect_vreg.gather [hbm4b:s5+s3], $0x80, v4, vm0, $0xb8;
	[tilespmem:$0x18200] =	vst v63  }
0x111: {  	s20 =	simm.s32 $0x9A00  }
0x112: {  	[tilespmem:s20], [sflag:$0x5] =	stream.indirect_vreg.gather [hbm4b:s6+s3], $0x80, v4, vm0, $0xb8;
	[tilespmem:$0x18200] =	vst v63  }
0x113: {  	s20 =	simm.s32 $0xA200  }
0x114: {  	[tilespmem:s20], [sflag:$0x5] =	stream.indirect_vreg.gather [hbm4b:s1+s3], $0x80, v3, vm0, $0xb8;
	[tilespmem:$0x18200] =	vst v63  }
0x115: {  	s20 =	simm.s32 $0xAA00  }
0x116: {  	[tilespmem:s20], [sflag:$0x5] =	stream.indirect_vreg.gather [hbm4b:s4+s3], $0x80, v3, vm0, $0xb8;
	[tilespmem:$0x18200] =	vst v63  }
0x117: {  	s20 =	simm.s32 $0xB200  }
0x118: {  	[tilespmem:s20], [sflag:$0x5] =	stream.indirect_vreg.gather [hbm4b:s5+s3], $0x80, v3, vm0, $0xb8;
	[tilespmem:$0x18200] =	vst v63  }
0x119: {  	s20 =	simm.s32 $0xBA00  }
0x11a: {  	[tilespmem:s20], [sflag:$0x5] =	stream.indirect_vreg.gather [hbm4b:s6+s3], $0x80, v3, vm0, $0xb8;
	[tilespmem:$0x18200] =	vst v63  }
0x11b: {  	v3 =	vld [tilespmem:$0x90];
	_ =	sdelay $0x4  }
0x11c: {  	v49 =	vshll.u32 v3, $0x3  }
0x11d: {  	v3 =	vand.u32 $0x7, v3;
	v4 =	vand.u32 $0xFFFFFFC0, v49  }
0x11e: {  	v3 =	vor.u32 v3, v4  }
0x11f: {  	v4 =	vperm.xlane v3, v0;
	_ =	sdelay $0x1  }
0x120: {  	v4 =	vadd.s32 v1, v4;
	_ =	sdelay $0x3  }
0x121: {  	s20 =	simm.s32 $0xC200  }
0x122: {  	[tilespmem:s20], [sflag:$0x5] =	stream.indirect_vreg.gather [hbm4b:s1+s3], $0x80, v4, vm0, $0xb8;
	[tilespmem:$0x18200] =	vst v63  }
0x123: {  	v3 =	vperm.xlane v3, v2;
	s20 =	simm.s32 $0xCA00  }
0x124: {  	[tilespmem:s20], [sflag:$0x5] =	stream.indirect_vreg.gather [hbm4b:s4+s3], $0x80, v4, vm0, $0xb8;
	[tilespmem:$0x18200] =	vst v63  }
0x125: {  	v3 =	vadd.s32 v1, v3;
	s20 =	simm.s32 $0xD200  }
0x126: {  	[tilespmem:s20], [sflag:$0x5] =	stream.indirect_vreg.gather [hbm4b:s5+s3], $0x80, v4, vm0, $0xb8;
	[tilespmem:$0x18200] =	vst v63  }
0x127: {  	s20 =	simm.s32 $0xDA00  }
0x128: {  	[tilespmem:s20], [sflag:$0x5] =	stream.indirect_vreg.gather [hbm4b:s6+s3], $0x80, v4, vm0, $0xb8;
	[tilespmem:$0x18200] =	vst v63  }
0x129: {  	s20 =	simm.s32 $0xE200  }
0x12a: {  	[tilespmem:s20], [sflag:$0x5] =	stream.indirect_vreg.gather [hbm4b:s1+s3], $0x80, v3, vm0, $0xb8;
	[tilespmem:$0x18200] =	vst v63  }
0x12b: {  	s20 =	simm.s32 $0xEA00  }
0x12c: {  	[tilespmem:s20], [sflag:$0x5] =	stream.indirect_vreg.gather [hbm4b:s4+s3], $0x80, v3, vm0, $0xb8;
	[tilespmem:$0x18200] =	vst v63  }
0x12d: {  	s20 =	simm.s32 $0xF200  }
0x12e: {  	[tilespmem:s20], [sflag:$0x5] =	stream.indirect_vreg.gather [hbm4b:s5+s3], $0x80, v3, vm0, $0xb8;
	[tilespmem:$0x18200] =	vst v63  }
0x12f: {  	s20 =	simm.s32 $0xFA00  }
0x130: {  	[tilespmem:s20], [sflag:$0x5] =	stream.indirect_vreg.gather [hbm4b:s6+s3], $0x80, v3, vm0, $0xb8;
	[tilespmem:$0x18200] =	vst v63  }
0x131: {  	_ =	swait.ge [sflag:s22], $0x8000  }
0x132: {  	[sflag:s22] =	ssyncset.done $0x0  }
0x133: {  	s20 =	rddreg [dreg:$0xe];
	[sflag:s22] =	ssyncadd.s32 $0xFFFF8000  }
0x134: {  	[tilespmem:s3], [sflag:$0x1] =	stream.linear.gather [hbm4b:s20+s3], $0x20, $0x38;
	[tilespmem:$0x18200] =	vst v63  }
0x135: {  	_ =	swait.ge [sflag:s23], $0x8000  }
0x136: {  	[sflag:s23] =	ssyncset.done $0x0  }
0x137: {  	s20 =	rddreg [dreg:$0xf];
	[sflag:s23] =	ssyncadd.s32 $0xFFFF8000  }
0x138: {  	[hbm4b:s20+s3] =	stream.linear.scatter [tilespmem:s25], [sflag:$0x8], $0x8000, $0x38;
	[tilespmem:$0x18200] =	vst v63  }
0x139: {  	_ =	swait.ge [sflag:s24], $0x20  }
0x13a: {  	[sflag:s24] =	ssyncset.done $0x0  }
0x13b: {  	[sflag:s24] =	ssyncadd.s32 $0xFFFFFFE0  }
0x13c: {  	v3 =	vld [tilespmem:$0x100];
	_ =	sdelay $0x4  }
0x13d: {  	v50 =	vshll.u32 v3, $0x3  }
0x13e: {  	v3 =	vand.u32 $0x7, v3;
	v4 =	vand.u32 $0xFFFFFFC0, v50  }
0x13f: {  	v3 =	vor.u32 v3, v4  }
0x140: {  	v4 =	vperm.xlane v3, v0;
	_ =	sdelay $0x1  }
0x141: {  	v4 =	vadd.s32 v1, v4;
	_ =	sdelay $0x4  }
0x142: {  	[tilespmem:s9], [sflag:$0x6] =	stream.indirect_vreg.gather [hbm4b:s1+s3], $0x80, v4, vm0, $0xb8;
	[tilespmem:$0x18200] =	vst v63  }
0x143: {  	s20 =	simm.s32 $0x10A00;
	v3 =	vperm.xlane v3, v2  }
0x144: {  	[tilespmem:s20], [sflag:$0x6] =	stream.indirect_vreg.gather [hbm4b:s4+s3], $0x80, v4, vm0, $0xb8;
	[tilespmem:$0x18200] =	vst v63  }
0x145: {  	v3 =	vadd.s32 v1, v3;
	s20 =	simm.s32 $0x11200  }
0x146: {  	[tilespmem:s20], [sflag:$0x6] =	stream.indirect_vreg.gather [hbm4b:s5+s3], $0x80, v4, vm0, $0xb8;
	[tilespmem:$0x18200] =	vst v63  }
0x147: {  	s20 =	simm.s32 $0x11A00  }
0x148: {  	[tilespmem:s20], [sflag:$0x6] =	stream.indirect_vreg.gather [hbm4b:s6+s3], $0x80, v4, vm0, $0xb8;
	[tilespmem:$0x18200] =	vst v63  }
0x149: {  	s20 =	simm.s32 $0x12200  }
0x14a: {  	[tilespmem:s20], [sflag:$0x6] =	stream.indirect_vreg.gather [hbm4b:s1+s3], $0x80, v3, vm0, $0xb8;
	[tilespmem:$0x18200] =	vst v63  }
0x14b: {  	s20 =	simm.s32 $0x12A00  }
0x14c: {  	[tilespmem:s20], [sflag:$0x6] =	stream.indirect_vreg.gather [hbm4b:s4+s3], $0x80, v3, vm0, $0xb8;
	[tilespmem:$0x18200] =	vst v63  }
0x14d: {  	s20 =	simm.s32 $0x13200  }
0x14e: {  	[tilespmem:s20], [sflag:$0x6] =	stream.indirect_vreg.gather [hbm4b:s5+s3], $0x80, v3, vm0, $0xb8;
	[tilespmem:$0x18200] =	vst v63  }
0x14f: {  	s20 =	simm.s32 $0x13A00  }
0x150: {  	[tilespmem:s20], [sflag:$0x6] =	stream.indirect_vreg.gather [hbm4b:s6+s3], $0x80, v3, vm0, $0xb8;
	[tilespmem:$0x18200] =	vst v63  }
0x151: {  	v3 =	vld [tilespmem:$0x110];
	_ =	sdelay $0x4  }
0x152: {  	v51 =	vshll.u32 v3, $0x3  }
0x153: {  	v3 =	vand.u32 $0x7, v3;
	v4 =	vand.u32 $0xFFFFFFC0, v51  }
0x154: {  	v3 =	vor.u32 v3, v4  }
0x155: {  	v4 =	vperm.xlane v3, v0;
	_ =	sdelay $0x1  }
0x156: {  	v4 =	vadd.s32 v1, v4;
	_ =	sdelay $0x3  }
0x157: {  	s20 =	simm.s32 $0x14200  }
0x158: {  	[tilespmem:s20], [sflag:$0x6] =	stream.indirect_vreg.gather [hbm4b:s1+s3], $0x80, v4, vm0, $0xb8;
	[tilespmem:$0x18200] =	vst v63  }
0x159: {  	v3 =	vperm.xlane v3, v2;
	s20 =	simm.s32 $0x14A00  }
0x15a: {  	[tilespmem:s20], [sflag:$0x6] =	stream.indirect_vreg.gather [hbm4b:s4+s3], $0x80, v4, vm0, $0xb8;
	[tilespmem:$0x18200] =	vst v63  }
0x15b: {  	v3 =	vadd.s32 v1, v3;
	s20 =	simm.s32 $0x15200  }
0x15c: {  	[tilespmem:s20], [sflag:$0x6] =	stream.indirect_vreg.gather [hbm4b:s5+s3], $0x80, v4, vm0, $0xb8;
	[tilespmem:$0x18200] =	vst v63  }
0x15d: {  	s20 =	simm.s32 $0x15A00  }
0x15e: {  	[tilespmem:s20], [sflag:$0x6] =	stream.indirect_vreg.gather [hbm4b:s6+s3], $0x80, v4, vm0, $0xb8;
	[tilespmem:$0x18200] =	vst v63  }
0x15f: {  	s20 =	simm.s32 $0x16200  }
0x160: {  	[tilespmem:s20], [sflag:$0x6] =	stream.indirect_vreg.gather [hbm4b:s1+s3], $0x80, v3, vm0, $0xb8;
	[tilespmem:$0x18200] =	vst v63  }
0x161: {  	s20 =	simm.s32 $0x16A00  }
0x162: {  	[tilespmem:s20], [sflag:$0x6] =	stream.indirect_vreg.gather [hbm4b:s4+s3], $0x80, v3, vm0, $0xb8;
	[tilespmem:$0x18200] =	vst v63  }
0x163: {  	s20 =	simm.s32 $0x17200  }
0x164: {  	[tilespmem:s20], [sflag:$0x6] =	stream.indirect_vreg.gather [hbm4b:s5+s3], $0x80, v3, vm0, $0xb8;
	[tilespmem:$0x18200] =	vst v63  }
0x165: {  	s20 =	simm.s32 $0x17A00  }
0x166: {  	[tilespmem:s20], [sflag:$0x6] =	stream.indirect_vreg.gather [hbm4b:s6+s3], $0x80, v3, vm0, $0xb8;
	[tilespmem:$0x18200] =	vst v63  }
0x167: {  	_ =	swait.ge [sflag:s21], $0x8000  }
0x168: {  	[sflag:s21] =	ssyncset.done $0x0  }
0x169: {  	s20 =	simm.s32 $0x80;
	s0 =	rddreg [dreg:$0x10];
	[sflag:s21] =	ssyncadd.s32 $0xFFFF8000  }
0x16a: {  	[tilespmem:s20], [sflag:$0x2] =	stream.linear.gather [hbm4b:s0+s3], $0x20, $0x38;
	[tilespmem:$0x18200] =	vst v63  }
0x16b: {  	_ =	swait.ge [sflag:s26], $0x8000  }
0x16c: {  	[sflag:s26] =	ssyncset.done $0x0  }
0x16d: {  	s20 =	rddreg [dreg:$0x11];
	[sflag:s26] =	ssyncadd.s32 $0xFFFF8000  }
0x16e: {  	[hbm4b:s20+s3] =	stream.linear.scatter [tilespmem:s9], [sflag:$0x9], $0x8000, $0x38;
	[tilespmem:$0x18200] =	vst v63  }
0x16f: {  	_ =	swait.ge [sflag:s28], $0x20  }
0x170: {  	[sflag:s28] =	ssyncset.done $0x0  }
0x171: {  	[sflag:s28] =	ssyncadd.s32 $0xFFFFFFE0  }
0x172: {  	v3 =	vld [tilespmem:$0x0];
	_ =	sdelay $0x4  }
0x173: {  	v52 =	vshll.u32 v3, $0x3  }
0x174: {  	v3 =	vand.u32 $0x7, v3;
	v4 =	vand.u32 $0xFFFFFFC0, v52  }
0x175: {  	v3 =	vor.u32 v3, v4  }
0x176: {  	v4 =	vperm.xlane v3, v0;
	_ =	sdelay $0x1  }
0x177: {  	v4 =	vadd.s32 v1, v4;
	_ =	sdelay $0x4  }
0x178: {  	[tilespmem:s30], [sflag:$0x4] =	stream.indirect_vreg.gather [hbm4b:s1+s3], $0x80, v4, vm0, $0xb8;
	[tilespmem:$0x18200] =	vst v63  }
0x179: {  	s20 =	simm.s32 $0xA00;
	v3 =	vperm.xlane v3, v2  }
0x17a: {  	[tilespmem:s20], [sflag:$0x4] =	stream.indirect_vreg.gather [hbm4b:s4+s3], $0x80, v4, vm0, $0xb8;
	[tilespmem:$0x18200] =	vst v63  }
0x17b: {  	v3 =	vadd.s32 v1, v3  }
0x17c: {  	[tilespmem:s2], [sflag:$0x4] =	stream.indirect_vreg.gather [hbm4b:s5+s3], $0x80, v4, vm0, $0xb8;
	[tilespmem:$0x18200] =	vst v63  }
0x17d: {  	_ = 	snop  }
0x17e: {  	[tilespmem:s8], [sflag:$0x4] =	stream.indirect_vreg.gather [hbm4b:s6+s3], $0x80, v4, vm0, $0xb8;
	[tilespmem:$0x18200] =	vst v63  }
0x17f: {  	_ = 	snop  }
0x180: {  	[tilespmem:s19], [sflag:$0x4] =	stream.indirect_vreg.gather [hbm4b:s1+s3], $0x80, v3, vm0, $0xb8;
	[tilespmem:$0x18200] =	vst v63  }
0x181: {  	_ = 	snop  }
0x182: {  	[tilespmem:s18], [sflag:$0x4] =	stream.indirect_vreg.gather [hbm4b:s4+s3], $0x80, v3, vm0, $0xb8;
	[tilespmem:$0x18200] =	vst v63  }
0x183: {  	_ = 	snop  }
0x184: {  	[tilespmem:s11], [sflag:$0x4] =	stream.indirect_vreg.gather [hbm4b:s5+s3], $0x80, v3, vm0, $0xb8;
	[tilespmem:$0x18200] =	vst v63  }
0x185: {  	s2 =	simm.s32 $0x3A00  }
0x186: {  	[tilespmem:s2], [sflag:$0x4] =	stream.indirect_vreg.gather [hbm4b:s6+s3], $0x80, v3, vm0, $0xb8;
	[tilespmem:$0x18200] =	vst v63  }
0x187: {  	v3 =	vld [tilespmem:$0x10];
	_ =	sdelay $0x4  }
0x188: {  	v53 =	vshll.u32 v3, $0x3  }
0x189: {  	v3 =	vand.u32 $0x7, v3;
	v4 =	vand.u32 $0xFFFFFFC0, v53  }
0x18a: {  	v3 =	vor.u32 v3, v4  }
0x18b: {  	v4 =	vperm.xlane v3, v0;
	_ =	sdelay $0x1  }
0x18c: {  	v4 =	vadd.s32 v1, v4;
	_ =	sdelay $0x3  }
0x18d: {  	s8 =	simm.s32 $0x4200  }
0x18e: {  	[tilespmem:s8], [sflag:$0x4] =	stream.indirect_vreg.gather [hbm4b:s1+s3], $0x80, v4, vm0, $0xb8;
	[tilespmem:$0x18200] =	vst v63  }
0x18f: {  	s11 =	simm.s32 $0x4A00;
	v3 =	vperm.xlane v3, v2  }
0x190: {  	[tilespmem:s11], [sflag:$0x4] =	stream.indirect_vreg.gather [hbm4b:s4+s3], $0x80, v4, vm0, $0xb8;
	[tilespmem:$0x18200] =	vst v63  }
0x191: {  	v3 =	vadd.s32 v1, v3  }
0x192: {  	[tilespmem:s12], [sflag:$0x4] =	stream.indirect_vreg.gather [hbm4b:s5+s3], $0x80, v4, vm0, $0xb8;
	[tilespmem:$0x18200] =	vst v63  }
0x193: {  	_ = 	snop  }
0x194: {  	[tilespmem:s13], [sflag:$0x4] =	stream.indirect_vreg.gather [hbm4b:s6+s3], $0x80, v4, vm0, $0xb8;
	[tilespmem:$0x18200] =	vst v63  }
0x195: {  	_ = 	snop  }
0x196: {  	[tilespmem:s14], [sflag:$0x4] =	stream.indirect_vreg.gather [hbm4b:s1+s3], $0x80, v3, vm0, $0xb8;
	[tilespmem:$0x18200] =	vst v63  }
0x197: {  	_ = 	snop  }
0x198: {  	[tilespmem:s15], [sflag:$0x4] =	stream.indirect_vreg.gather [hbm4b:s4+s3], $0x80, v3, vm0, $0xb8;
	[tilespmem:$0x18200] =	vst v63  }
0x199: {  	_ = 	snop  }
0x19a: {  	[tilespmem:s16], [sflag:$0x4] =	stream.indirect_vreg.gather [hbm4b:s5+s3], $0x80, v3, vm0, $0xb8;
	[tilespmem:$0x18200] =	vst v63  }
0x19b: {  	_ = 	snop  }
0x19c: {  	[tilespmem:s17], [sflag:$0x4] =	stream.indirect_vreg.gather [hbm4b:s6+s3], $0x80, v3, vm0, $0xb8;
	[tilespmem:$0x18200] =	vst v63  }
0x19d: {  	_ =	swait.ge [sflag:s31], $0x8000  }
0x19e: {  	[sflag:s31] =	ssyncset.done $0x0  }
0x19f: {  	s19 =	simm.s32 $0x100;
	s18 =	rddreg [dreg:$0x12];
	[sflag:s31] =	ssyncadd.s32 $0xFFFF8000  }
0x1a0: {  	[tilespmem:s19], [sflag:$0x3] =	stream.linear.gather [hbm4b:s18+s3], $0x20, $0x38;
	[tilespmem:$0x18200] =	vst v63  }
0x1a1: {  	_ =	swait.ge [sflag:s10], $0x8000  }
0x1a2: {  	[sflag:s10] =	ssyncset.done $0x0  }
0x1a3: {  	s20 =	rddreg [dreg:$0x13];
	[sflag:s10] =	ssyncadd.s32 $0xFFFF8000  }
0x1a4: {  	[hbm4b:s20+s3] =	stream.linear.scatter [tilespmem:s30], [sflag:$0x7], $0x8000, $0x38;
	[tilespmem:$0x18200] =	vst v63  }
0x1a5: {  	_ =	swait.ge [sflag:s29], $0x20  }
0x1a6: {  	[sflag:s29] =	ssyncset.done $0x0  }
0x1a7: {  	[sflag:s29] =	ssyncadd.s32 $0xFFFFFFE0  }
0x1a8: {  	v3 =	vld [tilespmem:$0x80];
	_ =	sdelay $0x4  }
0x1a9: {  	v54 =	vshll.u32 v3, $0x3  }
0x1aa: {  	v3 =	vand.u32 $0x7, v3;
	v4 =	vand.u32 $0xFFFFFFC0, v54  }
0x1ab: {  	v3 =	vor.u32 v3, v4  }
0x1ac: {  	v4 =	vperm.xlane v3, v0;
	_ =	sdelay $0x1  }
0x1ad: {  	v4 =	vadd.s32 v1, v4;
	_ =	sdelay $0x4  }
0x1ae: {  	[tilespmem:s25], [sflag:$0x5] =	stream.indirect_vreg.gather [hbm4b:s1+s3], $0x80, v4, vm0, $0xb8;
	[tilespmem:$0x18200] =	vst v63  }
0x1af: {  	s2 =	simm.s32 $0x8A00;
	v3 =	vperm.xlane v3, v2  }
0x1b0: {  	[tilespmem:s2], [sflag:$0x5] =	stream.indirect_vreg.gather [hbm4b:s4+s3], $0x80, v4, vm0, $0xb8;
	[tilespmem:$0x18200] =	vst v63  }
0x1b1: {  	s8 =	simm.s32 $0x9200;
	v3 =	vadd.s32 v1, v3  }
0x1b2: {  	[tilespmem:s8], [sflag:$0x5] =	stream.indirect_vreg.gather [hbm4b:s5+s3], $0x80, v4, vm0, $0xb8;
	[tilespmem:$0x18200] =	vst v63  }
0x1b3: {  	s11 =	simm.s32 $0x9A00  }
0x1b4: {  	[tilespmem:s11], [sflag:$0x5] =	stream.indirect_vreg.gather [hbm4b:s6+s3], $0x80, v4, vm0, $0xb8;
	[tilespmem:$0x18200] =	vst v63  }
0x1b5: {  	s12 =	simm.s32 $0xA200  }
0x1b6: {  	[tilespmem:s12], [sflag:$0x5] =	stream.indirect_vreg.gather [hbm4b:s1+s3], $0x80, v3, vm0, $0xb8;
	[tilespmem:$0x18200] =	vst v63  }
0x1b7: {  	s13 =	simm.s32 $0xAA00  }
0x1b8: {  	[tilespmem:s13], [sflag:$0x5] =	stream.indirect_vreg.gather [hbm4b:s4+s3], $0x80, v3, vm0, $0xb8;
	[tilespmem:$0x18200] =	vst v63  }
0x1b9: {  	s14 =	simm.s32 $0xB200  }
0x1ba: {  	[tilespmem:s14], [sflag:$0x5] =	stream.indirect_vreg.gather [hbm4b:s5+s3], $0x80, v3, vm0, $0xb8;
	[tilespmem:$0x18200] =	vst v63  }
0x1bb: {  	s15 =	simm.s32 $0xBA00  }
0x1bc: {  	[tilespmem:s15], [sflag:$0x5] =	stream.indirect_vreg.gather [hbm4b:s6+s3], $0x80, v3, vm0, $0xb8;
	[tilespmem:$0x18200] =	vst v63  }
0x1bd: {  	v3 =	vld [tilespmem:$0x90];
	_ =	sdelay $0x4  }
0x1be: {  	v55 =	vshll.u32 v3, $0x3  }
0x1bf: {  	v3 =	vand.u32 $0x7, v3;
	v4 =	vand.u32 $0xFFFFFFC0, v55  }
0x1c0: {  	v3 =	vor.u32 v3, v4  }
0x1c1: {  	v4 =	vperm.xlane v3, v0;
	_ =	sdelay $0x1  }
0x1c2: {  	v4 =	vadd.s32 v1, v4;
	_ =	sdelay $0x3  }
0x1c3: {  	s16 =	simm.s32 $0xC200  }
0x1c4: {  	[tilespmem:s16], [sflag:$0x5] =	stream.indirect_vreg.gather [hbm4b:s1+s3], $0x80, v4, vm0, $0xb8;
	[tilespmem:$0x18200] =	vst v63  }
0x1c5: {  	s17 =	simm.s32 $0xCA00;
	v3 =	vperm.xlane v3, v2  }
0x1c6: {  	[tilespmem:s17], [sflag:$0x5] =	stream.indirect_vreg.gather [hbm4b:s4+s3], $0x80, v4, vm0, $0xb8;
	[tilespmem:$0x18200] =	vst v63  }
0x1c7: {  	s18 =	simm.s32 $0xD200;
	v3 =	vadd.s32 v1, v3  }
0x1c8: {  	[tilespmem:s18], [sflag:$0x5] =	stream.indirect_vreg.gather [hbm4b:s5+s3], $0x80, v4, vm0, $0xb8;
	[tilespmem:$0x18200] =	vst v63  }
0x1c9: {  	s19 =	simm.s32 $0xDA00  }
0x1ca: {  	[tilespmem:s19], [sflag:$0x5] =	stream.indirect_vreg.gather [hbm4b:s6+s3], $0x80, v4, vm0, $0xb8;
	[tilespmem:$0x18200] =	vst v63  }
0x1cb: {  	s20 =	simm.s32 $0xE200  }
0x1cc: {  	[tilespmem:s20], [sflag:$0x5] =	stream.indirect_vreg.gather [hbm4b:s1+s3], $0x80, v3, vm0, $0xb8;
	[tilespmem:$0x18200] =	vst v63  }
0x1cd: {  	s2 =	simm.s32 $0xEA00  }
0x1ce: {  	[tilespmem:s2], [sflag:$0x5] =	stream.indirect_vreg.gather [hbm4b:s4+s3], $0x80, v3, vm0, $0xb8;
	[tilespmem:$0x18200] =	vst v63  }
0x1cf: {  	s8 =	simm.s32 $0xF200  }
0x1d0: {  	[tilespmem:s8], [sflag:$0x5] =	stream.indirect_vreg.gather [hbm4b:s5+s3], $0x80, v3, vm0, $0xb8;
	[tilespmem:$0x18200] =	vst v63  }
0x1d1: {  	s11 =	simm.s32 $0xFA00  }
0x1d2: {  	[tilespmem:s11], [sflag:$0x5] =	stream.indirect_vreg.gather [hbm4b:s6+s3], $0x80, v3, vm0, $0xb8;
	[tilespmem:$0x18200] =	vst v63  }
0x1d3: {  	_ =	swait.ge [sflag:s22], $0x8000  }
0x1d4: {  	[sflag:s22] =	ssyncset.done $0x0  }
0x1d5: {  	s12 =	rddreg [dreg:$0x14];
	[sflag:s22] =	ssyncadd.s32 $0xFFFF8000  }
0x1d6: {  	[tilespmem:s3], [sflag:$0x1] =	stream.linear.gather [hbm4b:s12+s3], $0x20, $0x38;
	[tilespmem:$0x18200] =	vst v63  }
0x1d7: {  	_ =	swait.ge [sflag:s23], $0x8000  }
0x1d8: {  	[sflag:s23] =	ssyncset.done $0x0  }
0x1d9: {  	s13 =	rddreg [dreg:$0x15];
	[sflag:s23] =	ssyncadd.s32 $0xFFFF8000  }
0x1da: {  	[hbm4b:s13+s3] =	stream.linear.scatter [tilespmem:s25], [sflag:$0x8], $0x8000, $0x38;
	[tilespmem:$0x18200] =	vst v63  }
0x1db: {  	_ =	swait.ge [sflag:s24], $0x20  }
0x1dc: {  	[sflag:s24] =	ssyncset.done $0x0  }
0x1dd: {  	[sflag:s24] =	ssyncadd.s32 $0xFFFFFFE0  }
0x1de: {  	v3 =	vld [tilespmem:$0x100];
	_ =	sdelay $0x4  }
0x1df: {  	v56 =	vshll.u32 v3, $0x3  }
0x1e0: {  	v3 =	vand.u32 $0x7, v3;
	v4 =	vand.u32 $0xFFFFFFC0, v56  }
0x1e1: {  	v3 =	vor.u32 v3, v4  }
0x1e2: {  	v4 =	vperm.xlane v3, v0;
	_ =	sdelay $0x1  }
0x1e3: {  	v4 =	vadd.s32 v1, v4;
	_ =	sdelay $0x4  }
0x1e4: {  	[tilespmem:s9], [sflag:$0x6] =	stream.indirect_vreg.gather [hbm4b:s1+s3], $0x80, v4, vm0, $0xb8;
	[tilespmem:$0x18200] =	vst v63  }
0x1e5: {  	s17 =	simm.s32 $0x10A00;
	v3 =	vperm.xlane v3, v2  }
0x1e6: {  	[tilespmem:s17], [sflag:$0x6] =	stream.indirect_vreg.gather [hbm4b:s4+s3], $0x80, v4, vm0, $0xb8;
	[tilespmem:$0x18200] =	vst v63  }
0x1e7: {  	s14 =	simm.s32 $0x11200;
	v3 =	vadd.s32 v1, v3  }
0x1e8: {  	[tilespmem:s14], [sflag:$0x6] =	stream.indirect_vreg.gather [hbm4b:s5+s3], $0x80, v4, vm0, $0xb8;
	[tilespmem:$0x18200] =	vst v63  }
0x1e9: {  	s8 =	simm.s32 $0x11A00  }
0x1ea: {  	[tilespmem:s8], [sflag:$0x6] =	stream.indirect_vreg.gather [hbm4b:s6+s3], $0x80, v4, vm0, $0xb8;
	[tilespmem:$0x18200] =	vst v63  }
0x1eb: {  	s19 =	simm.s32 $0x12200  }
0x1ec: {  	[tilespmem:s19], [sflag:$0x6] =	stream.indirect_vreg.gather [hbm4b:s1+s3], $0x80, v3, vm0, $0xb8;
	[tilespmem:$0x18200] =	vst v63  }
0x1ed: {  	s20 =	simm.s32 $0x12A00  }
0x1ee: {  	[tilespmem:s20], [sflag:$0x6] =	stream.indirect_vreg.gather [hbm4b:s4+s3], $0x80, v3, vm0, $0xb8;
	[tilespmem:$0x18200] =	vst v63  }
0x1ef: {  	s11 =	simm.s32 $0x13200  }
0x1f0: {  	[tilespmem:s11], [sflag:$0x6] =	stream.indirect_vreg.gather [hbm4b:s5+s3], $0x80, v3, vm0, $0xb8;
	[tilespmem:$0x18200] =	vst v63  }
0x1f1: {  	s18 =	simm.s32 $0x13A00  }
0x1f2: {  	[tilespmem:s18], [sflag:$0x6] =	stream.indirect_vreg.gather [hbm4b:s6+s3], $0x80, v3, vm0, $0xb8;
	[tilespmem:$0x18200] =	vst v63  }
0x1f3: {  	v3 =	vld [tilespmem:$0x110];
	_ =	sdelay $0x4  }
0x1f4: {  	v57 =	vshll.u32 v3, $0x3  }
0x1f5: {  	v3 =	vand.u32 $0x7, v3;
	v4 =	vand.u32 $0xFFFFFFC0, v57  }
0x1f6: {  	v3 =	vor.u32 v3, v4  }
0x1f7: {  	v4 =	vperm.xlane v3, v0;
	_ =	sdelay $0x1  }
0x1f8: {  	v4 =	vadd.s32 v1, v4;
	_ =	sdelay $0x3  }
0x1f9: {  	s15 =	simm.s32 $0x14200  }
0x1fa: {  	[tilespmem:s15], [sflag:$0x6] =	stream.indirect_vreg.gather [hbm4b:s1+s3], $0x80, v4, vm0, $0xb8;
	[tilespmem:$0x18200] =	vst v63  }
0x1fb: {  	s16 =	simm.s32 $0x14A00;
	v3 =	vperm.xlane v3, v2  }
0x1fc: {  	[tilespmem:s16], [sflag:$0x6] =	stream.indirect_vreg.gather [hbm4b:s4+s3], $0x80, v4, vm0, $0xb8;
	[tilespmem:$0x18200] =	vst v63  }
0x1fd: {  	s12 =	simm.s32 $0x15200;
	v3 =	vadd.s32 v1, v3  }
0x1fe: {  	[tilespmem:s12], [sflag:$0x6] =	stream.indirect_vreg.gather [hbm4b:s5+s3], $0x80, v4, vm0, $0xb8;
	[tilespmem:$0x18200] =	vst v63  }
0x1ff: {  	s13 =	simm.s32 $0x15A00  }
0x200: {  	[tilespmem:s13], [sflag:$0x6] =	stream.indirect_vreg.gather [hbm4b:s6+s3], $0x80, v4, vm0, $0xb8;
	[tilespmem:$0x18200] =	vst v63  }
0x201: {  	s14 =	simm.s32 $0x16200  }
0x202: {  	[tilespmem:s14], [sflag:$0x6] =	stream.indirect_vreg.gather [hbm4b:s1+s3], $0x80, v3, vm0, $0xb8;
	[tilespmem:$0x18200] =	vst v63  }
0x203: {  	s15 =	simm.s32 $0x16A00  }
0x204: {  	[tilespmem:s15], [sflag:$0x6] =	stream.indirect_vreg.gather [hbm4b:s4+s3], $0x80, v3, vm0, $0xb8;
	[tilespmem:$0x18200] =	vst v63  }
0x205: {  	s16 =	simm.s32 $0x17200  }
0x206: {  	[tilespmem:s16], [sflag:$0x6] =	stream.indirect_vreg.gather [hbm4b:s5+s3], $0x80, v3, vm0, $0xb8;
	[tilespmem:$0x18200] =	vst v63  }
0x207: {  	s2 =	simm.s32 $0x17A00  }
0x208: {  	[tilespmem:s2], [sflag:$0x6] =	stream.indirect_vreg.gather [hbm4b:s6+s3], $0x80, v3, vm0, $0xb8;
	[tilespmem:$0x18200] =	vst v63  }
0x209: {  	_ =	swait.ge [sflag:s21], $0x8000  }
0x20a: {  	[sflag:s21] =	ssyncset.done $0x0  }
0x20b: {  	s2 =	simm.s32 $0x80;
	s0 =	rddreg [dreg:$0x16];
	[sflag:s21] =	ssyncadd.s32 $0xFFFF8000  }
0x20c: {  	[tilespmem:s2], [sflag:$0x2] =	stream.linear.gather [hbm4b:s0+s3], $0x20, $0x38;
	[tilespmem:$0x18200] =	vst v63  }
0x20d: {  	_ =	swait.ge [sflag:s26], $0x8000  }
0x20e: {  	[sflag:s26] =	ssyncset.done $0x0  }
0x20f: {  	s2 =	rddreg [dreg:$0x17];
	[sflag:s26] =	ssyncadd.s32 $0xFFFF8000  }
0x210: {  	[hbm4b:s2+s3] =	stream.linear.scatter [tilespmem:s9], [sflag:$0x9], $0x8000, $0x38;
	[tilespmem:$0x18200] =	vst v63  }
0x211: {  	_ =	swait.ge [sflag:s28], $0x20  }
0x212: {  	[sflag:s28] =	ssyncset.done $0x0  }
0x213: {  	[sflag:s28] =	ssyncadd.s32 $0xFFFFFFE0  }
0x214: {  	v3 =	vld [tilespmem:$0x0];
	_ =	sdelay $0x4  }
0x215: {  	v58 =	vshll.u32 v3, $0x3  }
0x216: {  	v3 =	vand.u32 $0x7, v3;
	v4 =	vand.u32 $0xFFFFFFC0, v58  }
0x217: {  	v3 =	vor.u32 v3, v4  }
0x218: {  	v4 =	vperm.xlane v3, v0;
	_ =	sdelay $0x1  }
0x219: {  	v4 =	vadd.s32 v1, v4;
	_ =	sdelay $0x4  }
0x21a: {  	[tilespmem:s30], [sflag:$0x4] =	stream.indirect_vreg.gather [hbm4b:s1+s3], $0x80, v4, vm0, $0xb8;
	[tilespmem:$0x18200] =	vst v63  }
0x21b: {  	s28 =	simm.s32 $0xA00;
	v3 =	vperm.xlane v3, v2  }
0x21c: {  	[tilespmem:s28], [sflag:$0x4] =	stream.indirect_vreg.gather [hbm4b:s4+s3], $0x80, v4, vm0, $0xb8;
	[tilespmem:$0x18200] =	vst v63  }
0x21d: {  	s2 =	simm.s32 $0x1200;
	v3 =	vadd.s32 v1, v3  }
0x21e: {  	[tilespmem:s2], [sflag:$0x4] =	stream.indirect_vreg.gather [hbm4b:s5+s3], $0x80, v4, vm0, $0xb8;
	[tilespmem:$0x18200] =	vst v63  }
0x21f: {  	s28 =	simm.s32 $0x1A00  }
0x220: {  	[tilespmem:s28], [sflag:$0x4] =	stream.indirect_vreg.gather [hbm4b:s6+s3], $0x80, v4, vm0, $0xb8;
	[tilespmem:$0x18200] =	vst v63  }
0x221: {  	s2 =	simm.s32 $0x2200  }
0x222: {  	[tilespmem:s2], [sflag:$0x4] =	stream.indirect_vreg.gather [hbm4b:s1+s3], $0x80, v3, vm0, $0xb8;
	[tilespmem:$0x18200] =	vst v63  }
0x223: {  	s28 =	simm.s32 $0x2A00  }
0x224: {  	[tilespmem:s28], [sflag:$0x4] =	stream.indirect_vreg.gather [hbm4b:s4+s3], $0x80, v3, vm0, $0xb8;
	[tilespmem:$0x18200] =	vst v63  }
0x225: {  	s2 =	simm.s32 $0x3200  }
0x226: {  	[tilespmem:s2], [sflag:$0x4] =	stream.indirect_vreg.gather [hbm4b:s5+s3], $0x80, v3, vm0, $0xb8;
	[tilespmem:$0x18200] =	vst v63  }
0x227: {  	s28 =	simm.s32 $0x3A00  }
0x228: {  	[tilespmem:s28], [sflag:$0x4] =	stream.indirect_vreg.gather [hbm4b:s6+s3], $0x80, v3, vm0, $0xb8;
	[tilespmem:$0x18200] =	vst v63  }
0x229: {  	v3 =	vld [tilespmem:$0x10];
	_ =	sdelay $0x4  }
0x22a: {  	v59 =	vshll.u32 v3, $0x3  }
0x22b: {  	v3 =	vand.u32 $0x7, v3;
	v4 =	vand.u32 $0xFFFFFFC0, v59  }
0x22c: {  	v3 =	vor.u32 v3, v4  }
0x22d: {  	v4 =	vperm.xlane v3, v0;
	_ =	sdelay $0x1  }
0x22e: {  	v4 =	vadd.s32 v1, v4;
	_ =	sdelay $0x3  }
0x22f: {  	s2 =	simm.s32 $0x4200  }
0x230: {  	[tilespmem:s2], [sflag:$0x4] =	stream.indirect_vreg.gather [hbm4b:s1+s3], $0x80, v4, vm0, $0xb8;
	[tilespmem:$0x18200] =	vst v63  }
0x231: {  	s28 =	simm.s32 $0x4A00;
	v3 =	vperm.xlane v3, v2  }
0x232: {  	[tilespmem:s28], [sflag:$0x4] =	stream.indirect_vreg.gather [hbm4b:s4+s3], $0x80, v4, vm0, $0xb8;
	[tilespmem:$0x18200] =	vst v63  }
0x233: {  	v3 =	vadd.s32 v1, v3;
	s2 =	simm.s32 $0x5200  }
0x234: {  	[tilespmem:s2], [sflag:$0x4] =	stream.indirect_vreg.gather [hbm4b:s5+s3], $0x80, v4, vm0, $0xb8;
	[tilespmem:$0x18200] =	vst v63  }
0x235: {  	s28 =	simm.s32 $0x5A00  }
0x236: {  	[tilespmem:s28], [sflag:$0x4] =	stream.indirect_vreg.gather [hbm4b:s6+s3], $0x80, v4, vm0, $0xb8;
	[tilespmem:$0x18200] =	vst v63  }
0x237: {  	s2 =	simm.s32 $0x6200  }
0x238: {  	[tilespmem:s2], [sflag:$0x4] =	stream.indirect_vreg.gather [hbm4b:s1+s3], $0x80, v3, vm0, $0xb8;
	[tilespmem:$0x18200] =	vst v63  }
0x239: {  	s28 =	simm.s32 $0x6A00  }
0x23a: {  	[tilespmem:s28], [sflag:$0x4] =	stream.indirect_vreg.gather [hbm4b:s4+s3], $0x80, v3, vm0, $0xb8;
	[tilespmem:$0x18200] =	vst v63  }
0x23b: {  	s2 =	simm.s32 $0x7200  }
0x23c: {  	[tilespmem:s2], [sflag:$0x4] =	stream.indirect_vreg.gather [hbm4b:s5+s3], $0x80, v3, vm0, $0xb8;
	[tilespmem:$0x18200] =	vst v63  }
0x23d: {  	s28 =	simm.s32 $0x7A00  }
0x23e: {  	[tilespmem:s28], [sflag:$0x4] =	stream.indirect_vreg.gather [hbm4b:s6+s3], $0x80, v3, vm0, $0xb8;
	[tilespmem:$0x18200] =	vst v63  }
0x23f: {  	_ =	swait.ge [sflag:s31], $0x8000  }
0x240: {  	[sflag:s31] =	ssyncset.done $0x0  }
0x241: {  	s2 =	simm.s32 $0x100;
	s0 =	rddreg [dreg:$0x18];
	[sflag:s31] =	ssyncadd.s32 $0xFFFF8000  }
0x242: {  	[tilespmem:s2], [sflag:$0x3] =	stream.linear.gather [hbm4b:s0+s3], $0x20, $0x38;
	[tilespmem:$0x18200] =	vst v63  }
0x243: {  	_ =	swait.ge [sflag:s10], $0x8000  }
0x244: {  	[sflag:s10] =	ssyncset.done $0x0  }
0x245: {  	s2 =	rddreg [dreg:$0x19];
	[sflag:s10] =	ssyncadd.s32 $0xFFFF8000  }
0x246: {  	[hbm4b:s2+s3] =	stream.linear.scatter [tilespmem:s30], [sflag:$0x7], $0x8000, $0x38;
	[tilespmem:$0x18200] =	vst v63  }
0x247: {  	_ =	swait.ge [sflag:s29], $0x20  }
0x248: {  	[sflag:s29] =	ssyncset.done $0x0  }
0x249: {  	[sflag:s29] =	ssyncadd.s32 $0xFFFFFFE0  }
0x24a: {  	v3 =	vld [tilespmem:$0x80];
	_ =	sdelay $0x4  }
0x24b: {  	v60 =	vshll.u32 v3, $0x3  }
0x24c: {  	v3 =	vand.u32 $0x7, v3;
	v4 =	vand.u32 $0xFFFFFFC0, v60  }
0x24d: {  	v3 =	vor.u32 v3, v4  }
0x24e: {  	v4 =	vperm.xlane v3, v0;
	_ =	sdelay $0x1  }
0x24f: {  	v4 =	vadd.s32 v1, v4;
	_ =	sdelay $0x4  }
0x250: {  	[tilespmem:s25], [sflag:$0x5] =	stream.indirect_vreg.gather [hbm4b:s1+s3], $0x80, v4, vm0, $0xb8;
	[tilespmem:$0x18200] =	vst v63  }
0x251: {  	s28 =	simm.s32 $0x8A00;
	v3 =	vperm.xlane v3, v2  }
0x252: {  	[tilespmem:s28], [sflag:$0x5] =	stream.indirect_vreg.gather [hbm4b:s4+s3], $0x80, v4, vm0, $0xb8;
	[tilespmem:$0x18200] =	vst v63  }
0x253: {  	s2 =	simm.s32 $0x9200;
	v3 =	vadd.s32 v1, v3  }
0x254: {  	[tilespmem:s2], [sflag:$0x5] =	stream.indirect_vreg.gather [hbm4b:s5+s3], $0x80, v4, vm0, $0xb8;
	[tilespmem:$0x18200] =	vst v63  }
0x255: {  	s28 =	simm.s32 $0x9A00  }
0x256: {  	[tilespmem:s28], [sflag:$0x5] =	stream.indirect_vreg.gather [hbm4b:s6+s3], $0x80, v4, vm0, $0xb8;
	[tilespmem:$0x18200] =	vst v63  }
0x257: {  	s2 =	simm.s32 $0xA200  }
0x258: {  	[tilespmem:s2], [sflag:$0x5] =	stream.indirect_vreg.gather [hbm4b:s1+s3], $0x80, v3, vm0, $0xb8;
	[tilespmem:$0x18200] =	vst v63  }
0x259: {  	s28 =	simm.s32 $0xAA00  }
0x25a: {  	[tilespmem:s28], [sflag:$0x5] =	stream.indirect_vreg.gather [hbm4b:s4+s3], $0x80, v3, vm0, $0xb8;
	[tilespmem:$0x18200] =	vst v63  }
0x25b: {  	s2 =	simm.s32 $0xB200  }
0x25c: {  	[tilespmem:s2], [sflag:$0x5] =	stream.indirect_vreg.gather [hbm4b:s5+s3], $0x80, v3, vm0, $0xb8;
	[tilespmem:$0x18200] =	vst v63  }
0x25d: {  	s28 =	simm.s32 $0xBA00  }
0x25e: {  	[tilespmem:s28], [sflag:$0x5] =	stream.indirect_vreg.gather [hbm4b:s6+s3], $0x80, v3, vm0, $0xb8;
	[tilespmem:$0x18200] =	vst v63  }
0x25f: {  	v3 =	vld [tilespmem:$0x90];
	_ =	sdelay $0x4  }
0x260: {  	v61 =	vshll.u32 v3, $0x3  }
0x261: {  	v3 =	vand.u32 $0x7, v3;
	v4 =	vand.u32 $0xFFFFFFC0, v61  }
0x262: {  	v3 =	vor.u32 v3, v4  }
0x263: {  	v4 =	vperm.xlane v3, v0;
	_ =	sdelay $0x1  }
0x264: {  	v4 =	vadd.s32 v1, v4;
	_ =	sdelay $0x3  }
0x265: {  	s2 =	simm.s32 $0xC200  }
0x266: {  	[tilespmem:s2], [sflag:$0x5] =	stream.indirect_vreg.gather [hbm4b:s1+s3], $0x80, v4, vm0, $0xb8;
	[tilespmem:$0x18200] =	vst v63  }
0x267: {  	s28 =	simm.s32 $0xCA00;
	v3 =	vperm.xlane v3, v2  }
0x268: {  	[tilespmem:s28], [sflag:$0x5] =	stream.indirect_vreg.gather [hbm4b:s4+s3], $0x80, v4, vm0, $0xb8;
	[tilespmem:$0x18200] =	vst v63  }
0x269: {  	v3 =	vadd.s32 v1, v3;
	s2 =	simm.s32 $0xD200  }
0x26a: {  	[tilespmem:s2], [sflag:$0x5] =	stream.indirect_vreg.gather [hbm4b:s5+s3], $0x80, v4, vm0, $0xb8;
	[tilespmem:$0x18200] =	vst v63  }
0x26b: {  	s28 =	simm.s32 $0xDA00  }
0x26c: {  	[tilespmem:s28], [sflag:$0x5] =	stream.indirect_vreg.gather [hbm4b:s6+s3], $0x80, v4, vm0, $0xb8;
	[tilespmem:$0x18200] =	vst v63  }
0x26d: {  	s2 =	simm.s32 $0xE200  }
0x26e: {  	[tilespmem:s2], [sflag:$0x5] =	stream.indirect_vreg.gather [hbm4b:s1+s3], $0x80, v3, vm0, $0xb8;
	[tilespmem:$0x18200] =	vst v63  }
0x26f: {  	s28 =	simm.s32 $0xEA00  }
0x270: {  	[tilespmem:s28], [sflag:$0x5] =	stream.indirect_vreg.gather [hbm4b:s4+s3], $0x80, v3, vm0, $0xb8;
	[tilespmem:$0x18200] =	vst v63  }
0x271: {  	s2 =	simm.s32 $0xF200  }
0x272: {  	[tilespmem:s2], [sflag:$0x5] =	stream.indirect_vreg.gather [hbm4b:s5+s3], $0x80, v3, vm0, $0xb8;
	[tilespmem:$0x18200] =	vst v63  }
0x273: {  	s28 =	simm.s32 $0xFA00  }
0x274: {  	[tilespmem:s28], [sflag:$0x5] =	stream.indirect_vreg.gather [hbm4b:s6+s3], $0x80, v3, vm0, $0xb8;
	[tilespmem:$0x18200] =	vst v63  }
0x275: {  	_ =	swait.ge [sflag:s23], $0x8000  }
0x276: {  	[sflag:s23] =	ssyncset.done $0x0  }
0x277: {  	s2 =	rddreg [dreg:$0x1a];
	[sflag:s23] =	ssyncadd.s32 $0xFFFF8000  }
0x278: {  	[hbm4b:s2+s3] =	stream.linear.scatter [tilespmem:s25], [sflag:$0x8], $0x8000, $0x38;
	[tilespmem:$0x18200] =	vst v63  }
0x279: {  	_ =	swait.ge [sflag:s24], $0x20  }
0x27a: {  	[sflag:s24] =	ssyncset.done $0x0  }
0x27b: {  	[sflag:s24] =	ssyncadd.s32 $0xFFFFFFE0  }
0x27c: {  	v3 =	vld [tilespmem:$0x100];
	_ =	sdelay $0x4  }
0x27d: {  	v62 =	vshll.u32 v3, $0x3  }
0x27e: {  	v3 =	vand.u32 $0x7, v3;
	v4 =	vand.u32 $0xFFFFFFC0, v62  }
0x27f: {  	v3 =	vor.u32 v3, v4  }
0x280: {  	v4 =	vperm.xlane v3, v0;
	_ =	sdelay $0x1  }
0x281: {  	v4 =	vadd.s32 v1, v4;
	_ =	sdelay $0x4  }
0x282: {  	[tilespmem:s9], [sflag:$0x6] =	stream.indirect_vreg.gather [hbm4b:s1+s3], $0x80, v4, vm0, $0xb8;
	[tilespmem:$0x18200] =	vst v63  }
0x283: {  	v3 =	vperm.xlane v3, v2  }
0x284: {  	[tilespmem:s17], [sflag:$0x6] =	stream.indirect_vreg.gather [hbm4b:s4+s3], $0x80, v4, vm0, $0xb8;
	[tilespmem:$0x18200] =	vst v63  }
0x285: {  	v3 =	vadd.s32 v1, v3;
	s17 =	simm.s32 $0x11200  }
0x286: {  	[tilespmem:s17], [sflag:$0x6] =	stream.indirect_vreg.gather [hbm4b:s5+s3], $0x80, v4, vm0, $0xb8;
	[tilespmem:$0x18200] =	vst v63  }
0x287: {  	_ = 	snop  }
0x288: {  	[tilespmem:s8], [sflag:$0x6] =	stream.indirect_vreg.gather [hbm4b:s6+s3], $0x80, v4, vm0, $0xb8;
	[tilespmem:$0x18200] =	vst v63  }
0x289: {  	_ = 	snop  }
0x28a: {  	[tilespmem:s19], [sflag:$0x6] =	stream.indirect_vreg.gather [hbm4b:s1+s3], $0x80, v3, vm0, $0xb8;
	[tilespmem:$0x18200] =	vst v63  }
0x28b: {  	_ = 	snop  }
0x28c: {  	[tilespmem:s20], [sflag:$0x6] =	stream.indirect_vreg.gather [hbm4b:s4+s3], $0x80, v3, vm0, $0xb8;
	[tilespmem:$0x18200] =	vst v63  }
0x28d: {  	_ = 	snop  }
0x28e: {  	[tilespmem:s11], [sflag:$0x6] =	stream.indirect_vreg.gather [hbm4b:s5+s3], $0x80, v3, vm0, $0xb8;
	[tilespmem:$0x18200] =	vst v63  }
0x28f: {  	_ = 	snop  }
0x290: {  	[tilespmem:s18], [sflag:$0x6] =	stream.indirect_vreg.gather [hbm4b:s6+s3], $0x80, v3, vm0, $0xb8;
	[tilespmem:$0x18200] =	vst v63  }
0x291: {  	v3 =	vld [tilespmem:$0x110];
	_ =	sdelay $0x4  }
0x292: {  	v63 =	vshll.u32 v3, $0x3  }
0x293: {  	v3 =	vand.u32 $0x7, v3;
	v4 =	vand.u32 $0xFFFFFFC0, v63  }
0x294: {  	v3 =	vor.u32 v3, v4  }
0x295: {  	v4 =	vperm.xlane v3, v0;
	_ =	sdelay $0x1  }
0x296: {  	v4 =	vadd.s32 v1, v4;
	_ =	sdelay $0x3  }
0x297: {  	s18 =	simm.s32 $0x14200  }
0x298: {  	[tilespmem:s18], [sflag:$0x6] =	stream.indirect_vreg.gather [hbm4b:s1+s3], $0x80, v4, vm0, $0xb8;
	[tilespmem:$0x18200] =	vst v63  }
0x299: {  	s19 =	simm.s32 $0x14A00;
	v3 =	vperm.xlane v3, v2  }
0x29a: {  	[tilespmem:s19], [sflag:$0x6] =	stream.indirect_vreg.gather [hbm4b:s4+s3], $0x80, v4, vm0, $0xb8;
	[tilespmem:$0x18200] =	vst v63  }
0x29b: {  	v3 =	vadd.s32 v1, v3  }
0x29c: {  	[tilespmem:s12], [sflag:$0x6] =	stream.indirect_vreg.gather [hbm4b:s5+s3], $0x80, v4, vm0, $0xb8;
	[tilespmem:$0x18200] =	vst v63  }
0x29d: {  	_ = 	snop  }
0x29e: {  	[tilespmem:s13], [sflag:$0x6] =	stream.indirect_vreg.gather [hbm4b:s6+s3], $0x80, v4, vm0, $0xb8;
	[tilespmem:$0x18200] =	vst v63  }
0x29f: {  	_ = 	snop  }
0x2a0: {  	[tilespmem:s14], [sflag:$0x6] =	stream.indirect_vreg.gather [hbm4b:s1+s3], $0x80, v3, vm0, $0xb8;
	[tilespmem:$0x18200] =	vst v63  }
0x2a1: {  	_ = 	snop  }
0x2a2: {  	[tilespmem:s15], [sflag:$0x6] =	stream.indirect_vreg.gather [hbm4b:s4+s3], $0x80, v3, vm0, $0xb8;
	[tilespmem:$0x18200] =	vst v63  }
0x2a3: {  	_ = 	snop  }
0x2a4: {  	[tilespmem:s16], [sflag:$0x6] =	stream.indirect_vreg.gather [hbm4b:s5+s3], $0x80, v3, vm0, $0xb8;
	[tilespmem:$0x18200] =	vst v63  }
0x2a5: {  	s20 =	simm.s32 $0x17A00  }
0x2a6: {  	[tilespmem:s20], [sflag:$0x6] =	stream.indirect_vreg.gather [hbm4b:s6+s3], $0x80, v3, vm0, $0xb8;
	[tilespmem:$0x18200] =	vst v63  }
0x2a7: {  	_ =	swait.ge [sflag:s26], $0x8000  }
0x2a8: {  	[sflag:s26] =	ssyncset.done $0x0  }
0x2a9: {  	s28 =	rddreg [dreg:$0x1b];
	[sflag:s26] =	ssyncadd.s32 $0xFFFF8000  }
0x2aa: {  	[hbm4b:s28+s3] =	stream.linear.scatter [tilespmem:s9], [sflag:$0x9], $0x8000, $0x38;
	[tilespmem:$0x18200] =	vst v63  }
0x2ab: {  	_ =	swait.ge [sflag:s22], $0x8000  }
0x2ac: {  	[sflag:s22] =	ssyncset.done $0x0  }
0x2ad: {  	[sflag:s22] =	ssyncadd.s32 $0xFFFF8000  }
0x2ae: {  	p0 =	sne.s32 s7, $0x1;
	_ =	swait.ge [sflag:s21], $0x8000  }
.Ltmp0:
0x2af: {  	[sflag:s21] =	ssyncset.done $0x0;
	(pc) =	sbr.rel @p0 .LBB2_1-.Ltmp0, $4  }
0x2b0: {  	[sflag:s21] =	ssyncadd.s32 $0xFFFF8000  }
0x2b1: {  	_ =	swait.ge [sflag:s31], $0x8000  }
0x2b2: {  	[sflag:s31] =	ssyncset.done $0x0  }
0x2b3: {  	s7 =	sadd.s32 $0xFFFFFFFF, s7;
	[sflag:s31] =	ssyncadd.s32 $0xFFFF8000  }
0x2b4: {  	_ =	sfence.sel $0x180000  }
0x2b5: {  	[bflag:$0x0] =	sbarrier.arrive $0xFFFF  }
0x2b6: {  	_ =	strace $0x9000004A  }
0x2b7: {  	s0 =	stileid.u32;
	[bflag:$0x2] =	sbarrier.arrive $0xFFFF  }
0x2b8: {  	p0 =	sne.s32 s0, $0x0;
	s0 =	rddreg [dreg:$0x3]  }
0x2b9: {  	s0 =	sadd.s32 @!p0 $0x100000, s0  }
0x2ba: {  	[sflag:s0] =	ssyncadd.tile.s32 @!p0 $0x1;
	_ =	shalt  }
.Lfunc_end2:
_tile_overlayer_lowered:
.L_overlay_start_2:
0x2bb: {  	(tag) =	ssettag $0x2  }
0x2bc: {  	s0 =	rddreg [dreg:$0x0];
	s2 =	stileid.u32  }
0x2bd: {  	s1 =	rddreg [dreg:$0x1];
	p0 =	sne.s32 s2, $0x0  }
0x2be: {  	s3 =	rddreg [dreg:$0x2];
	[bflag:$0x3] =	sbarrier.arrive $0xFFFF;
	s2 =	simm.s32 @!p0 $0x1C0A  }
0x2bf: {  	[timem:s3], [sflag:s2] =	dma.local @!p0 [hbm:s0], s1  }
0x2c0: {  	s0 =	simm.s32 @!p0 $0xA  }
0x2c1: {  	_ =	swait.ge @!p0 [sflag:s0], s1  }
0x2c2: {  	s1 =	ssub.s32 @!p0 $0x0, s1;
	[sflag:s0] =	ssyncset.done @!p0 $0x0  }
0x2c3: {  	[sflag:s0] =	ssyncadd.s32 @!p0 s1  }
0x2c4: {  	[bflag:$0x3] =	sbarrier.arrive $0xFFFF  }
0x2c5: {  	_ =	shalt  }

</sc_bundles>
